<compile_context>
chip_gen: v7x
topology: tpu7x:2x2x1
jax: 0.10.2.dev20260603
libtpu: 0.0.44.dev20260713+nightly
codegen_flags: <defaults>
</compile_context>

<pallas_src>
import functools

import jax
import jax.numpy as jnp
from jax import lax
from jax.experimental import pallas as pl
from jax.experimental.pallas import tpu as pltpu
from jax.experimental.pallas import tpu_sc as plsc

_EPS = 1e-05
_IDX_CHUNK = 128
_CH = 128
_LN2 = 0.6931471805599453


def _rsqrt(x):
    bits = jnp.int32(0x5F3759DF) - lax.shift_right_logical(plsc.bitcast(x, jnp.int32), 1)
    y = plsc.bitcast(bits, jnp.float32)
    for _ in range(3):
        y = y * (1.5 - 0.5 * x * y * y)
    return y


def _sqrt(x):
    return x * _rsqrt(x)


def _log(x):
    bits = plsc.bitcast(x, jnp.int32)
    e = lax.shift_right_logical(bits, 23) - 127
    m_bits = (bits & jnp.int32(0x007FFFFF)) | jnp.int32(0x3F800000)
    m = plsc.bitcast(m_bits, jnp.float32)
    big = m > 1.4142135
    m = jnp.where(big, m * 0.5, m)
    e = jnp.where(big, e + 1, e).astype(jnp.float32)
    z = (m - 1.0) / (m + 1.0)
    z2 = z * z
    p = 2.0 * z * (1.0 + z2 * (1.0 / 3.0 + z2 * (0.2 + z2 * (1.0 / 7.0 + z2 / 9.0))))
    return p + e * _LN2


def _artanh(x):
    return 0.5 * _log((1.0 + x) / (1.0 - x))


def _tanh(x):
    t = jnp.exp(-2.0 * x)
    return (1.0 - t) / (1.0 + t)


def _clip_scale(sq):
    nrm = _sqrt(sq)
    return jnp.where(nrm >= 1.0, 1.0 / (nrm - _EPS), jnp.float32(1.0))


def kernel(u_idx, r_idx, v_idx, Eh, rvh, Wu, bs, bo):
    B = u_idx.shape[0]
    D = Eh.shape[1]
    info = plsc.get_sparse_core_info()
    nw_ = info.num_cores * info.num_subcores
    bpw = B // nw_

    mesh = plsc.VectorSubcoreMesh(core_axis_name="c", subcore_axis_name="s")

    @functools.partial(
        pl.kernel,
        out_type=jax.ShapeDtypeStruct((B,), jnp.float32),
        mesh=mesh,
        compiler_params=pltpu.CompilerParams(
            use_tc_tiling_on_sc=True, needs_layout_passes=False),
        scratch_types=[
            pltpu.VMEM((bpw,), jnp.int32),
            pltpu.VMEM((bpw,), jnp.int32),
            pltpu.VMEM((bpw,), jnp.int32),
            pltpu.VMEM((_CH, D), jnp.float32),
            pltpu.VMEM((_CH, D), jnp.float32),
            pltpu.VMEM((_CH, D), jnp.float32),
            pltpu.VMEM((_CH, D), jnp.float32),
            pltpu.VMEM((bpw,), jnp.float32),
            pltpu.VMEM((bpw,), jnp.float32),
            pltpu.VMEM((bpw,), jnp.float32),
            pltpu.SemaphoreType.DMA,
            pltpu.SemaphoreType.DMA,
        ],
    )
    def k(eh, rv, wu, bs_t, bo_t, uix, rix, vix, out,
          uix_v, rix_v, vix_v, u_v, v_v, ru_v, rg_v, bsu_v, bov_v, res_v,
          sem, bsem):
        wid = lax.axis_index("s") * info.num_cores + lax.axis_index("c")
        base = wid * bpw
        pltpu.sync_copy(uix.at[pl.ds(base, bpw)], uix_v)
        pltpu.sync_copy(rix.at[pl.ds(base, bpw)], rix_v)
        pltpu.sync_copy(vix.at[pl.ds(base, bpw)], vix_v)

        bdescs = []
        for j in range(bpw // _IDX_CHUNK):
            sl = pl.ds(j * _IDX_CHUNK, _IDX_CHUNK)
            bdescs.append(pltpu.async_copy(bs_t.at[uix_v.at[sl]], bsu_v.at[sl], bsem))
            bdescs.append(pltpu.async_copy(bo_t.at[vix_v.at[sl]], bov_v.at[sl], bsem))
        for d in bdescs:
            d.wait()

        def chunk(c, _):
            coff = pl.multiple_of(c * _CH, _CH)

            def grp(g, _):
                goff = pl.multiple_of(coff + g * 16, 16)
                boff = pl.multiple_of(g * 16, 16)
                iu = uix_v[pl.ds(goff, 16)]
                iv = vix_v[pl.ds(goff, 16)]
                ir = rix_v[pl.ds(goff, 16)]
                descs = []
                for j in range(16):
                    dst = pl.ds(boff + j, 1)
                    descs.append(pltpu.async_copy(eh.at[pl.ds(iu[j], 1)], u_v.at[dst], sem))
                    descs.append(pltpu.async_copy(eh.at[pl.ds(iv[j], 1)], v_v.at[dst], sem))
                    descs.append(pltpu.async_copy(wu.at[pl.ds(ir[j], 1)], ru_v.at[dst], sem))
                    descs.append(pltpu.async_copy(rv.at[pl.ds(ir[j], 1)], rg_v.at[dst], sem))
                for d in descs:
                    d.wait()
                return ()

            lax.fori_loop(0, _CH // 16, grp, (), unroll=False)

            def mgrp(g, _):
                boff = pl.multiple_of(g * 16, 16)
                goff = pl.multiple_of(coff + g * 16, 16)
                rows = lax.iota(jnp.int32, 16) + boff
                zero = jnp.zeros((16,), jnp.float32)
                squ = zero
                sqv = zero
                sqrg = zero
                dvr = zero
                sqp = zero
                dpv = zero
                dprg = zero
                for d in range(D):
                    col = jnp.full((16,), d, jnp.int32)
                    ud = plsc.load_gather(u_v, [rows, col])
                    vd = plsc.load_gather(v_v, [rows, col])
                    rud = plsc.load_gather(ru_v, [rows, col])
                    rgd = plsc.load_gather(rg_v, [rows, col])
                    pd = ud * rud
                    squ = squ + ud * ud
                    sqv = sqv + vd * vd
                    sqrg = sqrg + rgd * rgd
                    dvr = dvr + vd * rgd
                    sqp = sqp + pd * pd
                    dpv = dpv + pd * vd
                    dprg = dprg + pd * rgd

                su = _clip_scale(squ)
                sv = _clip_scale(sqv)
                srg = _clip_scale(sqrg)
                squ_c = squ * su * su
                nu = jnp.clip(_sqrt(squ_c), 1e-10, 1.0 - 1e-5)
                lam = (_artanh(nu) / nu) * su
                sq_uw = lam * lam * sqp
                nww = jnp.maximum(_sqrt(sq_uw), 1e-10)
                mu = (_tanh(nww) / nww) * lam
                sq_um = mu * mu * sqp
                sqx = jnp.clip(sqv * sv * sv, 0.0, 1.0 - 1e-5)
                sqy = jnp.clip(sqrg * srg * srg, 0.0, 1.0 - 1e-5)
                dot = dvr * sv * srg
                a1 = 1.0 + 2.0 * dot + sqy
                b1 = 1.0 - sqx
                c1 = 1.0 + 2.0 * dot + sqx * sqy
                av = a1 * sv / c1
                bg = b1 * srg / c1
                sq_vm = av * av * sqv + 2.0 * av * bg * dvr + bg * bg * sqrg
                dot_umvm = mu * (av * dpv + bg * dprg)
                sum_s = _clip_scale(sq_um)
                svm_s = _clip_scale(sq_vm)
                sq_um_c = sq_um * sum_s * sum_s
                sq_vm_c = sq_vm * svm_s * svm_s
                dot_c = dot_umvm * sum_s * svm_s
                sqx2 = jnp.clip(sq_um_c, 0.0, 1.0 - 1e-5)
                sqy2 = jnp.clip(sq_vm_c, 0.0, 1.0 - 1e-5)
                dot2 = -dot_c
                a2 = 1.0 + 2.0 * dot2 + sqy2
                b2 = 1.0 - sqx2
                c2 = 1.0 + 2.0 * dot2 + sqx2 * sqy2
                sq_d = a2 * a2 * sq_um_c + 2.0 * a2 * b2 * dot2 + b2 * b2 * sq_vm_c
                dn = jnp.clip(_sqrt(sq_d) / jnp.abs(c2), 1e-10, 1.0 - 1e-5)
                at = _artanh(dn)
                sqdist = 4.0 * at * at
                res = -sqdist + bsu_v[pl.ds(goff, 16)] + bov_v[pl.ds(goff, 16)]
                res_v[pl.ds(goff, 16)] = res
                return ()

            lax.fori_loop(0, _CH // 16, mgrp, (), unroll=False)
            return ()

        lax.fori_loop(0, bpw // _CH, chunk, (), unroll=False)
        pltpu.sync_copy(res_v, out.at[pl.ds(base, bpw)])

    return k(Eh, rvh, Wu, bs, bo, u_idx, r_idx, v_idx)

# --- scband reference (transcript-rebuilt; emitter-appended) ---
"""Pipeline reference for scband-mu-rp-25692494365284 (READ-ONLY COPY).

The authoritative reference and input builder live on the scoring server;
editing this copy changes nothing except your own understanding.
"""

import jax, jax.numpy as jnp
import numpy as np

N_ENT = 1000000
N_REL = 1000
DIM = 32
B = 16384
EPS = 1e-05


def artanh(x):
    return 0.5 * jnp.log((1.0 + x) / (1.0 - x))


def p_exp_map(v):
    normv = jnp.clip(jnp.linalg.norm(v, ord=2, axis=-1, keepdims=True), 1e-10, None)
    return jnp.tanh(normv) * v / normv


def p_log_map(v):
    normv = jnp.clip(jnp.linalg.norm(v, ord=2, axis=-1, keepdims=True), 1e-10, 1.0 - 1e-5)
    return artanh(normv) * v / normv


def p_sum(x, y):
    sqxnorm = jnp.clip(jnp.sum(x * x, axis=-1, keepdims=True), 0.0, 1.0 - 1e-5)
    sqynorm = jnp.clip(jnp.sum(y * y, axis=-1, keepdims=True), 0.0, 1.0 - 1e-5)
    dotxy = jnp.sum(x * y, axis=-1, keepdims=True)
    numerator = (1.0 + 2.0 * dotxy + sqynorm) * x + (1.0 - sqxnorm) * y
    denominator = 1.0 + 2.0 * dotxy + sqxnorm * sqynorm
    return numerator / denominator


def _clip_ball(t):
    nrm = jnp.linalg.norm(t, ord=2, axis=-1, keepdims=True)
    msk = nrm >= 1.0
    return jnp.where(msk, t / (nrm - EPS), t)


def setup_inputs(seed: int = 0):
    key = jax.random.key(seed)
    k1, k2, k3, k4, k5, k6 = jax.random.split(key, 6)
    Eh = 0.001 * jax.random.normal(k1, (N_ENT, DIM), dtype=jnp.float32)
    rvh = 0.001 * jax.random.normal(k2, (N_REL, DIM), dtype=jnp.float32)
    Wu = jax.random.uniform(k3, (N_REL, DIM), dtype=jnp.float32, minval=-1.0, maxval=1.0)
    bs = jnp.zeros((N_ENT,), dtype=jnp.float32)
    bo = jnp.zeros((N_ENT,), dtype=jnp.float32)
    u_idx = jax.random.randint(k4, (B,), 0, N_ENT)
    r_idx = jax.random.randint(k5, (B,), 0, N_REL)
    v_idx = jax.random.randint(k6, (B,), 0, N_ENT)
    return {"u_idx": u_idx, "r_idx": r_idx, "v_idx": v_idx, "Eh": Eh, "rvh": rvh, "Wu": Wu, "bs": bs, "bo": bo}


def reference(u_idx, r_idx, v_idx, Eh, rvh, Wu, bs, bo):
    u = jnp.take(Eh, u_idx, axis=0)
    v = jnp.take(Eh, v_idx, axis=0)
    Ru = jnp.take(Wu, r_idx, axis=0)
    rvh_g = jnp.take(rvh, r_idx, axis=0)
    u = _clip_ball(u)
    v = _clip_ball(v)
    rvh_g = _clip_ball(rvh_g)
    u_e = p_log_map(u)
    u_W = u_e * Ru
    u_m = p_exp_map(u_W)
    v_m = p_sum(v, rvh_g)
    u_m = _clip_ball(u_m)
    v_m = _clip_ball(v_m)
    dist_nrm = jnp.clip(jnp.linalg.norm(p_sum(-u_m, v_m), ord=2, axis=-1), 1e-10, 1.0 - 1e-5)
    sqdist = (2.0 * artanh(dist_nrm)) ** 2
    return -sqdist + jnp.take(bs, u_idx) + jnp.take(bo, v_idx)

if __name__ == "__main__":
    import jax
    _d = setup_inputs()
    print(jax.jit(kernel)(*tuple(_d.values())))

</pallas_src>

<mosaic_0001>
#map = affine_map<(d0, d1) -> (0, 0)>
#map1 = affine_map<(d0, d1) -> (0)>
module attributes {stable_mosaic.version = 14 : i64} {
  func.func @k(%arg0: i32, %arg1: i32, %arg2: memref<1000000x32xf32, #tpu.memory_space<hbm>>, %arg3: memref<1000x32xf32, #tpu.memory_space<hbm>>, %arg4: memref<1000x32xf32, #tpu.memory_space<hbm>>, %arg5: memref<1000000xf32, #tpu.memory_space<hbm>>, %arg6: memref<1000000xf32, #tpu.memory_space<hbm>>, %arg7: memref<16384xi32, #tpu.memory_space<hbm>>, %arg8: memref<16384xi32, #tpu.memory_space<hbm>>, %arg9: memref<16384xi32, #tpu.memory_space<hbm>>, %arg10: memref<16384xf32, #tpu.memory_space<hbm>>, %arg11: memref<512xi32, #tpu.memory_space<vmem>>, %arg12: memref<512xi32, #tpu.memory_space<vmem>>, %arg13: memref<512xi32, #tpu.memory_space<vmem>>, %arg14: memref<128x32xf32, #tpu.memory_space<vmem>>, %arg15: memref<128x32xf32, #tpu.memory_space<vmem>>, %arg16: memref<128x32xf32, #tpu.memory_space<vmem>>, %arg17: memref<128x32xf32, #tpu.memory_space<vmem>>, %arg18: memref<512xf32, #tpu.memory_space<vmem>>, %arg19: memref<512xf32, #tpu.memory_space<vmem>>, %arg20: memref<512xf32, #tpu.memory_space<vmem>>, %arg21: memref<!tpu.dma_semaphore, #tpu.memory_space<semaphore_mem>>, %arg22: memref<!tpu.dma_semaphore, #tpu.memory_space<semaphore_mem>>) attributes {dimension_semantics = [#tpu.dimension_semantics<core_parallel>, #tpu.dimension_semantics<subcore_parallel>], iteration_bounds = array<i64: 2, 16>, scalar_prefetch = 0 : i64, scratch_operands = 12 : i64, tpu.core_type = #tpu.core_type<sc_vector_subcore>, window_params = [{transform_indices = #map}, {transform_indices = #map}, {transform_indices = #map}, {transform_indices = #map1}, {transform_indices = #map1}, {transform_indices = #map1}, {transform_indices = #map1}, {transform_indices = #map1}, {transform_indices = #map1}]} {
    %mul3A = arith.constant 2 : i32
    %mul3A_0 = arith.muli %arg1, %mul3A : i32
    %add3A = arith.addi %mul3A_0, %arg0 : i32
    %mul3A_1 = arith.constant 512 : i32
    %mul3A_2 = arith.muli %add3A, %mul3A_1 : i32
    "tpu.region"() ({
      %run_scoped3A = tpu.sem_alloc : memref<!tpu.dma_semaphore, #tpu.memory_space<semaphore_mem>>
      %dma_start3A_101 = tpu.memref_slice %arg7[%mul3A_2] : memref<16384xi32, #tpu.memory_space<hbm>> -> memref<512xi32, #tpu.memory_space<hbm>>
      %dma_start3A_102 = tpu.memref_slice %arg7[%mul3A_2] : memref<16384xi32, #tpu.memory_space<hbm>> -> memref<512xi32, #tpu.memory_space<hbm>>
      tpu.enqueue_dma source(%dma_start3A_102 : memref<512xi32, #tpu.memory_space<hbm>>) target(%arg11 : memref<512xi32, #tpu.memory_space<vmem>>) target_semaphore(%run_scoped3A : memref<!tpu.dma_semaphore, #tpu.memory_space<semaphore_mem>>)
      %dma_wait3A_103 = tpu.memref_slice %arg7[%mul3A_2] : memref<16384xi32, #tpu.memory_space<hbm>> -> memref<512xi32, #tpu.memory_space<hbm>>
      %dma_wait3A_104 = tpu.memref_slice %arg7[%mul3A_2] : memref<16384xi32, #tpu.memory_space<hbm>> -> memref<512xi32, #tpu.memory_space<hbm>>
      tpu.wait_dma2 semaphore(%run_scoped3A : memref<!tpu.dma_semaphore, #tpu.memory_space<semaphore_mem>>) src(%dma_wait3A_104 : memref<512xi32, #tpu.memory_space<hbm>>) dst(%arg11 : memref<512xi32, #tpu.memory_space<vmem>>)
      tpu.yield
    }) : () -> ()
    "tpu.region"() ({
      %run_scoped3A = tpu.sem_alloc : memref<!tpu.dma_semaphore, #tpu.memory_space<semaphore_mem>>
      %dma_start3A_101 = tpu.memref_slice %arg8[%mul3A_2] : memref<16384xi32, #tpu.memory_space<hbm>> -> memref<512xi32, #tpu.memory_space<hbm>>
      %dma_start3A_102 = tpu.memref_slice %arg8[%mul3A_2] : memref<16384xi32, #tpu.memory_space<hbm>> -> memref<512xi32, #tpu.memory_space<hbm>>
      tpu.enqueue_dma source(%dma_start3A_102 : memref<512xi32, #tpu.memory_space<hbm>>) target(%arg12 : memref<512xi32, #tpu.memory_space<vmem>>) target_semaphore(%run_scoped3A : memref<!tpu.dma_semaphore, #tpu.memory_space<semaphore_mem>>)
      %dma_wait3A_103 = tpu.memref_slice %arg8[%mul3A_2] : memref<16384xi32, #tpu.memory_space<hbm>> -> memref<512xi32, #tpu.memory_space<hbm>>
      %dma_wait3A_104 = tpu.memref_slice %arg8[%mul3A_2] : memref<16384xi32, #tpu.memory_space<hbm>> -> memref<512xi32, #tpu.memory_space<hbm>>
      tpu.wait_dma2 semaphore(%run_scoped3A : memref<!tpu.dma_semaphore, #tpu.memory_space<semaphore_mem>>) src(%dma_wait3A_104 : memref<512xi32, #tpu.memory_space<hbm>>) dst(%arg12 : memref<512xi32, #tpu.memory_space<vmem>>)
      tpu.yield
    }) : () -> ()
    "tpu.region"() ({
      %run_scoped3A = tpu.sem_alloc : memref<!tpu.dma_semaphore, #tpu.memory_space<semaphore_mem>>
      %dma_start3A_101 = tpu.memref_slice %arg9[%mul3A_2] : memref<16384xi32, #tpu.memory_space<hbm>> -> memref<512xi32, #tpu.memory_space<hbm>>
      %dma_start3A_102 = tpu.memref_slice %arg9[%mul3A_2] : memref<16384xi32, #tpu.memory_space<hbm>> -> memref<512xi32, #tpu.memory_space<hbm>>
      tpu.enqueue_dma source(%dma_start3A_102 : memref<512xi32, #tpu.memory_space<hbm>>) target(%arg13 : memref<512xi32, #tpu.memory_space<vmem>>) target_semaphore(%run_scoped3A : memref<!tpu.dma_semaphore, #tpu.memory_space<semaphore_mem>>)
      %dma_wait3A_103 = tpu.memref_slice %arg9[%mul3A_2] : memref<16384xi32, #tpu.memory_space<hbm>> -> memref<512xi32, #tpu.memory_space<hbm>>
      %dma_wait3A_104 = tpu.memref_slice %arg9[%mul3A_2] : memref<16384xi32, #tpu.memory_space<hbm>> -> memref<512xi32, #tpu.memory_space<hbm>>
      tpu.wait_dma2 semaphore(%run_scoped3A : memref<!tpu.dma_semaphore, #tpu.memory_space<semaphore_mem>>) src(%dma_wait3A_104 : memref<512xi32, #tpu.memory_space<hbm>>) dst(%arg13 : memref<512xi32, #tpu.memory_space<vmem>>)
      tpu.yield
    }) : () -> ()
    %dma_start3A = arith.constant 0 : i32
    %dma_start3A_3 = tpu.memref_slice %arg18[%dma_start3A] : memref<512xf32, #tpu.memory_space<vmem>> -> memref<128xf32, #tpu.memory_space<vmem>>
    %dma_start3A_4 = arith.constant 0 : i32
    %dma_start3A_5 = tpu.memref_slice %arg11[%dma_start3A_4] : memref<512xi32, #tpu.memory_space<vmem>> -> memref<128xi32, #tpu.memory_space<vmem>>
    %dma_start3A_6 = arith.constant 0 : i32
    %dma_start3A_7 = tpu.memref_slice %arg5[%dma_start3A_6] : memref<1000000xf32, #tpu.memory_space<hbm>> -> memref<1000000xf32, #tpu.memory_space<hbm>>
    tpu.enqueue_indirect_dma source(%dma_start3A_7 : memref<1000000xf32, #tpu.memory_space<hbm>>) target(%dma_start3A_3 : memref<128xf32, #tpu.memory_space<vmem>>) offsets(%dma_start3A_5 : memref<128xi32, #tpu.memory_space<vmem>>) semaphore(%arg22 : memref<!tpu.dma_semaphore, #tpu.memory_space<semaphore_mem>>)
    %dma_start3A_8 = arith.constant 0 : i32
    %dma_start3A_9 = tpu.memref_slice %arg19[%dma_start3A_8] : memref<512xf32, #tpu.memory_space<vmem>> -> memref<128xf32, #tpu.memory_space<vmem>>
    %dma_start3A_10 = arith.constant 0 : i32
    %dma_start3A_11 = tpu.memref_slice %arg13[%dma_start3A_10] : memref<512xi32, #tpu.memory_space<vmem>> -> memref<128xi32, #tpu.memory_space<vmem>>
    %dma_start3A_12 = arith.constant 0 : i32
    %dma_start3A_13 = tpu.memref_slice %arg6[%dma_start3A_12] : memref<1000000xf32, #tpu.memory_space<hbm>> -> memref<1000000xf32, #tpu.memory_space<hbm>>
    tpu.enqueue_indirect_dma source(%dma_start3A_13 : memref<1000000xf32, #tpu.memory_space<hbm>>) target(%dma_start3A_9 : memref<128xf32, #tpu.memory_space<vmem>>) offsets(%dma_start3A_11 : memref<128xi32, #tpu.memory_space<vmem>>) semaphore(%arg22 : memref<!tpu.dma_semaphore, #tpu.memory_space<semaphore_mem>>)
    %dma_start3A_14 = arith.constant 128 : i32
    %dma_start3A_15 = tpu.memref_slice %arg18[%dma_start3A_14] : memref<512xf32, #tpu.memory_space<vmem>> -> memref<128xf32, #tpu.memory_space<vmem>>
    %dma_start3A_16 = arith.constant 128 : i32
    %dma_start3A_17 = tpu.memref_slice %arg11[%dma_start3A_16] : memref<512xi32, #tpu.memory_space<vmem>> -> memref<128xi32, #tpu.memory_space<vmem>>
    %dma_start3A_18 = arith.constant 0 : i32
    %dma_start3A_19 = tpu.memref_slice %arg5[%dma_start3A_18] : memref<1000000xf32, #tpu.memory_space<hbm>> -> memref<1000000xf32, #tpu.memory_space<hbm>>
    tpu.enqueue_indirect_dma source(%dma_start3A_19 : memref<1000000xf32, #tpu.memory_space<hbm>>) target(%dma_start3A_15 : memref<128xf32, #tpu.memory_space<vmem>>) offsets(%dma_start3A_17 : memref<128xi32, #tpu.memory_space<vmem>>) semaphore(%arg22 : memref<!tpu.dma_semaphore, #tpu.memory_space<semaphore_mem>>)
    %dma_start3A_20 = arith.constant 128 : i32
    %dma_start3A_21 = tpu.memref_slice %arg19[%dma_start3A_20] : memref<512xf32, #tpu.memory_space<vmem>> -> memref<128xf32, #tpu.memory_space<vmem>>
    %dma_start3A_22 = arith.constant 128 : i32
    %dma_start3A_23 = tpu.memref_slice %arg13[%dma_start3A_22] : memref<512xi32, #tpu.memory_space<vmem>> -> memref<128xi32, #tpu.memory_space<vmem>>
    %dma_start3A_24 = arith.constant 0 : i32
    %dma_start3A_25 = tpu.memref_slice %arg6[%dma_start3A_24] : memref<1000000xf32, #tpu.memory_space<hbm>> -> memref<1000000xf32, #tpu.memory_space<hbm>>
    tpu.enqueue_indirect_dma source(%dma_start3A_25 : memref<1000000xf32, #tpu.memory_space<hbm>>) target(%dma_start3A_21 : memref<128xf32, #tpu.memory_space<vmem>>) offsets(%dma_start3A_23 : memref<128xi32, #tpu.memory_space<vmem>>) semaphore(%arg22 : memref<!tpu.dma_semaphore, #tpu.memory_space<semaphore_mem>>)
    %dma_start3A_26 = arith.constant 256 : i32
    %dma_start3A_27 = tpu.memref_slice %arg18[%dma_start3A_26] : memref<512xf32, #tpu.memory_space<vmem>> -> memref<128xf32, #tpu.memory_space<vmem>>
    %dma_start3A_28 = arith.constant 256 : i32
    %dma_start3A_29 = tpu.memref_slice %arg11[%dma_start3A_28] : memref<512xi32, #tpu.memory_space<vmem>> -> memref<128xi32, #tpu.memory_space<vmem>>
    %dma_start3A_30 = arith.constant 0 : i32
    %dma_start3A_31 = tpu.memref_slice %arg5[%dma_start3A_30] : memref<1000000xf32, #tpu.memory_space<hbm>> -> memref<1000000xf32, #tpu.memory_space<hbm>>
    tpu.enqueue_indirect_dma source(%dma_start3A_31 : memref<1000000xf32, #tpu.memory_space<hbm>>) target(%dma_start3A_27 : memref<128xf32, #tpu.memory_space<vmem>>) offsets(%dma_start3A_29 : memref<128xi32, #tpu.memory_space<vmem>>) semaphore(%arg22 : memref<!tpu.dma_semaphore, #tpu.memory_space<semaphore_mem>>)
    %dma_start3A_32 = arith.constant 256 : i32
    %dma_start3A_33 = tpu.memref_slice %arg19[%dma_start3A_32] : memref<512xf32, #tpu.memory_space<vmem>> -> memref<128xf32, #tpu.memory_space<vmem>>
    %dma_start3A_34 = arith.constant 256 : i32
    %dma_start3A_35 = tpu.memref_slice %arg13[%dma_start3A_34] : memref<512xi32, #tpu.memory_space<vmem>> -> memref<128xi32, #tpu.memory_space<vmem>>
    %dma_start3A_36 = arith.constant 0 : i32
    %dma_start3A_37 = tpu.memref_slice %arg6[%dma_start3A_36] : memref<1000000xf32, #tpu.memory_space<hbm>> -> memref<1000000xf32, #tpu.memory_space<hbm>>
    tpu.enqueue_indirect_dma source(%dma_start3A_37 : memref<1000000xf32, #tpu.memory_space<hbm>>) target(%dma_start3A_33 : memref<128xf32, #tpu.memory_space<vmem>>) offsets(%dma_start3A_35 : memref<128xi32, #tpu.memory_space<vmem>>) semaphore(%arg22 : memref<!tpu.dma_semaphore, #tpu.memory_space<semaphore_mem>>)
    %dma_start3A_38 = arith.constant 384 : i32
    %dma_start3A_39 = tpu.memref_slice %arg18[%dma_start3A_38] : memref<512xf32, #tpu.memory_space<vmem>> -> memref<128xf32, #tpu.memory_space<vmem>>
    %dma_start3A_40 = arith.constant 384 : i32
    %dma_start3A_41 = tpu.memref_slice %arg11[%dma_start3A_40] : memref<512xi32, #tpu.memory_space<vmem>> -> memref<128xi32, #tpu.memory_space<vmem>>
    %dma_start3A_42 = arith.constant 0 : i32
    %dma_start3A_43 = tpu.memref_slice %arg5[%dma_start3A_42] : memref<1000000xf32, #tpu.memory_space<hbm>> -> memref<1000000xf32, #tpu.memory_space<hbm>>
    tpu.enqueue_indirect_dma source(%dma_start3A_43 : memref<1000000xf32, #tpu.memory_space<hbm>>) target(%dma_start3A_39 : memref<128xf32, #tpu.memory_space<vmem>>) offsets(%dma_start3A_41 : memref<128xi32, #tpu.memory_space<vmem>>) semaphore(%arg22 : memref<!tpu.dma_semaphore, #tpu.memory_space<semaphore_mem>>)
    %dma_start3A_44 = arith.constant 384 : i32
    %dma_start3A_45 = tpu.memref_slice %arg19[%dma_start3A_44] : memref<512xf32, #tpu.memory_space<vmem>> -> memref<128xf32, #tpu.memory_space<vmem>>
    %dma_start3A_46 = arith.constant 384 : i32
    %dma_start3A_47 = tpu.memref_slice %arg13[%dma_start3A_46] : memref<512xi32, #tpu.memory_space<vmem>> -> memref<128xi32, #tpu.memory_space<vmem>>
    %dma_start3A_48 = arith.constant 0 : i32
    %dma_start3A_49 = tpu.memref_slice %arg6[%dma_start3A_48] : memref<1000000xf32, #tpu.memory_space<hbm>> -> memref<1000000xf32, #tpu.memory_space<hbm>>
    tpu.enqueue_indirect_dma source(%dma_start3A_49 : memref<1000000xf32, #tpu.memory_space<hbm>>) target(%dma_start3A_45 : memref<128xf32, #tpu.memory_space<vmem>>) offsets(%dma_start3A_47 : memref<128xi32, #tpu.memory_space<vmem>>) semaphore(%arg22 : memref<!tpu.dma_semaphore, #tpu.memory_space<semaphore_mem>>)
    %dma_wait3A = arith.constant 0 : i32
    %dma_wait3A_50 = tpu.memref_slice %arg18[%dma_wait3A] : memref<512xf32, #tpu.memory_space<vmem>> -> memref<128xf32, #tpu.memory_space<vmem>>
    %dma_wait3A_51 = arith.constant 0 : i32
    %dma_wait3A_52 = tpu.memref_slice %arg11[%dma_wait3A_51] : memref<512xi32, #tpu.memory_space<vmem>> -> memref<128xi32, #tpu.memory_space<vmem>>
    %dma_wait3A_53 = arith.constant 0 : i32
    %dma_wait3A_54 = tpu.memref_slice %arg5[%dma_wait3A_53] : memref<1000000xf32, #tpu.memory_space<hbm>> -> memref<1000000xf32, #tpu.memory_space<hbm>>
    tpu.wait_indirect_dma semaphore(%arg22 : memref<!tpu.dma_semaphore, #tpu.memory_space<semaphore_mem>>) src(%dma_wait3A_54 : memref<1000000xf32, #tpu.memory_space<hbm>>) dst(%dma_wait3A_50 : memref<128xf32, #tpu.memory_space<vmem>>)
    %dma_wait3A_55 = arith.constant 0 : i32
    %dma_wait3A_56 = tpu.memref_slice %arg19[%dma_wait3A_55] : memref<512xf32, #tpu.memory_space<vmem>> -> memref<128xf32, #tpu.memory_space<vmem>>
    %dma_wait3A_57 = arith.constant 0 : i32
    %dma_wait3A_58 = tpu.memref_slice %arg13[%dma_wait3A_57] : memref<512xi32, #tpu.memory_space<vmem>> -> memref<128xi32, #tpu.memory_space<vmem>>
    %dma_wait3A_59 = arith.constant 0 : i32
    %dma_wait3A_60 = tpu.memref_slice %arg6[%dma_wait3A_59] : memref<1000000xf32, #tpu.memory_space<hbm>> -> memref<1000000xf32, #tpu.memory_space<hbm>>
    tpu.wait_indirect_dma semaphore(%arg22 : memref<!tpu.dma_semaphore, #tpu.memory_space<semaphore_mem>>) src(%dma_wait3A_60 : memref<1000000xf32, #tpu.memory_space<hbm>>) dst(%dma_wait3A_56 : memref<128xf32, #tpu.memory_space<vmem>>)
    %dma_wait3A_61 = arith.constant 128 : i32
    %dma_wait3A_62 = tpu.memref_slice %arg18[%dma_wait3A_61] : memref<512xf32, #tpu.memory_space<vmem>> -> memref<128xf32, #tpu.memory_space<vmem>>
    %dma_wait3A_63 = arith.constant 128 : i32
    %dma_wait3A_64 = tpu.memref_slice %arg11[%dma_wait3A_63] : memref<512xi32, #tpu.memory_space<vmem>> -> memref<128xi32, #tpu.memory_space<vmem>>
    %dma_wait3A_65 = arith.constant 0 : i32
    %dma_wait3A_66 = tpu.memref_slice %arg5[%dma_wait3A_65] : memref<1000000xf32, #tpu.memory_space<hbm>> -> memref<1000000xf32, #tpu.memory_space<hbm>>
    tpu.wait_indirect_dma semaphore(%arg22 : memref<!tpu.dma_semaphore, #tpu.memory_space<semaphore_mem>>) src(%dma_wait3A_66 : memref<1000000xf32, #tpu.memory_space<hbm>>) dst(%dma_wait3A_62 : memref<128xf32, #tpu.memory_space<vmem>>)
    %dma_wait3A_67 = arith.constant 128 : i32
    %dma_wait3A_68 = tpu.memref_slice %arg19[%dma_wait3A_67] : memref<512xf32, #tpu.memory_space<vmem>> -> memref<128xf32, #tpu.memory_space<vmem>>
    %dma_wait3A_69 = arith.constant 128 : i32
    %dma_wait3A_70 = tpu.memref_slice %arg13[%dma_wait3A_69] : memref<512xi32, #tpu.memory_space<vmem>> -> memref<128xi32, #tpu.memory_space<vmem>>
    %dma_wait3A_71 = arith.constant 0 : i32
    %dma_wait3A_72 = tpu.memref_slice %arg6[%dma_wait3A_71] : memref<1000000xf32, #tpu.memory_space<hbm>> -> memref<1000000xf32, #tpu.memory_space<hbm>>
    tpu.wait_indirect_dma semaphore(%arg22 : memref<!tpu.dma_semaphore, #tpu.memory_space<semaphore_mem>>) src(%dma_wait3A_72 : memref<1000000xf32, #tpu.memory_space<hbm>>) dst(%dma_wait3A_68 : memref<128xf32, #tpu.memory_space<vmem>>)
    %dma_wait3A_73 = arith.constant 256 : i32
    %dma_wait3A_74 = tpu.memref_slice %arg18[%dma_wait3A_73] : memref<512xf32, #tpu.memory_space<vmem>> -> memref<128xf32, #tpu.memory_space<vmem>>
    %dma_wait3A_75 = arith.constant 256 : i32
    %dma_wait3A_76 = tpu.memref_slice %arg11[%dma_wait3A_75] : memref<512xi32, #tpu.memory_space<vmem>> -> memref<128xi32, #tpu.memory_space<vmem>>
    %dma_wait3A_77 = arith.constant 0 : i32
    %dma_wait3A_78 = tpu.memref_slice %arg5[%dma_wait3A_77] : memref<1000000xf32, #tpu.memory_space<hbm>> -> memref<1000000xf32, #tpu.memory_space<hbm>>
    tpu.wait_indirect_dma semaphore(%arg22 : memref<!tpu.dma_semaphore, #tpu.memory_space<semaphore_mem>>) src(%dma_wait3A_78 : memref<1000000xf32, #tpu.memory_space<hbm>>) dst(%dma_wait3A_74 : memref<128xf32, #tpu.memory_space<vmem>>)
    %dma_wait3A_79 = arith.constant 256 : i32
    %dma_wait3A_80 = tpu.memref_slice %arg19[%dma_wait3A_79] : memref<512xf32, #tpu.memory_space<vmem>> -> memref<128xf32, #tpu.memory_space<vmem>>
    %dma_wait3A_81 = arith.constant 256 : i32
    %dma_wait3A_82 = tpu.memref_slice %arg13[%dma_wait3A_81] : memref<512xi32, #tpu.memory_space<vmem>> -> memref<128xi32, #tpu.memory_space<vmem>>
    %dma_wait3A_83 = arith.constant 0 : i32
    %dma_wait3A_84 = tpu.memref_slice %arg6[%dma_wait3A_83] : memref<1000000xf32, #tpu.memory_space<hbm>> -> memref<1000000xf32, #tpu.memory_space<hbm>>
    tpu.wait_indirect_dma semaphore(%arg22 : memref<!tpu.dma_semaphore, #tpu.memory_space<semaphore_mem>>) src(%dma_wait3A_84 : memref<1000000xf32, #tpu.memory_space<hbm>>) dst(%dma_wait3A_80 : memref<128xf32, #tpu.memory_space<vmem>>)
    %dma_wait3A_85 = arith.constant 384 : i32
    %dma_wait3A_86 = tpu.memref_slice %arg18[%dma_wait3A_85] : memref<512xf32, #tpu.memory_space<vmem>> -> memref<128xf32, #tpu.memory_space<vmem>>
    %dma_wait3A_87 = arith.constant 384 : i32
    %dma_wait3A_88 = tpu.memref_slice %arg11[%dma_wait3A_87] : memref<512xi32, #tpu.memory_space<vmem>> -> memref<128xi32, #tpu.memory_space<vmem>>
    %dma_wait3A_89 = arith.constant 0 : i32
    %dma_wait3A_90 = tpu.memref_slice %arg5[%dma_wait3A_89] : memref<1000000xf32, #tpu.memory_space<hbm>> -> memref<1000000xf32, #tpu.memory_space<hbm>>
    tpu.wait_indirect_dma semaphore(%arg22 : memref<!tpu.dma_semaphore, #tpu.memory_space<semaphore_mem>>) src(%dma_wait3A_90 : memref<1000000xf32, #tpu.memory_space<hbm>>) dst(%dma_wait3A_86 : memref<128xf32, #tpu.memory_space<vmem>>)
    %dma_wait3A_91 = arith.constant 384 : i32
    %dma_wait3A_92 = tpu.memref_slice %arg19[%dma_wait3A_91] : memref<512xf32, #tpu.memory_space<vmem>> -> memref<128xf32, #tpu.memory_space<vmem>>
    %dma_wait3A_93 = arith.constant 384 : i32
    %dma_wait3A_94 = tpu.memref_slice %arg13[%dma_wait3A_93] : memref<512xi32, #tpu.memory_space<vmem>> -> memref<128xi32, #tpu.memory_space<vmem>>
    %dma_wait3A_95 = arith.constant 0 : i32
    %dma_wait3A_96 = tpu.memref_slice %arg6[%dma_wait3A_95] : memref<1000000xf32, #tpu.memory_space<hbm>> -> memref<1000000xf32, #tpu.memory_space<hbm>>
    tpu.wait_indirect_dma semaphore(%arg22 : memref<!tpu.dma_semaphore, #tpu.memory_space<semaphore_mem>>) src(%dma_wait3A_96 : memref<1000000xf32, #tpu.memory_space<hbm>>) dst(%dma_wait3A_92 : memref<128xf32, #tpu.memory_space<vmem>>)
    %scan3A = arith.constant 0 : i32
    %scan3A_97 = arith.constant 4 : i32
    %scan3A_98 = arith.addi %scan3A, %scan3A_97 : i32
    %scan3A_99 = arith.constant 1 : i32
    scf.for %scan3A_101 = %scan3A to %scan3A_98 step %scan3A_99  : i32 {
      %mul3A_102 = arith.constant 128 : i32
      %mul3A_103 = arith.muli %scan3A_101, %mul3A_102 : i32
      %multiple_of3A = tpu.assume_multiple %mul3A_103, 128 : i32
      %scan3A_104 = arith.constant 0 : i32
      %scan3A_105 = arith.constant 8 : i32
      %scan3A_106 = arith.addi %scan3A_104, %scan3A_105 : i32
      %scan3A_107 = arith.constant 1 : i32
      scf.for %scan3A_114 = %scan3A_104 to %scan3A_106 step %scan3A_107  : i32 {
        %mul3A_115 = arith.constant 16 : i32
        %mul3A_116 = arith.muli %scan3A_114, %mul3A_115 : i32
        %add3A_117 = arith.addi %multiple_of3A, %mul3A_116 : i32
        %multiple_of3A_118 = tpu.assume_multiple %add3A_117, 16 : i32
        %mul3A_119 = arith.constant 16 : i32
        %mul3A_120 = arith.muli %scan3A_114, %mul3A_119 : i32
        %multiple_of3A_121 = tpu.assume_multiple %mul3A_120, 16 : i32
        %get3A = arith.index_cast %multiple_of3A_118 : i32 to index
        %get3A_122 = tpu.vector_load %arg11[%get3A] {strides = array<i32>} : memref<512xi32, #tpu.memory_space<vmem>>, vector<16xi32>,
        %get3A_123 = arith.index_cast %multiple_of3A_118 : i32 to index
        %get3A_124 = tpu.vector_load %arg13[%get3A_123] {strides = array<i32>} : memref<512xi32, #tpu.memory_space<vmem>>, vector<16xi32>,
        %get3A_125 = arith.index_cast %multiple_of3A_118 : i32 to index
        %get3A_126 = tpu.vector_load %arg12[%get3A_125] {strides = array<i32>} : memref<512xi32, #tpu.memory_space<vmem>>, vector<16xi32>,
        %add3A_127 = arith.constant 0 : i32
        %add3A_128 = arith.addi %multiple_of3A_121, %add3A_127 : i32
        %slice3A = vector.extract_strided_slice %get3A_122 {offsets = [0], sizes = [1], strides = [1]} : vector<16xi32> to vector<1xi32>
        %squeeze3A = vector.extract %slice3A[0] : i32 from vector<1xi32>
        %dma_start3A_129 = arith.constant 0 : i32
        %dma_start3A_130 = tpu.memref_slice %arg14[%add3A_128, %dma_start3A_129] : memref<128x32xf32, #tpu.memory_space<vmem>> -> memref<1x32xf32, #tpu.memory_space<vmem>>
        %dma_start3A_131 = arith.constant 0 : i32
        %dma_start3A_132 = tpu.memref_slice %arg2[%squeeze3A, %dma_start3A_131] : memref<1000000x32xf32, #tpu.memory_space<hbm>> -> memref<1x32xf32, #tpu.memory_space<hbm>>
        %dma_start3A_133 = arith.constant 0 : i32
        %dma_start3A_134 = tpu.memref_slice %arg14[%add3A_128, %dma_start3A_133] : memref<128x32xf32, #tpu.memory_space<vmem>> -> memref<1x32xf32, #tpu.memory_space<vmem>>
        %dma_start3A_135 = arith.constant 0 : i32
        %dma_start3A_136 = tpu.memref_slice %arg2[%squeeze3A, %dma_start3A_135] : memref<1000000x32xf32, #tpu.memory_space<hbm>> -> memref<1x32xf32, #tpu.memory_space<hbm>>
        tpu.enqueue_dma source(%dma_start3A_136 : memref<1x32xf32, #tpu.memory_space<hbm>>) target(%dma_start3A_134 : memref<1x32xf32, #tpu.memory_space<vmem>>) target_semaphore(%arg21 : memref<!tpu.dma_semaphore, #tpu.memory_space<semaphore_mem>>)
        %slice3A_137 = vector.extract_strided_slice %get3A_124 {offsets = [0], sizes = [1], strides = [1]} : vector<16xi32> to vector<1xi32>
        %squeeze3A_138 = vector.extract %slice3A_137[0] : i32 from vector<1xi32>
        %dma_start3A_139 = arith.constant 0 : i32
        %dma_start3A_140 = tpu.memref_slice %arg15[%add3A_128, %dma_start3A_139] : memref<128x32xf32, #tpu.memory_space<vmem>> -> memref<1x32xf32, #tpu.memory_space<vmem>>
        %dma_start3A_141 = arith.constant 0 : i32
        %dma_start3A_142 = tpu.memref_slice %arg2[%squeeze3A_138, %dma_start3A_141] : memref<1000000x32xf32, #tpu.memory_space<hbm>> -> memref<1x32xf32, #tpu.memory_space<hbm>>
        %dma_start3A_143 = arith.constant 0 : i32
        %dma_start3A_144 = tpu.memref_slice %arg15[%add3A_128, %dma_start3A_143] : memref<128x32xf32, #tpu.memory_space<vmem>> -> memref<1x32xf32, #tpu.memory_space<vmem>>
        %dma_start3A_145 = arith.constant 0 : i32
        %dma_start3A_146 = tpu.memref_slice %arg2[%squeeze3A_138, %dma_start3A_145] : memref<1000000x32xf32, #tpu.memory_space<hbm>> -> memref<1x32xf32, #tpu.memory_space<hbm>>
        tpu.enqueue_dma source(%dma_start3A_146 : memref<1x32xf32, #tpu.memory_space<hbm>>) target(%dma_start3A_144 : memref<1x32xf32, #tpu.memory_space<vmem>>) target_semaphore(%arg21 : memref<!tpu.dma_semaphore, #tpu.memory_space<semaphore_mem>>)
        %slice3A_147 = vector.extract_strided_slice %get3A_126 {offsets = [0], sizes = [1], strides = [1]} : vector<16xi32> to vector<1xi32>
        %squeeze3A_148 = vector.extract %slice3A_147[0] : i32 from vector<1xi32>
        %dma_start3A_149 = arith.constant 0 : i32
        %dma_start3A_150 = tpu.memref_slice %arg16[%add3A_128, %dma_start3A_149] : memref<128x32xf32, #tpu.memory_space<vmem>> -> memref<1x32xf32, #tpu.memory_space<vmem>>
        %dma_start3A_151 = arith.constant 0 : i32
        %dma_start3A_152 = tpu.memref_slice %arg4[%squeeze3A_148, %dma_start3A_151] : memref<1000x32xf32, #tpu.memory_space<hbm>> -> memref<1x32xf32, #tpu.memory_space<hbm>>
        %dma_start3A_153 = arith.constant 0 : i32
        %dma_start3A_154 = tpu.memref_slice %arg16[%add3A_128, %dma_start3A_153] : memref<128x32xf32, #tpu.memory_space<vmem>> -> memref<1x32xf32, #tpu.memory_space<vmem>>
        %dma_start3A_155 = arith.constant 0 : i32
        %dma_start3A_156 = tpu.memref_slice %arg4[%squeeze3A_148, %dma_start3A_155] : memref<1000x32xf32, #tpu.memory_space<hbm>> -> memref<1x32xf32, #tpu.memory_space<hbm>>
        tpu.enqueue_dma source(%dma_start3A_156 : memref<1x32xf32, #tpu.memory_space<hbm>>) target(%dma_start3A_154 : memref<1x32xf32, #tpu.memory_space<vmem>>) target_semaphore(%arg21 : memref<!tpu.dma_semaphore, #tpu.memory_space<semaphore_mem>>)
        %slice3A_157 = vector.extract_strided_slice %get3A_126 {offsets = [0], sizes = [1], strides = [1]} : vector<16xi32> to vector<1xi32>
        %squeeze3A_158 = vector.extract %slice3A_157[0] : i32 from vector<1xi32>
        %dma_start3A_159 = arith.constant 0 : i32
        %dma_start3A_160 = tpu.memref_slice %arg17[%add3A_128, %dma_start3A_159] : memref<128x32xf32, #tpu.memory_space<vmem>> -> memref<1x32xf32, #tpu.memory_space<vmem>>
        %dma_start3A_161 = arith.constant 0 : i32
        %dma_start3A_162 = tpu.memref_slice %arg3[%squeeze3A_158, %dma_start3A_161] : memref<1000x32xf32, #tpu.memory_space<hbm>> -> memref<1x32xf32, #tpu.memory_space<hbm>>
        %dma_start3A_163 = arith.constant 0 : i32
        %dma_start3A_164 = tpu.memref_slice %arg17[%add3A_128, %dma_start3A_163] : memref<128x32xf32, #tpu.memory_space<vmem>> -> memref<1x32xf32, #tpu.memory_space<vmem>>
        %dma_start3A_165 = arith.constant 0 : i32
        %dma_start3A_166 = tpu.memref_slice %arg3[%squeeze3A_158, %dma_start3A_165] : memref<1000x32xf32, #tpu.memory_space<hbm>> -> memref<1x32xf32, #tpu.memory_space<hbm>>
        tpu.enqueue_dma source(%dma_start3A_166 : memref<1x32xf32, #tpu.memory_space<hbm>>) target(%dma_start3A_164 : memref<1x32xf32, #tpu.memory_space<vmem>>) target_semaphore(%arg21 : memref<!tpu.dma_semaphore, #tpu.memory_space<semaphore_mem>>)
        %add3A_167 = arith.constant 1 : i32
        %add3A_168 = arith.addi %multiple_of3A_121, %add3A_167 : i32
        %slice3A_169 = vector.extract_strided_slice %get3A_122 {offsets = [1], sizes = [1], strides = [1]} : vector<16xi32> to vector<1xi32>
        %squeeze3A_170 = vector.extract %slice3A_169[0] : i32 from vector<1xi32>
        %dma_start3A_171 = arith.constant 0 : i32
        %dma_start3A_172 = tpu.memref_slice %arg14[%add3A_168, %dma_start3A_171] : memref<128x32xf32, #tpu.memory_space<vmem>> -> memref<1x32xf32, #tpu.memory_space<vmem>>
        %dma_start3A_173 = arith.constant 0 : i32
        %dma_start3A_174 = tpu.memref_slice %arg2[%squeeze3A_170, %dma_start3A_173] : memref<1000000x32xf32, #tpu.memory_space<hbm>> -> memref<1x32xf32, #tpu.memory_space<hbm>>
        %dma_start3A_175 = arith.constant 0 : i32
        %dma_start3A_176 = tpu.memref_slice %arg14[%add3A_168, %dma_start3A_175] : memref<128x32xf32, #tpu.memory_space<vmem>> -> memref<1x32xf32, #tpu.memory_space<vmem>>
        %dma_start3A_177 = arith.constant 0 : i32
        %dma_start3A_178 = tpu.memref_slice %arg2[%squeeze3A_170, %dma_start3A_177] : memref<1000000x32xf32, #tpu.memory_space<hbm>> -> memref<1x32xf32, #tpu.memory_space<hbm>>
        tpu.enqueue_dma source(%dma_start3A_178 : memref<1x32xf32, #tpu.memory_space<hbm>>) target(%dma_start3A_176 : memref<1x32xf32, #tpu.memory_space<vmem>>) target_semaphore(%arg21 : memref<!tpu.dma_semaphore, #tpu.memory_space<semaphore_mem>>)
        %slice3A_179 = vector.extract_strided_slice %get3A_124 {offsets = [1], sizes = [1], strides = [1]} : vector<16xi32> to vector<1xi32>
        %squeeze3A_180 = vector.extract %slice3A_179[0] : i32 from vector<1xi32>
        %dma_start3A_181 = arith.constant 0 : i32
        %dma_start3A_182 = tpu.memref_slice %arg15[%add3A_168, %dma_start3A_181] : memref<128x32xf32, #tpu.memory_space<vmem>> -> memref<1x32xf32, #tpu.memory_space<vmem>>
        %dma_start3A_183 = arith.constant 0 : i32
        %dma_start3A_184 = tpu.memref_slice %arg2[%squeeze3A_180, %dma_start3A_183] : memref<1000000x32xf32, #tpu.memory_space<hbm>> -> memref<1x32xf32, #tpu.memory_space<hbm>>
        %dma_start3A_185 = arith.constant 0 : i32
        %dma_start3A_186 = tpu.memref_slice %arg15[%add3A_168, %dma_start3A_185] : memref<128x32xf32, #tpu.memory_space<vmem>> -> memref<1x32xf32, #tpu.memory_space<vmem>>
        %dma_start3A_187 = arith.constant 0 : i32
        %dma_start3A_188 = tpu.memref_slice %arg2[%squeeze3A_180, %dma_start3A_187] : memref<1000000x32xf32, #tpu.memory_space<hbm>> -> memref<1x32xf32, #tpu.memory_space<hbm>>
        tpu.enqueue_dma source(%dma_start3A_188 : memref<1x32xf32, #tpu.memory_space<hbm>>) target(%dma_start3A_186 : memref<1x32xf32, #tpu.memory_space<vmem>>) target_semaphore(%arg21 : memref<!tpu.dma_semaphore, #tpu.memory_space<semaphore_mem>>)
        %slice3A_189 = vector.extract_strided_slice %get3A_126 {offsets = [1], sizes = [1], strides = [1]} : vector<16xi32> to vector<1xi32>
        %squeeze3A_190 = vector.extract %slice3A_189[0] : i32 from vector<1xi32>
        %dma_start3A_191 = arith.constant 0 : i32
        %dma_start3A_192 = tpu.memref_slice %arg16[%add3A_168, %dma_start3A_191] : memref<128x32xf32, #tpu.memory_space<vmem>> -> memref<1x32xf32, #tpu.memory_space<vmem>>
        %dma_start3A_193 = arith.constant 0 : i32
        %dma_start3A_194 = tpu.memref_slice %arg4[%squeeze3A_190, %dma_start3A_193] : memref<1000x32xf32, #tpu.memory_space<hbm>> -> memref<1x32xf32, #tpu.memory_space<hbm>>
        %dma_start3A_195 = arith.constant 0 : i32
        %dma_start3A_196 = tpu.memref_slice %arg16[%add3A_168, %dma_start3A_195] : memref<128x32xf32, #tpu.memory_space<vmem>> -> memref<1x32xf32, #tpu.memory_space<vmem>>
        %dma_start3A_197 = arith.constant 0 : i32
        %dma_start3A_198 = tpu.memref_slice %arg4[%squeeze3A_190, %dma_start3A_197] : memref<1000x32xf32, #tpu.memory_space<hbm>> -> memref<1x32xf32, #tpu.memory_space<hbm>>
        tpu.enqueue_dma source(%dma_start3A_198 : memref<1x32xf32, #tpu.memory_space<hbm>>) target(%dma_start3A_196 : memref<1x32xf32, #tpu.memory_space<vmem>>) target_semaphore(%arg21 : memref<!tpu.dma_semaphore, #tpu.memory_space<semaphore_mem>>)
        %slice3A_199 = vector.extract_strided_slice %get3A_126 {offsets = [1], sizes = [1], strides = [1]} : vector<16xi32> to vector<1xi32>
        %squeeze3A_200 = vector.extract %slice3A_199[0] : i32 from vector<1xi32>
        %dma_start3A_201 = arith.constant 0 : i32
        %dma_start3A_202 = tpu.memref_slice %arg17[%add3A_168, %dma_start3A_201] : memref<128x32xf32, #tpu.memory_space<vmem>> -> memref<1x32xf32, #tpu.memory_space<vmem>>
        %dma_start3A_203 = arith.constant 0 : i32
        %dma_start3A_204 = tpu.memref_slice %arg3[%squeeze3A_200, %dma_start3A_203] : memref<1000x32xf32, #tpu.memory_space<hbm>> -> memref<1x32xf32, #tpu.memory_space<hbm>>
        %dma_start3A_205 = arith.constant 0 : i32
        %dma_start3A_206 = tpu.memref_slice %arg17[%add3A_168, %dma_start3A_205] : memref<128x32xf32, #tpu.memory_space<vmem>> -> memref<1x32xf32, #tpu.memory_space<vmem>>
        %dma_start3A_207 = arith.constant 0 : i32
        %dma_start3A_208 = tpu.memref_slice %arg3[%squeeze3A_200, %dma_start3A_207] : memref<1000x32xf32, #tpu.memory_space<hbm>> -> memref<1x32xf32, #tpu.memory_space<hbm>>
        tpu.enqueue_dma source(%dma_start3A_208 : memref<1x32xf32, #tpu.memory_space<hbm>>) target(%dma_start3A_206 : memref<1x32xf32, #tpu.memory_space<vmem>>) target_semaphore(%arg21 : memref<!tpu.dma_semaphore, #tpu.memory_space<semaphore_mem>>)
        %add3A_209 = arith.constant 2 : i32
        %add3A_210 = arith.addi %multiple_of3A_121, %add3A_209 : i32
        %slice3A_211 = vector.extract_strided_slice %get3A_122 {offsets = [2], sizes = [1], strides = [1]} : vector<16xi32> to vector<1xi32>
        %squeeze3A_212 = vector.extract %slice3A_211[0] : i32 from vector<1xi32>
        %dma_start3A_213 = arith.constant 0 : i32
        %dma_start3A_214 = tpu.memref_slice %arg14[%add3A_210, %dma_start3A_213] : memref<128x32xf32, #tpu.memory_space<vmem>> -> memref<1x32xf32, #tpu.memory_space<vmem>>
        %dma_start3A_215 = arith.constant 0 : i32
        %dma_start3A_216 = tpu.memref_slice %arg2[%squeeze3A_212, %dma_start3A_215] : memref<1000000x32xf32, #tpu.memory_space<hbm>> -> memref<1x32xf32, #tpu.memory_space<hbm>>
        %dma_start3A_217 = arith.constant 0 : i32
        %dma_start3A_218 = tpu.memref_slice %arg14[%add3A_210, %dma_start3A_217] : memref<128x32xf32, #tpu.memory_space<vmem>> -> memref<1x32xf32, #tpu.memory_space<vmem>>
        %dma_start3A_219 = arith.constant 0 : i32
        %dma_start3A_220 = tpu.memref_slice %arg2[%squeeze3A_212, %dma_start3A_219] : memref<1000000x32xf32, #tpu.memory_space<hbm>> -> memref<1x32xf32, #tpu.memory_space<hbm>>
        tpu.enqueue_dma source(%dma_start3A_220 : memref<1x32xf32, #tpu.memory_space<hbm>>) target(%dma_start3A_218 : memref<1x32xf32, #tpu.memory_space<vmem>>) target_semaphore(%arg21 : memref<!tpu.dma_semaphore, #tpu.memory_space<semaphore_mem>>)
        %slice3A_221 = vector.extract_strided_slice %get3A_124 {offsets = [2], sizes = [1], strides = [1]} : vector<16xi32> to vector<1xi32>
        %squeeze3A_222 = vector.extract %slice3A_221[0] : i32 from vector<1xi32>
        %dma_start3A_223 = arith.constant 0 : i32
        %dma_start3A_224 = tpu.memref_slice %arg15[%add3A_210, %dma_start3A_223] : memref<128x32xf32, #tpu.memory_space<vmem>> -> memref<1x32xf32, #tpu.memory_space<vmem>>
        %dma_start3A_225 = arith.constant 0 : i32
        %dma_start3A_226 = tpu.memref_slice %arg2[%squeeze3A_222, %dma_start3A_225] : memref<1000000x32xf32, #tpu.memory_space<hbm>> -> memref<1x32xf32, #tpu.memory_space<hbm>>
        %dma_start3A_227 = arith.constant 0 : i32
        %dma_start3A_228 = tpu.memref_slice %arg15[%add3A_210, %dma_start3A_227] : memref<128x32xf32, #tpu.memory_space<vmem>> -> memref<1x32xf32, #tpu.memory_space<vmem>>
        %dma_start3A_229 = arith.constant 0 : i32
        %dma_start3A_230 = tpu.memref_slice %arg2[%squeeze3A_222, %dma_start3A_229] : memref<1000000x32xf32, #tpu.memory_space<hbm>> -> memref<1x32xf32, #tpu.memory_space<hbm>>
        tpu.enqueue_dma source(%dma_start3A_230 : memref<1x32xf32, #tpu.memory_space<hbm>>) target(%dma_start3A_228 : memref<1x32xf32, #tpu.memory_space<vmem>>) target_semaphore(%arg21 : memref<!tpu.dma_semaphore, #tpu.memory_space<semaphore_mem>>)
        %slice3A_231 = vector.extract_strided_slice %get3A_126 {offsets = [2], sizes = [1], strides = [1]} : vector<16xi32> to vector<1xi32>
        %squeeze3A_232 = vector.extract %slice3A_231[0] : i32 from vector<1xi32>
        %dma_start3A_233 = arith.constant 0 : i32
        %dma_start3A_234 = tpu.memref_slice %arg16[%add3A_210, %dma_start3A_233] : memref<128x32xf32, #tpu.memory_space<vmem>> -> memref<1x32xf32, #tpu.memory_space<vmem>>
        %dma_start3A_235 = arith.constant 0 : i32
        %dma_start3A_236 = tpu.memref_slice %arg4[%squeeze3A_232, %dma_start3A_235] : memref<1000x32xf32, #tpu.memory_space<hbm>> -> memref<1x32xf32, #tpu.memory_space<hbm>>
        %dma_start3A_237 = arith.constant 0 : i32
        %dma_start3A_238 = tpu.memref_slice %arg16[%add3A_210, %dma_start3A_237] : memref<128x32xf32, #tpu.memory_space<vmem>> -> memref<1x32xf32, #tpu.memory_space<vmem>>
        %dma_start3A_239 = arith.constant 0 : i32
        %dma_start3A_240 = tpu.memref_slice %arg4[%squeeze3A_232, %dma_start3A_239] : memref<1000x32xf32, #tpu.memory_space<hbm>> -> memref<1x32xf32, #tpu.memory_space<hbm>>
        tpu.enqueue_dma source(%dma_start3A_240 : memref<1x32xf32, #tpu.memory_space<hbm>>) target(%dma_start3A_238 : memref<1x32xf32, #tpu.memory_space<vmem>>) target_semaphore(%arg21 : memref<!tpu.dma_semaphore, #tpu.memory_space<semaphore_mem>>)
        %slice3A_241 = vector.extract_strided_slice %get3A_126 {offsets = [2], sizes = [1], strides = [1]} : vector<16xi32> to vector<1xi32>
        %squeeze3A_242 = vector.extract %slice3A_241[0] : i32 from vector<1xi32>
        %dma_start3A_243 = arith.constant 0 : i32
        %dma_start3A_244 = tpu.memref_slice %arg17[%add3A_210, %dma_start3A_243] : memref<128x32xf32, #tpu.memory_space<vmem>> -> memref<1x32xf32, #tpu.memory_space<vmem>>
        %dma_start3A_245 = arith.constant 0 : i32
        %dma_start3A_246 = tpu.memref_slice %arg3[%squeeze3A_242, %dma_start3A_245] : memref<1000x32xf32, #tpu.memory_space<hbm>> -> memref<1x32xf32, #tpu.memory_space<hbm>>
        %dma_start3A_247 = arith.constant 0 : i32
        %dma_start3A_248 = tpu.memref_slice %arg17[%add3A_210, %dma_start3A_247] : memref<128x32xf32, #tpu.memory_space<vmem>> -> memref<1x32xf32, #tpu.memory_space<vmem>>
        %dma_start3A_249 = arith.constant 0 : i32
        %dma_start3A_250 = tpu.memref_slice %arg3[%squeeze3A_242, %dma_start3A_249] : memref<1000x32xf32, #tpu.memory_space<hbm>> -> memref<1x32xf32, #tpu.memory_space<hbm>>
        tpu.enqueue_dma source(%dma_start3A_250 : memref<1x32xf32, #tpu.memory_space<hbm>>) target(%dma_start3A_248 : memref<1x32xf32, #tpu.memory_space<vmem>>) target_semaphore(%arg21 : memref<!tpu.dma_semaphore, #tpu.memory_space<semaphore_mem>>)
        %add3A_251 = arith.constant 3 : i32
        %add3A_252 = arith.addi %multiple_of3A_121, %add3A_251 : i32
        %slice3A_253 = vector.extract_strided_slice %get3A_122 {offsets = [3], sizes = [1], strides = [1]} : vector<16xi32> to vector<1xi32>
        %squeeze3A_254 = vector.extract %slice3A_253[0] : i32 from vector<1xi32>
        %dma_start3A_255 = arith.constant 0 : i32
        %dma_start3A_256 = tpu.memref_slice %arg14[%add3A_252, %dma_start3A_255] : memref<128x32xf32, #tpu.memory_space<vmem>> -> memref<1x32xf32, #tpu.memory_space<vmem>>
        %dma_start3A_257 = arith.constant 0 : i32
        %dma_start3A_258 = tpu.memref_slice %arg2[%squeeze3A_254, %dma_start3A_257] : memref<1000000x32xf32, #tpu.memory_space<hbm>> -> memref<1x32xf32, #tpu.memory_space<hbm>>
        %dma_start3A_259 = arith.constant 0 : i32
        %dma_start3A_260 = tpu.memref_slice %arg14[%add3A_252, %dma_start3A_259] : memref<128x32xf32, #tpu.memory_space<vmem>> -> memref<1x32xf32, #tpu.memory_space<vmem>>
        %dma_start3A_261 = arith.constant 0 : i32
        %dma_start3A_262 = tpu.memref_slice %arg2[%squeeze3A_254, %dma_start3A_261] : memref<1000000x32xf32, #tpu.memory_space<hbm>> -> memref<1x32xf32, #tpu.memory_space<hbm>>
        tpu.enqueue_dma source(%dma_start3A_262 : memref<1x32xf32, #tpu.memory_space<hbm>>) target(%dma_start3A_260 : memref<1x32xf32, #tpu.memory_space<vmem>>) target_semaphore(%arg21 : memref<!tpu.dma_semaphore, #tpu.memory_space<semaphore_mem>>)
        %slice3A_263 = vector.extract_strided_slice %get3A_124 {offsets = [3], sizes = [1], strides = [1]} : vector<16xi32> to vector<1xi32>
        %squeeze3A_264 = vector.extract %slice3A_263[0] : i32 from vector<1xi32>
        %dma_start3A_265 = arith.constant 0 : i32
        %dma_start3A_266 = tpu.memref_slice %arg15[%add3A_252, %dma_start3A_265] : memref<128x32xf32, #tpu.memory_space<vmem>> -> memref<1x32xf32, #tpu.memory_space<vmem>>
        %dma_start3A_267 = arith.constant 0 : i32
        %dma_start3A_268 = tpu.memref_slice %arg2[%squeeze3A_264, %dma_start3A_267] : memref<1000000x32xf32, #tpu.memory_space<hbm>> -> memref<1x32xf32, #tpu.memory_space<hbm>>
        %dma_start3A_269 = arith.constant 0 : i32
        %dma_start3A_270 = tpu.memref_slice %arg15[%add3A_252, %dma_start3A_269] : memref<128x32xf32, #tpu.memory_space<vmem>> -> memref<1x32xf32, #tpu.memory_space<vmem>>
        %dma_start3A_271 = arith.constant 0 : i32
        %dma_start3A_272 = tpu.memref_slice %arg2[%squeeze3A_264, %dma_start3A_271] : memref<1000000x32xf32, #tpu.memory_space<hbm>> -> memref<1x32xf32, #tpu.memory_space<hbm>>
        tpu.enqueue_dma source(%dma_start3A_272 : memref<1x32xf32, #tpu.memory_space<hbm>>) target(%dma_start3A_270 : memref<1x32xf32, #tpu.memory_space<vmem>>) target_semaphore(%arg21 : memref<!tpu.dma_semaphore, #tpu.memory_space<semaphore_mem>>)
        %slice3A_273 = vector.extract_strided_slice %get3A_126 {offsets = [3], sizes = [1], strides = [1]} : vector<16xi32> to vector<1xi32>
        %squeeze3A_274 = vector.extract %slice3A_273[0] : i32 from vector<1xi32>
        %dma_start3A_275 = arith.constant 0 : i32
        %dma_start3A_276 = tpu.memref_slice %arg16[%add3A_252, %dma_start3A_275] : memref<128x32xf32, #tpu.memory_space<vmem>> -> memref<1x32xf32, #tpu.memory_space<vmem>>
        %dma_start3A_277 = arith.constant 0 : i32
        %dma_start3A_278 = tpu.memref_slice %arg4[%squeeze3A_274, %dma_start3A_277] : memref<1000x32xf32, #tpu.memory_space<hbm>> -> memref<1x32xf32, #tpu.memory_space<hbm>>
        %dma_start3A_279 = arith.constant 0 : i32
        %dma_start3A_280 = tpu.memref_slice %arg16[%add3A_252, %dma_start3A_279] : memref<128x32xf32, #tpu.memory_space<vmem>> -> memref<1x32xf32, #tpu.memory_space<vmem>>
        %dma_start3A_281 = arith.constant 0 : i32
        %dma_start3A_282 = tpu.memref_slice %arg4[%squeeze3A_274, %dma_start3A_281] : memref<1000x32xf32, #tpu.memory_space<hbm>> -> memref<1x32xf32, #tpu.memory_space<hbm>>
        tpu.enqueue_dma source(%dma_start3A_282 : memref<1x32xf32, #tpu.memory_space<hbm>>) target(%dma_start3A_280 : memref<1x32xf32, #tpu.memory_space<vmem>>) target_semaphore(%arg21 : memref<!tpu.dma_semaphore, #tpu.memory_space<semaphore_mem>>)
        %slice3A_283 = vector.extract_strided_slice %get3A_126 {offsets = [3], sizes = [1], strides = [1]} : vector<16xi32> to vector<1xi32>
        %squeeze3A_284 = vector.extract %slice3A_283[0] : i32 from vector<1xi32>
        %dma_start3A_285 = arith.constant 0 : i32
        %dma_start3A_286 = tpu.memref_slice %arg17[%add3A_252, %dma_start3A_285] : memref<128x32xf32, #tpu.memory_space<vmem>> -> memref<1x32xf32, #tpu.memory_space<vmem>>
        %dma_start3A_287 = arith.constant 0 : i32
        %dma_start3A_288 = tpu.memref_slice %arg3[%squeeze3A_284, %dma_start3A_287] : memref<1000x32xf32, #tpu.memory_space<hbm>> -> memref<1x32xf32, #tpu.memory_space<hbm>>
        %dma_start3A_289 = arith.constant 0 : i32
        %dma_start3A_290 = tpu.memref_slice %arg17[%add3A_252, %dma_start3A_289] : memref<128x32xf32, #tpu.memory_space<vmem>> -> memref<1x32xf32, #tpu.memory_space<vmem>>
        %dma_start3A_291 = arith.constant 0 : i32
        %dma_start3A_292 = tpu.memref_slice %arg3[%squeeze3A_284, %dma_start3A_291] : memref<1000x32xf32, #tpu.memory_space<hbm>> -> memref<1x32xf32, #tpu.memory_space<hbm>>
        tpu.enqueue_dma source(%dma_start3A_292 : memref<1x32xf32, #tpu.memory_space<hbm>>) target(%dma_start3A_290 : memref<1x32xf32, #tpu.memory_space<vmem>>) target_semaphore(%arg21 : memref<!tpu.dma_semaphore, #tpu.memory_space<semaphore_mem>>)
        %add3A_293 = arith.constant 4 : i32
        %add3A_294 = arith.addi %multiple_of3A_121, %add3A_293 : i32
        %slice3A_295 = vector.extract_strided_slice %get3A_122 {offsets = [4], sizes = [1], strides = [1]} : vector<16xi32> to vector<1xi32>
        %squeeze3A_296 = vector.extract %slice3A_295[0] : i32 from vector<1xi32>
        %dma_start3A_297 = arith.constant 0 : i32
        %dma_start3A_298 = tpu.memref_slice %arg14[%add3A_294, %dma_start3A_297] : memref<128x32xf32, #tpu.memory_space<vmem>> -> memref<1x32xf32, #tpu.memory_space<vmem>>
        %dma_start3A_299 = arith.constant 0 : i32
        %dma_start3A_300 = tpu.memref_slice %arg2[%squeeze3A_296, %dma_start3A_299] : memref<1000000x32xf32, #tpu.memory_space<hbm>> -> memref<1x32xf32, #tpu.memory_space<hbm>>
        %dma_start3A_301 = arith.constant 0 : i32
        %dma_start3A_302 = tpu.memref_slice %arg14[%add3A_294, %dma_start3A_301] : memref<128x32xf32, #tpu.memory_space<vmem>> -> memref<1x32xf32, #tpu.memory_space<vmem>>
        %dma_start3A_303 = arith.constant 0 : i32
        %dma_start3A_304 = tpu.memref_slice %arg2[%squeeze3A_296, %dma_start3A_303] : memref<1000000x32xf32, #tpu.memory_space<hbm>> -> memref<1x32xf32, #tpu.memory_space<hbm>>
        tpu.enqueue_dma source(%dma_start3A_304 : memref<1x32xf32, #tpu.memory_space<hbm>>) target(%dma_start3A_302 : memref<1x32xf32, #tpu.memory_space<vmem>>) target_semaphore(%arg21 : memref<!tpu.dma_semaphore, #tpu.memory_space<semaphore_mem>>)
        %slice3A_305 = vector.extract_strided_slice %get3A_124 {offsets = [4], sizes = [1], strides = [1]} : vector<16xi32> to vector<1xi32>
        %squeeze3A_306 = vector.extract %slice3A_305[0] : i32 from vector<1xi32>
        %dma_start3A_307 = arith.constant 0 : i32
        %dma_start3A_308 = tpu.memref_slice %arg15[%add3A_294, %dma_start3A_307] : memref<128x32xf32, #tpu.memory_space<vmem>> -> memref<1x32xf32, #tpu.memory_space<vmem>>
        %dma_start3A_309 = arith.constant 0 : i32
        %dma_start3A_310 = tpu.memref_slice %arg2[%squeeze3A_306, %dma_start3A_309] : memref<1000000x32xf32, #tpu.memory_space<hbm>> -> memref<1x32xf32, #tpu.memory_space<hbm>>
        %dma_start3A_311 = arith.constant 0 : i32
        %dma_start3A_312 = tpu.memref_slice %arg15[%add3A_294, %dma_start3A_311] : memref<128x32xf32, #tpu.memory_space<vmem>> -> memref<1x32xf32, #tpu.memory_space<vmem>>
        %dma_start3A_313 = arith.constant 0 : i32
        %dma_start3A_314 = tpu.memref_slice %arg2[%squeeze3A_306, %dma_start3A_313] : memref<1000000x32xf32, #tpu.memory_space<hbm>> -> memref<1x32xf32, #tpu.memory_space<hbm>>
        tpu.enqueue_dma source(%dma_start3A_314 : memref<1x32xf32, #tpu.memory_space<hbm>>) target(%dma_start3A_312 : memref<1x32xf32, #tpu.memory_space<vmem>>) target_semaphore(%arg21 : memref<!tpu.dma_semaphore, #tpu.memory_space<semaphore_mem>>)
        %slice3A_315 = vector.extract_strided_slice %get3A_126 {offsets = [4], sizes = [1], strides = [1]} : vector<16xi32> to vector<1xi32>
        %squeeze3A_316 = vector.extract %slice3A_315[0] : i32 from vector<1xi32>
        %dma_start3A_317 = arith.constant 0 : i32
        %dma_start3A_318 = tpu.memref_slice %arg16[%add3A_294, %dma_start3A_317] : memref<128x32xf32, #tpu.memory_space<vmem>> -> memref<1x32xf32, #tpu.memory_space<vmem>>
        %dma_start3A_319 = arith.constant 0 : i32
        %dma_start3A_320 = tpu.memref_slice %arg4[%squeeze3A_316, %dma_start3A_319] : memref<1000x32xf32, #tpu.memory_space<hbm>> -> memref<1x32xf32, #tpu.memory_space<hbm>>
        %dma_start3A_321 = arith.constant 0 : i32
        %dma_start3A_322 = tpu.memref_slice %arg16[%add3A_294, %dma_start3A_321] : memref<128x32xf32, #tpu.memory_space<vmem>> -> memref<1x32xf32, #tpu.memory_space<vmem>>
        %dma_start3A_323 = arith.constant 0 : i32
        %dma_start3A_324 = tpu.memref_slice %arg4[%squeeze3A_316, %dma_start3A_323] : memref<1000x32xf32, #tpu.memory_space<hbm>> -> memref<1x32xf32, #tpu.memory_space<hbm>>
        tpu.enqueue_dma source(%dma_start3A_324 : memref<1x32xf32, #tpu.memory_space<hbm>>) target(%dma_start3A_322 : memref<1x32xf32, #tpu.memory_space<vmem>>) target_semaphore(%arg21 : memref<!tpu.dma_semaphore, #tpu.memory_space<semaphore_mem>>)
        %slice3A_325 = vector.extract_strided_slice %get3A_126 {offsets = [4], sizes = [1], strides = [1]} : vector<16xi32> to vector<1xi32>
        %squeeze3A_326 = vector.extract %slice3A_325[0] : i32 from vector<1xi32>
        %dma_start3A_327 = arith.constant 0 : i32
        %dma_start3A_328 = tpu.memref_slice %arg17[%add3A_294, %dma_start3A_327] : memref<128x32xf32, #tpu.memory_space<vmem>> -> memref<1x32xf32, #tpu.memory_space<vmem>>
        %dma_start3A_329 = arith.constant 0 : i32
        %dma_start3A_330 = tpu.memref_slice %arg3[%squeeze3A_326, %dma_start3A_329] : memref<1000x32xf32, #tpu.memory_space<hbm>> -> memref<1x32xf32, #tpu.memory_space<hbm>>
        %dma_start3A_331 = arith.constant 0 : i32
        %dma_start3A_332 = tpu.memref_slice %arg17[%add3A_294, %dma_start3A_331] : memref<128x32xf32, #tpu.memory_space<vmem>> -> memref<1x32xf32, #tpu.memory_space<vmem>>
        %dma_start3A_333 = arith.constant 0 : i32
        %dma_start3A_334 = tpu.memref_slice %arg3[%squeeze3A_326, %dma_start3A_333] : memref<1000x32xf32, #tpu.memory_space<hbm>> -> memref<1x32xf32, #tpu.memory_space<hbm>>
        tpu.enqueue_dma source(%dma_start3A_334 : memref<1x32xf32, #tpu.memory_space<hbm>>) target(%dma_start3A_332 : memref<1x32xf32, #tpu.memory_space<vmem>>) target_semaphore(%arg21 : memref<!tpu.dma_semaphore, #tpu.memory_space<semaphore_mem>>)
        %add3A_335 = arith.constant 5 : i32
        %add3A_336 = arith.addi %multiple_of3A_121, %add3A_335 : i32
        %slice3A_337 = vector.extract_strided_slice %get3A_122 {offsets = [5], sizes = [1], strides = [1]} : vector<16xi32> to vector<1xi32>
        %squeeze3A_338 = vector.extract %slice3A_337[0] : i32 from vector<1xi32>
        %dma_start3A_339 = arith.constant 0 : i32
        %dma_start3A_340 = tpu.memref_slice %arg14[%add3A_336, %dma_start3A_339] : memref<128x32xf32, #tpu.memory_space<vmem>> -> memref<1x32xf32, #tpu.memory_space<vmem>>
        %dma_start3A_341 = arith.constant 0 : i32
        %dma_start3A_342 = tpu.memref_slice %arg2[%squeeze3A_338, %dma_start3A_341] : memref<1000000x32xf32, #tpu.memory_space<hbm>> -> memref<1x32xf32, #tpu.memory_space<hbm>>
        %dma_start3A_343 = arith.constant 0 : i32
        %dma_start3A_344 = tpu.memref_slice %arg14[%add3A_336, %dma_start3A_343] : memref<128x32xf32, #tpu.memory_space<vmem>> -> memref<1x32xf32, #tpu.memory_space<vmem>>
        %dma_start3A_345 = arith.constant 0 : i32
        %dma_start3A_346 = tpu.memref_slice %arg2[%squeeze3A_338, %dma_start3A_345] : memref<1000000x32xf32, #tpu.memory_space<hbm>> -> memref<1x32xf32, #tpu.memory_space<hbm>>
        tpu.enqueue_dma source(%dma_start3A_346 : memref<1x32xf32, #tpu.memory_space<hbm>>) target(%dma_start3A_344 : memref<1x32xf32, #tpu.memory_space<vmem>>) target_semaphore(%arg21 : memref<!tpu.dma_semaphore, #tpu.memory_space<semaphore_mem>>)
        %slice3A_347 = vector.extract_strided_slice %get3A_124 {offsets = [5], sizes = [1], strides = [1]} : vector<16xi32> to vector<1xi32>
        %squeeze3A_348 = vector.extract %slice3A_347[0] : i32 from vector<1xi32>
        %dma_start3A_349 = arith.constant 0 : i32
        %dma_start3A_350 = tpu.memref_slice %arg15[%add3A_336, %dma_start3A_349] : memref<128x32xf32, #tpu.memory_space<vmem>> -> memref<1x32xf32, #tpu.memory_space<vmem>>
        %dma_start3A_351 = arith.constant 0 : i32
        %dma_start3A_352 = tpu.memref_slice %arg2[%squeeze3A_348, %dma_start3A_351] : memref<1000000x32xf32, #tpu.memory_space<hbm>> -> memref<1x32xf32, #tpu.memory_space<hbm>>
        %dma_start3A_353 = arith.constant 0 : i32
        %dma_start3A_354 = tpu.memref_slice %arg15[%add3A_336, %dma_start3A_353] : memref<128x32xf32, #tpu.memory_space<vmem>> -> memref<1x32xf32, #tpu.memory_space<vmem>>
        %dma_start3A_355 = arith.constant 0 : i32
        %dma_start3A_356 = tpu.memref_slice %arg2[%squeeze3A_348, %dma_start3A_355] : memref<1000000x32xf32, #tpu.memory_space<hbm>> -> memref<1x32xf32, #tpu.memory_space<hbm>>
        tpu.enqueue_dma source(%dma_start3A_356 : memref<1x32xf32, #tpu.memory_space<hbm>>) target(%dma_start3A_354 : memref<1x32xf32, #tpu.memory_space<vmem>>) target_semaphore(%arg21 : memref<!tpu.dma_semaphore, #tpu.memory_space<semaphore_mem>>)
        %slice3A_357 = vector.extract_strided_slice %get3A_126 {offsets = [5], sizes = [1], strides = [1]} : vector<16xi32> to vector<1xi32>
        %squeeze3A_358 = vector.extract %slice3A_357[0] : i32 from vector<1xi32>
        %dma_start3A_359 = arith.constant 0 : i32
        %dma_start3A_360 = tpu.memref_slice %arg16[%add3A_336, %dma_start3A_359] : memref<128x32xf32, #tpu.memory_space<vmem>> -> memref<1x32xf32, #tpu.memory_space<vmem>>
        %dma_start3A_361 = arith.constant 0 : i32
        %dma_start3A_362 = tpu.memref_slice %arg4[%squeeze3A_358, %dma_start3A_361] : memref<1000x32xf32, #tpu.memory_space<hbm>> -> memref<1x32xf32, #tpu.memory_space<hbm>>
        %dma_start3A_363 = arith.constant 0 : i32
        %dma_start3A_364 = tpu.memref_slice %arg16[%add3A_336, %dma_start3A_363] : memref<128x32xf32, #tpu.memory_space<vmem>> -> memref<1x32xf32, #tpu.memory_space<vmem>>
        %dma_start3A_365 = arith.constant 0 : i32
        %dma_start3A_366 = tpu.memref_slice %arg4[%squeeze3A_358, %dma_start3A_365] : memref<1000x32xf32, #tpu.memory_space<hbm>> -> memref<1x32xf32, #tpu.memory_space<hbm>>
        tpu.enqueue_dma source(%dma_start3A_366 : memref<1x32xf32, #tpu.memory_space<hbm>>) target(%dma_start3A_364 : memref<1x32xf32, #tpu.memory_space<vmem>>) target_semaphore(%arg21 : memref<!tpu.dma_semaphore, #tpu.memory_space<semaphore_mem>>)
        %slice3A_367 = vector.extract_strided_slice %get3A_126 {offsets = [5], sizes = [1], strides = [1]} : vector<16xi32> to vector<1xi32>
        %squeeze3A_368 = vector.extract %slice3A_367[0] : i32 from vector<1xi32>
        %dma_start3A_369 = arith.constant 0 : i32
        %dma_start3A_370 = tpu.memref_slice %arg17[%add3A_336, %dma_start3A_369] : memref<128x32xf32, #tpu.memory_space<vmem>> -> memref<1x32xf32, #tpu.memory_space<vmem>>
        %dma_start3A_371 = arith.constant 0 : i32
        %dma_start3A_372 = tpu.memref_slice %arg3[%squeeze3A_368, %dma_start3A_371] : memref<1000x32xf32, #tpu.memory_space<hbm>> -> memref<1x32xf32, #tpu.memory_space<hbm>>
        %dma_start3A_373 = arith.constant 0 : i32
        %dma_start3A_374 = tpu.memref_slice %arg17[%add3A_336, %dma_start3A_373] : memref<128x32xf32, #tpu.memory_space<vmem>> -> memref<1x32xf32, #tpu.memory_space<vmem>>
        %dma_start3A_375 = arith.constant 0 : i32
        %dma_start3A_376 = tpu.memref_slice %arg3[%squeeze3A_368, %dma_start3A_375] : memref<1000x32xf32, #tpu.memory_space<hbm>> -> memref<1x32xf32, #tpu.memory_space<hbm>>
        tpu.enqueue_dma source(%dma_start3A_376 : memref<1x32xf32, #tpu.memory_space<hbm>>) target(%dma_start3A_374 : memref<1x32xf32, #tpu.memory_space<vmem>>) target_semaphore(%arg21 : memref<!tpu.dma_semaphore, #tpu.memory_space<semaphore_mem>>)
        %add3A_377 = arith.constant 6 : i32
        %add3A_378 = arith.addi %multiple_of3A_121, %add3A_377 : i32
        %slice3A_379 = vector.extract_strided_slice %get3A_122 {offsets = [6], sizes = [1], strides = [1]} : vector<16xi32> to vector<1xi32>
        %squeeze3A_380 = vector.extract %slice3A_379[0] : i32 from vector<1xi32>
        %dma_start3A_381 = arith.constant 0 : i32
        %dma_start3A_382 = tpu.memref_slice %arg14[%add3A_378, %dma_start3A_381] : memref<128x32xf32, #tpu.memory_space<vmem>> -> memref<1x32xf32, #tpu.memory_space<vmem>>
        %dma_start3A_383 = arith.constant 0 : i32
        %dma_start3A_384 = tpu.memref_slice %arg2[%squeeze3A_380, %dma_start3A_383] : memref<1000000x32xf32, #tpu.memory_space<hbm>> -> memref<1x32xf32, #tpu.memory_space<hbm>>
        %dma_start3A_385 = arith.constant 0 : i32
        %dma_start3A_386 = tpu.memref_slice %arg14[%add3A_378, %dma_start3A_385] : memref<128x32xf32, #tpu.memory_space<vmem>> -> memref<1x32xf32, #tpu.memory_space<vmem>>
        %dma_start3A_387 = arith.constant 0 : i32
        %dma_start3A_388 = tpu.memref_slice %arg2[%squeeze3A_380, %dma_start3A_387] : memref<1000000x32xf32, #tpu.memory_space<hbm>> -> memref<1x32xf32, #tpu.memory_space<hbm>>
        tpu.enqueue_dma source(%dma_start3A_388 : memref<1x32xf32, #tpu.memory_space<hbm>>) target(%dma_start3A_386 : memref<1x32xf32, #tpu.memory_space<vmem>>) target_semaphore(%arg21 : memref<!tpu.dma_semaphore, #tpu.memory_space<semaphore_mem>>)
        %slice3A_389 = vector.extract_strided_slice %get3A_124 {offsets = [6], sizes = [1], strides = [1]} : vector<16xi32> to vector<1xi32>
        %squeeze3A_390 = vector.extract %slice3A_389[0] : i32 from vector<1xi32>
        %dma_start3A_391 = arith.constant 0 : i32
        %dma_start3A_392 = tpu.memref_slice %arg15[%add3A_378, %dma_start3A_391] : memref<128x32xf32, #tpu.memory_space<vmem>> -> memref<1x32xf32, #tpu.memory_space<vmem>>
        %dma_start3A_393 = arith.constant 0 : i32
        %dma_start3A_394 = tpu.memref_slice %arg2[%squeeze3A_390, %dma_start3A_393] : memref<1000000x32xf32, #tpu.memory_space<hbm>> -> memref<1x32xf32, #tpu.memory_space<hbm>>
        %dma_start3A_395 = arith.constant 0 : i32
        %dma_start3A_396 = tpu.memref_slice %arg15[%add3A_378, %dma_start3A_395] : memref<128x32xf32, #tpu.memory_space<vmem>> -> memref<1x32xf32, #tpu.memory_space<vmem>>
        %dma_start3A_397 = arith.constant 0 : i32
        %dma_start3A_398 = tpu.memref_slice %arg2[%squeeze3A_390, %dma_start3A_397] : memref<1000000x32xf32, #tpu.memory_space<hbm>> -> memref<1x32xf32, #tpu.memory_space<hbm>>
        tpu.enqueue_dma source(%dma_start3A_398 : memref<1x32xf32, #tpu.memory_space<hbm>>) target(%dma_start3A_396 : memref<1x32xf32, #tpu.memory_space<vmem>>) target_semaphore(%arg21 : memref<!tpu.dma_semaphore, #tpu.memory_space<semaphore_mem>>)
        %slice3A_399 = vector.extract_strided_slice %get3A_126 {offsets = [6], sizes = [1], strides = [1]} : vector<16xi32> to vector<1xi32>
        %squeeze3A_400 = vector.extract %slice3A_399[0] : i32 from vector<1xi32>
        %dma_start3A_401 = arith.constant 0 : i32
        %dma_start3A_402 = tpu.memref_slice %arg16[%add3A_378, %dma_start3A_401] : memref<128x32xf32, #tpu.memory_space<vmem>> -> memref<1x32xf32, #tpu.memory_space<vmem>>
        %dma_start3A_403 = arith.constant 0 : i32
        %dma_start3A_404 = tpu.memref_slice %arg4[%squeeze3A_400, %dma_start3A_403] : memref<1000x32xf32, #tpu.memory_space<hbm>> -> memref<1x32xf32, #tpu.memory_space<hbm>>
        %dma_start3A_405 = arith.constant 0 : i32
        %dma_start3A_406 = tpu.memref_slice %arg16[%add3A_378, %dma_start3A_405] : memref<128x32xf32, #tpu.memory_space<vmem>> -> memref<1x32xf32, #tpu.memory_space<vmem>>
        %dma_start3A_407 = arith.constant 0 : i32
        %dma_start3A_408 = tpu.memref_slice %arg4[%squeeze3A_400, %dma_start3A_407] : memref<1000x32xf32, #tpu.memory_space<hbm>> -> memref<1x32xf32, #tpu.memory_space<hbm>>
        tpu.enqueue_dma source(%dma_start3A_408 : memref<1x32xf32, #tpu.memory_space<hbm>>) target(%dma_start3A_406 : memref<1x32xf32, #tpu.memory_space<vmem>>) target_semaphore(%arg21 : memref<!tpu.dma_semaphore, #tpu.memory_space<semaphore_mem>>)
        %slice3A_409 = vector.extract_strided_slice %get3A_126 {offsets = [6], sizes = [1], strides = [1]} : vector<16xi32> to vector<1xi32>
        %squeeze3A_410 = vector.extract %slice3A_409[0] : i32 from vector<1xi32>
        %dma_start3A_411 = arith.constant 0 : i32
        %dma_start3A_412 = tpu.memref_slice %arg17[%add3A_378, %dma_start3A_411] : memref<128x32xf32, #tpu.memory_space<vmem>> -> memref<1x32xf32, #tpu.memory_space<vmem>>
        %dma_start3A_413 = arith.constant 0 : i32
        %dma_start3A_414 = tpu.memref_slice %arg3[%squeeze3A_410, %dma_start3A_413] : memref<1000x32xf32, #tpu.memory_space<hbm>> -> memref<1x32xf32, #tpu.memory_space<hbm>>
        %dma_start3A_415 = arith.constant 0 : i32
        %dma_start3A_416 = tpu.memref_slice %arg17[%add3A_378, %dma_start3A_415] : memref<128x32xf32, #tpu.memory_space<vmem>> -> memref<1x32xf32, #tpu.memory_space<vmem>>
        %dma_start3A_417 = arith.constant 0 : i32
        %dma_start3A_418 = tpu.memref_slice %arg3[%squeeze3A_410, %dma_start3A_417] : memref<1000x32xf32, #tpu.memory_space<hbm>> -> memref<1x32xf32, #tpu.memory_space<hbm>>
        tpu.enqueue_dma source(%dma_start3A_418 : memref<1x32xf32, #tpu.memory_space<hbm>>) target(%dma_start3A_416 : memref<1x32xf32, #tpu.memory_space<vmem>>) target_semaphore(%arg21 : memref<!tpu.dma_semaphore, #tpu.memory_space<semaphore_mem>>)
        %add3A_419 = arith.constant 7 : i32
        %add3A_420 = arith.addi %multiple_of3A_121, %add3A_419 : i32
        %slice3A_421 = vector.extract_strided_slice %get3A_122 {offsets = [7], sizes = [1], strides = [1]} : vector<16xi32> to vector<1xi32>
        %squeeze3A_422 = vector.extract %slice3A_421[0] : i32 from vector<1xi32>
        %dma_start3A_423 = arith.constant 0 : i32
        %dma_start3A_424 = tpu.memref_slice %arg14[%add3A_420, %dma_start3A_423] : memref<128x32xf32, #tpu.memory_space<vmem>> -> memref<1x32xf32, #tpu.memory_space<vmem>>
        %dma_start3A_425 = arith.constant 0 : i32
        %dma_start3A_426 = tpu.memref_slice %arg2[%squeeze3A_422, %dma_start3A_425] : memref<1000000x32xf32, #tpu.memory_space<hbm>> -> memref<1x32xf32, #tpu.memory_space<hbm>>
        %dma_start3A_427 = arith.constant 0 : i32
        %dma_start3A_428 = tpu.memref_slice %arg14[%add3A_420, %dma_start3A_427] : memref<128x32xf32, #tpu.memory_space<vmem>> -> memref<1x32xf32, #tpu.memory_space<vmem>>
        %dma_start3A_429 = arith.constant 0 : i32
        %dma_start3A_430 = tpu.memref_slice %arg2[%squeeze3A_422, %dma_start3A_429] : memref<1000000x32xf32, #tpu.memory_space<hbm>> -> memref<1x32xf32, #tpu.memory_space<hbm>>
        tpu.enqueue_dma source(%dma_start3A_430 : memref<1x32xf32, #tpu.memory_space<hbm>>) target(%dma_start3A_428 : memref<1x32xf32, #tpu.memory_space<vmem>>) target_semaphore(%arg21 : memref<!tpu.dma_semaphore, #tpu.memory_space<semaphore_mem>>)
        %slice3A_431 = vector.extract_strided_slice %get3A_124 {offsets = [7], sizes = [1], strides = [1]} : vector<16xi32> to vector<1xi32>
        %squeeze3A_432 = vector.extract %slice3A_431[0] : i32 from vector<1xi32>
        %dma_start3A_433 = arith.constant 0 : i32
        %dma_start3A_434 = tpu.memref_slice %arg15[%add3A_420, %dma_start3A_433] : memref<128x32xf32, #tpu.memory_space<vmem>> -> memref<1x32xf32, #tpu.memory_space<vmem>>
        %dma_start3A_435 = arith.constant 0 : i32
        %dma_start3A_436 = tpu.memref_slice %arg2[%squeeze3A_432, %dma_start3A_435] : memref<1000000x32xf32, #tpu.memory_space<hbm>> -> memref<1x32xf32, #tpu.memory_space<hbm>>
        %dma_start3A_437 = arith.constant 0 : i32
        %dma_start3A_438 = tpu.memref_slice %arg15[%add3A_420, %dma_start3A_437] : memref<128x32xf32, #tpu.memory_space<vmem>> -> memref<1x32xf32, #tpu.memory_space<vmem>>
        %dma_start3A_439 = arith.constant 0 : i32
        %dma_start3A_440 = tpu.memref_slice %arg2[%squeeze3A_432, %dma_start3A_439] : memref<1000000x32xf32, #tpu.memory_space<hbm>> -> memref<1x32xf32, #tpu.memory_space<hbm>>
        tpu.enqueue_dma source(%dma_start3A_440 : memref<1x32xf32, #tpu.memory_space<hbm>>) target(%dma_start3A_438 : memref<1x32xf32, #tpu.memory_space<vmem>>) target_semaphore(%arg21 : memref<!tpu.dma_semaphore, #tpu.memory_space<semaphore_mem>>)
        %slice3A_441 = vector.extract_strided_slice %get3A_126 {offsets = [7], sizes = [1], strides = [1]} : vector<16xi32> to vector<1xi32>
        %squeeze3A_442 = vector.extract %slice3A_441[0] : i32 from vector<1xi32>
        %dma_start3A_443 = arith.constant 0 : i32
        %dma_start3A_444 = tpu.memref_slice %arg16[%add3A_420, %dma_start3A_443] : memref<128x32xf32, #tpu.memory_space<vmem>> -> memref<1x32xf32, #tpu.memory_space<vmem>>
        %dma_start3A_445 = arith.constant 0 : i32
        %dma_start3A_446 = tpu.memref_slice %arg4[%squeeze3A_442, %dma_start3A_445] : memref<1000x32xf32, #tpu.memory_space<hbm>> -> memref<1x32xf32, #tpu.memory_space<hbm>>
        %dma_start3A_447 = arith.constant 0 : i32
        %dma_start3A_448 = tpu.memref_slice %arg16[%add3A_420, %dma_start3A_447] : memref<128x32xf32, #tpu.memory_space<vmem>> -> memref<1x32xf32, #tpu.memory_space<vmem>>
        %dma_start3A_449 = arith.constant 0 : i32
        %dma_start3A_450 = tpu.memref_slice %arg4[%squeeze3A_442, %dma_start3A_449] : memref<1000x32xf32, #tpu.memory_space<hbm>> -> memref<1x32xf32, #tpu.memory_space<hbm>>
        tpu.enqueue_dma source(%dma_start3A_450 : memref<1x32xf32, #tpu.memory_space<hbm>>) target(%dma_start3A_448 : memref<1x32xf32, #tpu.memory_space<vmem>>) target_semaphore(%arg21 : memref<!tpu.dma_semaphore, #tpu.memory_space<semaphore_mem>>)
        %slice3A_451 = vector.extract_strided_slice %get3A_126 {offsets = [7], sizes = [1], strides = [1]} : vector<16xi32> to vector<1xi32>
        %squeeze3A_452 = vector.extract %slice3A_451[0] : i32 from vector<1xi32>
        %dma_start3A_453 = arith.constant 0 : i32
        %dma_start3A_454 = tpu.memref_slice %arg17[%add3A_420, %dma_start3A_453] : memref<128x32xf32, #tpu.memory_space<vmem>> -> memref<1x32xf32, #tpu.memory_space<vmem>>
        %dma_start3A_455 = arith.constant 0 : i32
        %dma_start3A_456 = tpu.memref_slice %arg3[%squeeze3A_452, %dma_start3A_455] : memref<1000x32xf32, #tpu.memory_space<hbm>> -> memref<1x32xf32, #tpu.memory_space<hbm>>
        %dma_start3A_457 = arith.constant 0 : i32
        %dma_start3A_458 = tpu.memref_slice %arg17[%add3A_420, %dma_start3A_457] : memref<128x32xf32, #tpu.memory_space<vmem>> -> memref<1x32xf32, #tpu.memory_space<vmem>>
        %dma_start3A_459 = arith.constant 0 : i32
        %dma_start3A_460 = tpu.memref_slice %arg3[%squeeze3A_452, %dma_start3A_459] : memref<1000x32xf32, #tpu.memory_space<hbm>> -> memref<1x32xf32, #tpu.memory_space<hbm>>
        tpu.enqueue_dma source(%dma_start3A_460 : memref<1x32xf32, #tpu.memory_space<hbm>>) target(%dma_start3A_458 : memref<1x32xf32, #tpu.memory_space<vmem>>) target_semaphore(%arg21 : memref<!tpu.dma_semaphore, #tpu.memory_space<semaphore_mem>>)
        %add3A_461 = arith.constant 8 : i32
        %add3A_462 = arith.addi %multiple_of3A_121, %add3A_461 : i32
        %slice3A_463 = vector.extract_strided_slice %get3A_122 {offsets = [8], sizes = [1], strides = [1]} : vector<16xi32> to vector<1xi32>
        %squeeze3A_464 = vector.extract %slice3A_463[0] : i32 from vector<1xi32>
        %dma_start3A_465 = arith.constant 0 : i32
        %dma_start3A_466 = tpu.memref_slice %arg14[%add3A_462, %dma_start3A_465] : memref<128x32xf32, #tpu.memory_space<vmem>> -> memref<1x32xf32, #tpu.memory_space<vmem>>
        %dma_start3A_467 = arith.constant 0 : i32
        %dma_start3A_468 = tpu.memref_slice %arg2[%squeeze3A_464, %dma_start3A_467] : memref<1000000x32xf32, #tpu.memory_space<hbm>> -> memref<1x32xf32, #tpu.memory_space<hbm>>
        %dma_start3A_469 = arith.constant 0 : i32
        %dma_start3A_470 = tpu.memref_slice %arg14[%add3A_462, %dma_start3A_469] : memref<128x32xf32, #tpu.memory_space<vmem>> -> memref<1x32xf32, #tpu.memory_space<vmem>>
        %dma_start3A_471 = arith.constant 0 : i32
        %dma_start3A_472 = tpu.memref_slice %arg2[%squeeze3A_464, %dma_start3A_471] : memref<1000000x32xf32, #tpu.memory_space<hbm>> -> memref<1x32xf32, #tpu.memory_space<hbm>>
        tpu.enqueue_dma source(%dma_start3A_472 : memref<1x32xf32, #tpu.memory_space<hbm>>) target(%dma_start3A_470 : memref<1x32xf32, #tpu.memory_space<vmem>>) target_semaphore(%arg21 : memref<!tpu.dma_semaphore, #tpu.memory_space<semaphore_mem>>)
        %slice3A_473 = vector.extract_strided_slice %get3A_124 {offsets = [8], sizes = [1], strides = [1]} : vector<16xi32> to vector<1xi32>
        %squeeze3A_474 = vector.extract %slice3A_473[0] : i32 from vector<1xi32>
        %dma_start3A_475 = arith.constant 0 : i32
        %dma_start3A_476 = tpu.memref_slice %arg15[%add3A_462, %dma_start3A_475] : memref<128x32xf32, #tpu.memory_space<vmem>> -> memref<1x32xf32, #tpu.memory_space<vmem>>
        %dma_start3A_477 = arith.constant 0 : i32
        %dma_start3A_478 = tpu.memref_slice %arg2[%squeeze3A_474, %dma_start3A_477] : memref<1000000x32xf32, #tpu.memory_space<hbm>> -> memref<1x32xf32, #tpu.memory_space<hbm>>
        %dma_start3A_479 = arith.constant 0 : i32
        %dma_start3A_480 = tpu.memref_slice %arg15[%add3A_462, %dma_start3A_479] : memref<128x32xf32, #tpu.memory_space<vmem>> -> memref<1x32xf32, #tpu.memory_space<vmem>>
        %dma_start3A_481 = arith.constant 0 : i32
        %dma_start3A_482 = tpu.memref_slice %arg2[%squeeze3A_474, %dma_start3A_481] : memref<1000000x32xf32, #tpu.memory_space<hbm>> -> memref<1x32xf32, #tpu.memory_space<hbm>>
        tpu.enqueue_dma source(%dma_start3A_482 : memref<1x32xf32, #tpu.memory_space<hbm>>) target(%dma_start3A_480 : memref<1x32xf32, #tpu.memory_space<vmem>>) target_semaphore(%arg21 : memref<!tpu.dma_semaphore, #tpu.memory_space<semaphore_mem>>)
        %slice3A_483 = vector.extract_strided_slice %get3A_126 {offsets = [8], sizes = [1], strides = [1]} : vector<16xi32> to vector<1xi32>
        %squeeze3A_484 = vector.extract %slice3A_483[0] : i32 from vector<1xi32>
        %dma_start3A_485 = arith.constant 0 : i32
        %dma_start3A_486 = tpu.memref_slice %arg16[%add3A_462, %dma_start3A_485] : memref<128x32xf32, #tpu.memory_space<vmem>> -> memref<1x32xf32, #tpu.memory_space<vmem>>
        %dma_start3A_487 = arith.constant 0 : i32
        %dma_start3A_488 = tpu.memref_slice %arg4[%squeeze3A_484, %dma_start3A_487] : memref<1000x32xf32, #tpu.memory_space<hbm>> -> memref<1x32xf32, #tpu.memory_space<hbm>>
        %dma_start3A_489 = arith.constant 0 : i32
        %dma_start3A_490 = tpu.memref_slice %arg16[%add3A_462, %dma_start3A_489] : memref<128x32xf32, #tpu.memory_space<vmem>> -> memref<1x32xf32, #tpu.memory_space<vmem>>
        %dma_start3A_491 = arith.constant 0 : i32
        %dma_start3A_492 = tpu.memref_slice %arg4[%squeeze3A_484, %dma_start3A_491] : memref<1000x32xf32, #tpu.memory_space<hbm>> -> memref<1x32xf32, #tpu.memory_space<hbm>>
        tpu.enqueue_dma source(%dma_start3A_492 : memref<1x32xf32, #tpu.memory_space<hbm>>) target(%dma_start3A_490 : memref<1x32xf32, #tpu.memory_space<vmem>>) target_semaphore(%arg21 : memref<!tpu.dma_semaphore, #tpu.memory_space<semaphore_mem>>)
        %slice3A_493 = vector.extract_strided_slice %get3A_126 {offsets = [8], sizes = [1], strides = [1]} : vector<16xi32> to vector<1xi32>
        %squeeze3A_494 = vector.extract %slice3A_493[0] : i32 from vector<1xi32>
        %dma_start3A_495 = arith.constant 0 : i32
        %dma_start3A_496 = tpu.memref_slice %arg17[%add3A_462, %dma_start3A_495] : memref<128x32xf32, #tpu.memory_space<vmem>> -> memref<1x32xf32, #tpu.memory_space<vmem>>
        %dma_start3A_497 = arith.constant 0 : i32
        %dma_start3A_498 = tpu.memref_slice %arg3[%squeeze3A_494, %dma_start3A_497] : memref<1000x32xf32, #tpu.memory_space<hbm>> -> memref<1x32xf32, #tpu.memory_space<hbm>>
        %dma_start3A_499 = arith.constant 0 : i32
        %dma_start3A_500 = tpu.memref_slice %arg17[%add3A_462, %dma_start3A_499] : memref<128x32xf32, #tpu.memory_space<vmem>> -> memref<1x32xf32, #tpu.memory_space<vmem>>
        %dma_start3A_501 = arith.constant 0 : i32
        %dma_start3A_502 = tpu.memref_slice %arg3[%squeeze3A_494, %dma_start3A_501] : memref<1000x32xf32, #tpu.memory_space<hbm>> -> memref<1x32xf32, #tpu.memory_space<hbm>>
        tpu.enqueue_dma source(%dma_start3A_502 : memref<1x32xf32, #tpu.memory_space<hbm>>) target(%dma_start3A_500 : memref<1x32xf32, #tpu.memory_space<vmem>>) target_semaphore(%arg21 : memref<!tpu.dma_semaphore, #tpu.memory_space<semaphore_mem>>)
        %add3A_503 = arith.constant 9 : i32
        %add3A_504 = arith.addi %multiple_of3A_121, %add3A_503 : i32
        %slice3A_505 = vector.extract_strided_slice %get3A_122 {offsets = [9], sizes = [1], strides = [1]} : vector<16xi32> to vector<1xi32>
        %squeeze3A_506 = vector.extract %slice3A_505[0] : i32 from vector<1xi32>
        %dma_start3A_507 = arith.constant 0 : i32
        %dma_start3A_508 = tpu.memref_slice %arg14[%add3A_504, %dma_start3A_507] : memref<128x32xf32, #tpu.memory_space<vmem>> -> memref<1x32xf32, #tpu.memory_space<vmem>>
        %dma_start3A_509 = arith.constant 0 : i32
        %dma_start3A_510 = tpu.memref_slice %arg2[%squeeze3A_506, %dma_start3A_509] : memref<1000000x32xf32, #tpu.memory_space<hbm>> -> memref<1x32xf32, #tpu.memory_space<hbm>>
        %dma_start3A_511 = arith.constant 0 : i32
        %dma_start3A_512 = tpu.memref_slice %arg14[%add3A_504, %dma_start3A_511] : memref<128x32xf32, #tpu.memory_space<vmem>> -> memref<1x32xf32, #tpu.memory_space<vmem>>
        %dma_start3A_513 = arith.constant 0 : i32
        %dma_start3A_514 = tpu.memref_slice %arg2[%squeeze3A_506, %dma_start3A_513] : memref<1000000x32xf32, #tpu.memory_space<hbm>> -> memref<1x32xf32, #tpu.memory_space<hbm>>
        tpu.enqueue_dma source(%dma_start3A_514 : memref<1x32xf32, #tpu.memory_space<hbm>>) target(%dma_start3A_512 : memref<1x32xf32, #tpu.memory_space<vmem>>) target_semaphore(%arg21 : memref<!tpu.dma_semaphore, #tpu.memory_space<semaphore_mem>>)
        %slice3A_515 = vector.extract_strided_slice %get3A_124 {offsets = [9], sizes = [1], strides = [1]} : vector<16xi32> to vector<1xi32>
        %squeeze3A_516 = vector.extract %slice3A_515[0] : i32 from vector<1xi32>
        %dma_start3A_517 = arith.constant 0 : i32
        %dma_start3A_518 = tpu.memref_slice %arg15[%add3A_504, %dma_start3A_517] : memref<128x32xf32, #tpu.memory_space<vmem>> -> memref<1x32xf32, #tpu.memory_space<vmem>>
        %dma_start3A_519 = arith.constant 0 : i32
        %dma_start3A_520 = tpu.memref_slice %arg2[%squeeze3A_516, %dma_start3A_519] : memref<1000000x32xf32, #tpu.memory_space<hbm>> -> memref<1x32xf32, #tpu.memory_space<hbm>>
        %dma_start3A_521 = arith.constant 0 : i32
        %dma_start3A_522 = tpu.memref_slice %arg15[%add3A_504, %dma_start3A_521] : memref<128x32xf32, #tpu.memory_space<vmem>> -> memref<1x32xf32, #tpu.memory_space<vmem>>
        %dma_start3A_523 = arith.constant 0 : i32
        %dma_start3A_524 = tpu.memref_slice %arg2[%squeeze3A_516, %dma_start3A_523] : memref<1000000x32xf32, #tpu.memory_space<hbm>> -> memref<1x32xf32, #tpu.memory_space<hbm>>
        tpu.enqueue_dma source(%dma_start3A_524 : memref<1x32xf32, #tpu.memory_space<hbm>>) target(%dma_start3A_522 : memref<1x32xf32, #tpu.memory_space<vmem>>) target_semaphore(%arg21 : memref<!tpu.dma_semaphore, #tpu.memory_space<semaphore_mem>>)
        %slice3A_525 = vector.extract_strided_slice %get3A_126 {offsets = [9], sizes = [1], strides = [1]} : vector<16xi32> to vector<1xi32>
        %squeeze3A_526 = vector.extract %slice3A_525[0] : i32 from vector<1xi32>
        %dma_start3A_527 = arith.constant 0 : i32
        %dma_start3A_528 = tpu.memref_slice %arg16[%add3A_504, %dma_start3A_527] : memref<128x32xf32, #tpu.memory_space<vmem>> -> memref<1x32xf32, #tpu.memory_space<vmem>>
        %dma_start3A_529 = arith.constant 0 : i32
        %dma_start3A_530 = tpu.memref_slice %arg4[%squeeze3A_526, %dma_start3A_529] : memref<1000x32xf32, #tpu.memory_space<hbm>> -> memref<1x32xf32, #tpu.memory_space<hbm>>
        %dma_start3A_531 = arith.constant 0 : i32
        %dma_start3A_532 = tpu.memref_slice %arg16[%add3A_504, %dma_start3A_531] : memref<128x32xf32, #tpu.memory_space<vmem>> -> memref<1x32xf32, #tpu.memory_space<vmem>>
        %dma_start3A_533 = arith.constant 0 : i32
        %dma_start3A_534 = tpu.memref_slice %arg4[%squeeze3A_526, %dma_start3A_533] : memref<1000x32xf32, #tpu.memory_space<hbm>> -> memref<1x32xf32, #tpu.memory_space<hbm>>
        tpu.enqueue_dma source(%dma_start3A_534 : memref<1x32xf32, #tpu.memory_space<hbm>>) target(%dma_start3A_532 : memref<1x32xf32, #tpu.memory_space<vmem>>) target_semaphore(%arg21 : memref<!tpu.dma_semaphore, #tpu.memory_space<semaphore_mem>>)
        %slice3A_535 = vector.extract_strided_slice %get3A_126 {offsets = [9], sizes = [1], strides = [1]} : vector<16xi32> to vector<1xi32>
        %squeeze3A_536 = vector.extract %slice3A_535[0] : i32 from vector<1xi32>
        %dma_start3A_537 = arith.constant 0 : i32
        %dma_start3A_538 = tpu.memref_slice %arg17[%add3A_504, %dma_start3A_537] : memref<128x32xf32, #tpu.memory_space<vmem>> -> memref<1x32xf32, #tpu.memory_space<vmem>>
        %dma_start3A_539 = arith.constant 0 : i32
        %dma_start3A_540 = tpu.memref_slice %arg3[%squeeze3A_536, %dma_start3A_539] : memref<1000x32xf32, #tpu.memory_space<hbm>> -> memref<1x32xf32, #tpu.memory_space<hbm>>
        %dma_start3A_541 = arith.constant 0 : i32
        %dma_start3A_542 = tpu.memref_slice %arg17[%add3A_504, %dma_start3A_541] : memref<128x32xf32, #tpu.memory_space<vmem>> -> memref<1x32xf32, #tpu.memory_space<vmem>>
        %dma_start3A_543 = arith.constant 0 : i32
        %dma_start3A_544 = tpu.memref_slice %arg3[%squeeze3A_536, %dma_start3A_543] : memref<1000x32xf32, #tpu.memory_space<hbm>> -> memref<1x32xf32, #tpu.memory_space<hbm>>
        tpu.enqueue_dma source(%dma_start3A_544 : memref<1x32xf32, #tpu.memory_space<hbm>>) target(%dma_start3A_542 : memref<1x32xf32, #tpu.memory_space<vmem>>) target_semaphore(%arg21 : memref<!tpu.dma_semaphore, #tpu.memory_space<semaphore_mem>>)
        %add3A_545 = arith.constant 10 : i32
        %add3A_546 = arith.addi %multiple_of3A_121, %add3A_545 : i32
        %slice3A_547 = vector.extract_strided_slice %get3A_122 {offsets = [10], sizes = [1], strides = [1]} : vector<16xi32> to vector<1xi32>
        %squeeze3A_548 = vector.extract %slice3A_547[0] : i32 from vector<1xi32>
        %dma_start3A_549 = arith.constant 0 : i32
        %dma_start3A_550 = tpu.memref_slice %arg14[%add3A_546, %dma_start3A_549] : memref<128x32xf32, #tpu.memory_space<vmem>> -> memref<1x32xf32, #tpu.memory_space<vmem>>
        %dma_start3A_551 = arith.constant 0 : i32
        %dma_start3A_552 = tpu.memref_slice %arg2[%squeeze3A_548, %dma_start3A_551] : memref<1000000x32xf32, #tpu.memory_space<hbm>> -> memref<1x32xf32, #tpu.memory_space<hbm>>
        %dma_start3A_553 = arith.constant 0 : i32
        %dma_start3A_554 = tpu.memref_slice %arg14[%add3A_546, %dma_start3A_553] : memref<128x32xf32, #tpu.memory_space<vmem>> -> memref<1x32xf32, #tpu.memory_space<vmem>>
        %dma_start3A_555 = arith.constant 0 : i32
        %dma_start3A_556 = tpu.memref_slice %arg2[%squeeze3A_548, %dma_start3A_555] : memref<1000000x32xf32, #tpu.memory_space<hbm>> -> memref<1x32xf32, #tpu.memory_space<hbm>>
        tpu.enqueue_dma source(%dma_start3A_556 : memref<1x32xf32, #tpu.memory_space<hbm>>) target(%dma_start3A_554 : memref<1x32xf32, #tpu.memory_space<vmem>>) target_semaphore(%arg21 : memref<!tpu.dma_semaphore, #tpu.memory_space<semaphore_mem>>)
        %slice3A_557 = vector.extract_strided_slice %get3A_124 {offsets = [10], sizes = [1], strides = [1]} : vector<16xi32> to vector<1xi32>
        %squeeze3A_558 = vector.extract %slice3A_557[0] : i32 from vector<1xi32>
        %dma_start3A_559 = arith.constant 0 : i32
        %dma_start3A_560 = tpu.memref_slice %arg15[%add3A_546, %dma_start3A_559] : memref<128x32xf32, #tpu.memory_space<vmem>> -> memref<1x32xf32, #tpu.memory_space<vmem>>
        %dma_start3A_561 = arith.constant 0 : i32
        %dma_start3A_562 = tpu.memref_slice %arg2[%squeeze3A_558, %dma_start3A_561] : memref<1000000x32xf32, #tpu.memory_space<hbm>> -> memref<1x32xf32, #tpu.memory_space<hbm>>
        %dma_start3A_563 = arith.constant 0 : i32
        %dma_start3A_564 = tpu.memref_slice %arg15[%add3A_546, %dma_start3A_563] : memref<128x32xf32, #tpu.memory_space<vmem>> -> memref<1x32xf32, #tpu.memory_space<vmem>>
        %dma_start3A_565 = arith.constant 0 : i32
        %dma_start3A_566 = tpu.memref_slice %arg2[%squeeze3A_558, %dma_start3A_565] : memref<1000000x32xf32, #tpu.memory_space<hbm>> -> memref<1x32xf32, #tpu.memory_space<hbm>>
        tpu.enqueue_dma source(%dma_start3A_566 : memref<1x32xf32, #tpu.memory_space<hbm>>) target(%dma_start3A_564 : memref<1x32xf32, #tpu.memory_space<vmem>>) target_semaphore(%arg21 : memref<!tpu.dma_semaphore, #tpu.memory_space<semaphore_mem>>)
        %slice3A_567 = vector.extract_strided_slice %get3A_126 {offsets = [10], sizes = [1], strides = [1]} : vector<16xi32> to vector<1xi32>
        %squeeze3A_568 = vector.extract %slice3A_567[0] : i32 from vector<1xi32>
        %dma_start3A_569 = arith.constant 0 : i32
        %dma_start3A_570 = tpu.memref_slice %arg16[%add3A_546, %dma_start3A_569] : memref<128x32xf32, #tpu.memory_space<vmem>> -> memref<1x32xf32, #tpu.memory_space<vmem>>
        %dma_start3A_571 = arith.constant 0 : i32
        %dma_start3A_572 = tpu.memref_slice %arg4[%squeeze3A_568, %dma_start3A_571] : memref<1000x32xf32, #tpu.memory_space<hbm>> -> memref<1x32xf32, #tpu.memory_space<hbm>>
        %dma_start3A_573 = arith.constant 0 : i32
        %dma_start3A_574 = tpu.memref_slice %arg16[%add3A_546, %dma_start3A_573] : memref<128x32xf32, #tpu.memory_space<vmem>> -> memref<1x32xf32, #tpu.memory_space<vmem>>
        %dma_start3A_575 = arith.constant 0 : i32
        %dma_start3A_576 = tpu.memref_slice %arg4[%squeeze3A_568, %dma_start3A_575] : memref<1000x32xf32, #tpu.memory_space<hbm>> -> memref<1x32xf32, #tpu.memory_space<hbm>>
        tpu.enqueue_dma source(%dma_start3A_576 : memref<1x32xf32, #tpu.memory_space<hbm>>) target(%dma_start3A_574 : memref<1x32xf32, #tpu.memory_space<vmem>>) target_semaphore(%arg21 : memref<!tpu.dma_semaphore, #tpu.memory_space<semaphore_mem>>)
        %slice3A_577 = vector.extract_strided_slice %get3A_126 {offsets = [10], sizes = [1], strides = [1]} : vector<16xi32> to vector<1xi32>
        %squeeze3A_578 = vector.extract %slice3A_577[0] : i32 from vector<1xi32>
        %dma_start3A_579 = arith.constant 0 : i32
        %dma_start3A_580 = tpu.memref_slice %arg17[%add3A_546, %dma_start3A_579] : memref<128x32xf32, #tpu.memory_space<vmem>> -> memref<1x32xf32, #tpu.memory_space<vmem>>
        %dma_start3A_581 = arith.constant 0 : i32
        %dma_start3A_582 = tpu.memref_slice %arg3[%squeeze3A_578, %dma_start3A_581] : memref<1000x32xf32, #tpu.memory_space<hbm>> -> memref<1x32xf32, #tpu.memory_space<hbm>>
        %dma_start3A_583 = arith.constant 0 : i32
        %dma_start3A_584 = tpu.memref_slice %arg17[%add3A_546, %dma_start3A_583] : memref<128x32xf32, #tpu.memory_space<vmem>> -> memref<1x32xf32, #tpu.memory_space<vmem>>
        %dma_start3A_585 = arith.constant 0 : i32
        %dma_start3A_586 = tpu.memref_slice %arg3[%squeeze3A_578, %dma_start3A_585] : memref<1000x32xf32, #tpu.memory_space<hbm>> -> memref<1x32xf32, #tpu.memory_space<hbm>>
        tpu.enqueue_dma source(%dma_start3A_586 : memref<1x32xf32, #tpu.memory_space<hbm>>) target(%dma_start3A_584 : memref<1x32xf32, #tpu.memory_space<vmem>>) target_semaphore(%arg21 : memref<!tpu.dma_semaphore, #tpu.memory_space<semaphore_mem>>)
        %add3A_587 = arith.constant 11 : i32
        %add3A_588 = arith.addi %multiple_of3A_121, %add3A_587 : i32
        %slice3A_589 = vector.extract_strided_slice %get3A_122 {offsets = [11], sizes = [1], strides = [1]} : vector<16xi32> to vector<1xi32>
        %squeeze3A_590 = vector.extract %slice3A_589[0] : i32 from vector<1xi32>
        %dma_start3A_591 = arith.constant 0 : i32
        %dma_start3A_592 = tpu.memref_slice %arg14[%add3A_588, %dma_start3A_591] : memref<128x32xf32, #tpu.memory_space<vmem>> -> memref<1x32xf32, #tpu.memory_space<vmem>>
        %dma_start3A_593 = arith.constant 0 : i32
        %dma_start3A_594 = tpu.memref_slice %arg2[%squeeze3A_590, %dma_start3A_593] : memref<1000000x32xf32, #tpu.memory_space<hbm>> -> memref<1x32xf32, #tpu.memory_space<hbm>>
        %dma_start3A_595 = arith.constant 0 : i32
        %dma_start3A_596 = tpu.memref_slice %arg14[%add3A_588, %dma_start3A_595] : memref<128x32xf32, #tpu.memory_space<vmem>> -> memref<1x32xf32, #tpu.memory_space<vmem>>
        %dma_start3A_597 = arith.constant 0 : i32
        %dma_start3A_598 = tpu.memref_slice %arg2[%squeeze3A_590, %dma_start3A_597] : memref<1000000x32xf32, #tpu.memory_space<hbm>> -> memref<1x32xf32, #tpu.memory_space<hbm>>
        tpu.enqueue_dma source(%dma_start3A_598 : memref<1x32xf32, #tpu.memory_space<hbm>>) target(%dma_start3A_596 : memref<1x32xf32, #tpu.memory_space<vmem>>) target_semaphore(%arg21 : memref<!tpu.dma_semaphore, #tpu.memory_space<semaphore_mem>>)
        %slice3A_599 = vector.extract_strided_slice %get3A_124 {offsets = [11], sizes = [1], strides = [1]} : vector<16xi32> to vector<1xi32>
        %squeeze3A_600 = vector.extract %slice3A_599[0] : i32 from vector<1xi32>
        %dma_start3A_601 = arith.constant 0 : i32
        %dma_start3A_602 = tpu.memref_slice %arg15[%add3A_588, %dma_start3A_601] : memref<128x32xf32, #tpu.memory_space<vmem>> -> memref<1x32xf32, #tpu.memory_space<vmem>>
        %dma_start3A_603 = arith.constant 0 : i32
        %dma_start3A_604 = tpu.memref_slice %arg2[%squeeze3A_600, %dma_start3A_603] : memref<1000000x32xf32, #tpu.memory_space<hbm>> -> memref<1x32xf32, #tpu.memory_space<hbm>>
        %dma_start3A_605 = arith.constant 0 : i32
        %dma_start3A_606 = tpu.memref_slice %arg15[%add3A_588, %dma_start3A_605] : memref<128x32xf32, #tpu.memory_space<vmem>> -> memref<1x32xf32, #tpu.memory_space<vmem>>
        %dma_start3A_607 = arith.constant 0 : i32
        %dma_start3A_608 = tpu.memref_slice %arg2[%squeeze3A_600, %dma_start3A_607] : memref<1000000x32xf32, #tpu.memory_space<hbm>> -> memref<1x32xf32, #tpu.memory_space<hbm>>
        tpu.enqueue_dma source(%dma_start3A_608 : memref<1x32xf32, #tpu.memory_space<hbm>>) target(%dma_start3A_606 : memref<1x32xf32, #tpu.memory_space<vmem>>) target_semaphore(%arg21 : memref<!tpu.dma_semaphore, #tpu.memory_space<semaphore_mem>>)
        %slice3A_609 = vector.extract_strided_slice %get3A_126 {offsets = [11], sizes = [1], strides = [1]} : vector<16xi32> to vector<1xi32>
        %squeeze3A_610 = vector.extract %slice3A_609[0] : i32 from vector<1xi32>
        %dma_start3A_611 = arith.constant 0 : i32
        %dma_start3A_612 = tpu.memref_slice %arg16[%add3A_588, %dma_start3A_611] : memref<128x32xf32, #tpu.memory_space<vmem>> -> memref<1x32xf32, #tpu.memory_space<vmem>>
        %dma_start3A_613 = arith.constant 0 : i32
        %dma_start3A_614 = tpu.memref_slice %arg4[%squeeze3A_610, %dma_start3A_613] : memref<1000x32xf32, #tpu.memory_space<hbm>> -> memref<1x32xf32, #tpu.memory_space<hbm>>
        %dma_start3A_615 = arith.constant 0 : i32
        %dma_start3A_616 = tpu.memref_slice %arg16[%add3A_588, %dma_start3A_615] : memref<128x32xf32, #tpu.memory_space<vmem>> -> memref<1x32xf32, #tpu.memory_space<vmem>>
        %dma_start3A_617 = arith.constant 0 : i32
        %dma_start3A_618 = tpu.memref_slice %arg4[%squeeze3A_610, %dma_start3A_617] : memref<1000x32xf32, #tpu.memory_space<hbm>> -> memref<1x32xf32, #tpu.memory_space<hbm>>
        tpu.enqueue_dma source(%dma_start3A_618 : memref<1x32xf32, #tpu.memory_space<hbm>>) target(%dma_start3A_616 : memref<1x32xf32, #tpu.memory_space<vmem>>) target_semaphore(%arg21 : memref<!tpu.dma_semaphore, #tpu.memory_space<semaphore_mem>>)
        %slice3A_619 = vector.extract_strided_slice %get3A_126 {offsets = [11], sizes = [1], strides = [1]} : vector<16xi32> to vector<1xi32>
        %squeeze3A_620 = vector.extract %slice3A_619[0] : i32 from vector<1xi32>
        %dma_start3A_621 = arith.constant 0 : i32
        %dma_start3A_622 = tpu.memref_slice %arg17[%add3A_588, %dma_start3A_621] : memref<128x32xf32, #tpu.memory_space<vmem>> -> memref<1x32xf32, #tpu.memory_space<vmem>>
        %dma_start3A_623 = arith.constant 0 : i32
        %dma_start3A_624 = tpu.memref_slice %arg3[%squeeze3A_620, %dma_start3A_623] : memref<1000x32xf32, #tpu.memory_space<hbm>> -> memref<1x32xf32, #tpu.memory_space<hbm>>
        %dma_start3A_625 = arith.constant 0 : i32
        %dma_start3A_626 = tpu.memref_slice %arg17[%add3A_588, %dma_start3A_625] : memref<128x32xf32, #tpu.memory_space<vmem>> -> memref<1x32xf32, #tpu.memory_space<vmem>>
        %dma_start3A_627 = arith.constant 0 : i32
        %dma_start3A_628 = tpu.memref_slice %arg3[%squeeze3A_620, %dma_start3A_627] : memref<1000x32xf32, #tpu.memory_space<hbm>> -> memref<1x32xf32, #tpu.memory_space<hbm>>
        tpu.enqueue_dma source(%dma_start3A_628 : memref<1x32xf32, #tpu.memory_space<hbm>>) target(%dma_start3A_626 : memref<1x32xf32, #tpu.memory_space<vmem>>) target_semaphore(%arg21 : memref<!tpu.dma_semaphore, #tpu.memory_space<semaphore_mem>>)
        %add3A_629 = arith.constant 12 : i32
        %add3A_630 = arith.addi %multiple_of3A_121, %add3A_629 : i32
        %slice3A_631 = vector.extract_strided_slice %get3A_122 {offsets = [12], sizes = [1], strides = [1]} : vector<16xi32> to vector<1xi32>
        %squeeze3A_632 = vector.extract %slice3A_631[0] : i32 from vector<1xi32>
        %dma_start3A_633 = arith.constant 0 : i32
        %dma_start3A_634 = tpu.memref_slice %arg14[%add3A_630, %dma_start3A_633] : memref<128x32xf32, #tpu.memory_space<vmem>> -> memref<1x32xf32, #tpu.memory_space<vmem>>
        %dma_start3A_635 = arith.constant 0 : i32
        %dma_start3A_636 = tpu.memref_slice %arg2[%squeeze3A_632, %dma_start3A_635] : memref<1000000x32xf32, #tpu.memory_space<hbm>> -> memref<1x32xf32, #tpu.memory_space<hbm>>
        %dma_start3A_637 = arith.constant 0 : i32
        %dma_start3A_638 = tpu.memref_slice %arg14[%add3A_630, %dma_start3A_637] : memref<128x32xf32, #tpu.memory_space<vmem>> -> memref<1x32xf32, #tpu.memory_space<vmem>>
        %dma_start3A_639 = arith.constant 0 : i32
        %dma_start3A_640 = tpu.memref_slice %arg2[%squeeze3A_632, %dma_start3A_639] : memref<1000000x32xf32, #tpu.memory_space<hbm>> -> memref<1x32xf32, #tpu.memory_space<hbm>>
        tpu.enqueue_dma source(%dma_start3A_640 : memref<1x32xf32, #tpu.memory_space<hbm>>) target(%dma_start3A_638 : memref<1x32xf32, #tpu.memory_space<vmem>>) target_semaphore(%arg21 : memref<!tpu.dma_semaphore, #tpu.memory_space<semaphore_mem>>)
        %slice3A_641 = vector.extract_strided_slice %get3A_124 {offsets = [12], sizes = [1], strides = [1]} : vector<16xi32> to vector<1xi32>
        %squeeze3A_642 = vector.extract %slice3A_641[0] : i32 from vector<1xi32>
        %dma_start3A_643 = arith.constant 0 : i32
        %dma_start3A_644 = tpu.memref_slice %arg15[%add3A_630, %dma_start3A_643] : memref<128x32xf32, #tpu.memory_space<vmem>> -> memref<1x32xf32, #tpu.memory_space<vmem>>
        %dma_start3A_645 = arith.constant 0 : i32
        %dma_start3A_646 = tpu.memref_slice %arg2[%squeeze3A_642, %dma_start3A_645] : memref<1000000x32xf32, #tpu.memory_space<hbm>> -> memref<1x32xf32, #tpu.memory_space<hbm>>
        %dma_start3A_647 = arith.constant 0 : i32
        %dma_start3A_648 = tpu.memref_slice %arg15[%add3A_630, %dma_start3A_647] : memref<128x32xf32, #tpu.memory_space<vmem>> -> memref<1x32xf32, #tpu.memory_space<vmem>>
        %dma_start3A_649 = arith.constant 0 : i32
        %dma_start3A_650 = tpu.memref_slice %arg2[%squeeze3A_642, %dma_start3A_649] : memref<1000000x32xf32, #tpu.memory_space<hbm>> -> memref<1x32xf32, #tpu.memory_space<hbm>>
        tpu.enqueue_dma source(%dma_start3A_650 : memref<1x32xf32, #tpu.memory_space<hbm>>) target(%dma_start3A_648 : memref<1x32xf32, #tpu.memory_space<vmem>>) target_semaphore(%arg21 : memref<!tpu.dma_semaphore, #tpu.memory_space<semaphore_mem>>)
        %slice3A_651 = vector.extract_strided_slice %get3A_126 {offsets = [12], sizes = [1], strides = [1]} : vector<16xi32> to vector<1xi32>
        %squeeze3A_652 = vector.extract %slice3A_651[0] : i32 from vector<1xi32>
        %dma_start3A_653 = arith.constant 0 : i32
        %dma_start3A_654 = tpu.memref_slice %arg16[%add3A_630, %dma_start3A_653] : memref<128x32xf32, #tpu.memory_space<vmem>> -> memref<1x32xf32, #tpu.memory_space<vmem>>
        %dma_start3A_655 = arith.constant 0 : i32
        %dma_start3A_656 = tpu.memref_slice %arg4[%squeeze3A_652, %dma_start3A_655] : memref<1000x32xf32, #tpu.memory_space<hbm>> -> memref<1x32xf32, #tpu.memory_space<hbm>>
        %dma_start3A_657 = arith.constant 0 : i32
        %dma_start3A_658 = tpu.memref_slice %arg16[%add3A_630, %dma_start3A_657] : memref<128x32xf32, #tpu.memory_space<vmem>> -> memref<1x32xf32, #tpu.memory_space<vmem>>
        %dma_start3A_659 = arith.constant 0 : i32
        %dma_start3A_660 = tpu.memref_slice %arg4[%squeeze3A_652, %dma_start3A_659] : memref<1000x32xf32, #tpu.memory_space<hbm>> -> memref<1x32xf32, #tpu.memory_space<hbm>>
        tpu.enqueue_dma source(%dma_start3A_660 : memref<1x32xf32, #tpu.memory_space<hbm>>) target(%dma_start3A_658 : memref<1x32xf32, #tpu.memory_space<vmem>>) target_semaphore(%arg21 : memref<!tpu.dma_semaphore, #tpu.memory_space<semaphore_mem>>)
        %slice3A_661 = vector.extract_strided_slice %get3A_126 {offsets = [12], sizes = [1], strides = [1]} : vector<16xi32> to vector<1xi32>
        %squeeze3A_662 = vector.extract %slice3A_661[0] : i32 from vector<1xi32>
        %dma_start3A_663 = arith.constant 0 : i32
        %dma_start3A_664 = tpu.memref_slice %arg17[%add3A_630, %dma_start3A_663] : memref<128x32xf32, #tpu.memory_space<vmem>> -> memref<1x32xf32, #tpu.memory_space<vmem>>
        %dma_start3A_665 = arith.constant 0 : i32
        %dma_start3A_666 = tpu.memref_slice %arg3[%squeeze3A_662, %dma_start3A_665] : memref<1000x32xf32, #tpu.memory_space<hbm>> -> memref<1x32xf32, #tpu.memory_space<hbm>>
        %dma_start3A_667 = arith.constant 0 : i32
        %dma_start3A_668 = tpu.memref_slice %arg17[%add3A_630, %dma_start3A_667] : memref<128x32xf32, #tpu.memory_space<vmem>> -> memref<1x32xf32, #tpu.memory_space<vmem>>
        %dma_start3A_669 = arith.constant 0 : i32
        %dma_start3A_670 = tpu.memref_slice %arg3[%squeeze3A_662, %dma_start3A_669] : memref<1000x32xf32, #tpu.memory_space<hbm>> -> memref<1x32xf32, #tpu.memory_space<hbm>>
        tpu.enqueue_dma source(%dma_start3A_670 : memref<1x32xf32, #tpu.memory_space<hbm>>) target(%dma_start3A_668 : memref<1x32xf32, #tpu.memory_space<vmem>>) target_semaphore(%arg21 : memref<!tpu.dma_semaphore, #tpu.memory_space<semaphore_mem>>)
        %add3A_671 = arith.constant 13 : i32
        %add3A_672 = arith.addi %multiple_of3A_121, %add3A_671 : i32
        %slice3A_673 = vector.extract_strided_slice %get3A_122 {offsets = [13], sizes = [1], strides = [1]} : vector<16xi32> to vector<1xi32>
        %squeeze3A_674 = vector.extract %slice3A_673[0] : i32 from vector<1xi32>
        %dma_start3A_675 = arith.constant 0 : i32
        %dma_start3A_676 = tpu.memref_slice %arg14[%add3A_672, %dma_start3A_675] : memref<128x32xf32, #tpu.memory_space<vmem>> -> memref<1x32xf32, #tpu.memory_space<vmem>>
        %dma_start3A_677 = arith.constant 0 : i32
        %dma_start3A_678 = tpu.memref_slice %arg2[%squeeze3A_674, %dma_start3A_677] : memref<1000000x32xf32, #tpu.memory_space<hbm>> -> memref<1x32xf32, #tpu.memory_space<hbm>>
        %dma_start3A_679 = arith.constant 0 : i32
        %dma_start3A_680 = tpu.memref_slice %arg14[%add3A_672, %dma_start3A_679] : memref<128x32xf32, #tpu.memory_space<vmem>> -> memref<1x32xf32, #tpu.memory_space<vmem>>
        %dma_start3A_681 = arith.constant 0 : i32
        %dma_start3A_682 = tpu.memref_slice %arg2[%squeeze3A_674, %dma_start3A_681] : memref<1000000x32xf32, #tpu.memory_space<hbm>> -> memref<1x32xf32, #tpu.memory_space<hbm>>
        tpu.enqueue_dma source(%dma_start3A_682 : memref<1x32xf32, #tpu.memory_space<hbm>>) target(%dma_start3A_680 : memref<1x32xf32, #tpu.memory_space<vmem>>) target_semaphore(%arg21 : memref<!tpu.dma_semaphore, #tpu.memory_space<semaphore_mem>>)
        %slice3A_683 = vector.extract_strided_slice %get3A_124 {offsets = [13], sizes = [1], strides = [1]} : vector<16xi32> to vector<1xi32>
        %squeeze3A_684 = vector.extract %slice3A_683[0] : i32 from vector<1xi32>
        %dma_start3A_685 = arith.constant 0 : i32
        %dma_start3A_686 = tpu.memref_slice %arg15[%add3A_672, %dma_start3A_685] : memref<128x32xf32, #tpu.memory_space<vmem>> -> memref<1x32xf32, #tpu.memory_space<vmem>>
        %dma_start3A_687 = arith.constant 0 : i32
        %dma_start3A_688 = tpu.memref_slice %arg2[%squeeze3A_684, %dma_start3A_687] : memref<1000000x32xf32, #tpu.memory_space<hbm>> -> memref<1x32xf32, #tpu.memory_space<hbm>>
        %dma_start3A_689 = arith.constant 0 : i32
        %dma_start3A_690 = tpu.memref_slice %arg15[%add3A_672, %dma_start3A_689] : memref<128x32xf32, #tpu.memory_space<vmem>> -> memref<1x32xf32, #tpu.memory_space<vmem>>
        %dma_start3A_691 = arith.constant 0 : i32
        %dma_start3A_692 = tpu.memref_slice %arg2[%squeeze3A_684, %dma_start3A_691] : memref<1000000x32xf32, #tpu.memory_space<hbm>> -> memref<1x32xf32, #tpu.memory_space<hbm>>
        tpu.enqueue_dma source(%dma_start3A_692 : memref<1x32xf32, #tpu.memory_space<hbm>>) target(%dma_start3A_690 : memref<1x32xf32, #tpu.memory_space<vmem>>) target_semaphore(%arg21 : memref<!tpu.dma_semaphore, #tpu.memory_space<semaphore_mem>>)
        %slice3A_693 = vector.extract_strided_slice %get3A_126 {offsets = [13], sizes = [1], strides = [1]} : vector<16xi32> to vector<1xi32>
        %squeeze3A_694 = vector.extract %slice3A_693[0] : i32 from vector<1xi32>
        %dma_start3A_695 = arith.constant 0 : i32
        %dma_start3A_696 = tpu.memref_slice %arg16[%add3A_672, %dma_start3A_695] : memref<128x32xf32, #tpu.memory_space<vmem>> -> memref<1x32xf32, #tpu.memory_space<vmem>>
        %dma_start3A_697 = arith.constant 0 : i32
        %dma_start3A_698 = tpu.memref_slice %arg4[%squeeze3A_694, %dma_start3A_697] : memref<1000x32xf32, #tpu.memory_space<hbm>> -> memref<1x32xf32, #tpu.memory_space<hbm>>
        %dma_start3A_699 = arith.constant 0 : i32
        %dma_start3A_700 = tpu.memref_slice %arg16[%add3A_672, %dma_start3A_699] : memref<128x32xf32, #tpu.memory_space<vmem>> -> memref<1x32xf32, #tpu.memory_space<vmem>>
        %dma_start3A_701 = arith.constant 0 : i32
        %dma_start3A_702 = tpu.memref_slice %arg4[%squeeze3A_694, %dma_start3A_701] : memref<1000x32xf32, #tpu.memory_space<hbm>> -> memref<1x32xf32, #tpu.memory_space<hbm>>
        tpu.enqueue_dma source(%dma_start3A_702 : memref<1x32xf32, #tpu.memory_space<hbm>>) target(%dma_start3A_700 : memref<1x32xf32, #tpu.memory_space<vmem>>) target_semaphore(%arg21 : memref<!tpu.dma_semaphore, #tpu.memory_space<semaphore_mem>>)
        %slice3A_703 = vector.extract_strided_slice %get3A_126 {offsets = [13], sizes = [1], strides = [1]} : vector<16xi32> to vector<1xi32>
        %squeeze3A_704 = vector.extract %slice3A_703[0] : i32 from vector<1xi32>
        %dma_start3A_705 = arith.constant 0 : i32
        %dma_start3A_706 = tpu.memref_slice %arg17[%add3A_672, %dma_start3A_705] : memref<128x32xf32, #tpu.memory_space<vmem>> -> memref<1x32xf32, #tpu.memory_space<vmem>>
        %dma_start3A_707 = arith.constant 0 : i32
        %dma_start3A_708 = tpu.memref_slice %arg3[%squeeze3A_704, %dma_start3A_707] : memref<1000x32xf32, #tpu.memory_space<hbm>> -> memref<1x32xf32, #tpu.memory_space<hbm>>
        %dma_start3A_709 = arith.constant 0 : i32
        %dma_start3A_710 = tpu.memref_slice %arg17[%add3A_672, %dma_start3A_709] : memref<128x32xf32, #tpu.memory_space<vmem>> -> memref<1x32xf32, #tpu.memory_space<vmem>>
        %dma_start3A_711 = arith.constant 0 : i32
        %dma_start3A_712 = tpu.memref_slice %arg3[%squeeze3A_704, %dma_start3A_711] : memref<1000x32xf32, #tpu.memory_space<hbm>> -> memref<1x32xf32, #tpu.memory_space<hbm>>
        tpu.enqueue_dma source(%dma_start3A_712 : memref<1x32xf32, #tpu.memory_space<hbm>>) target(%dma_start3A_710 : memref<1x32xf32, #tpu.memory_space<vmem>>) target_semaphore(%arg21 : memref<!tpu.dma_semaphore, #tpu.memory_space<semaphore_mem>>)
        %add3A_713 = arith.constant 14 : i32
        %add3A_714 = arith.addi %multiple_of3A_121, %add3A_713 : i32
        %slice3A_715 = vector.extract_strided_slice %get3A_122 {offsets = [14], sizes = [1], strides = [1]} : vector<16xi32> to vector<1xi32>
        %squeeze3A_716 = vector.extract %slice3A_715[0] : i32 from vector<1xi32>
        %dma_start3A_717 = arith.constant 0 : i32
        %dma_start3A_718 = tpu.memref_slice %arg14[%add3A_714, %dma_start3A_717] : memref<128x32xf32, #tpu.memory_space<vmem>> -> memref<1x32xf32, #tpu.memory_space<vmem>>
        %dma_start3A_719 = arith.constant 0 : i32
        %dma_start3A_720 = tpu.memref_slice %arg2[%squeeze3A_716, %dma_start3A_719] : memref<1000000x32xf32, #tpu.memory_space<hbm>> -> memref<1x32xf32, #tpu.memory_space<hbm>>
        %dma_start3A_721 = arith.constant 0 : i32
        %dma_start3A_722 = tpu.memref_slice %arg14[%add3A_714, %dma_start3A_721] : memref<128x32xf32, #tpu.memory_space<vmem>> -> memref<1x32xf32, #tpu.memory_space<vmem>>
        %dma_start3A_723 = arith.constant 0 : i32
        %dma_start3A_724 = tpu.memref_slice %arg2[%squeeze3A_716, %dma_start3A_723] : memref<1000000x32xf32, #tpu.memory_space<hbm>> -> memref<1x32xf32, #tpu.memory_space<hbm>>
        tpu.enqueue_dma source(%dma_start3A_724 : memref<1x32xf32, #tpu.memory_space<hbm>>) target(%dma_start3A_722 : memref<1x32xf32, #tpu.memory_space<vmem>>) target_semaphore(%arg21 : memref<!tpu.dma_semaphore, #tpu.memory_space<semaphore_mem>>)
        %slice3A_725 = vector.extract_strided_slice %get3A_124 {offsets = [14], sizes = [1], strides = [1]} : vector<16xi32> to vector<1xi32>
        %squeeze3A_726 = vector.extract %slice3A_725[0] : i32 from vector<1xi32>
        %dma_start3A_727 = arith.constant 0 : i32
        %dma_start3A_728 = tpu.memref_slice %arg15[%add3A_714, %dma_start3A_727] : memref<128x32xf32, #tpu.memory_space<vmem>> -> memref<1x32xf32, #tpu.memory_space<vmem>>
        %dma_start3A_729 = arith.constant 0 : i32
        %dma_start3A_730 = tpu.memref_slice %arg2[%squeeze3A_726, %dma_start3A_729] : memref<1000000x32xf32, #tpu.memory_space<hbm>> -> memref<1x32xf32, #tpu.memory_space<hbm>>
        %dma_start3A_731 = arith.constant 0 : i32
        %dma_start3A_732 = tpu.memref_slice %arg15[%add3A_714, %dma_start3A_731] : memref<128x32xf32, #tpu.memory_space<vmem>> -> memref<1x32xf32, #tpu.memory_space<vmem>>
        %dma_start3A_733 = arith.constant 0 : i32
        %dma_start3A_734 = tpu.memref_slice %arg2[%squeeze3A_726, %dma_start3A_733] : memref<1000000x32xf32, #tpu.memory_space<hbm>> -> memref<1x32xf32, #tpu.memory_space<hbm>>
        tpu.enqueue_dma source(%dma_start3A_734 : memref<1x32xf32, #tpu.memory_space<hbm>>) target(%dma_start3A_732 : memref<1x32xf32, #tpu.memory_space<vmem>>) target_semaphore(%arg21 : memref<!tpu.dma_semaphore, #tpu.memory_space<semaphore_mem>>)
        %slice3A_735 = vector.extract_strided_slice %get3A_126 {offsets = [14], sizes = [1], strides = [1]} : vector<16xi32> to vector<1xi32>
        %squeeze3A_736 = vector.extract %slice3A_735[0] : i32 from vector<1xi32>
        %dma_start3A_737 = arith.constant 0 : i32
        %dma_start3A_738 = tpu.memref_slice %arg16[%add3A_714, %dma_start3A_737] : memref<128x32xf32, #tpu.memory_space<vmem>> -> memref<1x32xf32, #tpu.memory_space<vmem>>
        %dma_start3A_739 = arith.constant 0 : i32
        %dma_start3A_740 = tpu.memref_slice %arg4[%squeeze3A_736, %dma_start3A_739] : memref<1000x32xf32, #tpu.memory_space<hbm>> -> memref<1x32xf32, #tpu.memory_space<hbm>>
        %dma_start3A_741 = arith.constant 0 : i32
        %dma_start3A_742 = tpu.memref_slice %arg16[%add3A_714, %dma_start3A_741] : memref<128x32xf32, #tpu.memory_space<vmem>> -> memref<1x32xf32, #tpu.memory_space<vmem>>
        %dma_start3A_743 = arith.constant 0 : i32
        %dma_start3A_744 = tpu.memref_slice %arg4[%squeeze3A_736, %dma_start3A_743] : memref<1000x32xf32, #tpu.memory_space<hbm>> -> memref<1x32xf32, #tpu.memory_space<hbm>>
        tpu.enqueue_dma source(%dma_start3A_744 : memref<1x32xf32, #tpu.memory_space<hbm>>) target(%dma_start3A_742 : memref<1x32xf32, #tpu.memory_space<vmem>>) target_semaphore(%arg21 : memref<!tpu.dma_semaphore, #tpu.memory_space<semaphore_mem>>)
        %slice3A_745 = vector.extract_strided_slice %get3A_126 {offsets = [14], sizes = [1], strides = [1]} : vector<16xi32> to vector<1xi32>
        %squeeze3A_746 = vector.extract %slice3A_745[0] : i32 from vector<1xi32>
        %dma_start3A_747 = arith.constant 0 : i32
        %dma_start3A_748 = tpu.memref_slice %arg17[%add3A_714, %dma_start3A_747] : memref<128x32xf32, #tpu.memory_space<vmem>> -> memref<1x32xf32, #tpu.memory_space<vmem>>
        %dma_start3A_749 = arith.constant 0 : i32
        %dma_start3A_750 = tpu.memref_slice %arg3[%squeeze3A_746, %dma_start3A_749] : memref<1000x32xf32, #tpu.memory_space<hbm>> -> memref<1x32xf32, #tpu.memory_space<hbm>>
        %dma_start3A_751 = arith.constant 0 : i32
        %dma_start3A_752 = tpu.memref_slice %arg17[%add3A_714, %dma_start3A_751] : memref<128x32xf32, #tpu.memory_space<vmem>> -> memref<1x32xf32, #tpu.memory_space<vmem>>
        %dma_start3A_753 = arith.constant 0 : i32
        %dma_start3A_754 = tpu.memref_slice %arg3[%squeeze3A_746, %dma_start3A_753] : memref<1000x32xf32, #tpu.memory_space<hbm>> -> memref<1x32xf32, #tpu.memory_space<hbm>>
        tpu.enqueue_dma source(%dma_start3A_754 : memref<1x32xf32, #tpu.memory_space<hbm>>) target(%dma_start3A_752 : memref<1x32xf32, #tpu.memory_space<vmem>>) target_semaphore(%arg21 : memref<!tpu.dma_semaphore, #tpu.memory_space<semaphore_mem>>)
        %add3A_755 = arith.constant 15 : i32
        %add3A_756 = arith.addi %multiple_of3A_121, %add3A_755 : i32
        %slice3A_757 = vector.extract_strided_slice %get3A_122 {offsets = [15], sizes = [1], strides = [1]} : vector<16xi32> to vector<1xi32>
        %squeeze3A_758 = vector.extract %slice3A_757[0] : i32 from vector<1xi32>
        %dma_start3A_759 = arith.constant 0 : i32
        %dma_start3A_760 = tpu.memref_slice %arg14[%add3A_756, %dma_start3A_759] : memref<128x32xf32, #tpu.memory_space<vmem>> -> memref<1x32xf32, #tpu.memory_space<vmem>>
        %dma_start3A_761 = arith.constant 0 : i32
        %dma_start3A_762 = tpu.memref_slice %arg2[%squeeze3A_758, %dma_start3A_761] : memref<1000000x32xf32, #tpu.memory_space<hbm>> -> memref<1x32xf32, #tpu.memory_space<hbm>>
        %dma_start3A_763 = arith.constant 0 : i32
        %dma_start3A_764 = tpu.memref_slice %arg14[%add3A_756, %dma_start3A_763] : memref<128x32xf32, #tpu.memory_space<vmem>> -> memref<1x32xf32, #tpu.memory_space<vmem>>
        %dma_start3A_765 = arith.constant 0 : i32
        %dma_start3A_766 = tpu.memref_slice %arg2[%squeeze3A_758, %dma_start3A_765] : memref<1000000x32xf32, #tpu.memory_space<hbm>> -> memref<1x32xf32, #tpu.memory_space<hbm>>
        tpu.enqueue_dma source(%dma_start3A_766 : memref<1x32xf32, #tpu.memory_space<hbm>>) target(%dma_start3A_764 : memref<1x32xf32, #tpu.memory_space<vmem>>) target_semaphore(%arg21 : memref<!tpu.dma_semaphore, #tpu.memory_space<semaphore_mem>>)
        %slice3A_767 = vector.extract_strided_slice %get3A_124 {offsets = [15], sizes = [1], strides = [1]} : vector<16xi32> to vector<1xi32>
        %squeeze3A_768 = vector.extract %slice3A_767[0] : i32 from vector<1xi32>
        %dma_start3A_769 = arith.constant 0 : i32
        %dma_start3A_770 = tpu.memref_slice %arg15[%add3A_756, %dma_start3A_769] : memref<128x32xf32, #tpu.memory_space<vmem>> -> memref<1x32xf32, #tpu.memory_space<vmem>>
        %dma_start3A_771 = arith.constant 0 : i32
        %dma_start3A_772 = tpu.memref_slice %arg2[%squeeze3A_768, %dma_start3A_771] : memref<1000000x32xf32, #tpu.memory_space<hbm>> -> memref<1x32xf32, #tpu.memory_space<hbm>>
        %dma_start3A_773 = arith.constant 0 : i32
        %dma_start3A_774 = tpu.memref_slice %arg15[%add3A_756, %dma_start3A_773] : memref<128x32xf32, #tpu.memory_space<vmem>> -> memref<1x32xf32, #tpu.memory_space<vmem>>
        %dma_start3A_775 = arith.constant 0 : i32
        %dma_start3A_776 = tpu.memref_slice %arg2[%squeeze3A_768, %dma_start3A_775] : memref<1000000x32xf32, #tpu.memory_space<hbm>> -> memref<1x32xf32, #tpu.memory_space<hbm>>
        tpu.enqueue_dma source(%dma_start3A_776 : memref<1x32xf32, #tpu.memory_space<hbm>>) target(%dma_start3A_774 : memref<1x32xf32, #tpu.memory_space<vmem>>) target_semaphore(%arg21 : memref<!tpu.dma_semaphore, #tpu.memory_space<semaphore_mem>>)
        %slice3A_777 = vector.extract_strided_slice %get3A_126 {offsets = [15], sizes = [1], strides = [1]} : vector<16xi32> to vector<1xi32>
        %squeeze3A_778 = vector.extract %slice3A_777[0] : i32 from vector<1xi32>
        %dma_start3A_779 = arith.constant 0 : i32
        %dma_start3A_780 = tpu.memref_slice %arg16[%add3A_756, %dma_start3A_779] : memref<128x32xf32, #tpu.memory_space<vmem>> -> memref<1x32xf32, #tpu.memory_space<vmem>>
        %dma_start3A_781 = arith.constant 0 : i32
        %dma_start3A_782 = tpu.memref_slice %arg4[%squeeze3A_778, %dma_start3A_781] : memref<1000x32xf32, #tpu.memory_space<hbm>> -> memref<1x32xf32, #tpu.memory_space<hbm>>
        %dma_start3A_783 = arith.constant 0 : i32
        %dma_start3A_784 = tpu.memref_slice %arg16[%add3A_756, %dma_start3A_783] : memref<128x32xf32, #tpu.memory_space<vmem>> -> memref<1x32xf32, #tpu.memory_space<vmem>>
        %dma_start3A_785 = arith.constant 0 : i32
        %dma_start3A_786 = tpu.memref_slice %arg4[%squeeze3A_778, %dma_start3A_785] : memref<1000x32xf32, #tpu.memory_space<hbm>> -> memref<1x32xf32, #tpu.memory_space<hbm>>
        tpu.enqueue_dma source(%dma_start3A_786 : memref<1x32xf32, #tpu.memory_space<hbm>>) target(%dma_start3A_784 : memref<1x32xf32, #tpu.memory_space<vmem>>) target_semaphore(%arg21 : memref<!tpu.dma_semaphore, #tpu.memory_space<semaphore_mem>>)
        %slice3A_787 = vector.extract_strided_slice %get3A_126 {offsets = [15], sizes = [1], strides = [1]} : vector<16xi32> to vector<1xi32>
        %squeeze3A_788 = vector.extract %slice3A_787[0] : i32 from vector<1xi32>
        %dma_start3A_789 = arith.constant 0 : i32
        %dma_start3A_790 = tpu.memref_slice %arg17[%add3A_756, %dma_start3A_789] : memref<128x32xf32, #tpu.memory_space<vmem>> -> memref<1x32xf32, #tpu.memory_space<vmem>>
        %dma_start3A_791 = arith.constant 0 : i32
        %dma_start3A_792 = tpu.memref_slice %arg3[%squeeze3A_788, %dma_start3A_791] : memref<1000x32xf32, #tpu.memory_space<hbm>> -> memref<1x32xf32, #tpu.memory_space<hbm>>
        %dma_start3A_793 = arith.constant 0 : i32
        %dma_start3A_794 = tpu.memref_slice %arg17[%add3A_756, %dma_start3A_793] : memref<128x32xf32, #tpu.memory_space<vmem>> -> memref<1x32xf32, #tpu.memory_space<vmem>>
        %dma_start3A_795 = arith.constant 0 : i32
        %dma_start3A_796 = tpu.memref_slice %arg3[%squeeze3A_788, %dma_start3A_795] : memref<1000x32xf32, #tpu.memory_space<hbm>> -> memref<1x32xf32, #tpu.memory_space<hbm>>
        tpu.enqueue_dma source(%dma_start3A_796 : memref<1x32xf32, #tpu.memory_space<hbm>>) target(%dma_start3A_794 : memref<1x32xf32, #tpu.memory_space<vmem>>) target_semaphore(%arg21 : memref<!tpu.dma_semaphore, #tpu.memory_space<semaphore_mem>>)
        %dma_wait3A_797 = arith.constant 0 : i32
        %dma_wait3A_798 = tpu.memref_slice %arg14[%add3A_128, %dma_wait3A_797] : memref<128x32xf32, #tpu.memory_space<vmem>> -> memref<1x32xf32, #tpu.memory_space<vmem>>
        %dma_wait3A_799 = arith.constant 0 : i32
        %dma_wait3A_800 = tpu.memref_slice %arg2[%squeeze3A, %dma_wait3A_799] : memref<1000000x32xf32, #tpu.memory_space<hbm>> -> memref<1x32xf32, #tpu.memory_space<hbm>>
        %dma_wait3A_801 = arith.constant 0 : i32
        %dma_wait3A_802 = tpu.memref_slice %arg14[%add3A_128, %dma_wait3A_801] : memref<128x32xf32, #tpu.memory_space<vmem>> -> memref<1x32xf32, #tpu.memory_space<vmem>>
        %dma_wait3A_803 = arith.constant 0 : i32
        %dma_wait3A_804 = tpu.memref_slice %arg2[%squeeze3A, %dma_wait3A_803] : memref<1000000x32xf32, #tpu.memory_space<hbm>> -> memref<1x32xf32, #tpu.memory_space<hbm>>
        tpu.wait_dma2 semaphore(%arg21 : memref<!tpu.dma_semaphore, #tpu.memory_space<semaphore_mem>>) src(%dma_wait3A_804 : memref<1x32xf32, #tpu.memory_space<hbm>>) dst(%dma_wait3A_802 : memref<1x32xf32, #tpu.memory_space<vmem>>)
        %dma_wait3A_805 = arith.constant 0 : i32
        %dma_wait3A_806 = tpu.memref_slice %arg15[%add3A_128, %dma_wait3A_805] : memref<128x32xf32, #tpu.memory_space<vmem>> -> memref<1x32xf32, #tpu.memory_space<vmem>>
        %dma_wait3A_807 = arith.constant 0 : i32
        %dma_wait3A_808 = tpu.memref_slice %arg2[%squeeze3A_138, %dma_wait3A_807] : memref<1000000x32xf32, #tpu.memory_space<hbm>> -> memref<1x32xf32, #tpu.memory_space<hbm>>
        %dma_wait3A_809 = arith.constant 0 : i32
        %dma_wait3A_810 = tpu.memref_slice %arg15[%add3A_128, %dma_wait3A_809] : memref<128x32xf32, #tpu.memory_space<vmem>> -> memref<1x32xf32, #tpu.memory_space<vmem>>
        %dma_wait3A_811 = arith.constant 0 : i32
        %dma_wait3A_812 = tpu.memref_slice %arg2[%squeeze3A_138, %dma_wait3A_811] : memref<1000000x32xf32, #tpu.memory_space<hbm>> -> memref<1x32xf32, #tpu.memory_space<hbm>>
        tpu.wait_dma2 semaphore(%arg21 : memref<!tpu.dma_semaphore, #tpu.memory_space<semaphore_mem>>) src(%dma_wait3A_812 : memref<1x32xf32, #tpu.memory_space<hbm>>) dst(%dma_wait3A_810 : memref<1x32xf32, #tpu.memory_space<vmem>>)
        %dma_wait3A_813 = arith.constant 0 : i32
        %dma_wait3A_814 = tpu.memref_slice %arg16[%add3A_128, %dma_wait3A_813] : memref<128x32xf32, #tpu.memory_space<vmem>> -> memref<1x32xf32, #tpu.memory_space<vmem>>
        %dma_wait3A_815 = arith.constant 0 : i32
        %dma_wait3A_816 = tpu.memref_slice %arg4[%squeeze3A_148, %dma_wait3A_815] : memref<1000x32xf32, #tpu.memory_space<hbm>> -> memref<1x32xf32, #tpu.memory_space<hbm>>
        %dma_wait3A_817 = arith.constant 0 : i32
        %dma_wait3A_818 = tpu.memref_slice %arg16[%add3A_128, %dma_wait3A_817] : memref<128x32xf32, #tpu.memory_space<vmem>> -> memref<1x32xf32, #tpu.memory_space<vmem>>
        %dma_wait3A_819 = arith.constant 0 : i32
        %dma_wait3A_820 = tpu.memref_slice %arg4[%squeeze3A_148, %dma_wait3A_819] : memref<1000x32xf32, #tpu.memory_space<hbm>> -> memref<1x32xf32, #tpu.memory_space<hbm>>
        tpu.wait_dma2 semaphore(%arg21 : memref<!tpu.dma_semaphore, #tpu.memory_space<semaphore_mem>>) src(%dma_wait3A_820 : memref<1x32xf32, #tpu.memory_space<hbm>>) dst(%dma_wait3A_818 : memref<1x32xf32, #tpu.memory_space<vmem>>)
        %dma_wait3A_821 = arith.constant 0 : i32
        %dma_wait3A_822 = tpu.memref_slice %arg17[%add3A_128, %dma_wait3A_821] : memref<128x32xf32, #tpu.memory_space<vmem>> -> memref<1x32xf32, #tpu.memory_space<vmem>>
        %dma_wait3A_823 = arith.constant 0 : i32
        %dma_wait3A_824 = tpu.memref_slice %arg3[%squeeze3A_158, %dma_wait3A_823] : memref<1000x32xf32, #tpu.memory_space<hbm>> -> memref<1x32xf32, #tpu.memory_space<hbm>>
        %dma_wait3A_825 = arith.constant 0 : i32
        %dma_wait3A_826 = tpu.memref_slice %arg17[%add3A_128, %dma_wait3A_825] : memref<128x32xf32, #tpu.memory_space<vmem>> -> memref<1x32xf32, #tpu.memory_space<vmem>>
        %dma_wait3A_827 = arith.constant 0 : i32
        %dma_wait3A_828 = tpu.memref_slice %arg3[%squeeze3A_158, %dma_wait3A_827] : memref<1000x32xf32, #tpu.memory_space<hbm>> -> memref<1x32xf32, #tpu.memory_space<hbm>>
        tpu.wait_dma2 semaphore(%arg21 : memref<!tpu.dma_semaphore, #tpu.memory_space<semaphore_mem>>) src(%dma_wait3A_828 : memref<1x32xf32, #tpu.memory_space<hbm>>) dst(%dma_wait3A_826 : memref<1x32xf32, #tpu.memory_space<vmem>>)
        %dma_wait3A_829 = arith.constant 0 : i32
        %dma_wait3A_830 = tpu.memref_slice %arg14[%add3A_168, %dma_wait3A_829] : memref<128x32xf32, #tpu.memory_space<vmem>> -> memref<1x32xf32, #tpu.memory_space<vmem>>
        %dma_wait3A_831 = arith.constant 0 : i32
        %dma_wait3A_832 = tpu.memref_slice %arg2[%squeeze3A_170, %dma_wait3A_831] : memref<1000000x32xf32, #tpu.memory_space<hbm>> -> memref<1x32xf32, #tpu.memory_space<hbm>>
        %dma_wait3A_833 = arith.constant 0 : i32
        %dma_wait3A_834 = tpu.memref_slice %arg14[%add3A_168, %dma_wait3A_833] : memref<128x32xf32, #tpu.memory_space<vmem>> -> memref<1x32xf32, #tpu.memory_space<vmem>>
        %dma_wait3A_835 = arith.constant 0 : i32
        %dma_wait3A_836 = tpu.memref_slice %arg2[%squeeze3A_170, %dma_wait3A_835] : memref<1000000x32xf32, #tpu.memory_space<hbm>> -> memref<1x32xf32, #tpu.memory_space<hbm>>
        tpu.wait_dma2 semaphore(%arg21 : memref<!tpu.dma_semaphore, #tpu.memory_space<semaphore_mem>>) src(%dma_wait3A_836 : memref<1x32xf32, #tpu.memory_space<hbm>>) dst(%dma_wait3A_834 : memref<1x32xf32, #tpu.memory_space<vmem>>)
        %dma_wait3A_837 = arith.constant 0 : i32
        %dma_wait3A_838 = tpu.memref_slice %arg15[%add3A_168, %dma_wait3A_837] : memref<128x32xf32, #tpu.memory_space<vmem>> -> memref<1x32xf32, #tpu.memory_space<vmem>>
        %dma_wait3A_839 = arith.constant 0 : i32
        %dma_wait3A_840 = tpu.memref_slice %arg2[%squeeze3A_180, %dma_wait3A_839] : memref<1000000x32xf32, #tpu.memory_space<hbm>> -> memref<1x32xf32, #tpu.memory_space<hbm>>
        %dma_wait3A_841 = arith.constant 0 : i32
        %dma_wait3A_842 = tpu.memref_slice %arg15[%add3A_168, %dma_wait3A_841] : memref<128x32xf32, #tpu.memory_space<vmem>> -> memref<1x32xf32, #tpu.memory_space<vmem>>
        %dma_wait3A_843 = arith.constant 0 : i32
        %dma_wait3A_844 = tpu.memref_slice %arg2[%squeeze3A_180, %dma_wait3A_843] : memref<1000000x32xf32, #tpu.memory_space<hbm>> -> memref<1x32xf32, #tpu.memory_space<hbm>>
        tpu.wait_dma2 semaphore(%arg21 : memref<!tpu.dma_semaphore, #tpu.memory_space<semaphore_mem>>) src(%dma_wait3A_844 : memref<1x32xf32, #tpu.memory_space<hbm>>) dst(%dma_wait3A_842 : memref<1x32xf32, #tpu.memory_space<vmem>>)
        %dma_wait3A_845 = arith.constant 0 : i32
        %dma_wait3A_846 = tpu.memref_slice %arg16[%add3A_168, %dma_wait3A_845] : memref<128x32xf32, #tpu.memory_space<vmem>> -> memref<1x32xf32, #tpu.memory_space<vmem>>
        %dma_wait3A_847 = arith.constant 0 : i32
        %dma_wait3A_848 = tpu.memref_slice %arg4[%squeeze3A_190, %dma_wait3A_847] : memref<1000x32xf32, #tpu.memory_space<hbm>> -> memref<1x32xf32, #tpu.memory_space<hbm>>
        %dma_wait3A_849 = arith.constant 0 : i32
        %dma_wait3A_850 = tpu.memref_slice %arg16[%add3A_168, %dma_wait3A_849] : memref<128x32xf32, #tpu.memory_space<vmem>> -> memref<1x32xf32, #tpu.memory_space<vmem>>
        %dma_wait3A_851 = arith.constant 0 : i32
        %dma_wait3A_852 = tpu.memref_slice %arg4[%squeeze3A_190, %dma_wait3A_851] : memref<1000x32xf32, #tpu.memory_space<hbm>> -> memref<1x32xf32, #tpu.memory_space<hbm>>
        tpu.wait_dma2 semaphore(%arg21 : memref<!tpu.dma_semaphore, #tpu.memory_space<semaphore_mem>>) src(%dma_wait3A_852 : memref<1x32xf32, #tpu.memory_space<hbm>>) dst(%dma_wait3A_850 : memref<1x32xf32, #tpu.memory_space<vmem>>)
        %dma_wait3A_853 = arith.constant 0 : i32
        %dma_wait3A_854 = tpu.memref_slice %arg17[%add3A_168, %dma_wait3A_853] : memref<128x32xf32, #tpu.memory_space<vmem>> -> memref<1x32xf32, #tpu.memory_space<vmem>>
        %dma_wait3A_855 = arith.constant 0 : i32
        %dma_wait3A_856 = tpu.memref_slice %arg3[%squeeze3A_200, %dma_wait3A_855] : memref<1000x32xf32, #tpu.memory_space<hbm>> -> memref<1x32xf32, #tpu.memory_space<hbm>>
        %dma_wait3A_857 = arith.constant 0 : i32
        %dma_wait3A_858 = tpu.memref_slice %arg17[%add3A_168, %dma_wait3A_857] : memref<128x32xf32, #tpu.memory_space<vmem>> -> memref<1x32xf32, #tpu.memory_space<vmem>>
        %dma_wait3A_859 = arith.constant 0 : i32
        %dma_wait3A_860 = tpu.memref_slice %arg3[%squeeze3A_200, %dma_wait3A_859] : memref<1000x32xf32, #tpu.memory_space<hbm>> -> memref<1x32xf32, #tpu.memory_space<hbm>>
        tpu.wait_dma2 semaphore(%arg21 : memref<!tpu.dma_semaphore, #tpu.memory_space<semaphore_mem>>) src(%dma_wait3A_860 : memref<1x32xf32, #tpu.memory_space<hbm>>) dst(%dma_wait3A_858 : memref<1x32xf32, #tpu.memory_space<vmem>>)
        %dma_wait3A_861 = arith.constant 0 : i32
        %dma_wait3A_862 = tpu.memref_slice %arg14[%add3A_210, %dma_wait3A_861] : memref<128x32xf32, #tpu.memory_space<vmem>> -> memref<1x32xf32, #tpu.memory_space<vmem>>
        %dma_wait3A_863 = arith.constant 0 : i32
        %dma_wait3A_864 = tpu.memref_slice %arg2[%squeeze3A_212, %dma_wait3A_863] : memref<1000000x32xf32, #tpu.memory_space<hbm>> -> memref<1x32xf32, #tpu.memory_space<hbm>>
        %dma_wait3A_865 = arith.constant 0 : i32
        %dma_wait3A_866 = tpu.memref_slice %arg14[%add3A_210, %dma_wait3A_865] : memref<128x32xf32, #tpu.memory_space<vmem>> -> memref<1x32xf32, #tpu.memory_space<vmem>>
        %dma_wait3A_867 = arith.constant 0 : i32
        %dma_wait3A_868 = tpu.memref_slice %arg2[%squeeze3A_212, %dma_wait3A_867] : memref<1000000x32xf32, #tpu.memory_space<hbm>> -> memref<1x32xf32, #tpu.memory_space<hbm>>
        tpu.wait_dma2 semaphore(%arg21 : memref<!tpu.dma_semaphore, #tpu.memory_space<semaphore_mem>>) src(%dma_wait3A_868 : memref<1x32xf32, #tpu.memory_space<hbm>>) dst(%dma_wait3A_866 : memref<1x32xf32, #tpu.memory_space<vmem>>)
        %dma_wait3A_869 = arith.constant 0 : i32
        %dma_wait3A_870 = tpu.memref_slice %arg15[%add3A_210, %dma_wait3A_869] : memref<128x32xf32, #tpu.memory_space<vmem>> -> memref<1x32xf32, #tpu.memory_space<vmem>>
        %dma_wait3A_871 = arith.constant 0 : i32
        %dma_wait3A_872 = tpu.memref_slice %arg2[%squeeze3A_222, %dma_wait3A_871] : memref<1000000x32xf32, #tpu.memory_space<hbm>> -> memref<1x32xf32, #tpu.memory_space<hbm>>
        %dma_wait3A_873 = arith.constant 0 : i32
        %dma_wait3A_874 = tpu.memref_slice %arg15[%add3A_210, %dma_wait3A_873] : memref<128x32xf32, #tpu.memory_space<vmem>> -> memref<1x32xf32, #tpu.memory_space<vmem>>
        %dma_wait3A_875 = arith.constant 0 : i32
        %dma_wait3A_876 = tpu.memref_slice %arg2[%squeeze3A_222, %dma_wait3A_875] : memref<1000000x32xf32, #tpu.memory_space<hbm>> -> memref<1x32xf32, #tpu.memory_space<hbm>>
        tpu.wait_dma2 semaphore(%arg21 : memref<!tpu.dma_semaphore, #tpu.memory_space<semaphore_mem>>) src(%dma_wait3A_876 : memref<1x32xf32, #tpu.memory_space<hbm>>) dst(%dma_wait3A_874 : memref<1x32xf32, #tpu.memory_space<vmem>>)
        %dma_wait3A_877 = arith.constant 0 : i32
        %dma_wait3A_878 = tpu.memref_slice %arg16[%add3A_210, %dma_wait3A_877] : memref<128x32xf32, #tpu.memory_space<vmem>> -> memref<1x32xf32, #tpu.memory_space<vmem>>
        %dma_wait3A_879 = arith.constant 0 : i32
        %dma_wait3A_880 = tpu.memref_slice %arg4[%squeeze3A_232, %dma_wait3A_879] : memref<1000x32xf32, #tpu.memory_space<hbm>> -> memref<1x32xf32, #tpu.memory_space<hbm>>
        %dma_wait3A_881 = arith.constant 0 : i32
        %dma_wait3A_882 = tpu.memref_slice %arg16[%add3A_210, %dma_wait3A_881] : memref<128x32xf32, #tpu.memory_space<vmem>> -> memref<1x32xf32, #tpu.memory_space<vmem>>
        %dma_wait3A_883 = arith.constant 0 : i32
        %dma_wait3A_884 = tpu.memref_slice %arg4[%squeeze3A_232, %dma_wait3A_883] : memref<1000x32xf32, #tpu.memory_space<hbm>> -> memref<1x32xf32, #tpu.memory_space<hbm>>
        tpu.wait_dma2 semaphore(%arg21 : memref<!tpu.dma_semaphore, #tpu.memory_space<semaphore_mem>>) src(%dma_wait3A_884 : memref<1x32xf32, #tpu.memory_space<hbm>>) dst(%dma_wait3A_882 : memref<1x32xf32, #tpu.memory_space<vmem>>)
        %dma_wait3A_885 = arith.constant 0 : i32
        %dma_wait3A_886 = tpu.memref_slice %arg17[%add3A_210, %dma_wait3A_885] : memref<128x32xf32, #tpu.memory_space<vmem>> -> memref<1x32xf32, #tpu.memory_space<vmem>>
        %dma_wait3A_887 = arith.constant 0 : i32
        %dma_wait3A_888 = tpu.memref_slice %arg3[%squeeze3A_242, %dma_wait3A_887] : memref<1000x32xf32, #tpu.memory_space<hbm>> -> memref<1x32xf32, #tpu.memory_space<hbm>>
        %dma_wait3A_889 = arith.constant 0 : i32
        %dma_wait3A_890 = tpu.memref_slice %arg17[%add3A_210, %dma_wait3A_889] : memref<128x32xf32, #tpu.memory_space<vmem>> -> memref<1x32xf32, #tpu.memory_space<vmem>>
        %dma_wait3A_891 = arith.constant 0 : i32
        %dma_wait3A_892 = tpu.memref_slice %arg3[%squeeze3A_242, %dma_wait3A_891] : memref<1000x32xf32, #tpu.memory_space<hbm>> -> memref<1x32xf32, #tpu.memory_space<hbm>>
        tpu.wait_dma2 semaphore(%arg21 : memref<!tpu.dma_semaphore, #tpu.memory_space<semaphore_mem>>) src(%dma_wait3A_892 : memref<1x32xf32, #tpu.memory_space<hbm>>) dst(%dma_wait3A_890 : memref<1x32xf32, #tpu.memory_space<vmem>>)
        %dma_wait3A_893 = arith.constant 0 : i32
        %dma_wait3A_894 = tpu.memref_slice %arg14[%add3A_252, %dma_wait3A_893] : memref<128x32xf32, #tpu.memory_space<vmem>> -> memref<1x32xf32, #tpu.memory_space<vmem>>
        %dma_wait3A_895 = arith.constant 0 : i32
        %dma_wait3A_896 = tpu.memref_slice %arg2[%squeeze3A_254, %dma_wait3A_895] : memref<1000000x32xf32, #tpu.memory_space<hbm>> -> memref<1x32xf32, #tpu.memory_space<hbm>>
        %dma_wait3A_897 = arith.constant 0 : i32
        %dma_wait3A_898 = tpu.memref_slice %arg14[%add3A_252, %dma_wait3A_897] : memref<128x32xf32, #tpu.memory_space<vmem>> -> memref<1x32xf32, #tpu.memory_space<vmem>>
        %dma_wait3A_899 = arith.constant 0 : i32
        %dma_wait3A_900 = tpu.memref_slice %arg2[%squeeze3A_254, %dma_wait3A_899] : memref<1000000x32xf32, #tpu.memory_space<hbm>> -> memref<1x32xf32, #tpu.memory_space<hbm>>
        tpu.wait_dma2 semaphore(%arg21 : memref<!tpu.dma_semaphore, #tpu.memory_space<semaphore_mem>>) src(%dma_wait3A_900 : memref<1x32xf32, #tpu.memory_space<hbm>>) dst(%dma_wait3A_898 : memref<1x32xf32, #tpu.memory_space<vmem>>)
        %dma_wait3A_901 = arith.constant 0 : i32
        %dma_wait3A_902 = tpu.memref_slice %arg15[%add3A_252, %dma_wait3A_901] : memref<128x32xf32, #tpu.memory_space<vmem>> -> memref<1x32xf32, #tpu.memory_space<vmem>>
        %dma_wait3A_903 = arith.constant 0 : i32
        %dma_wait3A_904 = tpu.memref_slice %arg2[%squeeze3A_264, %dma_wait3A_903] : memref<1000000x32xf32, #tpu.memory_space<hbm>> -> memref<1x32xf32, #tpu.memory_space<hbm>>
        %dma_wait3A_905 = arith.constant 0 : i32
        %dma_wait3A_906 = tpu.memref_slice %arg15[%add3A_252, %dma_wait3A_905] : memref<128x32xf32, #tpu.memory_space<vmem>> -> memref<1x32xf32, #tpu.memory_space<vmem>>
        %dma_wait3A_907 = arith.constant 0 : i32
        %dma_wait3A_908 = tpu.memref_slice %arg2[%squeeze3A_264, %dma_wait3A_907] : memref<1000000x32xf32, #tpu.memory_space<hbm>> -> memref<1x32xf32, #tpu.memory_space<hbm>>
        tpu.wait_dma2 semaphore(%arg21 : memref<!tpu.dma_semaphore, #tpu.memory_space<semaphore_mem>>) src(%dma_wait3A_908 : memref<1x32xf32, #tpu.memory_space<hbm>>) dst(%dma_wait3A_906 : memref<1x32xf32, #tpu.memory_space<vmem>>)
        %dma_wait3A_909 = arith.constant 0 : i32
        %dma_wait3A_910 = tpu.memref_slice %arg16[%add3A_252, %dma_wait3A_909] : memref<128x32xf32, #tpu.memory_space<vmem>> -> memref<1x32xf32, #tpu.memory_space<vmem>>
        %dma_wait3A_911 = arith.constant 0 : i32
        %dma_wait3A_912 = tpu.memref_slice %arg4[%squeeze3A_274, %dma_wait3A_911] : memref<1000x32xf32, #tpu.memory_space<hbm>> -> memref<1x32xf32, #tpu.memory_space<hbm>>
        %dma_wait3A_913 = arith.constant 0 : i32
        %dma_wait3A_914 = tpu.memref_slice %arg16[%add3A_252, %dma_wait3A_913] : memref<128x32xf32, #tpu.memory_space<vmem>> -> memref<1x32xf32, #tpu.memory_space<vmem>>
        %dma_wait3A_915 = arith.constant 0 : i32
        %dma_wait3A_916 = tpu.memref_slice %arg4[%squeeze3A_274, %dma_wait3A_915] : memref<1000x32xf32, #tpu.memory_space<hbm>> -> memref<1x32xf32, #tpu.memory_space<hbm>>
        tpu.wait_dma2 semaphore(%arg21 : memref<!tpu.dma_semaphore, #tpu.memory_space<semaphore_mem>>) src(%dma_wait3A_916 : memref<1x32xf32, #tpu.memory_space<hbm>>) dst(%dma_wait3A_914 : memref<1x32xf32, #tpu.memory_space<vmem>>)
        %dma_wait3A_917 = arith.constant 0 : i32
        %dma_wait3A_918 = tpu.memref_slice %arg17[%add3A_252, %dma_wait3A_917] : memref<128x32xf32, #tpu.memory_space<vmem>> -> memref<1x32xf32, #tpu.memory_space<vmem>>
        %dma_wait3A_919 = arith.constant 0 : i32
        %dma_wait3A_920 = tpu.memref_slice %arg3[%squeeze3A_284, %dma_wait3A_919] : memref<1000x32xf32, #tpu.memory_space<hbm>> -> memref<1x32xf32, #tpu.memory_space<hbm>>
        %dma_wait3A_921 = arith.constant 0 : i32
        %dma_wait3A_922 = tpu.memref_slice %arg17[%add3A_252, %dma_wait3A_921] : memref<128x32xf32, #tpu.memory_space<vmem>> -> memref<1x32xf32, #tpu.memory_space<vmem>>
        %dma_wait3A_923 = arith.constant 0 : i32
        %dma_wait3A_924 = tpu.memref_slice %arg3[%squeeze3A_284, %dma_wait3A_923] : memref<1000x32xf32, #tpu.memory_space<hbm>> -> memref<1x32xf32, #tpu.memory_space<hbm>>
        tpu.wait_dma2 semaphore(%arg21 : memref<!tpu.dma_semaphore, #tpu.memory_space<semaphore_mem>>) src(%dma_wait3A_924 : memref<1x32xf32, #tpu.memory_space<hbm>>) dst(%dma_wait3A_922 : memref<1x32xf32, #tpu.memory_space<vmem>>)
        %dma_wait3A_925 = arith.constant 0 : i32
        %dma_wait3A_926 = tpu.memref_slice %arg14[%add3A_294, %dma_wait3A_925] : memref<128x32xf32, #tpu.memory_space<vmem>> -> memref<1x32xf32, #tpu.memory_space<vmem>>
        %dma_wait3A_927 = arith.constant 0 : i32
        %dma_wait3A_928 = tpu.memref_slice %arg2[%squeeze3A_296, %dma_wait3A_927] : memref<1000000x32xf32, #tpu.memory_space<hbm>> -> memref<1x32xf32, #tpu.memory_space<hbm>>
        %dma_wait3A_929 = arith.constant 0 : i32
        %dma_wait3A_930 = tpu.memref_slice %arg14[%add3A_294, %dma_wait3A_929] : memref<128x32xf32, #tpu.memory_space<vmem>> -> memref<1x32xf32, #tpu.memory_space<vmem>>
        %dma_wait3A_931 = arith.constant 0 : i32
        %dma_wait3A_932 = tpu.memref_slice %arg2[%squeeze3A_296, %dma_wait3A_931] : memref<1000000x32xf32, #tpu.memory_space<hbm>> -> memref<1x32xf32, #tpu.memory_space<hbm>>
        tpu.wait_dma2 semaphore(%arg21 : memref<!tpu.dma_semaphore, #tpu.memory_space<semaphore_mem>>) src(%dma_wait3A_932 : memref<1x32xf32, #tpu.memory_space<hbm>>) dst(%dma_wait3A_930 : memref<1x32xf32, #tpu.memory_space<vmem>>)
        %dma_wait3A_933 = arith.constant 0 : i32
        %dma_wait3A_934 = tpu.memref_slice %arg15[%add3A_294, %dma_wait3A_933] : memref<128x32xf32, #tpu.memory_space<vmem>> -> memref<1x32xf32, #tpu.memory_space<vmem>>
        %dma_wait3A_935 = arith.constant 0 : i32
        %dma_wait3A_936 = tpu.memref_slice %arg2[%squeeze3A_306, %dma_wait3A_935] : memref<1000000x32xf32, #tpu.memory_space<hbm>> -> memref<1x32xf32, #tpu.memory_space<hbm>>
        %dma_wait3A_937 = arith.constant 0 : i32
        %dma_wait3A_938 = tpu.memref_slice %arg15[%add3A_294, %dma_wait3A_937] : memref<128x32xf32, #tpu.memory_space<vmem>> -> memref<1x32xf32, #tpu.memory_space<vmem>>
        %dma_wait3A_939 = arith.constant 0 : i32
        %dma_wait3A_940 = tpu.memref_slice %arg2[%squeeze3A_306, %dma_wait3A_939] : memref<1000000x32xf32, #tpu.memory_space<hbm>> -> memref<1x32xf32, #tpu.memory_space<hbm>>
        tpu.wait_dma2 semaphore(%arg21 : memref<!tpu.dma_semaphore, #tpu.memory_space<semaphore_mem>>) src(%dma_wait3A_940 : memref<1x32xf32, #tpu.memory_space<hbm>>) dst(%dma_wait3A_938 : memref<1x32xf32, #tpu.memory_space<vmem>>)
        %dma_wait3A_941 = arith.constant 0 : i32
        %dma_wait3A_942 = tpu.memref_slice %arg16[%add3A_294, %dma_wait3A_941] : memref<128x32xf32, #tpu.memory_space<vmem>> -> memref<1x32xf32, #tpu.memory_space<vmem>>
        %dma_wait3A_943 = arith.constant 0 : i32
        %dma_wait3A_944 = tpu.memref_slice %arg4[%squeeze3A_316, %dma_wait3A_943] : memref<1000x32xf32, #tpu.memory_space<hbm>> -> memref<1x32xf32, #tpu.memory_space<hbm>>
        %dma_wait3A_945 = arith.constant 0 : i32
        %dma_wait3A_946 = tpu.memref_slice %arg16[%add3A_294, %dma_wait3A_945] : memref<128x32xf32, #tpu.memory_space<vmem>> -> memref<1x32xf32, #tpu.memory_space<vmem>>
        %dma_wait3A_947 = arith.constant 0 : i32
        %dma_wait3A_948 = tpu.memref_slice %arg4[%squeeze3A_316, %dma_wait3A_947] : memref<1000x32xf32, #tpu.memory_space<hbm>> -> memref<1x32xf32, #tpu.memory_space<hbm>>
        tpu.wait_dma2 semaphore(%arg21 : memref<!tpu.dma_semaphore, #tpu.memory_space<semaphore_mem>>) src(%dma_wait3A_948 : memref<1x32xf32, #tpu.memory_space<hbm>>) dst(%dma_wait3A_946 : memref<1x32xf32, #tpu.memory_space<vmem>>)
        %dma_wait3A_949 = arith.constant 0 : i32
        %dma_wait3A_950 = tpu.memref_slice %arg17[%add3A_294, %dma_wait3A_949] : memref<128x32xf32, #tpu.memory_space<vmem>> -> memref<1x32xf32, #tpu.memory_space<vmem>>
        %dma_wait3A_951 = arith.constant 0 : i32
        %dma_wait3A_952 = tpu.memref_slice %arg3[%squeeze3A_326, %dma_wait3A_951] : memref<1000x32xf32, #tpu.memory_space<hbm>> -> memref<1x32xf32, #tpu.memory_space<hbm>>
        %dma_wait3A_953 = arith.constant 0 : i32
        %dma_wait3A_954 = tpu.memref_slice %arg17[%add3A_294, %dma_wait3A_953] : memref<128x32xf32, #tpu.memory_space<vmem>> -> memref<1x32xf32, #tpu.memory_space<vmem>>
        %dma_wait3A_955 = arith.constant 0 : i32
        %dma_wait3A_956 = tpu.memref_slice %arg3[%squeeze3A_326, %dma_wait3A_955] : memref<1000x32xf32, #tpu.memory_space<hbm>> -> memref<1x32xf32, #tpu.memory_space<hbm>>
        tpu.wait_dma2 semaphore(%arg21 : memref<!tpu.dma_semaphore, #tpu.memory_space<semaphore_mem>>) src(%dma_wait3A_956 : memref<1x32xf32, #tpu.memory_space<hbm>>) dst(%dma_wait3A_954 : memref<1x32xf32, #tpu.memory_space<vmem>>)
        %dma_wait3A_957 = arith.constant 0 : i32
        %dma_wait3A_958 = tpu.memref_slice %arg14[%add3A_336, %dma_wait3A_957] : memref<128x32xf32, #tpu.memory_space<vmem>> -> memref<1x32xf32, #tpu.memory_space<vmem>>
        %dma_wait3A_959 = arith.constant 0 : i32
        %dma_wait3A_960 = tpu.memref_slice %arg2[%squeeze3A_338, %dma_wait3A_959] : memref<1000000x32xf32, #tpu.memory_space<hbm>> -> memref<1x32xf32, #tpu.memory_space<hbm>>
        %dma_wait3A_961 = arith.constant 0 : i32
        %dma_wait3A_962 = tpu.memref_slice %arg14[%add3A_336, %dma_wait3A_961] : memref<128x32xf32, #tpu.memory_space<vmem>> -> memref<1x32xf32, #tpu.memory_space<vmem>>
        %dma_wait3A_963 = arith.constant 0 : i32
        %dma_wait3A_964 = tpu.memref_slice %arg2[%squeeze3A_338, %dma_wait3A_963] : memref<1000000x32xf32, #tpu.memory_space<hbm>> -> memref<1x32xf32, #tpu.memory_space<hbm>>
        tpu.wait_dma2 semaphore(%arg21 : memref<!tpu.dma_semaphore, #tpu.memory_space<semaphore_mem>>) src(%dma_wait3A_964 : memref<1x32xf32, #tpu.memory_space<hbm>>) dst(%dma_wait3A_962 : memref<1x32xf32, #tpu.memory_space<vmem>>)
        %dma_wait3A_965 = arith.constant 0 : i32
        %dma_wait3A_966 = tpu.memref_slice %arg15[%add3A_336, %dma_wait3A_965] : memref<128x32xf32, #tpu.memory_space<vmem>> -> memref<1x32xf32, #tpu.memory_space<vmem>>
        %dma_wait3A_967 = arith.constant 0 : i32
        %dma_wait3A_968 = tpu.memref_slice %arg2[%squeeze3A_348, %dma_wait3A_967] : memref<1000000x32xf32, #tpu.memory_space<hbm>> -> memref<1x32xf32, #tpu.memory_space<hbm>>
        %dma_wait3A_969 = arith.constant 0 : i32
        %dma_wait3A_970 = tpu.memref_slice %arg15[%add3A_336, %dma_wait3A_969] : memref<128x32xf32, #tpu.memory_space<vmem>> -> memref<1x32xf32, #tpu.memory_space<vmem>>
        %dma_wait3A_971 = arith.constant 0 : i32
        %dma_wait3A_972 = tpu.memref_slice %arg2[%squeeze3A_348, %dma_wait3A_971] : memref<1000000x32xf32, #tpu.memory_space<hbm>> -> memref<1x32xf32, #tpu.memory_space<hbm>>
        tpu.wait_dma2 semaphore(%arg21 : memref<!tpu.dma_semaphore, #tpu.memory_space<semaphore_mem>>) src(%dma_wait3A_972 : memref<1x32xf32, #tpu.memory_space<hbm>>) dst(%dma_wait3A_970 : memref<1x32xf32, #tpu.memory_space<vmem>>)
        %dma_wait3A_973 = arith.constant 0 : i32
        %dma_wait3A_974 = tpu.memref_slice %arg16[%add3A_336, %dma_wait3A_973] : memref<128x32xf32, #tpu.memory_space<vmem>> -> memref<1x32xf32, #tpu.memory_space<vmem>>
        %dma_wait3A_975 = arith.constant 0 : i32
        %dma_wait3A_976 = tpu.memref_slice %arg4[%squeeze3A_358, %dma_wait3A_975] : memref<1000x32xf32, #tpu.memory_space<hbm>> -> memref<1x32xf32, #tpu.memory_space<hbm>>
        %dma_wait3A_977 = arith.constant 0 : i32
        %dma_wait3A_978 = tpu.memref_slice %arg16[%add3A_336, %dma_wait3A_977] : memref<128x32xf32, #tpu.memory_space<vmem>> -> memref<1x32xf32, #tpu.memory_space<vmem>>
        %dma_wait3A_979 = arith.constant 0 : i32
        %dma_wait3A_980 = tpu.memref_slice %arg4[%squeeze3A_358, %dma_wait3A_979] : memref<1000x32xf32, #tpu.memory_space<hbm>> -> memref<1x32xf32, #tpu.memory_space<hbm>>
        tpu.wait_dma2 semaphore(%arg21 : memref<!tpu.dma_semaphore, #tpu.memory_space<semaphore_mem>>) src(%dma_wait3A_980 : memref<1x32xf32, #tpu.memory_space<hbm>>) dst(%dma_wait3A_978 : memref<1x32xf32, #tpu.memory_space<vmem>>)
        %dma_wait3A_981 = arith.constant 0 : i32
        %dma_wait3A_982 = tpu.memref_slice %arg17[%add3A_336, %dma_wait3A_981] : memref<128x32xf32, #tpu.memory_space<vmem>> -> memref<1x32xf32, #tpu.memory_space<vmem>>
        %dma_wait3A_983 = arith.constant 0 : i32
        %dma_wait3A_984 = tpu.memref_slice %arg3[%squeeze3A_368, %dma_wait3A_983] : memref<1000x32xf32, #tpu.memory_space<hbm>> -> memref<1x32xf32, #tpu.memory_space<hbm>>
        %dma_wait3A_985 = arith.constant 0 : i32
        %dma_wait3A_986 = tpu.memref_slice %arg17[%add3A_336, %dma_wait3A_985] : memref<128x32xf32, #tpu.memory_space<vmem>> -> memref<1x32xf32, #tpu.memory_space<vmem>>
        %dma_wait3A_987 = arith.constant 0 : i32
        %dma_wait3A_988 = tpu.memref_slice %arg3[%squeeze3A_368, %dma_wait3A_987] : memref<1000x32xf32, #tpu.memory_space<hbm>> -> memref<1x32xf32, #tpu.memory_space<hbm>>
        tpu.wait_dma2 semaphore(%arg21 : memref<!tpu.dma_semaphore, #tpu.memory_space<semaphore_mem>>) src(%dma_wait3A_988 : memref<1x32xf32, #tpu.memory_space<hbm>>) dst(%dma_wait3A_986 : memref<1x32xf32, #tpu.memory_space<vmem>>)
        %dma_wait3A_989 = arith.constant 0 : i32
        %dma_wait3A_990 = tpu.memref_slice %arg14[%add3A_378, %dma_wait3A_989] : memref<128x32xf32, #tpu.memory_space<vmem>> -> memref<1x32xf32, #tpu.memory_space<vmem>>
        %dma_wait3A_991 = arith.constant 0 : i32
        %dma_wait3A_992 = tpu.memref_slice %arg2[%squeeze3A_380, %dma_wait3A_991] : memref<1000000x32xf32, #tpu.memory_space<hbm>> -> memref<1x32xf32, #tpu.memory_space<hbm>>
        %dma_wait3A_993 = arith.constant 0 : i32
        %dma_wait3A_994 = tpu.memref_slice %arg14[%add3A_378, %dma_wait3A_993] : memref<128x32xf32, #tpu.memory_space<vmem>> -> memref<1x32xf32, #tpu.memory_space<vmem>>
        %dma_wait3A_995 = arith.constant 0 : i32
        %dma_wait3A_996 = tpu.memref_slice %arg2[%squeeze3A_380, %dma_wait3A_995] : memref<1000000x32xf32, #tpu.memory_space<hbm>> -> memref<1x32xf32, #tpu.memory_space<hbm>>
        tpu.wait_dma2 semaphore(%arg21 : memref<!tpu.dma_semaphore, #tpu.memory_space<semaphore_mem>>) src(%dma_wait3A_996 : memref<1x32xf32, #tpu.memory_space<hbm>>) dst(%dma_wait3A_994 : memref<1x32xf32, #tpu.memory_space<vmem>>)
        %dma_wait3A_997 = arith.constant 0 : i32
        %dma_wait3A_998 = tpu.memref_slice %arg15[%add3A_378, %dma_wait3A_997] : memref<128x32xf32, #tpu.memory_space<vmem>> -> memref<1x32xf32, #tpu.memory_space<vmem>>
        %dma_wait3A_999 = arith.constant 0 : i32
        %dma_wait3A_1000 = tpu.memref_slice %arg2[%squeeze3A_390, %dma_wait3A_999] : memref<1000000x32xf32, #tpu.memory_space<hbm>> -> memref<1x32xf32, #tpu.memory_space<hbm>>
        %dma_wait3A_1001 = arith.constant 0 : i32
        %dma_wait3A_1002 = tpu.memref_slice %arg15[%add3A_378, %dma_wait3A_1001] : memref<128x32xf32, #tpu.memory_space<vmem>> -> memref<1x32xf32, #tpu.memory_space<vmem>>
        %dma_wait3A_1003 = arith.constant 0 : i32
        %dma_wait3A_1004 = tpu.memref_slice %arg2[%squeeze3A_390, %dma_wait3A_1003] : memref<1000000x32xf32, #tpu.memory_space<hbm>> -> memref<1x32xf32, #tpu.memory_space<hbm>>
        tpu.wait_dma2 semaphore(%arg21 : memref<!tpu.dma_semaphore, #tpu.memory_space<semaphore_mem>>) src(%dma_wait3A_1004 : memref<1x32xf32, #tpu.memory_space<hbm>>) dst(%dma_wait3A_1002 : memref<1x32xf32, #tpu.memory_space<vmem>>)
        %dma_wait3A_1005 = arith.constant 0 : i32
        %dma_wait3A_1006 = tpu.memref_slice %arg16[%add3A_378, %dma_wait3A_1005] : memref<128x32xf32, #tpu.memory_space<vmem>> -> memref<1x32xf32, #tpu.memory_space<vmem>>
        %dma_wait3A_1007 = arith.constant 0 : i32
        %dma_wait3A_1008 = tpu.memref_slice %arg4[%squeeze3A_400, %dma_wait3A_1007] : memref<1000x32xf32, #tpu.memory_space<hbm>> -> memref<1x32xf32, #tpu.memory_space<hbm>>
        %dma_wait3A_1009 = arith.constant 0 : i32
        %dma_wait3A_1010 = tpu.memref_slice %arg16[%add3A_378, %dma_wait3A_1009] : memref<128x32xf32, #tpu.memory_space<vmem>> -> memref<1x32xf32, #tpu.memory_space<vmem>>
        %dma_wait3A_1011 = arith.constant 0 : i32
        %dma_wait3A_1012 = tpu.memref_slice %arg4[%squeeze3A_400, %dma_wait3A_1011] : memref<1000x32xf32, #tpu.memory_space<hbm>> -> memref<1x32xf32, #tpu.memory_space<hbm>>
        tpu.wait_dma2 semaphore(%arg21 : memref<!tpu.dma_semaphore, #tpu.memory_space<semaphore_mem>>) src(%dma_wait3A_1012 : memref<1x32xf32, #tpu.memory_space<hbm>>) dst(%dma_wait3A_1010 : memref<1x32xf32, #tpu.memory_space<vmem>>)
        %dma_wait3A_1013 = arith.constant 0 : i32
        %dma_wait3A_1014 = tpu.memref_slice %arg17[%add3A_378, %dma_wait3A_1013] : memref<128x32xf32, #tpu.memory_space<vmem>> -> memref<1x32xf32, #tpu.memory_space<vmem>>
        %dma_wait3A_1015 = arith.constant 0 : i32
        %dma_wait3A_1016 = tpu.memref_slice %arg3[%squeeze3A_410, %dma_wait3A_1015] : memref<1000x32xf32, #tpu.memory_space<hbm>> -> memref<1x32xf32, #tpu.memory_space<hbm>>
        %dma_wait3A_1017 = arith.constant 0 : i32
        %dma_wait3A_1018 = tpu.memref_slice %arg17[%add3A_378, %dma_wait3A_1017] : memref<128x32xf32, #tpu.memory_space<vmem>> -> memref<1x32xf32, #tpu.memory_space<vmem>>
        %dma_wait3A_1019 = arith.constant 0 : i32
        %dma_wait3A_1020 = tpu.memref_slice %arg3[%squeeze3A_410, %dma_wait3A_1019] : memref<1000x32xf32, #tpu.memory_space<hbm>> -> memref<1x32xf32, #tpu.memory_space<hbm>>
        tpu.wait_dma2 semaphore(%arg21 : memref<!tpu.dma_semaphore, #tpu.memory_space<semaphore_mem>>) src(%dma_wait3A_1020 : memref<1x32xf32, #tpu.memory_space<hbm>>) dst(%dma_wait3A_1018 : memref<1x32xf32, #tpu.memory_space<vmem>>)
        %dma_wait3A_1021 = arith.constant 0 : i32
        %dma_wait3A_1022 = tpu.memref_slice %arg14[%add3A_420, %dma_wait3A_1021] : memref<128x32xf32, #tpu.memory_space<vmem>> -> memref<1x32xf32, #tpu.memory_space<vmem>>
        %dma_wait3A_1023 = arith.constant 0 : i32
        %dma_wait3A_1024 = tpu.memref_slice %arg2[%squeeze3A_422, %dma_wait3A_1023] : memref<1000000x32xf32, #tpu.memory_space<hbm>> -> memref<1x32xf32, #tpu.memory_space<hbm>>
        %dma_wait3A_1025 = arith.constant 0 : i32
        %dma_wait3A_1026 = tpu.memref_slice %arg14[%add3A_420, %dma_wait3A_1025] : memref<128x32xf32, #tpu.memory_space<vmem>> -> memref<1x32xf32, #tpu.memory_space<vmem>>
        %dma_wait3A_1027 = arith.constant 0 : i32
        %dma_wait3A_1028 = tpu.memref_slice %arg2[%squeeze3A_422, %dma_wait3A_1027] : memref<1000000x32xf32, #tpu.memory_space<hbm>> -> memref<1x32xf32, #tpu.memory_space<hbm>>
        tpu.wait_dma2 semaphore(%arg21 : memref<!tpu.dma_semaphore, #tpu.memory_space<semaphore_mem>>) src(%dma_wait3A_1028 : memref<1x32xf32, #tpu.memory_space<hbm>>) dst(%dma_wait3A_1026 : memref<1x32xf32, #tpu.memory_space<vmem>>)
        %dma_wait3A_1029 = arith.constant 0 : i32
        %dma_wait3A_1030 = tpu.memref_slice %arg15[%add3A_420, %dma_wait3A_1029] : memref<128x32xf32, #tpu.memory_space<vmem>> -> memref<1x32xf32, #tpu.memory_space<vmem>>
        %dma_wait3A_1031 = arith.constant 0 : i32
        %dma_wait3A_1032 = tpu.memref_slice %arg2[%squeeze3A_432, %dma_wait3A_1031] : memref<1000000x32xf32, #tpu.memory_space<hbm>> -> memref<1x32xf32, #tpu.memory_space<hbm>>
        %dma_wait3A_1033 = arith.constant 0 : i32
        %dma_wait3A_1034 = tpu.memref_slice %arg15[%add3A_420, %dma_wait3A_1033] : memref<128x32xf32, #tpu.memory_space<vmem>> -> memref<1x32xf32, #tpu.memory_space<vmem>>
        %dma_wait3A_1035 = arith.constant 0 : i32
        %dma_wait3A_1036 = tpu.memref_slice %arg2[%squeeze3A_432, %dma_wait3A_1035] : memref<1000000x32xf32, #tpu.memory_space<hbm>> -> memref<1x32xf32, #tpu.memory_space<hbm>>
        tpu.wait_dma2 semaphore(%arg21 : memref<!tpu.dma_semaphore, #tpu.memory_space<semaphore_mem>>) src(%dma_wait3A_1036 : memref<1x32xf32, #tpu.memory_space<hbm>>) dst(%dma_wait3A_1034 : memref<1x32xf32, #tpu.memory_space<vmem>>)
        %dma_wait3A_1037 = arith.constant 0 : i32
        %dma_wait3A_1038 = tpu.memref_slice %arg16[%add3A_420, %dma_wait3A_1037] : memref<128x32xf32, #tpu.memory_space<vmem>> -> memref<1x32xf32, #tpu.memory_space<vmem>>
        %dma_wait3A_1039 = arith.constant 0 : i32
        %dma_wait3A_1040 = tpu.memref_slice %arg4[%squeeze3A_442, %dma_wait3A_1039] : memref<1000x32xf32, #tpu.memory_space<hbm>> -> memref<1x32xf32, #tpu.memory_space<hbm>>
        %dma_wait3A_1041 = arith.constant 0 : i32
        %dma_wait3A_1042 = tpu.memref_slice %arg16[%add3A_420, %dma_wait3A_1041] : memref<128x32xf32, #tpu.memory_space<vmem>> -> memref<1x32xf32, #tpu.memory_space<vmem>>
        %dma_wait3A_1043 = arith.constant 0 : i32
        %dma_wait3A_1044 = tpu.memref_slice %arg4[%squeeze3A_442, %dma_wait3A_1043] : memref<1000x32xf32, #tpu.memory_space<hbm>> -> memref<1x32xf32, #tpu.memory_space<hbm>>
        tpu.wait_dma2 semaphore(%arg21 : memref<!tpu.dma_semaphore, #tpu.memory_space<semaphore_mem>>) src(%dma_wait3A_1044 : memref<1x32xf32, #tpu.memory_space<hbm>>) dst(%dma_wait3A_1042 : memref<1x32xf32, #tpu.memory_space<vmem>>)
        %dma_wait3A_1045 = arith.constant 0 : i32
        %dma_wait3A_1046 = tpu.memref_slice %arg17[%add3A_420, %dma_wait3A_1045] : memref<128x32xf32, #tpu.memory_space<vmem>> -> memref<1x32xf32, #tpu.memory_space<vmem>>
        %dma_wait3A_1047 = arith.constant 0 : i32
        %dma_wait3A_1048 = tpu.memref_slice %arg3[%squeeze3A_452, %dma_wait3A_1047] : memref<1000x32xf32, #tpu.memory_space<hbm>> -> memref<1x32xf32, #tpu.memory_space<hbm>>
        %dma_wait3A_1049 = arith.constant 0 : i32
        %dma_wait3A_1050 = tpu.memref_slice %arg17[%add3A_420, %dma_wait3A_1049] : memref<128x32xf32, #tpu.memory_space<vmem>> -> memref<1x32xf32, #tpu.memory_space<vmem>>
        %dma_wait3A_1051 = arith.constant 0 : i32
        %dma_wait3A_1052 = tpu.memref_slice %arg3[%squeeze3A_452, %dma_wait3A_1051] : memref<1000x32xf32, #tpu.memory_space<hbm>> -> memref<1x32xf32, #tpu.memory_space<hbm>>
        tpu.wait_dma2 semaphore(%arg21 : memref<!tpu.dma_semaphore, #tpu.memory_space<semaphore_mem>>) src(%dma_wait3A_1052 : memref<1x32xf32, #tpu.memory_space<hbm>>) dst(%dma_wait3A_1050 : memref<1x32xf32, #tpu.memory_space<vmem>>)
        %dma_wait3A_1053 = arith.constant 0 : i32
        %dma_wait3A_1054 = tpu.memref_slice %arg14[%add3A_462, %dma_wait3A_1053] : memref<128x32xf32, #tpu.memory_space<vmem>> -> memref<1x32xf32, #tpu.memory_space<vmem>>
        %dma_wait3A_1055 = arith.constant 0 : i32
        %dma_wait3A_1056 = tpu.memref_slice %arg2[%squeeze3A_464, %dma_wait3A_1055] : memref<1000000x32xf32, #tpu.memory_space<hbm>> -> memref<1x32xf32, #tpu.memory_space<hbm>>
        %dma_wait3A_1057 = arith.constant 0 : i32
        %dma_wait3A_1058 = tpu.memref_slice %arg14[%add3A_462, %dma_wait3A_1057] : memref<128x32xf32, #tpu.memory_space<vmem>> -> memref<1x32xf32, #tpu.memory_space<vmem>>
        %dma_wait3A_1059 = arith.constant 0 : i32
        %dma_wait3A_1060 = tpu.memref_slice %arg2[%squeeze3A_464, %dma_wait3A_1059] : memref<1000000x32xf32, #tpu.memory_space<hbm>> -> memref<1x32xf32, #tpu.memory_space<hbm>>
        tpu.wait_dma2 semaphore(%arg21 : memref<!tpu.dma_semaphore, #tpu.memory_space<semaphore_mem>>) src(%dma_wait3A_1060 : memref<1x32xf32, #tpu.memory_space<hbm>>) dst(%dma_wait3A_1058 : memref<1x32xf32, #tpu.memory_space<vmem>>)
        %dma_wait3A_1061 = arith.constant 0 : i32
        %dma_wait3A_1062 = tpu.memref_slice %arg15[%add3A_462, %dma_wait3A_1061] : memref<128x32xf32, #tpu.memory_space<vmem>> -> memref<1x32xf32, #tpu.memory_space<vmem>>
        %dma_wait3A_1063 = arith.constant 0 : i32
        %dma_wait3A_1064 = tpu.memref_slice %arg2[%squeeze3A_474, %dma_wait3A_1063] : memref<1000000x32xf32, #tpu.memory_space<hbm>> -> memref<1x32xf32, #tpu.memory_space<hbm>>
        %dma_wait3A_1065 = arith.constant 0 : i32
        %dma_wait3A_1066 = tpu.memref_slice %arg15[%add3A_462, %dma_wait3A_1065] : memref<128x32xf32, #tpu.memory_space<vmem>> -> memref<1x32xf32, #tpu.memory_space<vmem>>
        %dma_wait3A_1067 = arith.constant 0 : i32
        %dma_wait3A_1068 = tpu.memref_slice %arg2[%squeeze3A_474, %dma_wait3A_1067] : memref<1000000x32xf32, #tpu.memory_space<hbm>> -> memref<1x32xf32, #tpu.memory_space<hbm>>
        tpu.wait_dma2 semaphore(%arg21 : memref<!tpu.dma_semaphore, #tpu.memory_space<semaphore_mem>>) src(%dma_wait3A_1068 : memref<1x32xf32, #tpu.memory_space<hbm>>) dst(%dma_wait3A_1066 : memref<1x32xf32, #tpu.memory_space<vmem>>)
        %dma_wait3A_1069 = arith.constant 0 : i32
        %dma_wait3A_1070 = tpu.memref_slice %arg16[%add3A_462, %dma_wait3A_1069] : memref<128x32xf32, #tpu.memory_space<vmem>> -> memref<1x32xf32, #tpu.memory_space<vmem>>
        %dma_wait3A_1071 = arith.constant 0 : i32
        %dma_wait3A_1072 = tpu.memref_slice %arg4[%squeeze3A_484, %dma_wait3A_1071] : memref<1000x32xf32, #tpu.memory_space<hbm>> -> memref<1x32xf32, #tpu.memory_space<hbm>>
        %dma_wait3A_1073 = arith.constant 0 : i32
        %dma_wait3A_1074 = tpu.memref_slice %arg16[%add3A_462, %dma_wait3A_1073] : memref<128x32xf32, #tpu.memory_space<vmem>> -> memref<1x32xf32, #tpu.memory_space<vmem>>
        %dma_wait3A_1075 = arith.constant 0 : i32
        %dma_wait3A_1076 = tpu.memref_slice %arg4[%squeeze3A_484, %dma_wait3A_1075] : memref<1000x32xf32, #tpu.memory_space<hbm>> -> memref<1x32xf32, #tpu.memory_space<hbm>>
        tpu.wait_dma2 semaphore(%arg21 : memref<!tpu.dma_semaphore, #tpu.memory_space<semaphore_mem>>) src(%dma_wait3A_1076 : memref<1x32xf32, #tpu.memory_space<hbm>>) dst(%dma_wait3A_1074 : memref<1x32xf32, #tpu.memory_space<vmem>>)
        %dma_wait3A_1077 = arith.constant 0 : i32
        %dma_wait3A_1078 = tpu.memref_slice %arg17[%add3A_462, %dma_wait3A_1077] : memref<128x32xf32, #tpu.memory_space<vmem>> -> memref<1x32xf32, #tpu.memory_space<vmem>>
        %dma_wait3A_1079 = arith.constant 0 : i32
        %dma_wait3A_1080 = tpu.memref_slice %arg3[%squeeze3A_494, %dma_wait3A_1079] : memref<1000x32xf32, #tpu.memory_space<hbm>> -> memref<1x32xf32, #tpu.memory_space<hbm>>
        %dma_wait3A_1081 = arith.constant 0 : i32
        %dma_wait3A_1082 = tpu.memref_slice %arg17[%add3A_462, %dma_wait3A_1081] : memref<128x32xf32, #tpu.memory_space<vmem>> -> memref<1x32xf32, #tpu.memory_space<vmem>>
        %dma_wait3A_1083 = arith.constant 0 : i32
        %dma_wait3A_1084 = tpu.memref_slice %arg3[%squeeze3A_494, %dma_wait3A_1083] : memref<1000x32xf32, #tpu.memory_space<hbm>> -> memref<1x32xf32, #tpu.memory_space<hbm>>
        tpu.wait_dma2 semaphore(%arg21 : memref<!tpu.dma_semaphore, #tpu.memory_space<semaphore_mem>>) src(%dma_wait3A_1084 : memref<1x32xf32, #tpu.memory_space<hbm>>) dst(%dma_wait3A_1082 : memref<1x32xf32, #tpu.memory_space<vmem>>)
        %dma_wait3A_1085 = arith.constant 0 : i32
        %dma_wait3A_1086 = tpu.memref_slice %arg14[%add3A_504, %dma_wait3A_1085] : memref<128x32xf32, #tpu.memory_space<vmem>> -> memref<1x32xf32, #tpu.memory_space<vmem>>
        %dma_wait3A_1087 = arith.constant 0 : i32
        %dma_wait3A_1088 = tpu.memref_slice %arg2[%squeeze3A_506, %dma_wait3A_1087] : memref<1000000x32xf32, #tpu.memory_space<hbm>> -> memref<1x32xf32, #tpu.memory_space<hbm>>
        %dma_wait3A_1089 = arith.constant 0 : i32
        %dma_wait3A_1090 = tpu.memref_slice %arg14[%add3A_504, %dma_wait3A_1089] : memref<128x32xf32, #tpu.memory_space<vmem>> -> memref<1x32xf32, #tpu.memory_space<vmem>>
        %dma_wait3A_1091 = arith.constant 0 : i32
        %dma_wait3A_1092 = tpu.memref_slice %arg2[%squeeze3A_506, %dma_wait3A_1091] : memref<1000000x32xf32, #tpu.memory_space<hbm>> -> memref<1x32xf32, #tpu.memory_space<hbm>>
        tpu.wait_dma2 semaphore(%arg21 : memref<!tpu.dma_semaphore, #tpu.memory_space<semaphore_mem>>) src(%dma_wait3A_1092 : memref<1x32xf32, #tpu.memory_space<hbm>>) dst(%dma_wait3A_1090 : memref<1x32xf32, #tpu.memory_space<vmem>>)
        %dma_wait3A_1093 = arith.constant 0 : i32
        %dma_wait3A_1094 = tpu.memref_slice %arg15[%add3A_504, %dma_wait3A_1093] : memref<128x32xf32, #tpu.memory_space<vmem>> -> memref<1x32xf32, #tpu.memory_space<vmem>>
        %dma_wait3A_1095 = arith.constant 0 : i32
        %dma_wait3A_1096 = tpu.memref_slice %arg2[%squeeze3A_516, %dma_wait3A_1095] : memref<1000000x32xf32, #tpu.memory_space<hbm>> -> memref<1x32xf32, #tpu.memory_space<hbm>>
        %dma_wait3A_1097 = arith.constant 0 : i32
        %dma_wait3A_1098 = tpu.memref_slice %arg15[%add3A_504, %dma_wait3A_1097] : memref<128x32xf32, #tpu.memory_space<vmem>> -> memref<1x32xf32, #tpu.memory_space<vmem>>
        %dma_wait3A_1099 = arith.constant 0 : i32
        %dma_wait3A_1100 = tpu.memref_slice %arg2[%squeeze3A_516, %dma_wait3A_1099] : memref<1000000x32xf32, #tpu.memory_space<hbm>> -> memref<1x32xf32, #tpu.memory_space<hbm>>
        tpu.wait_dma2 semaphore(%arg21 : memref<!tpu.dma_semaphore, #tpu.memory_space<semaphore_mem>>) src(%dma_wait3A_1100 : memref<1x32xf32, #tpu.memory_space<hbm>>) dst(%dma_wait3A_1098 : memref<1x32xf32, #tpu.memory_space<vmem>>)
        %dma_wait3A_1101 = arith.constant 0 : i32
        %dma_wait3A_1102 = tpu.memref_slice %arg16[%add3A_504, %dma_wait3A_1101] : memref<128x32xf32, #tpu.memory_space<vmem>> -> memref<1x32xf32, #tpu.memory_space<vmem>>
        %dma_wait3A_1103 = arith.constant 0 : i32
        %dma_wait3A_1104 = tpu.memref_slice %arg4[%squeeze3A_526, %dma_wait3A_1103] : memref<1000x32xf32, #tpu.memory_space<hbm>> -> memref<1x32xf32, #tpu.memory_space<hbm>>
        %dma_wait3A_1105 = arith.constant 0 : i32
        %dma_wait3A_1106 = tpu.memref_slice %arg16[%add3A_504, %dma_wait3A_1105] : memref<128x32xf32, #tpu.memory_space<vmem>> -> memref<1x32xf32, #tpu.memory_space<vmem>>
        %dma_wait3A_1107 = arith.constant 0 : i32
        %dma_wait3A_1108 = tpu.memref_slice %arg4[%squeeze3A_526, %dma_wait3A_1107] : memref<1000x32xf32, #tpu.memory_space<hbm>> -> memref<1x32xf32, #tpu.memory_space<hbm>>
        tpu.wait_dma2 semaphore(%arg21 : memref<!tpu.dma_semaphore, #tpu.memory_space<semaphore_mem>>) src(%dma_wait3A_1108 : memref<1x32xf32, #tpu.memory_space<hbm>>) dst(%dma_wait3A_1106 : memref<1x32xf32, #tpu.memory_space<vmem>>)
        %dma_wait3A_1109 = arith.constant 0 : i32
        %dma_wait3A_1110 = tpu.memref_slice %arg17[%add3A_504, %dma_wait3A_1109] : memref<128x32xf32, #tpu.memory_space<vmem>> -> memref<1x32xf32, #tpu.memory_space<vmem>>
        %dma_wait3A_1111 = arith.constant 0 : i32
        %dma_wait3A_1112 = tpu.memref_slice %arg3[%squeeze3A_536, %dma_wait3A_1111] : memref<1000x32xf32, #tpu.memory_space<hbm>> -> memref<1x32xf32, #tpu.memory_space<hbm>>
        %dma_wait3A_1113 = arith.constant 0 : i32
        %dma_wait3A_1114 = tpu.memref_slice %arg17[%add3A_504, %dma_wait3A_1113] : memref<128x32xf32, #tpu.memory_space<vmem>> -> memref<1x32xf32, #tpu.memory_space<vmem>>
        %dma_wait3A_1115 = arith.constant 0 : i32
        %dma_wait3A_1116 = tpu.memref_slice %arg3[%squeeze3A_536, %dma_wait3A_1115] : memref<1000x32xf32, #tpu.memory_space<hbm>> -> memref<1x32xf32, #tpu.memory_space<hbm>>
        tpu.wait_dma2 semaphore(%arg21 : memref<!tpu.dma_semaphore, #tpu.memory_space<semaphore_mem>>) src(%dma_wait3A_1116 : memref<1x32xf32, #tpu.memory_space<hbm>>) dst(%dma_wait3A_1114 : memref<1x32xf32, #tpu.memory_space<vmem>>)
        %dma_wait3A_1117 = arith.constant 0 : i32
        %dma_wait3A_1118 = tpu.memref_slice %arg14[%add3A_546, %dma_wait3A_1117] : memref<128x32xf32, #tpu.memory_space<vmem>> -> memref<1x32xf32, #tpu.memory_space<vmem>>
        %dma_wait3A_1119 = arith.constant 0 : i32
        %dma_wait3A_1120 = tpu.memref_slice %arg2[%squeeze3A_548, %dma_wait3A_1119] : memref<1000000x32xf32, #tpu.memory_space<hbm>> -> memref<1x32xf32, #tpu.memory_space<hbm>>
        %dma_wait3A_1121 = arith.constant 0 : i32
        %dma_wait3A_1122 = tpu.memref_slice %arg14[%add3A_546, %dma_wait3A_1121] : memref<128x32xf32, #tpu.memory_space<vmem>> -> memref<1x32xf32, #tpu.memory_space<vmem>>
        %dma_wait3A_1123 = arith.constant 0 : i32
        %dma_wait3A_1124 = tpu.memref_slice %arg2[%squeeze3A_548, %dma_wait3A_1123] : memref<1000000x32xf32, #tpu.memory_space<hbm>> -> memref<1x32xf32, #tpu.memory_space<hbm>>
        tpu.wait_dma2 semaphore(%arg21 : memref<!tpu.dma_semaphore, #tpu.memory_space<semaphore_mem>>) src(%dma_wait3A_1124 : memref<1x32xf32, #tpu.memory_space<hbm>>) dst(%dma_wait3A_1122 : memref<1x32xf32, #tpu.memory_space<vmem>>)
        %dma_wait3A_1125 = arith.constant 0 : i32
        %dma_wait3A_1126 = tpu.memref_slice %arg15[%add3A_546, %dma_wait3A_1125] : memref<128x32xf32, #tpu.memory_space<vmem>> -> memref<1x32xf32, #tpu.memory_space<vmem>>
        %dma_wait3A_1127 = arith.constant 0 : i32
        %dma_wait3A_1128 = tpu.memref_slice %arg2[%squeeze3A_558, %dma_wait3A_1127] : memref<1000000x32xf32, #tpu.memory_space<hbm>> -> memref<1x32xf32, #tpu.memory_space<hbm>>
        %dma_wait3A_1129 = arith.constant 0 : i32
        %dma_wait3A_1130 = tpu.memref_slice %arg15[%add3A_546, %dma_wait3A_1129] : memref<128x32xf32, #tpu.memory_space<vmem>> -> memref<1x32xf32, #tpu.memory_space<vmem>>
        %dma_wait3A_1131 = arith.constant 0 : i32
        %dma_wait3A_1132 = tpu.memref_slice %arg2[%squeeze3A_558, %dma_wait3A_1131] : memref<1000000x32xf32, #tpu.memory_space<hbm>> -> memref<1x32xf32, #tpu.memory_space<hbm>>
        tpu.wait_dma2 semaphore(%arg21 : memref<!tpu.dma_semaphore, #tpu.memory_space<semaphore_mem>>) src(%dma_wait3A_1132 : memref<1x32xf32, #tpu.memory_space<hbm>>) dst(%dma_wait3A_1130 : memref<1x32xf32, #tpu.memory_space<vmem>>)
        %dma_wait3A_1133 = arith.constant 0 : i32
        %dma_wait3A_1134 = tpu.memref_slice %arg16[%add3A_546, %dma_wait3A_1133] : memref<128x32xf32, #tpu.memory_space<vmem>> -> memref<1x32xf32, #tpu.memory_space<vmem>>
        %dma_wait3A_1135 = arith.constant 0 : i32
        %dma_wait3A_1136 = tpu.memref_slice %arg4[%squeeze3A_568, %dma_wait3A_1135] : memref<1000x32xf32, #tpu.memory_space<hbm>> -> memref<1x32xf32, #tpu.memory_space<hbm>>
        %dma_wait3A_1137 = arith.constant 0 : i32
        %dma_wait3A_1138 = tpu.memref_slice %arg16[%add3A_546, %dma_wait3A_1137] : memref<128x32xf32, #tpu.memory_space<vmem>> -> memref<1x32xf32, #tpu.memory_space<vmem>>
        %dma_wait3A_1139 = arith.constant 0 : i32
        %dma_wait3A_1140 = tpu.memref_slice %arg4[%squeeze3A_568, %dma_wait3A_1139] : memref<1000x32xf32, #tpu.memory_space<hbm>> -> memref<1x32xf32, #tpu.memory_space<hbm>>
        tpu.wait_dma2 semaphore(%arg21 : memref<!tpu.dma_semaphore, #tpu.memory_space<semaphore_mem>>) src(%dma_wait3A_1140 : memref<1x32xf32, #tpu.memory_space<hbm>>) dst(%dma_wait3A_1138 : memref<1x32xf32, #tpu.memory_space<vmem>>)
        %dma_wait3A_1141 = arith.constant 0 : i32
        %dma_wait3A_1142 = tpu.memref_slice %arg17[%add3A_546, %dma_wait3A_1141] : memref<128x32xf32, #tpu.memory_space<vmem>> -> memref<1x32xf32, #tpu.memory_space<vmem>>
        %dma_wait3A_1143 = arith.constant 0 : i32
        %dma_wait3A_1144 = tpu.memref_slice %arg3[%squeeze3A_578, %dma_wait3A_1143] : memref<1000x32xf32, #tpu.memory_space<hbm>> -> memref<1x32xf32, #tpu.memory_space<hbm>>
        %dma_wait3A_1145 = arith.constant 0 : i32
        %dma_wait3A_1146 = tpu.memref_slice %arg17[%add3A_546, %dma_wait3A_1145] : memref<128x32xf32, #tpu.memory_space<vmem>> -> memref<1x32xf32, #tpu.memory_space<vmem>>
        %dma_wait3A_1147 = arith.constant 0 : i32
        %dma_wait3A_1148 = tpu.memref_slice %arg3[%squeeze3A_578, %dma_wait3A_1147] : memref<1000x32xf32, #tpu.memory_space<hbm>> -> memref<1x32xf32, #tpu.memory_space<hbm>>
        tpu.wait_dma2 semaphore(%arg21 : memref<!tpu.dma_semaphore, #tpu.memory_space<semaphore_mem>>) src(%dma_wait3A_1148 : memref<1x32xf32, #tpu.memory_space<hbm>>) dst(%dma_wait3A_1146 : memref<1x32xf32, #tpu.memory_space<vmem>>)
        %dma_wait3A_1149 = arith.constant 0 : i32
        %dma_wait3A_1150 = tpu.memref_slice %arg14[%add3A_588, %dma_wait3A_1149] : memref<128x32xf32, #tpu.memory_space<vmem>> -> memref<1x32xf32, #tpu.memory_space<vmem>>
        %dma_wait3A_1151 = arith.constant 0 : i32
        %dma_wait3A_1152 = tpu.memref_slice %arg2[%squeeze3A_590, %dma_wait3A_1151] : memref<1000000x32xf32, #tpu.memory_space<hbm>> -> memref<1x32xf32, #tpu.memory_space<hbm>>
        %dma_wait3A_1153 = arith.constant 0 : i32
        %dma_wait3A_1154 = tpu.memref_slice %arg14[%add3A_588, %dma_wait3A_1153] : memref<128x32xf32, #tpu.memory_space<vmem>> -> memref<1x32xf32, #tpu.memory_space<vmem>>
        %dma_wait3A_1155 = arith.constant 0 : i32
        %dma_wait3A_1156 = tpu.memref_slice %arg2[%squeeze3A_590, %dma_wait3A_1155] : memref<1000000x32xf32, #tpu.memory_space<hbm>> -> memref<1x32xf32, #tpu.memory_space<hbm>>
        tpu.wait_dma2 semaphore(%arg21 : memref<!tpu.dma_semaphore, #tpu.memory_space<semaphore_mem>>) src(%dma_wait3A_1156 : memref<1x32xf32, #tpu.memory_space<hbm>>) dst(%dma_wait3A_1154 : memref<1x32xf32, #tpu.memory_space<vmem>>)
        %dma_wait3A_1157 = arith.constant 0 : i32
        %dma_wait3A_1158 = tpu.memref_slice %arg15[%add3A_588, %dma_wait3A_1157] : memref<128x32xf32, #tpu.memory_space<vmem>> -> memref<1x32xf32, #tpu.memory_space<vmem>>
        %dma_wait3A_1159 = arith.constant 0 : i32
        %dma_wait3A_1160 = tpu.memref_slice %arg2[%squeeze3A_600, %dma_wait3A_1159] : memref<1000000x32xf32, #tpu.memory_space<hbm>> -> memref<1x32xf32, #tpu.memory_space<hbm>>
        %dma_wait3A_1161 = arith.constant 0 : i32
        %dma_wait3A_1162 = tpu.memref_slice %arg15[%add3A_588, %dma_wait3A_1161] : memref<128x32xf32, #tpu.memory_space<vmem>> -> memref<1x32xf32, #tpu.memory_space<vmem>>
        %dma_wait3A_1163 = arith.constant 0 : i32
        %dma_wait3A_1164 = tpu.memref_slice %arg2[%squeeze3A_600, %dma_wait3A_1163] : memref<1000000x32xf32, #tpu.memory_space<hbm>> -> memref<1x32xf32, #tpu.memory_space<hbm>>
        tpu.wait_dma2 semaphore(%arg21 : memref<!tpu.dma_semaphore, #tpu.memory_space<semaphore_mem>>) src(%dma_wait3A_1164 : memref<1x32xf32, #tpu.memory_space<hbm>>) dst(%dma_wait3A_1162 : memref<1x32xf32, #tpu.memory_space<vmem>>)
        %dma_wait3A_1165 = arith.constant 0 : i32
        %dma_wait3A_1166 = tpu.memref_slice %arg16[%add3A_588, %dma_wait3A_1165] : memref<128x32xf32, #tpu.memory_space<vmem>> -> memref<1x32xf32, #tpu.memory_space<vmem>>
        %dma_wait3A_1167 = arith.constant 0 : i32
        %dma_wait3A_1168 = tpu.memref_slice %arg4[%squeeze3A_610, %dma_wait3A_1167] : memref<1000x32xf32, #tpu.memory_space<hbm>> -> memref<1x32xf32, #tpu.memory_space<hbm>>
        %dma_wait3A_1169 = arith.constant 0 : i32
        %dma_wait3A_1170 = tpu.memref_slice %arg16[%add3A_588, %dma_wait3A_1169] : memref<128x32xf32, #tpu.memory_space<vmem>> -> memref<1x32xf32, #tpu.memory_space<vmem>>
        %dma_wait3A_1171 = arith.constant 0 : i32
        %dma_wait3A_1172 = tpu.memref_slice %arg4[%squeeze3A_610, %dma_wait3A_1171] : memref<1000x32xf32, #tpu.memory_space<hbm>> -> memref<1x32xf32, #tpu.memory_space<hbm>>
        tpu.wait_dma2 semaphore(%arg21 : memref<!tpu.dma_semaphore, #tpu.memory_space<semaphore_mem>>) src(%dma_wait3A_1172 : memref<1x32xf32, #tpu.memory_space<hbm>>) dst(%dma_wait3A_1170 : memref<1x32xf32, #tpu.memory_space<vmem>>)
        %dma_wait3A_1173 = arith.constant 0 : i32
        %dma_wait3A_1174 = tpu.memref_slice %arg17[%add3A_588, %dma_wait3A_1173] : memref<128x32xf32, #tpu.memory_space<vmem>> -> memref<1x32xf32, #tpu.memory_space<vmem>>
        %dma_wait3A_1175 = arith.constant 0 : i32
        %dma_wait3A_1176 = tpu.memref_slice %arg3[%squeeze3A_620, %dma_wait3A_1175] : memref<1000x32xf32, #tpu.memory_space<hbm>> -> memref<1x32xf32, #tpu.memory_space<hbm>>
        %dma_wait3A_1177 = arith.constant 0 : i32
        %dma_wait3A_1178 = tpu.memref_slice %arg17[%add3A_588, %dma_wait3A_1177] : memref<128x32xf32, #tpu.memory_space<vmem>> -> memref<1x32xf32, #tpu.memory_space<vmem>>
        %dma_wait3A_1179 = arith.constant 0 : i32
        %dma_wait3A_1180 = tpu.memref_slice %arg3[%squeeze3A_620, %dma_wait3A_1179] : memref<1000x32xf32, #tpu.memory_space<hbm>> -> memref<1x32xf32, #tpu.memory_space<hbm>>
        tpu.wait_dma2 semaphore(%arg21 : memref<!tpu.dma_semaphore, #tpu.memory_space<semaphore_mem>>) src(%dma_wait3A_1180 : memref<1x32xf32, #tpu.memory_space<hbm>>) dst(%dma_wait3A_1178 : memref<1x32xf32, #tpu.memory_space<vmem>>)
        %dma_wait3A_1181 = arith.constant 0 : i32
        %dma_wait3A_1182 = tpu.memref_slice %arg14[%add3A_630, %dma_wait3A_1181] : memref<128x32xf32, #tpu.memory_space<vmem>> -> memref<1x32xf32, #tpu.memory_space<vmem>>
        %dma_wait3A_1183 = arith.constant 0 : i32
        %dma_wait3A_1184 = tpu.memref_slice %arg2[%squeeze3A_632, %dma_wait3A_1183] : memref<1000000x32xf32, #tpu.memory_space<hbm>> -> memref<1x32xf32, #tpu.memory_space<hbm>>
        %dma_wait3A_1185 = arith.constant 0 : i32
        %dma_wait3A_1186 = tpu.memref_slice %arg14[%add3A_630, %dma_wait3A_1185] : memref<128x32xf32, #tpu.memory_space<vmem>> -> memref<1x32xf32, #tpu.memory_space<vmem>>
        %dma_wait3A_1187 = arith.constant 0 : i32
        %dma_wait3A_1188 = tpu.memref_slice %arg2[%squeeze3A_632, %dma_wait3A_1187] : memref<1000000x32xf32, #tpu.memory_space<hbm>> -> memref<1x32xf32, #tpu.memory_space<hbm>>
        tpu.wait_dma2 semaphore(%arg21 : memref<!tpu.dma_semaphore, #tpu.memory_space<semaphore_mem>>) src(%dma_wait3A_1188 : memref<1x32xf32, #tpu.memory_space<hbm>>) dst(%dma_wait3A_1186 : memref<1x32xf32, #tpu.memory_space<vmem>>)
        %dma_wait3A_1189 = arith.constant 0 : i32
        %dma_wait3A_1190 = tpu.memref_slice %arg15[%add3A_630, %dma_wait3A_1189] : memref<128x32xf32, #tpu.memory_space<vmem>> -> memref<1x32xf32, #tpu.memory_space<vmem>>
        %dma_wait3A_1191 = arith.constant 0 : i32
        %dma_wait3A_1192 = tpu.memref_slice %arg2[%squeeze3A_642, %dma_wait3A_1191] : memref<1000000x32xf32, #tpu.memory_space<hbm>> -> memref<1x32xf32, #tpu.memory_space<hbm>>
        %dma_wait3A_1193 = arith.constant 0 : i32
        %dma_wait3A_1194 = tpu.memref_slice %arg15[%add3A_630, %dma_wait3A_1193] : memref<128x32xf32, #tpu.memory_space<vmem>> -> memref<1x32xf32, #tpu.memory_space<vmem>>
        %dma_wait3A_1195 = arith.constant 0 : i32
        %dma_wait3A_1196 = tpu.memref_slice %arg2[%squeeze3A_642, %dma_wait3A_1195] : memref<1000000x32xf32, #tpu.memory_space<hbm>> -> memref<1x32xf32, #tpu.memory_space<hbm>>
        tpu.wait_dma2 semaphore(%arg21 : memref<!tpu.dma_semaphore, #tpu.memory_space<semaphore_mem>>) src(%dma_wait3A_1196 : memref<1x32xf32, #tpu.memory_space<hbm>>) dst(%dma_wait3A_1194 : memref<1x32xf32, #tpu.memory_space<vmem>>)
        %dma_wait3A_1197 = arith.constant 0 : i32
        %dma_wait3A_1198 = tpu.memref_slice %arg16[%add3A_630, %dma_wait3A_1197] : memref<128x32xf32, #tpu.memory_space<vmem>> -> memref<1x32xf32, #tpu.memory_space<vmem>>
        %dma_wait3A_1199 = arith.constant 0 : i32
        %dma_wait3A_1200 = tpu.memref_slice %arg4[%squeeze3A_652, %dma_wait3A_1199] : memref<1000x32xf32, #tpu.memory_space<hbm>> -> memref<1x32xf32, #tpu.memory_space<hbm>>
        %dma_wait3A_1201 = arith.constant 0 : i32
        %dma_wait3A_1202 = tpu.memref_slice %arg16[%add3A_630, %dma_wait3A_1201] : memref<128x32xf32, #tpu.memory_space<vmem>> -> memref<1x32xf32, #tpu.memory_space<vmem>>
        %dma_wait3A_1203 = arith.constant 0 : i32
        %dma_wait3A_1204 = tpu.memref_slice %arg4[%squeeze3A_652, %dma_wait3A_1203] : memref<1000x32xf32, #tpu.memory_space<hbm>> -> memref<1x32xf32, #tpu.memory_space<hbm>>
        tpu.wait_dma2 semaphore(%arg21 : memref<!tpu.dma_semaphore, #tpu.memory_space<semaphore_mem>>) src(%dma_wait3A_1204 : memref<1x32xf32, #tpu.memory_space<hbm>>) dst(%dma_wait3A_1202 : memref<1x32xf32, #tpu.memory_space<vmem>>)
        %dma_wait3A_1205 = arith.constant 0 : i32
        %dma_wait3A_1206 = tpu.memref_slice %arg17[%add3A_630, %dma_wait3A_1205] : memref<128x32xf32, #tpu.memory_space<vmem>> -> memref<1x32xf32, #tpu.memory_space<vmem>>
        %dma_wait3A_1207 = arith.constant 0 : i32
        %dma_wait3A_1208 = tpu.memref_slice %arg3[%squeeze3A_662, %dma_wait3A_1207] : memref<1000x32xf32, #tpu.memory_space<hbm>> -> memref<1x32xf32, #tpu.memory_space<hbm>>
        %dma_wait3A_1209 = arith.constant 0 : i32
        %dma_wait3A_1210 = tpu.memref_slice %arg17[%add3A_630, %dma_wait3A_1209] : memref<128x32xf32, #tpu.memory_space<vmem>> -> memref<1x32xf32, #tpu.memory_space<vmem>>
        %dma_wait3A_1211 = arith.constant 0 : i32
        %dma_wait3A_1212 = tpu.memref_slice %arg3[%squeeze3A_662, %dma_wait3A_1211] : memref<1000x32xf32, #tpu.memory_space<hbm>> -> memref<1x32xf32, #tpu.memory_space<hbm>>
        tpu.wait_dma2 semaphore(%arg21 : memref<!tpu.dma_semaphore, #tpu.memory_space<semaphore_mem>>) src(%dma_wait3A_1212 : memref<1x32xf32, #tpu.memory_space<hbm>>) dst(%dma_wait3A_1210 : memref<1x32xf32, #tpu.memory_space<vmem>>)
        %dma_wait3A_1213 = arith.constant 0 : i32
        %dma_wait3A_1214 = tpu.memref_slice %arg14[%add3A_672, %dma_wait3A_1213] : memref<128x32xf32, #tpu.memory_space<vmem>> -> memref<1x32xf32, #tpu.memory_space<vmem>>
        %dma_wait3A_1215 = arith.constant 0 : i32
        %dma_wait3A_1216 = tpu.memref_slice %arg2[%squeeze3A_674, %dma_wait3A_1215] : memref<1000000x32xf32, #tpu.memory_space<hbm>> -> memref<1x32xf32, #tpu.memory_space<hbm>>
        %dma_wait3A_1217 = arith.constant 0 : i32
        %dma_wait3A_1218 = tpu.memref_slice %arg14[%add3A_672, %dma_wait3A_1217] : memref<128x32xf32, #tpu.memory_space<vmem>> -> memref<1x32xf32, #tpu.memory_space<vmem>>
        %dma_wait3A_1219 = arith.constant 0 : i32
        %dma_wait3A_1220 = tpu.memref_slice %arg2[%squeeze3A_674, %dma_wait3A_1219] : memref<1000000x32xf32, #tpu.memory_space<hbm>> -> memref<1x32xf32, #tpu.memory_space<hbm>>
        tpu.wait_dma2 semaphore(%arg21 : memref<!tpu.dma_semaphore, #tpu.memory_space<semaphore_mem>>) src(%dma_wait3A_1220 : memref<1x32xf32, #tpu.memory_space<hbm>>) dst(%dma_wait3A_1218 : memref<1x32xf32, #tpu.memory_space<vmem>>)
        %dma_wait3A_1221 = arith.constant 0 : i32
        %dma_wait3A_1222 = tpu.memref_slice %arg15[%add3A_672, %dma_wait3A_1221] : memref<128x32xf32, #tpu.memory_space<vmem>> -> memref<1x32xf32, #tpu.memory_space<vmem>>
        %dma_wait3A_1223 = arith.constant 0 : i32
        %dma_wait3A_1224 = tpu.memref_slice %arg2[%squeeze3A_684, %dma_wait3A_1223] : memref<1000000x32xf32, #tpu.memory_space<hbm>> -> memref<1x32xf32, #tpu.memory_space<hbm>>
        %dma_wait3A_1225 = arith.constant 0 : i32
        %dma_wait3A_1226 = tpu.memref_slice %arg15[%add3A_672, %dma_wait3A_1225] : memref<128x32xf32, #tpu.memory_space<vmem>> -> memref<1x32xf32, #tpu.memory_space<vmem>>
        %dma_wait3A_1227 = arith.constant 0 : i32
        %dma_wait3A_1228 = tpu.memref_slice %arg2[%squeeze3A_684, %dma_wait3A_1227] : memref<1000000x32xf32, #tpu.memory_space<hbm>> -> memref<1x32xf32, #tpu.memory_space<hbm>>
        tpu.wait_dma2 semaphore(%arg21 : memref<!tpu.dma_semaphore, #tpu.memory_space<semaphore_mem>>) src(%dma_wait3A_1228 : memref<1x32xf32, #tpu.memory_space<hbm>>) dst(%dma_wait3A_1226 : memref<1x32xf32, #tpu.memory_space<vmem>>)
        %dma_wait3A_1229 = arith.constant 0 : i32
        %dma_wait3A_1230 = tpu.memref_slice %arg16[%add3A_672, %dma_wait3A_1229] : memref<128x32xf32, #tpu.memory_space<vmem>> -> memref<1x32xf32, #tpu.memory_space<vmem>>
        %dma_wait3A_1231 = arith.constant 0 : i32
        %dma_wait3A_1232 = tpu.memref_slice %arg4[%squeeze3A_694, %dma_wait3A_1231] : memref<1000x32xf32, #tpu.memory_space<hbm>> -> memref<1x32xf32, #tpu.memory_space<hbm>>
        %dma_wait3A_1233 = arith.constant 0 : i32
        %dma_wait3A_1234 = tpu.memref_slice %arg16[%add3A_672, %dma_wait3A_1233] : memref<128x32xf32, #tpu.memory_space<vmem>> -> memref<1x32xf32, #tpu.memory_space<vmem>>
        %dma_wait3A_1235 = arith.constant 0 : i32
        %dma_wait3A_1236 = tpu.memref_slice %arg4[%squeeze3A_694, %dma_wait3A_1235] : memref<1000x32xf32, #tpu.memory_space<hbm>> -> memref<1x32xf32, #tpu.memory_space<hbm>>
        tpu.wait_dma2 semaphore(%arg21 : memref<!tpu.dma_semaphore, #tpu.memory_space<semaphore_mem>>) src(%dma_wait3A_1236 : memref<1x32xf32, #tpu.memory_space<hbm>>) dst(%dma_wait3A_1234 : memref<1x32xf32, #tpu.memory_space<vmem>>)
        %dma_wait3A_1237 = arith.constant 0 : i32
        %dma_wait3A_1238 = tpu.memref_slice %arg17[%add3A_672, %dma_wait3A_1237] : memref<128x32xf32, #tpu.memory_space<vmem>> -> memref<1x32xf32, #tpu.memory_space<vmem>>
        %dma_wait3A_1239 = arith.constant 0 : i32
        %dma_wait3A_1240 = tpu.memref_slice %arg3[%squeeze3A_704, %dma_wait3A_1239] : memref<1000x32xf32, #tpu.memory_space<hbm>> -> memref<1x32xf32, #tpu.memory_space<hbm>>
        %dma_wait3A_1241 = arith.constant 0 : i32
        %dma_wait3A_1242 = tpu.memref_slice %arg17[%add3A_672, %dma_wait3A_1241] : memref<128x32xf32, #tpu.memory_space<vmem>> -> memref<1x32xf32, #tpu.memory_space<vmem>>
        %dma_wait3A_1243 = arith.constant 0 : i32
        %dma_wait3A_1244 = tpu.memref_slice %arg3[%squeeze3A_704, %dma_wait3A_1243] : memref<1000x32xf32, #tpu.memory_space<hbm>> -> memref<1x32xf32, #tpu.memory_space<hbm>>
        tpu.wait_dma2 semaphore(%arg21 : memref<!tpu.dma_semaphore, #tpu.memory_space<semaphore_mem>>) src(%dma_wait3A_1244 : memref<1x32xf32, #tpu.memory_space<hbm>>) dst(%dma_wait3A_1242 : memref<1x32xf32, #tpu.memory_space<vmem>>)
        %dma_wait3A_1245 = arith.constant 0 : i32
        %dma_wait3A_1246 = tpu.memref_slice %arg14[%add3A_714, %dma_wait3A_1245] : memref<128x32xf32, #tpu.memory_space<vmem>> -> memref<1x32xf32, #tpu.memory_space<vmem>>
        %dma_wait3A_1247 = arith.constant 0 : i32
        %dma_wait3A_1248 = tpu.memref_slice %arg2[%squeeze3A_716, %dma_wait3A_1247] : memref<1000000x32xf32, #tpu.memory_space<hbm>> -> memref<1x32xf32, #tpu.memory_space<hbm>>
        %dma_wait3A_1249 = arith.constant 0 : i32
        %dma_wait3A_1250 = tpu.memref_slice %arg14[%add3A_714, %dma_wait3A_1249] : memref<128x32xf32, #tpu.memory_space<vmem>> -> memref<1x32xf32, #tpu.memory_space<vmem>>
        %dma_wait3A_1251 = arith.constant 0 : i32
        %dma_wait3A_1252 = tpu.memref_slice %arg2[%squeeze3A_716, %dma_wait3A_1251] : memref<1000000x32xf32, #tpu.memory_space<hbm>> -> memref<1x32xf32, #tpu.memory_space<hbm>>
        tpu.wait_dma2 semaphore(%arg21 : memref<!tpu.dma_semaphore, #tpu.memory_space<semaphore_mem>>) src(%dma_wait3A_1252 : memref<1x32xf32, #tpu.memory_space<hbm>>) dst(%dma_wait3A_1250 : memref<1x32xf32, #tpu.memory_space<vmem>>)
        %dma_wait3A_1253 = arith.constant 0 : i32
        %dma_wait3A_1254 = tpu.memref_slice %arg15[%add3A_714, %dma_wait3A_1253] : memref<128x32xf32, #tpu.memory_space<vmem>> -> memref<1x32xf32, #tpu.memory_space<vmem>>
        %dma_wait3A_1255 = arith.constant 0 : i32
        %dma_wait3A_1256 = tpu.memref_slice %arg2[%squeeze3A_726, %dma_wait3A_1255] : memref<1000000x32xf32, #tpu.memory_space<hbm>> -> memref<1x32xf32, #tpu.memory_space<hbm>>
        %dma_wait3A_1257 = arith.constant 0 : i32
        %dma_wait3A_1258 = tpu.memref_slice %arg15[%add3A_714, %dma_wait3A_1257] : memref<128x32xf32, #tpu.memory_space<vmem>> -> memref<1x32xf32, #tpu.memory_space<vmem>>
        %dma_wait3A_1259 = arith.constant 0 : i32
        %dma_wait3A_1260 = tpu.memref_slice %arg2[%squeeze3A_726, %dma_wait3A_1259] : memref<1000000x32xf32, #tpu.memory_space<hbm>> -> memref<1x32xf32, #tpu.memory_space<hbm>>
        tpu.wait_dma2 semaphore(%arg21 : memref<!tpu.dma_semaphore, #tpu.memory_space<semaphore_mem>>) src(%dma_wait3A_1260 : memref<1x32xf32, #tpu.memory_space<hbm>>) dst(%dma_wait3A_1258 : memref<1x32xf32, #tpu.memory_space<vmem>>)
        %dma_wait3A_1261 = arith.constant 0 : i32
        %dma_wait3A_1262 = tpu.memref_slice %arg16[%add3A_714, %dma_wait3A_1261] : memref<128x32xf32, #tpu.memory_space<vmem>> -> memref<1x32xf32, #tpu.memory_space<vmem>>
        %dma_wait3A_1263 = arith.constant 0 : i32
        %dma_wait3A_1264 = tpu.memref_slice %arg4[%squeeze3A_736, %dma_wait3A_1263] : memref<1000x32xf32, #tpu.memory_space<hbm>> -> memref<1x32xf32, #tpu.memory_space<hbm>>
        %dma_wait3A_1265 = arith.constant 0 : i32
        %dma_wait3A_1266 = tpu.memref_slice %arg16[%add3A_714, %dma_wait3A_1265] : memref<128x32xf32, #tpu.memory_space<vmem>> -> memref<1x32xf32, #tpu.memory_space<vmem>>
        %dma_wait3A_1267 = arith.constant 0 : i32
        %dma_wait3A_1268 = tpu.memref_slice %arg4[%squeeze3A_736, %dma_wait3A_1267] : memref<1000x32xf32, #tpu.memory_space<hbm>> -> memref<1x32xf32, #tpu.memory_space<hbm>>
        tpu.wait_dma2 semaphore(%arg21 : memref<!tpu.dma_semaphore, #tpu.memory_space<semaphore_mem>>) src(%dma_wait3A_1268 : memref<1x32xf32, #tpu.memory_space<hbm>>) dst(%dma_wait3A_1266 : memref<1x32xf32, #tpu.memory_space<vmem>>)
        %dma_wait3A_1269 = arith.constant 0 : i32
        %dma_wait3A_1270 = tpu.memref_slice %arg17[%add3A_714, %dma_wait3A_1269] : memref<128x32xf32, #tpu.memory_space<vmem>> -> memref<1x32xf32, #tpu.memory_space<vmem>>
        %dma_wait3A_1271 = arith.constant 0 : i32
        %dma_wait3A_1272 = tpu.memref_slice %arg3[%squeeze3A_746, %dma_wait3A_1271] : memref<1000x32xf32, #tpu.memory_space<hbm>> -> memref<1x32xf32, #tpu.memory_space<hbm>>
        %dma_wait3A_1273 = arith.constant 0 : i32
        %dma_wait3A_1274 = tpu.memref_slice %arg17[%add3A_714, %dma_wait3A_1273] : memref<128x32xf32, #tpu.memory_space<vmem>> -> memref<1x32xf32, #tpu.memory_space<vmem>>
        %dma_wait3A_1275 = arith.constant 0 : i32
        %dma_wait3A_1276 = tpu.memref_slice %arg3[%squeeze3A_746, %dma_wait3A_1275] : memref<1000x32xf32, #tpu.memory_space<hbm>> -> memref<1x32xf32, #tpu.memory_space<hbm>>
        tpu.wait_dma2 semaphore(%arg21 : memref<!tpu.dma_semaphore, #tpu.memory_space<semaphore_mem>>) src(%dma_wait3A_1276 : memref<1x32xf32, #tpu.memory_space<hbm>>) dst(%dma_wait3A_1274 : memref<1x32xf32, #tpu.memory_space<vmem>>)
        %dma_wait3A_1277 = arith.constant 0 : i32
        %dma_wait3A_1278 = tpu.memref_slice %arg14[%add3A_756, %dma_wait3A_1277] : memref<128x32xf32, #tpu.memory_space<vmem>> -> memref<1x32xf32, #tpu.memory_space<vmem>>
        %dma_wait3A_1279 = arith.constant 0 : i32
        %dma_wait3A_1280 = tpu.memref_slice %arg2[%squeeze3A_758, %dma_wait3A_1279] : memref<1000000x32xf32, #tpu.memory_space<hbm>> -> memref<1x32xf32, #tpu.memory_space<hbm>>
        %dma_wait3A_1281 = arith.constant 0 : i32
        %dma_wait3A_1282 = tpu.memref_slice %arg14[%add3A_756, %dma_wait3A_1281] : memref<128x32xf32, #tpu.memory_space<vmem>> -> memref<1x32xf32, #tpu.memory_space<vmem>>
        %dma_wait3A_1283 = arith.constant 0 : i32
        %dma_wait3A_1284 = tpu.memref_slice %arg2[%squeeze3A_758, %dma_wait3A_1283] : memref<1000000x32xf32, #tpu.memory_space<hbm>> -> memref<1x32xf32, #tpu.memory_space<hbm>>
        tpu.wait_dma2 semaphore(%arg21 : memref<!tpu.dma_semaphore, #tpu.memory_space<semaphore_mem>>) src(%dma_wait3A_1284 : memref<1x32xf32, #tpu.memory_space<hbm>>) dst(%dma_wait3A_1282 : memref<1x32xf32, #tpu.memory_space<vmem>>)
        %dma_wait3A_1285 = arith.constant 0 : i32
        %dma_wait3A_1286 = tpu.memref_slice %arg15[%add3A_756, %dma_wait3A_1285] : memref<128x32xf32, #tpu.memory_space<vmem>> -> memref<1x32xf32, #tpu.memory_space<vmem>>
        %dma_wait3A_1287 = arith.constant 0 : i32
        %dma_wait3A_1288 = tpu.memref_slice %arg2[%squeeze3A_768, %dma_wait3A_1287] : memref<1000000x32xf32, #tpu.memory_space<hbm>> -> memref<1x32xf32, #tpu.memory_space<hbm>>
        %dma_wait3A_1289 = arith.constant 0 : i32
        %dma_wait3A_1290 = tpu.memref_slice %arg15[%add3A_756, %dma_wait3A_1289] : memref<128x32xf32, #tpu.memory_space<vmem>> -> memref<1x32xf32, #tpu.memory_space<vmem>>
        %dma_wait3A_1291 = arith.constant 0 : i32
        %dma_wait3A_1292 = tpu.memref_slice %arg2[%squeeze3A_768, %dma_wait3A_1291] : memref<1000000x32xf32, #tpu.memory_space<hbm>> -> memref<1x32xf32, #tpu.memory_space<hbm>>
        tpu.wait_dma2 semaphore(%arg21 : memref<!tpu.dma_semaphore, #tpu.memory_space<semaphore_mem>>) src(%dma_wait3A_1292 : memref<1x32xf32, #tpu.memory_space<hbm>>) dst(%dma_wait3A_1290 : memref<1x32xf32, #tpu.memory_space<vmem>>)
        %dma_wait3A_1293 = arith.constant 0 : i32
        %dma_wait3A_1294 = tpu.memref_slice %arg16[%add3A_756, %dma_wait3A_1293] : memref<128x32xf32, #tpu.memory_space<vmem>> -> memref<1x32xf32, #tpu.memory_space<vmem>>
        %dma_wait3A_1295 = arith.constant 0 : i32
        %dma_wait3A_1296 = tpu.memref_slice %arg4[%squeeze3A_778, %dma_wait3A_1295] : memref<1000x32xf32, #tpu.memory_space<hbm>> -> memref<1x32xf32, #tpu.memory_space<hbm>>
        %dma_wait3A_1297 = arith.constant 0 : i32
        %dma_wait3A_1298 = tpu.memref_slice %arg16[%add3A_756, %dma_wait3A_1297] : memref<128x32xf32, #tpu.memory_space<vmem>> -> memref<1x32xf32, #tpu.memory_space<vmem>>
        %dma_wait3A_1299 = arith.constant 0 : i32
        %dma_wait3A_1300 = tpu.memref_slice %arg4[%squeeze3A_778, %dma_wait3A_1299] : memref<1000x32xf32, #tpu.memory_space<hbm>> -> memref<1x32xf32, #tpu.memory_space<hbm>>
        tpu.wait_dma2 semaphore(%arg21 : memref<!tpu.dma_semaphore, #tpu.memory_space<semaphore_mem>>) src(%dma_wait3A_1300 : memref<1x32xf32, #tpu.memory_space<hbm>>) dst(%dma_wait3A_1298 : memref<1x32xf32, #tpu.memory_space<vmem>>)
        %dma_wait3A_1301 = arith.constant 0 : i32
        %dma_wait3A_1302 = tpu.memref_slice %arg17[%add3A_756, %dma_wait3A_1301] : memref<128x32xf32, #tpu.memory_space<vmem>> -> memref<1x32xf32, #tpu.memory_space<vmem>>
        %dma_wait3A_1303 = arith.constant 0 : i32
        %dma_wait3A_1304 = tpu.memref_slice %arg3[%squeeze3A_788, %dma_wait3A_1303] : memref<1000x32xf32, #tpu.memory_space<hbm>> -> memref<1x32xf32, #tpu.memory_space<hbm>>
        %dma_wait3A_1305 = arith.constant 0 : i32
        %dma_wait3A_1306 = tpu.memref_slice %arg17[%add3A_756, %dma_wait3A_1305] : memref<128x32xf32, #tpu.memory_space<vmem>> -> memref<1x32xf32, #tpu.memory_space<vmem>>
        %dma_wait3A_1307 = arith.constant 0 : i32
        %dma_wait3A_1308 = tpu.memref_slice %arg3[%squeeze3A_788, %dma_wait3A_1307] : memref<1000x32xf32, #tpu.memory_space<hbm>> -> memref<1x32xf32, #tpu.memory_space<hbm>>
        tpu.wait_dma2 semaphore(%arg21 : memref<!tpu.dma_semaphore, #tpu.memory_space<semaphore_mem>>) src(%dma_wait3A_1308 : memref<1x32xf32, #tpu.memory_space<hbm>>) dst(%dma_wait3A_1306 : memref<1x32xf32, #tpu.memory_space<vmem>>)
      }
      %scan3A_108 = arith.constant 8 : i32
      %scan3A_109 = arith.constant 0 : i32
      %scan3A_110 = arith.constant 8 : i32
      %scan3A_111 = arith.addi %scan3A_109, %scan3A_110 : i32
      %scan3A_112 = arith.constant 1 : i32
      scf.for %scan3A_114 = %scan3A_109 to %scan3A_111 step %scan3A_112  : i32 {
        %mul3A_115 = arith.constant 16 : i32
        %mul3A_116 = arith.muli %scan3A_114, %mul3A_115 : i32
        %multiple_of3A_117 = tpu.assume_multiple %mul3A_116, 16 : i32
        %mul3A_118 = arith.constant 16 : i32
        %mul3A_119 = arith.muli %scan3A_114, %mul3A_118 : i32
        %add3A_120 = arith.addi %multiple_of3A, %mul3A_119 : i32
        %multiple_of3A_121 = tpu.assume_multiple %add3A_120, 16 : i32
        %iota3A = tpu.iota {dimensions = array<i32: 0>} : vector<16xi32>
        %add3A_122 = vector.broadcast %multiple_of3A_117 : i32 to vector<16xi32>
        %add3A_123 = arith.addi %iota3A, %add3A_122 : vector<16xi32>
        %broadcast_in_dim3A = arith.constant 0.000000e+00 : f32
        %broadcast_in_dim3A_124 = vector.broadcast %broadcast_in_dim3A : f32 to vector<16xf32>
        %broadcast_in_dim3A_125 = arith.constant 0 : i32
        %broadcast_in_dim3A_126 = vector.broadcast %broadcast_in_dim3A_125 : i32 to vector<16xi32>
        %gather3A = tpu.vector_load_idx %arg14[%add3A_123, %broadcast_in_dim3A_126] : memref<128x32xf32, #tpu.memory_space<vmem>>[vector<16xi32>, vector<16xi32>], vector<16xf32>,
        %gather3A_127 = tpu.vector_load_idx %arg15[%add3A_123, %broadcast_in_dim3A_126] : memref<128x32xf32, #tpu.memory_space<vmem>>[vector<16xi32>, vector<16xi32>], vector<16xf32>,
        %gather3A_128 = tpu.vector_load_idx %arg16[%add3A_123, %broadcast_in_dim3A_126] : memref<128x32xf32, #tpu.memory_space<vmem>>[vector<16xi32>, vector<16xi32>], vector<16xf32>,
        %gather3A_129 = tpu.vector_load_idx %arg17[%add3A_123, %broadcast_in_dim3A_126] : memref<128x32xf32, #tpu.memory_space<vmem>>[vector<16xi32>, vector<16xi32>], vector<16xf32>,
        %mul3A_130 = arith.mulf %gather3A, %gather3A_128 : vector<16xf32>
        %mul3A_131 = arith.mulf %gather3A, %gather3A : vector<16xf32>
        %add3A_132 = arith.addf %broadcast_in_dim3A_124, %mul3A_131 : vector<16xf32>
        %mul3A_133 = arith.mulf %gather3A_127, %gather3A_127 : vector<16xf32>
        %add3A_134 = arith.addf %broadcast_in_dim3A_124, %mul3A_133 : vector<16xf32>
        %mul3A_135 = arith.mulf %gather3A_129, %gather3A_129 : vector<16xf32>
        %add3A_136 = arith.addf %broadcast_in_dim3A_124, %mul3A_135 : vector<16xf32>
        %mul3A_137 = arith.mulf %gather3A_127, %gather3A_129 : vector<16xf32>
        %add3A_138 = arith.addf %broadcast_in_dim3A_124, %mul3A_137 : vector<16xf32>
        %mul3A_139 = arith.mulf %mul3A_130, %mul3A_130 : vector<16xf32>
        %add3A_140 = arith.addf %broadcast_in_dim3A_124, %mul3A_139 : vector<16xf32>
        %mul3A_141 = arith.mulf %mul3A_130, %gather3A_127 : vector<16xf32>
        %add3A_142 = arith.addf %broadcast_in_dim3A_124, %mul3A_141 : vector<16xf32>
        %mul3A_143 = arith.mulf %mul3A_130, %gather3A_129 : vector<16xf32>
        %add3A_144 = arith.addf %broadcast_in_dim3A_124, %mul3A_143 : vector<16xf32>
        %broadcast_in_dim3A_145 = arith.constant 1 : i32
        %broadcast_in_dim3A_146 = vector.broadcast %broadcast_in_dim3A_145 : i32 to vector<16xi32>
        %gather3A_147 = tpu.vector_load_idx %arg14[%add3A_123, %broadcast_in_dim3A_146] : memref<128x32xf32, #tpu.memory_space<vmem>>[vector<16xi32>, vector<16xi32>], vector<16xf32>,
        %gather3A_148 = tpu.vector_load_idx %arg15[%add3A_123, %broadcast_in_dim3A_146] : memref<128x32xf32, #tpu.memory_space<vmem>>[vector<16xi32>, vector<16xi32>], vector<16xf32>,
        %gather3A_149 = tpu.vector_load_idx %arg16[%add3A_123, %broadcast_in_dim3A_146] : memref<128x32xf32, #tpu.memory_space<vmem>>[vector<16xi32>, vector<16xi32>], vector<16xf32>,
        %gather3A_150 = tpu.vector_load_idx %arg17[%add3A_123, %broadcast_in_dim3A_146] : memref<128x32xf32, #tpu.memory_space<vmem>>[vector<16xi32>, vector<16xi32>], vector<16xf32>,
        %mul3A_151 = arith.mulf %gather3A_147, %gather3A_149 : vector<16xf32>
        %mul3A_152 = arith.mulf %gather3A_147, %gather3A_147 : vector<16xf32>
        %add3A_153 = arith.addf %add3A_132, %mul3A_152 : vector<16xf32>
        %mul3A_154 = arith.mulf %gather3A_148, %gather3A_148 : vector<16xf32>
        %add3A_155 = arith.addf %add3A_134, %mul3A_154 : vector<16xf32>
        %mul3A_156 = arith.mulf %gather3A_150, %gather3A_150 : vector<16xf32>
        %add3A_157 = arith.addf %add3A_136, %mul3A_156 : vector<16xf32>
        %mul3A_158 = arith.mulf %gather3A_148, %gather3A_150 : vector<16xf32>
        %add3A_159 = arith.addf %add3A_138, %mul3A_158 : vector<16xf32>
        %mul3A_160 = arith.mulf %mul3A_151, %mul3A_151 : vector<16xf32>
        %add3A_161 = arith.addf %add3A_140, %mul3A_160 : vector<16xf32>
        %mul3A_162 = arith.mulf %mul3A_151, %gather3A_148 : vector<16xf32>
        %add3A_163 = arith.addf %add3A_142, %mul3A_162 : vector<16xf32>
        %mul3A_164 = arith.mulf %mul3A_151, %gather3A_150 : vector<16xf32>
        %add3A_165 = arith.addf %add3A_144, %mul3A_164 : vector<16xf32>
        %broadcast_in_dim3A_166 = arith.constant 2 : i32
        %broadcast_in_dim3A_167 = vector.broadcast %broadcast_in_dim3A_166 : i32 to vector<16xi32>
        %gather3A_168 = tpu.vector_load_idx %arg14[%add3A_123, %broadcast_in_dim3A_167] : memref<128x32xf32, #tpu.memory_space<vmem>>[vector<16xi32>, vector<16xi32>], vector<16xf32>,
        %gather3A_169 = tpu.vector_load_idx %arg15[%add3A_123, %broadcast_in_dim3A_167] : memref<128x32xf32, #tpu.memory_space<vmem>>[vector<16xi32>, vector<16xi32>], vector<16xf32>,
        %gather3A_170 = tpu.vector_load_idx %arg16[%add3A_123, %broadcast_in_dim3A_167] : memref<128x32xf32, #tpu.memory_space<vmem>>[vector<16xi32>, vector<16xi32>], vector<16xf32>,
        %gather3A_171 = tpu.vector_load_idx %arg17[%add3A_123, %broadcast_in_dim3A_167] : memref<128x32xf32, #tpu.memory_space<vmem>>[vector<16xi32>, vector<16xi32>], vector<16xf32>,
        %mul3A_172 = arith.mulf %gather3A_168, %gather3A_170 : vector<16xf32>
        %mul3A_173 = arith.mulf %gather3A_168, %gather3A_168 : vector<16xf32>
        %add3A_174 = arith.addf %add3A_153, %mul3A_173 : vector<16xf32>
        %mul3A_175 = arith.mulf %gather3A_169, %gather3A_169 : vector<16xf32>
        %add3A_176 = arith.addf %add3A_155, %mul3A_175 : vector<16xf32>
        %mul3A_177 = arith.mulf %gather3A_171, %gather3A_171 : vector<16xf32>
        %add3A_178 = arith.addf %add3A_157, %mul3A_177 : vector<16xf32>
        %mul3A_179 = arith.mulf %gather3A_169, %gather3A_171 : vector<16xf32>
        %add3A_180 = arith.addf %add3A_159, %mul3A_179 : vector<16xf32>
        %mul3A_181 = arith.mulf %mul3A_172, %mul3A_172 : vector<16xf32>
        %add3A_182 = arith.addf %add3A_161, %mul3A_181 : vector<16xf32>
        %mul3A_183 = arith.mulf %mul3A_172, %gather3A_169 : vector<16xf32>
        %add3A_184 = arith.addf %add3A_163, %mul3A_183 : vector<16xf32>
        %mul3A_185 = arith.mulf %mul3A_172, %gather3A_171 : vector<16xf32>
        %add3A_186 = arith.addf %add3A_165, %mul3A_185 : vector<16xf32>
        %broadcast_in_dim3A_187 = arith.constant 3 : i32
        %broadcast_in_dim3A_188 = vector.broadcast %broadcast_in_dim3A_187 : i32 to vector<16xi32>
        %gather3A_189 = tpu.vector_load_idx %arg14[%add3A_123, %broadcast_in_dim3A_188] : memref<128x32xf32, #tpu.memory_space<vmem>>[vector<16xi32>, vector<16xi32>], vector<16xf32>,
        %gather3A_190 = tpu.vector_load_idx %arg15[%add3A_123, %broadcast_in_dim3A_188] : memref<128x32xf32, #tpu.memory_space<vmem>>[vector<16xi32>, vector<16xi32>], vector<16xf32>,
        %gather3A_191 = tpu.vector_load_idx %arg16[%add3A_123, %broadcast_in_dim3A_188] : memref<128x32xf32, #tpu.memory_space<vmem>>[vector<16xi32>, vector<16xi32>], vector<16xf32>,
        %gather3A_192 = tpu.vector_load_idx %arg17[%add3A_123, %broadcast_in_dim3A_188] : memref<128x32xf32, #tpu.memory_space<vmem>>[vector<16xi32>, vector<16xi32>], vector<16xf32>,
        %mul3A_193 = arith.mulf %gather3A_189, %gather3A_191 : vector<16xf32>
        %mul3A_194 = arith.mulf %gather3A_189, %gather3A_189 : vector<16xf32>
        %add3A_195 = arith.addf %add3A_174, %mul3A_194 : vector<16xf32>
        %mul3A_196 = arith.mulf %gather3A_190, %gather3A_190 : vector<16xf32>
        %add3A_197 = arith.addf %add3A_176, %mul3A_196 : vector<16xf32>
        %mul3A_198 = arith.mulf %gather3A_192, %gather3A_192 : vector<16xf32>
        %add3A_199 = arith.addf %add3A_178, %mul3A_198 : vector<16xf32>
        %mul3A_200 = arith.mulf %gather3A_190, %gather3A_192 : vector<16xf32>
        %add3A_201 = arith.addf %add3A_180, %mul3A_200 : vector<16xf32>
        %mul3A_202 = arith.mulf %mul3A_193, %mul3A_193 : vector<16xf32>
        %add3A_203 = arith.addf %add3A_182, %mul3A_202 : vector<16xf32>
        %mul3A_204 = arith.mulf %mul3A_193, %gather3A_190 : vector<16xf32>
        %add3A_205 = arith.addf %add3A_184, %mul3A_204 : vector<16xf32>
        %mul3A_206 = arith.mulf %mul3A_193, %gather3A_192 : vector<16xf32>
        %add3A_207 = arith.addf %add3A_186, %mul3A_206 : vector<16xf32>
        %broadcast_in_dim3A_208 = arith.constant 4 : i32
        %broadcast_in_dim3A_209 = vector.broadcast %broadcast_in_dim3A_208 : i32 to vector<16xi32>
        %gather3A_210 = tpu.vector_load_idx %arg14[%add3A_123, %broadcast_in_dim3A_209] : memref<128x32xf32, #tpu.memory_space<vmem>>[vector<16xi32>, vector<16xi32>], vector<16xf32>,
        %gather3A_211 = tpu.vector_load_idx %arg15[%add3A_123, %broadcast_in_dim3A_209] : memref<128x32xf32, #tpu.memory_space<vmem>>[vector<16xi32>, vector<16xi32>], vector<16xf32>,
        %gather3A_212 = tpu.vector_load_idx %arg16[%add3A_123, %broadcast_in_dim3A_209] : memref<128x32xf32, #tpu.memory_space<vmem>>[vector<16xi32>, vector<16xi32>], vector<16xf32>,
        %gather3A_213 = tpu.vector_load_idx %arg17[%add3A_123, %broadcast_in_dim3A_209] : memref<128x32xf32, #tpu.memory_space<vmem>>[vector<16xi32>, vector<16xi32>], vector<16xf32>,
        %mul3A_214 = arith.mulf %gather3A_210, %gather3A_212 : vector<16xf32>
        %mul3A_215 = arith.mulf %gather3A_210, %gather3A_210 : vector<16xf32>
        %add3A_216 = arith.addf %add3A_195, %mul3A_215 : vector<16xf32>
        %mul3A_217 = arith.mulf %gather3A_211, %gather3A_211 : vector<16xf32>
        %add3A_218 = arith.addf %add3A_197, %mul3A_217 : vector<16xf32>
        %mul3A_219 = arith.mulf %gather3A_213, %gather3A_213 : vector<16xf32>
        %add3A_220 = arith.addf %add3A_199, %mul3A_219 : vector<16xf32>
        %mul3A_221 = arith.mulf %gather3A_211, %gather3A_213 : vector<16xf32>
        %add3A_222 = arith.addf %add3A_201, %mul3A_221 : vector<16xf32>
        %mul3A_223 = arith.mulf %mul3A_214, %mul3A_214 : vector<16xf32>
        %add3A_224 = arith.addf %add3A_203, %mul3A_223 : vector<16xf32>
        %mul3A_225 = arith.mulf %mul3A_214, %gather3A_211 : vector<16xf32>
        %add3A_226 = arith.addf %add3A_205, %mul3A_225 : vector<16xf32>
        %mul3A_227 = arith.mulf %mul3A_214, %gather3A_213 : vector<16xf32>
        %add3A_228 = arith.addf %add3A_207, %mul3A_227 : vector<16xf32>
        %broadcast_in_dim3A_229 = arith.constant 5 : i32
        %broadcast_in_dim3A_230 = vector.broadcast %broadcast_in_dim3A_229 : i32 to vector<16xi32>
        %gather3A_231 = tpu.vector_load_idx %arg14[%add3A_123, %broadcast_in_dim3A_230] : memref<128x32xf32, #tpu.memory_space<vmem>>[vector<16xi32>, vector<16xi32>], vector<16xf32>,
        %gather3A_232 = tpu.vector_load_idx %arg15[%add3A_123, %broadcast_in_dim3A_230] : memref<128x32xf32, #tpu.memory_space<vmem>>[vector<16xi32>, vector<16xi32>], vector<16xf32>,
        %gather3A_233 = tpu.vector_load_idx %arg16[%add3A_123, %broadcast_in_dim3A_230] : memref<128x32xf32, #tpu.memory_space<vmem>>[vector<16xi32>, vector<16xi32>], vector<16xf32>,
        %gather3A_234 = tpu.vector_load_idx %arg17[%add3A_123, %broadcast_in_dim3A_230] : memref<128x32xf32, #tpu.memory_space<vmem>>[vector<16xi32>, vector<16xi32>], vector<16xf32>,
        %mul3A_235 = arith.mulf %gather3A_231, %gather3A_233 : vector<16xf32>
        %mul3A_236 = arith.mulf %gather3A_231, %gather3A_231 : vector<16xf32>
        %add3A_237 = arith.addf %add3A_216, %mul3A_236 : vector<16xf32>
        %mul3A_238 = arith.mulf %gather3A_232, %gather3A_232 : vector<16xf32>
        %add3A_239 = arith.addf %add3A_218, %mul3A_238 : vector<16xf32>
        %mul3A_240 = arith.mulf %gather3A_234, %gather3A_234 : vector<16xf32>
        %add3A_241 = arith.addf %add3A_220, %mul3A_240 : vector<16xf32>
        %mul3A_242 = arith.mulf %gather3A_232, %gather3A_234 : vector<16xf32>
        %add3A_243 = arith.addf %add3A_222, %mul3A_242 : vector<16xf32>
        %mul3A_244 = arith.mulf %mul3A_235, %mul3A_235 : vector<16xf32>
        %add3A_245 = arith.addf %add3A_224, %mul3A_244 : vector<16xf32>
        %mul3A_246 = arith.mulf %mul3A_235, %gather3A_232 : vector<16xf32>
        %add3A_247 = arith.addf %add3A_226, %mul3A_246 : vector<16xf32>
        %mul3A_248 = arith.mulf %mul3A_235, %gather3A_234 : vector<16xf32>
        %add3A_249 = arith.addf %add3A_228, %mul3A_248 : vector<16xf32>
        %broadcast_in_dim3A_250 = arith.constant 6 : i32
        %broadcast_in_dim3A_251 = vector.broadcast %broadcast_in_dim3A_250 : i32 to vector<16xi32>
        %gather3A_252 = tpu.vector_load_idx %arg14[%add3A_123, %broadcast_in_dim3A_251] : memref<128x32xf32, #tpu.memory_space<vmem>>[vector<16xi32>, vector<16xi32>], vector<16xf32>,
        %gather3A_253 = tpu.vector_load_idx %arg15[%add3A_123, %broadcast_in_dim3A_251] : memref<128x32xf32, #tpu.memory_space<vmem>>[vector<16xi32>, vector<16xi32>], vector<16xf32>,
        %gather3A_254 = tpu.vector_load_idx %arg16[%add3A_123, %broadcast_in_dim3A_251] : memref<128x32xf32, #tpu.memory_space<vmem>>[vector<16xi32>, vector<16xi32>], vector<16xf32>,
        %gather3A_255 = tpu.vector_load_idx %arg17[%add3A_123, %broadcast_in_dim3A_251] : memref<128x32xf32, #tpu.memory_space<vmem>>[vector<16xi32>, vector<16xi32>], vector<16xf32>,
        %mul3A_256 = arith.mulf %gather3A_252, %gather3A_254 : vector<16xf32>
        %mul3A_257 = arith.mulf %gather3A_252, %gather3A_252 : vector<16xf32>
        %add3A_258 = arith.addf %add3A_237, %mul3A_257 : vector<16xf32>
        %mul3A_259 = arith.mulf %gather3A_253, %gather3A_253 : vector<16xf32>
        %add3A_260 = arith.addf %add3A_239, %mul3A_259 : vector<16xf32>
        %mul3A_261 = arith.mulf %gather3A_255, %gather3A_255 : vector<16xf32>
        %add3A_262 = arith.addf %add3A_241, %mul3A_261 : vector<16xf32>
        %mul3A_263 = arith.mulf %gather3A_253, %gather3A_255 : vector<16xf32>
        %add3A_264 = arith.addf %add3A_243, %mul3A_263 : vector<16xf32>
        %mul3A_265 = arith.mulf %mul3A_256, %mul3A_256 : vector<16xf32>
        %add3A_266 = arith.addf %add3A_245, %mul3A_265 : vector<16xf32>
        %mul3A_267 = arith.mulf %mul3A_256, %gather3A_253 : vector<16xf32>
        %add3A_268 = arith.addf %add3A_247, %mul3A_267 : vector<16xf32>
        %mul3A_269 = arith.mulf %mul3A_256, %gather3A_255 : vector<16xf32>
        %add3A_270 = arith.addf %add3A_249, %mul3A_269 : vector<16xf32>
        %broadcast_in_dim3A_271 = arith.constant 7 : i32
        %broadcast_in_dim3A_272 = vector.broadcast %broadcast_in_dim3A_271 : i32 to vector<16xi32>
        %gather3A_273 = tpu.vector_load_idx %arg14[%add3A_123, %broadcast_in_dim3A_272] : memref<128x32xf32, #tpu.memory_space<vmem>>[vector<16xi32>, vector<16xi32>], vector<16xf32>,
        %gather3A_274 = tpu.vector_load_idx %arg15[%add3A_123, %broadcast_in_dim3A_272] : memref<128x32xf32, #tpu.memory_space<vmem>>[vector<16xi32>, vector<16xi32>], vector<16xf32>,
        %gather3A_275 = tpu.vector_load_idx %arg16[%add3A_123, %broadcast_in_dim3A_272] : memref<128x32xf32, #tpu.memory_space<vmem>>[vector<16xi32>, vector<16xi32>], vector<16xf32>,
        %gather3A_276 = tpu.vector_load_idx %arg17[%add3A_123, %broadcast_in_dim3A_272] : memref<128x32xf32, #tpu.memory_space<vmem>>[vector<16xi32>, vector<16xi32>], vector<16xf32>,
        %mul3A_277 = arith.mulf %gather3A_273, %gather3A_275 : vector<16xf32>
        %mul3A_278 = arith.mulf %gather3A_273, %gather3A_273 : vector<16xf32>
        %add3A_279 = arith.addf %add3A_258, %mul3A_278 : vector<16xf32>
        %mul3A_280 = arith.mulf %gather3A_274, %gather3A_274 : vector<16xf32>
        %add3A_281 = arith.addf %add3A_260, %mul3A_280 : vector<16xf32>
        %mul3A_282 = arith.mulf %gather3A_276, %gather3A_276 : vector<16xf32>
        %add3A_283 = arith.addf %add3A_262, %mul3A_282 : vector<16xf32>
        %mul3A_284 = arith.mulf %gather3A_274, %gather3A_276 : vector<16xf32>
        %add3A_285 = arith.addf %add3A_264, %mul3A_284 : vector<16xf32>
        %mul3A_286 = arith.mulf %mul3A_277, %mul3A_277 : vector<16xf32>
        %add3A_287 = arith.addf %add3A_266, %mul3A_286 : vector<16xf32>
        %mul3A_288 = arith.mulf %mul3A_277, %gather3A_274 : vector<16xf32>
        %add3A_289 = arith.addf %add3A_268, %mul3A_288 : vector<16xf32>
        %mul3A_290 = arith.mulf %mul3A_277, %gather3A_276 : vector<16xf32>
        %add3A_291 = arith.addf %add3A_270, %mul3A_290 : vector<16xf32>
        %broadcast_in_dim3A_292 = arith.constant 8 : i32
        %broadcast_in_dim3A_293 = vector.broadcast %broadcast_in_dim3A_292 : i32 to vector<16xi32>
        %gather3A_294 = tpu.vector_load_idx %arg14[%add3A_123, %broadcast_in_dim3A_293] : memref<128x32xf32, #tpu.memory_space<vmem>>[vector<16xi32>, vector<16xi32>], vector<16xf32>,
        %gather3A_295 = tpu.vector_load_idx %arg15[%add3A_123, %broadcast_in_dim3A_293] : memref<128x32xf32, #tpu.memory_space<vmem>>[vector<16xi32>, vector<16xi32>], vector<16xf32>,
        %gather3A_296 = tpu.vector_load_idx %arg16[%add3A_123, %broadcast_in_dim3A_293] : memref<128x32xf32, #tpu.memory_space<vmem>>[vector<16xi32>, vector<16xi32>], vector<16xf32>,
        %gather3A_297 = tpu.vector_load_idx %arg17[%add3A_123, %broadcast_in_dim3A_293] : memref<128x32xf32, #tpu.memory_space<vmem>>[vector<16xi32>, vector<16xi32>], vector<16xf32>,
        %mul3A_298 = arith.mulf %gather3A_294, %gather3A_296 : vector<16xf32>
        %mul3A_299 = arith.mulf %gather3A_294, %gather3A_294 : vector<16xf32>
        %add3A_300 = arith.addf %add3A_279, %mul3A_299 : vector<16xf32>
        %mul3A_301 = arith.mulf %gather3A_295, %gather3A_295 : vector<16xf32>
        %add3A_302 = arith.addf %add3A_281, %mul3A_301 : vector<16xf32>
        %mul3A_303 = arith.mulf %gather3A_297, %gather3A_297 : vector<16xf32>
        %add3A_304 = arith.addf %add3A_283, %mul3A_303 : vector<16xf32>
        %mul3A_305 = arith.mulf %gather3A_295, %gather3A_297 : vector<16xf32>
        %add3A_306 = arith.addf %add3A_285, %mul3A_305 : vector<16xf32>
        %mul3A_307 = arith.mulf %mul3A_298, %mul3A_298 : vector<16xf32>
        %add3A_308 = arith.addf %add3A_287, %mul3A_307 : vector<16xf32>
        %mul3A_309 = arith.mulf %mul3A_298, %gather3A_295 : vector<16xf32>
        %add3A_310 = arith.addf %add3A_289, %mul3A_309 : vector<16xf32>
        %mul3A_311 = arith.mulf %mul3A_298, %gather3A_297 : vector<16xf32>
        %add3A_312 = arith.addf %add3A_291, %mul3A_311 : vector<16xf32>
        %broadcast_in_dim3A_313 = arith.constant 9 : i32
        %broadcast_in_dim3A_314 = vector.broadcast %broadcast_in_dim3A_313 : i32 to vector<16xi32>
        %gather3A_315 = tpu.vector_load_idx %arg14[%add3A_123, %broadcast_in_dim3A_314] : memref<128x32xf32, #tpu.memory_space<vmem>>[vector<16xi32>, vector<16xi32>], vector<16xf32>,
        %gather3A_316 = tpu.vector_load_idx %arg15[%add3A_123, %broadcast_in_dim3A_314] : memref<128x32xf32, #tpu.memory_space<vmem>>[vector<16xi32>, vector<16xi32>], vector<16xf32>,
        %gather3A_317 = tpu.vector_load_idx %arg16[%add3A_123, %broadcast_in_dim3A_314] : memref<128x32xf32, #tpu.memory_space<vmem>>[vector<16xi32>, vector<16xi32>], vector<16xf32>,
        %gather3A_318 = tpu.vector_load_idx %arg17[%add3A_123, %broadcast_in_dim3A_314] : memref<128x32xf32, #tpu.memory_space<vmem>>[vector<16xi32>, vector<16xi32>], vector<16xf32>,
        %mul3A_319 = arith.mulf %gather3A_315, %gather3A_317 : vector<16xf32>
        %mul3A_320 = arith.mulf %gather3A_315, %gather3A_315 : vector<16xf32>
        %add3A_321 = arith.addf %add3A_300, %mul3A_320 : vector<16xf32>
        %mul3A_322 = arith.mulf %gather3A_316, %gather3A_316 : vector<16xf32>
        %add3A_323 = arith.addf %add3A_302, %mul3A_322 : vector<16xf32>
        %mul3A_324 = arith.mulf %gather3A_318, %gather3A_318 : vector<16xf32>
        %add3A_325 = arith.addf %add3A_304, %mul3A_324 : vector<16xf32>
        %mul3A_326 = arith.mulf %gather3A_316, %gather3A_318 : vector<16xf32>
        %add3A_327 = arith.addf %add3A_306, %mul3A_326 : vector<16xf32>
        %mul3A_328 = arith.mulf %mul3A_319, %mul3A_319 : vector<16xf32>
        %add3A_329 = arith.addf %add3A_308, %mul3A_328 : vector<16xf32>
        %mul3A_330 = arith.mulf %mul3A_319, %gather3A_316 : vector<16xf32>
        %add3A_331 = arith.addf %add3A_310, %mul3A_330 : vector<16xf32>
        %mul3A_332 = arith.mulf %mul3A_319, %gather3A_318 : vector<16xf32>
        %add3A_333 = arith.addf %add3A_312, %mul3A_332 : vector<16xf32>
        %broadcast_in_dim3A_334 = arith.constant 10 : i32
        %broadcast_in_dim3A_335 = vector.broadcast %broadcast_in_dim3A_334 : i32 to vector<16xi32>
        %gather3A_336 = tpu.vector_load_idx %arg14[%add3A_123, %broadcast_in_dim3A_335] : memref<128x32xf32, #tpu.memory_space<vmem>>[vector<16xi32>, vector<16xi32>], vector<16xf32>,
        %gather3A_337 = tpu.vector_load_idx %arg15[%add3A_123, %broadcast_in_dim3A_335] : memref<128x32xf32, #tpu.memory_space<vmem>>[vector<16xi32>, vector<16xi32>], vector<16xf32>,
        %gather3A_338 = tpu.vector_load_idx %arg16[%add3A_123, %broadcast_in_dim3A_335] : memref<128x32xf32, #tpu.memory_space<vmem>>[vector<16xi32>, vector<16xi32>], vector<16xf32>,
        %gather3A_339 = tpu.vector_load_idx %arg17[%add3A_123, %broadcast_in_dim3A_335] : memref<128x32xf32, #tpu.memory_space<vmem>>[vector<16xi32>, vector<16xi32>], vector<16xf32>,
        %mul3A_340 = arith.mulf %gather3A_336, %gather3A_338 : vector<16xf32>
        %mul3A_341 = arith.mulf %gather3A_336, %gather3A_336 : vector<16xf32>
        %add3A_342 = arith.addf %add3A_321, %mul3A_341 : vector<16xf32>
        %mul3A_343 = arith.mulf %gather3A_337, %gather3A_337 : vector<16xf32>
        %add3A_344 = arith.addf %add3A_323, %mul3A_343 : vector<16xf32>
        %mul3A_345 = arith.mulf %gather3A_339, %gather3A_339 : vector<16xf32>
        %add3A_346 = arith.addf %add3A_325, %mul3A_345 : vector<16xf32>
        %mul3A_347 = arith.mulf %gather3A_337, %gather3A_339 : vector<16xf32>
        %add3A_348 = arith.addf %add3A_327, %mul3A_347 : vector<16xf32>
        %mul3A_349 = arith.mulf %mul3A_340, %mul3A_340 : vector<16xf32>
        %add3A_350 = arith.addf %add3A_329, %mul3A_349 : vector<16xf32>
        %mul3A_351 = arith.mulf %mul3A_340, %gather3A_337 : vector<16xf32>
        %add3A_352 = arith.addf %add3A_331, %mul3A_351 : vector<16xf32>
        %mul3A_353 = arith.mulf %mul3A_340, %gather3A_339 : vector<16xf32>
        %add3A_354 = arith.addf %add3A_333, %mul3A_353 : vector<16xf32>
        %broadcast_in_dim3A_355 = arith.constant 11 : i32
        %broadcast_in_dim3A_356 = vector.broadcast %broadcast_in_dim3A_355 : i32 to vector<16xi32>
        %gather3A_357 = tpu.vector_load_idx %arg14[%add3A_123, %broadcast_in_dim3A_356] : memref<128x32xf32, #tpu.memory_space<vmem>>[vector<16xi32>, vector<16xi32>], vector<16xf32>,
        %gather3A_358 = tpu.vector_load_idx %arg15[%add3A_123, %broadcast_in_dim3A_356] : memref<128x32xf32, #tpu.memory_space<vmem>>[vector<16xi32>, vector<16xi32>], vector<16xf32>,
        %gather3A_359 = tpu.vector_load_idx %arg16[%add3A_123, %broadcast_in_dim3A_356] : memref<128x32xf32, #tpu.memory_space<vmem>>[vector<16xi32>, vector<16xi32>], vector<16xf32>,
        %gather3A_360 = tpu.vector_load_idx %arg17[%add3A_123, %broadcast_in_dim3A_356] : memref<128x32xf32, #tpu.memory_space<vmem>>[vector<16xi32>, vector<16xi32>], vector<16xf32>,
        %mul3A_361 = arith.mulf %gather3A_357, %gather3A_359 : vector<16xf32>
        %mul3A_362 = arith.mulf %gather3A_357, %gather3A_357 : vector<16xf32>
        %add3A_363 = arith.addf %add3A_342, %mul3A_362 : vector<16xf32>
        %mul3A_364 = arith.mulf %gather3A_358, %gather3A_358 : vector<16xf32>
        %add3A_365 = arith.addf %add3A_344, %mul3A_364 : vector<16xf32>
        %mul3A_366 = arith.mulf %gather3A_360, %gather3A_360 : vector<16xf32>
        %add3A_367 = arith.addf %add3A_346, %mul3A_366 : vector<16xf32>
        %mul3A_368 = arith.mulf %gather3A_358, %gather3A_360 : vector<16xf32>
        %add3A_369 = arith.addf %add3A_348, %mul3A_368 : vector<16xf32>
        %mul3A_370 = arith.mulf %mul3A_361, %mul3A_361 : vector<16xf32>
        %add3A_371 = arith.addf %add3A_350, %mul3A_370 : vector<16xf32>
        %mul3A_372 = arith.mulf %mul3A_361, %gather3A_358 : vector<16xf32>
        %add3A_373 = arith.addf %add3A_352, %mul3A_372 : vector<16xf32>
        %mul3A_374 = arith.mulf %mul3A_361, %gather3A_360 : vector<16xf32>
        %add3A_375 = arith.addf %add3A_354, %mul3A_374 : vector<16xf32>
        %broadcast_in_dim3A_376 = arith.constant 12 : i32
        %broadcast_in_dim3A_377 = vector.broadcast %broadcast_in_dim3A_376 : i32 to vector<16xi32>
        %gather3A_378 = tpu.vector_load_idx %arg14[%add3A_123, %broadcast_in_dim3A_377] : memref<128x32xf32, #tpu.memory_space<vmem>>[vector<16xi32>, vector<16xi32>], vector<16xf32>,
        %gather3A_379 = tpu.vector_load_idx %arg15[%add3A_123, %broadcast_in_dim3A_377] : memref<128x32xf32, #tpu.memory_space<vmem>>[vector<16xi32>, vector<16xi32>], vector<16xf32>,
        %gather3A_380 = tpu.vector_load_idx %arg16[%add3A_123, %broadcast_in_dim3A_377] : memref<128x32xf32, #tpu.memory_space<vmem>>[vector<16xi32>, vector<16xi32>], vector<16xf32>,
        %gather3A_381 = tpu.vector_load_idx %arg17[%add3A_123, %broadcast_in_dim3A_377] : memref<128x32xf32, #tpu.memory_space<vmem>>[vector<16xi32>, vector<16xi32>], vector<16xf32>,
        %mul3A_382 = arith.mulf %gather3A_378, %gather3A_380 : vector<16xf32>
        %mul3A_383 = arith.mulf %gather3A_378, %gather3A_378 : vector<16xf32>
        %add3A_384 = arith.addf %add3A_363, %mul3A_383 : vector<16xf32>
        %mul3A_385 = arith.mulf %gather3A_379, %gather3A_379 : vector<16xf32>
        %add3A_386 = arith.addf %add3A_365, %mul3A_385 : vector<16xf32>
        %mul3A_387 = arith.mulf %gather3A_381, %gather3A_381 : vector<16xf32>
        %add3A_388 = arith.addf %add3A_367, %mul3A_387 : vector<16xf32>
        %mul3A_389 = arith.mulf %gather3A_379, %gather3A_381 : vector<16xf32>
        %add3A_390 = arith.addf %add3A_369, %mul3A_389 : vector<16xf32>
        %mul3A_391 = arith.mulf %mul3A_382, %mul3A_382 : vector<16xf32>
        %add3A_392 = arith.addf %add3A_371, %mul3A_391 : vector<16xf32>
        %mul3A_393 = arith.mulf %mul3A_382, %gather3A_379 : vector<16xf32>
        %add3A_394 = arith.addf %add3A_373, %mul3A_393 : vector<16xf32>
        %mul3A_395 = arith.mulf %mul3A_382, %gather3A_381 : vector<16xf32>
        %add3A_396 = arith.addf %add3A_375, %mul3A_395 : vector<16xf32>
        %broadcast_in_dim3A_397 = arith.constant 13 : i32
        %broadcast_in_dim3A_398 = vector.broadcast %broadcast_in_dim3A_397 : i32 to vector<16xi32>
        %gather3A_399 = tpu.vector_load_idx %arg14[%add3A_123, %broadcast_in_dim3A_398] : memref<128x32xf32, #tpu.memory_space<vmem>>[vector<16xi32>, vector<16xi32>], vector<16xf32>,
        %gather3A_400 = tpu.vector_load_idx %arg15[%add3A_123, %broadcast_in_dim3A_398] : memref<128x32xf32, #tpu.memory_space<vmem>>[vector<16xi32>, vector<16xi32>], vector<16xf32>,
        %gather3A_401 = tpu.vector_load_idx %arg16[%add3A_123, %broadcast_in_dim3A_398] : memref<128x32xf32, #tpu.memory_space<vmem>>[vector<16xi32>, vector<16xi32>], vector<16xf32>,
        %gather3A_402 = tpu.vector_load_idx %arg17[%add3A_123, %broadcast_in_dim3A_398] : memref<128x32xf32, #tpu.memory_space<vmem>>[vector<16xi32>, vector<16xi32>], vector<16xf32>,
        %mul3A_403 = arith.mulf %gather3A_399, %gather3A_401 : vector<16xf32>
        %mul3A_404 = arith.mulf %gather3A_399, %gather3A_399 : vector<16xf32>
        %add3A_405 = arith.addf %add3A_384, %mul3A_404 : vector<16xf32>
        %mul3A_406 = arith.mulf %gather3A_400, %gather3A_400 : vector<16xf32>
        %add3A_407 = arith.addf %add3A_386, %mul3A_406 : vector<16xf32>
        %mul3A_408 = arith.mulf %gather3A_402, %gather3A_402 : vector<16xf32>
        %add3A_409 = arith.addf %add3A_388, %mul3A_408 : vector<16xf32>
        %mul3A_410 = arith.mulf %gather3A_400, %gather3A_402 : vector<16xf32>
        %add3A_411 = arith.addf %add3A_390, %mul3A_410 : vector<16xf32>
        %mul3A_412 = arith.mulf %mul3A_403, %mul3A_403 : vector<16xf32>
        %add3A_413 = arith.addf %add3A_392, %mul3A_412 : vector<16xf32>
        %mul3A_414 = arith.mulf %mul3A_403, %gather3A_400 : vector<16xf32>
        %add3A_415 = arith.addf %add3A_394, %mul3A_414 : vector<16xf32>
        %mul3A_416 = arith.mulf %mul3A_403, %gather3A_402 : vector<16xf32>
        %add3A_417 = arith.addf %add3A_396, %mul3A_416 : vector<16xf32>
        %broadcast_in_dim3A_418 = arith.constant 14 : i32
        %broadcast_in_dim3A_419 = vector.broadcast %broadcast_in_dim3A_418 : i32 to vector<16xi32>
        %gather3A_420 = tpu.vector_load_idx %arg14[%add3A_123, %broadcast_in_dim3A_419] : memref<128x32xf32, #tpu.memory_space<vmem>>[vector<16xi32>, vector<16xi32>], vector<16xf32>,
        %gather3A_421 = tpu.vector_load_idx %arg15[%add3A_123, %broadcast_in_dim3A_419] : memref<128x32xf32, #tpu.memory_space<vmem>>[vector<16xi32>, vector<16xi32>], vector<16xf32>,
        %gather3A_422 = tpu.vector_load_idx %arg16[%add3A_123, %broadcast_in_dim3A_419] : memref<128x32xf32, #tpu.memory_space<vmem>>[vector<16xi32>, vector<16xi32>], vector<16xf32>,
        %gather3A_423 = tpu.vector_load_idx %arg17[%add3A_123, %broadcast_in_dim3A_419] : memref<128x32xf32, #tpu.memory_space<vmem>>[vector<16xi32>, vector<16xi32>], vector<16xf32>,
        %mul3A_424 = arith.mulf %gather3A_420, %gather3A_422 : vector<16xf32>
        %mul3A_425 = arith.mulf %gather3A_420, %gather3A_420 : vector<16xf32>
        %add3A_426 = arith.addf %add3A_405, %mul3A_425 : vector<16xf32>
        %mul3A_427 = arith.mulf %gather3A_421, %gather3A_421 : vector<16xf32>
        %add3A_428 = arith.addf %add3A_407, %mul3A_427 : vector<16xf32>
        %mul3A_429 = arith.mulf %gather3A_423, %gather3A_423 : vector<16xf32>
        %add3A_430 = arith.addf %add3A_409, %mul3A_429 : vector<16xf32>
        %mul3A_431 = arith.mulf %gather3A_421, %gather3A_423 : vector<16xf32>
        %add3A_432 = arith.addf %add3A_411, %mul3A_431 : vector<16xf32>
        %mul3A_433 = arith.mulf %mul3A_424, %mul3A_424 : vector<16xf32>
        %add3A_434 = arith.addf %add3A_413, %mul3A_433 : vector<16xf32>
        %mul3A_435 = arith.mulf %mul3A_424, %gather3A_421 : vector<16xf32>
        %add3A_436 = arith.addf %add3A_415, %mul3A_435 : vector<16xf32>
        %mul3A_437 = arith.mulf %mul3A_424, %gather3A_423 : vector<16xf32>
        %add3A_438 = arith.addf %add3A_417, %mul3A_437 : vector<16xf32>
        %broadcast_in_dim3A_439 = arith.constant 15 : i32
        %broadcast_in_dim3A_440 = vector.broadcast %broadcast_in_dim3A_439 : i32 to vector<16xi32>
        %gather3A_441 = tpu.vector_load_idx %arg14[%add3A_123, %broadcast_in_dim3A_440] : memref<128x32xf32, #tpu.memory_space<vmem>>[vector<16xi32>, vector<16xi32>], vector<16xf32>,
        %gather3A_442 = tpu.vector_load_idx %arg15[%add3A_123, %broadcast_in_dim3A_440] : memref<128x32xf32, #tpu.memory_space<vmem>>[vector<16xi32>, vector<16xi32>], vector<16xf32>,
        %gather3A_443 = tpu.vector_load_idx %arg16[%add3A_123, %broadcast_in_dim3A_440] : memref<128x32xf32, #tpu.memory_space<vmem>>[vector<16xi32>, vector<16xi32>], vector<16xf32>,
        %gather3A_444 = tpu.vector_load_idx %arg17[%add3A_123, %broadcast_in_dim3A_440] : memref<128x32xf32, #tpu.memory_space<vmem>>[vector<16xi32>, vector<16xi32>], vector<16xf32>,
        %mul3A_445 = arith.mulf %gather3A_441, %gather3A_443 : vector<16xf32>
        %mul3A_446 = arith.mulf %gather3A_441, %gather3A_441 : vector<16xf32>
        %add3A_447 = arith.addf %add3A_426, %mul3A_446 : vector<16xf32>
        %mul3A_448 = arith.mulf %gather3A_442, %gather3A_442 : vector<16xf32>
        %add3A_449 = arith.addf %add3A_428, %mul3A_448 : vector<16xf32>
        %mul3A_450 = arith.mulf %gather3A_444, %gather3A_444 : vector<16xf32>
        %add3A_451 = arith.addf %add3A_430, %mul3A_450 : vector<16xf32>
        %mul3A_452 = arith.mulf %gather3A_442, %gather3A_444 : vector<16xf32>
        %add3A_453 = arith.addf %add3A_432, %mul3A_452 : vector<16xf32>
        %mul3A_454 = arith.mulf %mul3A_445, %mul3A_445 : vector<16xf32>
        %add3A_455 = arith.addf %add3A_434, %mul3A_454 : vector<16xf32>
        %mul3A_456 = arith.mulf %mul3A_445, %gather3A_442 : vector<16xf32>
        %add3A_457 = arith.addf %add3A_436, %mul3A_456 : vector<16xf32>
        %mul3A_458 = arith.mulf %mul3A_445, %gather3A_444 : vector<16xf32>
        %add3A_459 = arith.addf %add3A_438, %mul3A_458 : vector<16xf32>
        %broadcast_in_dim3A_460 = arith.constant 16 : i32
        %broadcast_in_dim3A_461 = vector.broadcast %broadcast_in_dim3A_460 : i32 to vector<16xi32>
        %gather3A_462 = tpu.vector_load_idx %arg14[%add3A_123, %broadcast_in_dim3A_461] : memref<128x32xf32, #tpu.memory_space<vmem>>[vector<16xi32>, vector<16xi32>], vector<16xf32>,
        %gather3A_463 = tpu.vector_load_idx %arg15[%add3A_123, %broadcast_in_dim3A_461] : memref<128x32xf32, #tpu.memory_space<vmem>>[vector<16xi32>, vector<16xi32>], vector<16xf32>,
        %gather3A_464 = tpu.vector_load_idx %arg16[%add3A_123, %broadcast_in_dim3A_461] : memref<128x32xf32, #tpu.memory_space<vmem>>[vector<16xi32>, vector<16xi32>], vector<16xf32>,
        %gather3A_465 = tpu.vector_load_idx %arg17[%add3A_123, %broadcast_in_dim3A_461] : memref<128x32xf32, #tpu.memory_space<vmem>>[vector<16xi32>, vector<16xi32>], vector<16xf32>,
        %mul3A_466 = arith.mulf %gather3A_462, %gather3A_464 : vector<16xf32>
        %mul3A_467 = arith.mulf %gather3A_462, %gather3A_462 : vector<16xf32>
        %add3A_468 = arith.addf %add3A_447, %mul3A_467 : vector<16xf32>
        %mul3A_469 = arith.mulf %gather3A_463, %gather3A_463 : vector<16xf32>
        %add3A_470 = arith.addf %add3A_449, %mul3A_469 : vector<16xf32>
        %mul3A_471 = arith.mulf %gather3A_465, %gather3A_465 : vector<16xf32>
        %add3A_472 = arith.addf %add3A_451, %mul3A_471 : vector<16xf32>
        %mul3A_473 = arith.mulf %gather3A_463, %gather3A_465 : vector<16xf32>
        %add3A_474 = arith.addf %add3A_453, %mul3A_473 : vector<16xf32>
        %mul3A_475 = arith.mulf %mul3A_466, %mul3A_466 : vector<16xf32>
        %add3A_476 = arith.addf %add3A_455, %mul3A_475 : vector<16xf32>
        %mul3A_477 = arith.mulf %mul3A_466, %gather3A_463 : vector<16xf32>
        %add3A_478 = arith.addf %add3A_457, %mul3A_477 : vector<16xf32>
        %mul3A_479 = arith.mulf %mul3A_466, %gather3A_465 : vector<16xf32>
        %add3A_480 = arith.addf %add3A_459, %mul3A_479 : vector<16xf32>
        %broadcast_in_dim3A_481 = arith.constant 17 : i32
        %broadcast_in_dim3A_482 = vector.broadcast %broadcast_in_dim3A_481 : i32 to vector<16xi32>
        %gather3A_483 = tpu.vector_load_idx %arg14[%add3A_123, %broadcast_in_dim3A_482] : memref<128x32xf32, #tpu.memory_space<vmem>>[vector<16xi32>, vector<16xi32>], vector<16xf32>,
        %gather3A_484 = tpu.vector_load_idx %arg15[%add3A_123, %broadcast_in_dim3A_482] : memref<128x32xf32, #tpu.memory_space<vmem>>[vector<16xi32>, vector<16xi32>], vector<16xf32>,
        %gather3A_485 = tpu.vector_load_idx %arg16[%add3A_123, %broadcast_in_dim3A_482] : memref<128x32xf32, #tpu.memory_space<vmem>>[vector<16xi32>, vector<16xi32>], vector<16xf32>,
        %gather3A_486 = tpu.vector_load_idx %arg17[%add3A_123, %broadcast_in_dim3A_482] : memref<128x32xf32, #tpu.memory_space<vmem>>[vector<16xi32>, vector<16xi32>], vector<16xf32>,
        %mul3A_487 = arith.mulf %gather3A_483, %gather3A_485 : vector<16xf32>
        %mul3A_488 = arith.mulf %gather3A_483, %gather3A_483 : vector<16xf32>
        %add3A_489 = arith.addf %add3A_468, %mul3A_488 : vector<16xf32>
        %mul3A_490 = arith.mulf %gather3A_484, %gather3A_484 : vector<16xf32>
        %add3A_491 = arith.addf %add3A_470, %mul3A_490 : vector<16xf32>
        %mul3A_492 = arith.mulf %gather3A_486, %gather3A_486 : vector<16xf32>
        %add3A_493 = arith.addf %add3A_472, %mul3A_492 : vector<16xf32>
        %mul3A_494 = arith.mulf %gather3A_484, %gather3A_486 : vector<16xf32>
        %add3A_495 = arith.addf %add3A_474, %mul3A_494 : vector<16xf32>
        %mul3A_496 = arith.mulf %mul3A_487, %mul3A_487 : vector<16xf32>
        %add3A_497 = arith.addf %add3A_476, %mul3A_496 : vector<16xf32>
        %mul3A_498 = arith.mulf %mul3A_487, %gather3A_484 : vector<16xf32>
        %add3A_499 = arith.addf %add3A_478, %mul3A_498 : vector<16xf32>
        %mul3A_500 = arith.mulf %mul3A_487, %gather3A_486 : vector<16xf32>
        %add3A_501 = arith.addf %add3A_480, %mul3A_500 : vector<16xf32>
        %broadcast_in_dim3A_502 = arith.constant 18 : i32
        %broadcast_in_dim3A_503 = vector.broadcast %broadcast_in_dim3A_502 : i32 to vector<16xi32>
        %gather3A_504 = tpu.vector_load_idx %arg14[%add3A_123, %broadcast_in_dim3A_503] : memref<128x32xf32, #tpu.memory_space<vmem>>[vector<16xi32>, vector<16xi32>], vector<16xf32>,
        %gather3A_505 = tpu.vector_load_idx %arg15[%add3A_123, %broadcast_in_dim3A_503] : memref<128x32xf32, #tpu.memory_space<vmem>>[vector<16xi32>, vector<16xi32>], vector<16xf32>,
        %gather3A_506 = tpu.vector_load_idx %arg16[%add3A_123, %broadcast_in_dim3A_503] : memref<128x32xf32, #tpu.memory_space<vmem>>[vector<16xi32>, vector<16xi32>], vector<16xf32>,
        %gather3A_507 = tpu.vector_load_idx %arg17[%add3A_123, %broadcast_in_dim3A_503] : memref<128x32xf32, #tpu.memory_space<vmem>>[vector<16xi32>, vector<16xi32>], vector<16xf32>,
        %mul3A_508 = arith.mulf %gather3A_504, %gather3A_506 : vector<16xf32>
        %mul3A_509 = arith.mulf %gather3A_504, %gather3A_504 : vector<16xf32>
        %add3A_510 = arith.addf %add3A_489, %mul3A_509 : vector<16xf32>
        %mul3A_511 = arith.mulf %gather3A_505, %gather3A_505 : vector<16xf32>
        %add3A_512 = arith.addf %add3A_491, %mul3A_511 : vector<16xf32>
        %mul3A_513 = arith.mulf %gather3A_507, %gather3A_507 : vector<16xf32>
        %add3A_514 = arith.addf %add3A_493, %mul3A_513 : vector<16xf32>
        %mul3A_515 = arith.mulf %gather3A_505, %gather3A_507 : vector<16xf32>
        %add3A_516 = arith.addf %add3A_495, %mul3A_515 : vector<16xf32>
        %mul3A_517 = arith.mulf %mul3A_508, %mul3A_508 : vector<16xf32>
        %add3A_518 = arith.addf %add3A_497, %mul3A_517 : vector<16xf32>
        %mul3A_519 = arith.mulf %mul3A_508, %gather3A_505 : vector<16xf32>
        %add3A_520 = arith.addf %add3A_499, %mul3A_519 : vector<16xf32>
        %mul3A_521 = arith.mulf %mul3A_508, %gather3A_507 : vector<16xf32>
        %add3A_522 = arith.addf %add3A_501, %mul3A_521 : vector<16xf32>
        %broadcast_in_dim3A_523 = arith.constant 19 : i32
        %broadcast_in_dim3A_524 = vector.broadcast %broadcast_in_dim3A_523 : i32 to vector<16xi32>
        %gather3A_525 = tpu.vector_load_idx %arg14[%add3A_123, %broadcast_in_dim3A_524] : memref<128x32xf32, #tpu.memory_space<vmem>>[vector<16xi32>, vector<16xi32>], vector<16xf32>,
        %gather3A_526 = tpu.vector_load_idx %arg15[%add3A_123, %broadcast_in_dim3A_524] : memref<128x32xf32, #tpu.memory_space<vmem>>[vector<16xi32>, vector<16xi32>], vector<16xf32>,
        %gather3A_527 = tpu.vector_load_idx %arg16[%add3A_123, %broadcast_in_dim3A_524] : memref<128x32xf32, #tpu.memory_space<vmem>>[vector<16xi32>, vector<16xi32>], vector<16xf32>,
        %gather3A_528 = tpu.vector_load_idx %arg17[%add3A_123, %broadcast_in_dim3A_524] : memref<128x32xf32, #tpu.memory_space<vmem>>[vector<16xi32>, vector<16xi32>], vector<16xf32>,
        %mul3A_529 = arith.mulf %gather3A_525, %gather3A_527 : vector<16xf32>
        %mul3A_530 = arith.mulf %gather3A_525, %gather3A_525 : vector<16xf32>
        %add3A_531 = arith.addf %add3A_510, %mul3A_530 : vector<16xf32>
        %mul3A_532 = arith.mulf %gather3A_526, %gather3A_526 : vector<16xf32>
        %add3A_533 = arith.addf %add3A_512, %mul3A_532 : vector<16xf32>
        %mul3A_534 = arith.mulf %gather3A_528, %gather3A_528 : vector<16xf32>
        %add3A_535 = arith.addf %add3A_514, %mul3A_534 : vector<16xf32>
        %mul3A_536 = arith.mulf %gather3A_526, %gather3A_528 : vector<16xf32>
        %add3A_537 = arith.addf %add3A_516, %mul3A_536 : vector<16xf32>
        %mul3A_538 = arith.mulf %mul3A_529, %mul3A_529 : vector<16xf32>
        %add3A_539 = arith.addf %add3A_518, %mul3A_538 : vector<16xf32>
        %mul3A_540 = arith.mulf %mul3A_529, %gather3A_526 : vector<16xf32>
        %add3A_541 = arith.addf %add3A_520, %mul3A_540 : vector<16xf32>
        %mul3A_542 = arith.mulf %mul3A_529, %gather3A_528 : vector<16xf32>
        %add3A_543 = arith.addf %add3A_522, %mul3A_542 : vector<16xf32>
        %broadcast_in_dim3A_544 = arith.constant 20 : i32
        %broadcast_in_dim3A_545 = vector.broadcast %broadcast_in_dim3A_544 : i32 to vector<16xi32>
        %gather3A_546 = tpu.vector_load_idx %arg14[%add3A_123, %broadcast_in_dim3A_545] : memref<128x32xf32, #tpu.memory_space<vmem>>[vector<16xi32>, vector<16xi32>], vector<16xf32>,
        %gather3A_547 = tpu.vector_load_idx %arg15[%add3A_123, %broadcast_in_dim3A_545] : memref<128x32xf32, #tpu.memory_space<vmem>>[vector<16xi32>, vector<16xi32>], vector<16xf32>,
        %gather3A_548 = tpu.vector_load_idx %arg16[%add3A_123, %broadcast_in_dim3A_545] : memref<128x32xf32, #tpu.memory_space<vmem>>[vector<16xi32>, vector<16xi32>], vector<16xf32>,
        %gather3A_549 = tpu.vector_load_idx %arg17[%add3A_123, %broadcast_in_dim3A_545] : memref<128x32xf32, #tpu.memory_space<vmem>>[vector<16xi32>, vector<16xi32>], vector<16xf32>,
        %mul3A_550 = arith.mulf %gather3A_546, %gather3A_548 : vector<16xf32>
        %mul3A_551 = arith.mulf %gather3A_546, %gather3A_546 : vector<16xf32>
        %add3A_552 = arith.addf %add3A_531, %mul3A_551 : vector<16xf32>
        %mul3A_553 = arith.mulf %gather3A_547, %gather3A_547 : vector<16xf32>
        %add3A_554 = arith.addf %add3A_533, %mul3A_553 : vector<16xf32>
        %mul3A_555 = arith.mulf %gather3A_549, %gather3A_549 : vector<16xf32>
        %add3A_556 = arith.addf %add3A_535, %mul3A_555 : vector<16xf32>
        %mul3A_557 = arith.mulf %gather3A_547, %gather3A_549 : vector<16xf32>
        %add3A_558 = arith.addf %add3A_537, %mul3A_557 : vector<16xf32>
        %mul3A_559 = arith.mulf %mul3A_550, %mul3A_550 : vector<16xf32>
        %add3A_560 = arith.addf %add3A_539, %mul3A_559 : vector<16xf32>
        %mul3A_561 = arith.mulf %mul3A_550, %gather3A_547 : vector<16xf32>
        %add3A_562 = arith.addf %add3A_541, %mul3A_561 : vector<16xf32>
        %mul3A_563 = arith.mulf %mul3A_550, %gather3A_549 : vector<16xf32>
        %add3A_564 = arith.addf %add3A_543, %mul3A_563 : vector<16xf32>
        %broadcast_in_dim3A_565 = arith.constant 21 : i32
        %broadcast_in_dim3A_566 = vector.broadcast %broadcast_in_dim3A_565 : i32 to vector<16xi32>
        %gather3A_567 = tpu.vector_load_idx %arg14[%add3A_123, %broadcast_in_dim3A_566] : memref<128x32xf32, #tpu.memory_space<vmem>>[vector<16xi32>, vector<16xi32>], vector<16xf32>,
        %gather3A_568 = tpu.vector_load_idx %arg15[%add3A_123, %broadcast_in_dim3A_566] : memref<128x32xf32, #tpu.memory_space<vmem>>[vector<16xi32>, vector<16xi32>], vector<16xf32>,
        %gather3A_569 = tpu.vector_load_idx %arg16[%add3A_123, %broadcast_in_dim3A_566] : memref<128x32xf32, #tpu.memory_space<vmem>>[vector<16xi32>, vector<16xi32>], vector<16xf32>,
        %gather3A_570 = tpu.vector_load_idx %arg17[%add3A_123, %broadcast_in_dim3A_566] : memref<128x32xf32, #tpu.memory_space<vmem>>[vector<16xi32>, vector<16xi32>], vector<16xf32>,
        %mul3A_571 = arith.mulf %gather3A_567, %gather3A_569 : vector<16xf32>
        %mul3A_572 = arith.mulf %gather3A_567, %gather3A_567 : vector<16xf32>
        %add3A_573 = arith.addf %add3A_552, %mul3A_572 : vector<16xf32>
        %mul3A_574 = arith.mulf %gather3A_568, %gather3A_568 : vector<16xf32>
        %add3A_575 = arith.addf %add3A_554, %mul3A_574 : vector<16xf32>
        %mul3A_576 = arith.mulf %gather3A_570, %gather3A_570 : vector<16xf32>
        %add3A_577 = arith.addf %add3A_556, %mul3A_576 : vector<16xf32>
        %mul3A_578 = arith.mulf %gather3A_568, %gather3A_570 : vector<16xf32>
        %add3A_579 = arith.addf %add3A_558, %mul3A_578 : vector<16xf32>
        %mul3A_580 = arith.mulf %mul3A_571, %mul3A_571 : vector<16xf32>
        %add3A_581 = arith.addf %add3A_560, %mul3A_580 : vector<16xf32>
        %mul3A_582 = arith.mulf %mul3A_571, %gather3A_568 : vector<16xf32>
        %add3A_583 = arith.addf %add3A_562, %mul3A_582 : vector<16xf32>
        %mul3A_584 = arith.mulf %mul3A_571, %gather3A_570 : vector<16xf32>
        %add3A_585 = arith.addf %add3A_564, %mul3A_584 : vector<16xf32>
        %broadcast_in_dim3A_586 = arith.constant 22 : i32
        %broadcast_in_dim3A_587 = vector.broadcast %broadcast_in_dim3A_586 : i32 to vector<16xi32>
        %gather3A_588 = tpu.vector_load_idx %arg14[%add3A_123, %broadcast_in_dim3A_587] : memref<128x32xf32, #tpu.memory_space<vmem>>[vector<16xi32>, vector<16xi32>], vector<16xf32>,
        %gather3A_589 = tpu.vector_load_idx %arg15[%add3A_123, %broadcast_in_dim3A_587] : memref<128x32xf32, #tpu.memory_space<vmem>>[vector<16xi32>, vector<16xi32>], vector<16xf32>,
        %gather3A_590 = tpu.vector_load_idx %arg16[%add3A_123, %broadcast_in_dim3A_587] : memref<128x32xf32, #tpu.memory_space<vmem>>[vector<16xi32>, vector<16xi32>], vector<16xf32>,
        %gather3A_591 = tpu.vector_load_idx %arg17[%add3A_123, %broadcast_in_dim3A_587] : memref<128x32xf32, #tpu.memory_space<vmem>>[vector<16xi32>, vector<16xi32>], vector<16xf32>,
        %mul3A_592 = arith.mulf %gather3A_588, %gather3A_590 : vector<16xf32>
        %mul3A_593 = arith.mulf %gather3A_588, %gather3A_588 : vector<16xf32>
        %add3A_594 = arith.addf %add3A_573, %mul3A_593 : vector<16xf32>
        %mul3A_595 = arith.mulf %gather3A_589, %gather3A_589 : vector<16xf32>
        %add3A_596 = arith.addf %add3A_575, %mul3A_595 : vector<16xf32>
        %mul3A_597 = arith.mulf %gather3A_591, %gather3A_591 : vector<16xf32>
        %add3A_598 = arith.addf %add3A_577, %mul3A_597 : vector<16xf32>
        %mul3A_599 = arith.mulf %gather3A_589, %gather3A_591 : vector<16xf32>
        %add3A_600 = arith.addf %add3A_579, %mul3A_599 : vector<16xf32>
        %mul3A_601 = arith.mulf %mul3A_592, %mul3A_592 : vector<16xf32>
        %add3A_602 = arith.addf %add3A_581, %mul3A_601 : vector<16xf32>
        %mul3A_603 = arith.mulf %mul3A_592, %gather3A_589 : vector<16xf32>
        %add3A_604 = arith.addf %add3A_583, %mul3A_603 : vector<16xf32>
        %mul3A_605 = arith.mulf %mul3A_592, %gather3A_591 : vector<16xf32>
        %add3A_606 = arith.addf %add3A_585, %mul3A_605 : vector<16xf32>
        %broadcast_in_dim3A_607 = arith.constant 23 : i32
        %broadcast_in_dim3A_608 = vector.broadcast %broadcast_in_dim3A_607 : i32 to vector<16xi32>
        %gather3A_609 = tpu.vector_load_idx %arg14[%add3A_123, %broadcast_in_dim3A_608] : memref<128x32xf32, #tpu.memory_space<vmem>>[vector<16xi32>, vector<16xi32>], vector<16xf32>,
        %gather3A_610 = tpu.vector_load_idx %arg15[%add3A_123, %broadcast_in_dim3A_608] : memref<128x32xf32, #tpu.memory_space<vmem>>[vector<16xi32>, vector<16xi32>], vector<16xf32>,
        %gather3A_611 = tpu.vector_load_idx %arg16[%add3A_123, %broadcast_in_dim3A_608] : memref<128x32xf32, #tpu.memory_space<vmem>>[vector<16xi32>, vector<16xi32>], vector<16xf32>,
        %gather3A_612 = tpu.vector_load_idx %arg17[%add3A_123, %broadcast_in_dim3A_608] : memref<128x32xf32, #tpu.memory_space<vmem>>[vector<16xi32>, vector<16xi32>], vector<16xf32>,
        %mul3A_613 = arith.mulf %gather3A_609, %gather3A_611 : vector<16xf32>
        %mul3A_614 = arith.mulf %gather3A_609, %gather3A_609 : vector<16xf32>
        %add3A_615 = arith.addf %add3A_594, %mul3A_614 : vector<16xf32>
        %mul3A_616 = arith.mulf %gather3A_610, %gather3A_610 : vector<16xf32>
        %add3A_617 = arith.addf %add3A_596, %mul3A_616 : vector<16xf32>
        %mul3A_618 = arith.mulf %gather3A_612, %gather3A_612 : vector<16xf32>
        %add3A_619 = arith.addf %add3A_598, %mul3A_618 : vector<16xf32>
        %mul3A_620 = arith.mulf %gather3A_610, %gather3A_612 : vector<16xf32>
        %add3A_621 = arith.addf %add3A_600, %mul3A_620 : vector<16xf32>
        %mul3A_622 = arith.mulf %mul3A_613, %mul3A_613 : vector<16xf32>
        %add3A_623 = arith.addf %add3A_602, %mul3A_622 : vector<16xf32>
        %mul3A_624 = arith.mulf %mul3A_613, %gather3A_610 : vector<16xf32>
        %add3A_625 = arith.addf %add3A_604, %mul3A_624 : vector<16xf32>
        %mul3A_626 = arith.mulf %mul3A_613, %gather3A_612 : vector<16xf32>
        %add3A_627 = arith.addf %add3A_606, %mul3A_626 : vector<16xf32>
        %broadcast_in_dim3A_628 = arith.constant 24 : i32
        %broadcast_in_dim3A_629 = vector.broadcast %broadcast_in_dim3A_628 : i32 to vector<16xi32>
        %gather3A_630 = tpu.vector_load_idx %arg14[%add3A_123, %broadcast_in_dim3A_629] : memref<128x32xf32, #tpu.memory_space<vmem>>[vector<16xi32>, vector<16xi32>], vector<16xf32>,
        %gather3A_631 = tpu.vector_load_idx %arg15[%add3A_123, %broadcast_in_dim3A_629] : memref<128x32xf32, #tpu.memory_space<vmem>>[vector<16xi32>, vector<16xi32>], vector<16xf32>,
        %gather3A_632 = tpu.vector_load_idx %arg16[%add3A_123, %broadcast_in_dim3A_629] : memref<128x32xf32, #tpu.memory_space<vmem>>[vector<16xi32>, vector<16xi32>], vector<16xf32>,
        %gather3A_633 = tpu.vector_load_idx %arg17[%add3A_123, %broadcast_in_dim3A_629] : memref<128x32xf32, #tpu.memory_space<vmem>>[vector<16xi32>, vector<16xi32>], vector<16xf32>,
        %mul3A_634 = arith.mulf %gather3A_630, %gather3A_632 : vector<16xf32>
        %mul3A_635 = arith.mulf %gather3A_630, %gather3A_630 : vector<16xf32>
        %add3A_636 = arith.addf %add3A_615, %mul3A_635 : vector<16xf32>
        %mul3A_637 = arith.mulf %gather3A_631, %gather3A_631 : vector<16xf32>
        %add3A_638 = arith.addf %add3A_617, %mul3A_637 : vector<16xf32>
        %mul3A_639 = arith.mulf %gather3A_633, %gather3A_633 : vector<16xf32>
        %add3A_640 = arith.addf %add3A_619, %mul3A_639 : vector<16xf32>
        %mul3A_641 = arith.mulf %gather3A_631, %gather3A_633 : vector<16xf32>
        %add3A_642 = arith.addf %add3A_621, %mul3A_641 : vector<16xf32>
        %mul3A_643 = arith.mulf %mul3A_634, %mul3A_634 : vector<16xf32>
        %add3A_644 = arith.addf %add3A_623, %mul3A_643 : vector<16xf32>
        %mul3A_645 = arith.mulf %mul3A_634, %gather3A_631 : vector<16xf32>
        %add3A_646 = arith.addf %add3A_625, %mul3A_645 : vector<16xf32>
        %mul3A_647 = arith.mulf %mul3A_634, %gather3A_633 : vector<16xf32>
        %add3A_648 = arith.addf %add3A_627, %mul3A_647 : vector<16xf32>
        %broadcast_in_dim3A_649 = arith.constant 25 : i32
        %broadcast_in_dim3A_650 = vector.broadcast %broadcast_in_dim3A_649 : i32 to vector<16xi32>
        %gather3A_651 = tpu.vector_load_idx %arg14[%add3A_123, %broadcast_in_dim3A_650] : memref<128x32xf32, #tpu.memory_space<vmem>>[vector<16xi32>, vector<16xi32>], vector<16xf32>,
        %gather3A_652 = tpu.vector_load_idx %arg15[%add3A_123, %broadcast_in_dim3A_650] : memref<128x32xf32, #tpu.memory_space<vmem>>[vector<16xi32>, vector<16xi32>], vector<16xf32>,
        %gather3A_653 = tpu.vector_load_idx %arg16[%add3A_123, %broadcast_in_dim3A_650] : memref<128x32xf32, #tpu.memory_space<vmem>>[vector<16xi32>, vector<16xi32>], vector<16xf32>,
        %gather3A_654 = tpu.vector_load_idx %arg17[%add3A_123, %broadcast_in_dim3A_650] : memref<128x32xf32, #tpu.memory_space<vmem>>[vector<16xi32>, vector<16xi32>], vector<16xf32>,
        %mul3A_655 = arith.mulf %gather3A_651, %gather3A_653 : vector<16xf32>
        %mul3A_656 = arith.mulf %gather3A_651, %gather3A_651 : vector<16xf32>
        %add3A_657 = arith.addf %add3A_636, %mul3A_656 : vector<16xf32>
        %mul3A_658 = arith.mulf %gather3A_652, %gather3A_652 : vector<16xf32>
        %add3A_659 = arith.addf %add3A_638, %mul3A_658 : vector<16xf32>
        %mul3A_660 = arith.mulf %gather3A_654, %gather3A_654 : vector<16xf32>
        %add3A_661 = arith.addf %add3A_640, %mul3A_660 : vector<16xf32>
        %mul3A_662 = arith.mulf %gather3A_652, %gather3A_654 : vector<16xf32>
        %add3A_663 = arith.addf %add3A_642, %mul3A_662 : vector<16xf32>
        %mul3A_664 = arith.mulf %mul3A_655, %mul3A_655 : vector<16xf32>
        %add3A_665 = arith.addf %add3A_644, %mul3A_664 : vector<16xf32>
        %mul3A_666 = arith.mulf %mul3A_655, %gather3A_652 : vector<16xf32>
        %add3A_667 = arith.addf %add3A_646, %mul3A_666 : vector<16xf32>
        %mul3A_668 = arith.mulf %mul3A_655, %gather3A_654 : vector<16xf32>
        %add3A_669 = arith.addf %add3A_648, %mul3A_668 : vector<16xf32>
        %broadcast_in_dim3A_670 = arith.constant 26 : i32
        %broadcast_in_dim3A_671 = vector.broadcast %broadcast_in_dim3A_670 : i32 to vector<16xi32>
        %gather3A_672 = tpu.vector_load_idx %arg14[%add3A_123, %broadcast_in_dim3A_671] : memref<128x32xf32, #tpu.memory_space<vmem>>[vector<16xi32>, vector<16xi32>], vector<16xf32>,
        %gather3A_673 = tpu.vector_load_idx %arg15[%add3A_123, %broadcast_in_dim3A_671] : memref<128x32xf32, #tpu.memory_space<vmem>>[vector<16xi32>, vector<16xi32>], vector<16xf32>,
        %gather3A_674 = tpu.vector_load_idx %arg16[%add3A_123, %broadcast_in_dim3A_671] : memref<128x32xf32, #tpu.memory_space<vmem>>[vector<16xi32>, vector<16xi32>], vector<16xf32>,
        %gather3A_675 = tpu.vector_load_idx %arg17[%add3A_123, %broadcast_in_dim3A_671] : memref<128x32xf32, #tpu.memory_space<vmem>>[vector<16xi32>, vector<16xi32>], vector<16xf32>,
        %mul3A_676 = arith.mulf %gather3A_672, %gather3A_674 : vector<16xf32>
        %mul3A_677 = arith.mulf %gather3A_672, %gather3A_672 : vector<16xf32>
        %add3A_678 = arith.addf %add3A_657, %mul3A_677 : vector<16xf32>
        %mul3A_679 = arith.mulf %gather3A_673, %gather3A_673 : vector<16xf32>
        %add3A_680 = arith.addf %add3A_659, %mul3A_679 : vector<16xf32>
        %mul3A_681 = arith.mulf %gather3A_675, %gather3A_675 : vector<16xf32>
        %add3A_682 = arith.addf %add3A_661, %mul3A_681 : vector<16xf32>
        %mul3A_683 = arith.mulf %gather3A_673, %gather3A_675 : vector<16xf32>
        %add3A_684 = arith.addf %add3A_663, %mul3A_683 : vector<16xf32>
        %mul3A_685 = arith.mulf %mul3A_676, %mul3A_676 : vector<16xf32>
        %add3A_686 = arith.addf %add3A_665, %mul3A_685 : vector<16xf32>
        %mul3A_687 = arith.mulf %mul3A_676, %gather3A_673 : vector<16xf32>
        %add3A_688 = arith.addf %add3A_667, %mul3A_687 : vector<16xf32>
        %mul3A_689 = arith.mulf %mul3A_676, %gather3A_675 : vector<16xf32>
        %add3A_690 = arith.addf %add3A_669, %mul3A_689 : vector<16xf32>
        %broadcast_in_dim3A_691 = arith.constant 27 : i32
        %broadcast_in_dim3A_692 = vector.broadcast %broadcast_in_dim3A_691 : i32 to vector<16xi32>
        %gather3A_693 = tpu.vector_load_idx %arg14[%add3A_123, %broadcast_in_dim3A_692] : memref<128x32xf32, #tpu.memory_space<vmem>>[vector<16xi32>, vector<16xi32>], vector<16xf32>,
        %gather3A_694 = tpu.vector_load_idx %arg15[%add3A_123, %broadcast_in_dim3A_692] : memref<128x32xf32, #tpu.memory_space<vmem>>[vector<16xi32>, vector<16xi32>], vector<16xf32>,
        %gather3A_695 = tpu.vector_load_idx %arg16[%add3A_123, %broadcast_in_dim3A_692] : memref<128x32xf32, #tpu.memory_space<vmem>>[vector<16xi32>, vector<16xi32>], vector<16xf32>,
        %gather3A_696 = tpu.vector_load_idx %arg17[%add3A_123, %broadcast_in_dim3A_692] : memref<128x32xf32, #tpu.memory_space<vmem>>[vector<16xi32>, vector<16xi32>], vector<16xf32>,
        %mul3A_697 = arith.mulf %gather3A_693, %gather3A_695 : vector<16xf32>
        %mul3A_698 = arith.mulf %gather3A_693, %gather3A_693 : vector<16xf32>
        %add3A_699 = arith.addf %add3A_678, %mul3A_698 : vector<16xf32>
        %mul3A_700 = arith.mulf %gather3A_694, %gather3A_694 : vector<16xf32>
        %add3A_701 = arith.addf %add3A_680, %mul3A_700 : vector<16xf32>
        %mul3A_702 = arith.mulf %gather3A_696, %gather3A_696 : vector<16xf32>
        %add3A_703 = arith.addf %add3A_682, %mul3A_702 : vector<16xf32>
        %mul3A_704 = arith.mulf %gather3A_694, %gather3A_696 : vector<16xf32>
        %add3A_705 = arith.addf %add3A_684, %mul3A_704 : vector<16xf32>
        %mul3A_706 = arith.mulf %mul3A_697, %mul3A_697 : vector<16xf32>
        %add3A_707 = arith.addf %add3A_686, %mul3A_706 : vector<16xf32>
        %mul3A_708 = arith.mulf %mul3A_697, %gather3A_694 : vector<16xf32>
        %add3A_709 = arith.addf %add3A_688, %mul3A_708 : vector<16xf32>
        %mul3A_710 = arith.mulf %mul3A_697, %gather3A_696 : vector<16xf32>
        %add3A_711 = arith.addf %add3A_690, %mul3A_710 : vector<16xf32>
        %broadcast_in_dim3A_712 = arith.constant 28 : i32
        %broadcast_in_dim3A_713 = vector.broadcast %broadcast_in_dim3A_712 : i32 to vector<16xi32>
        %gather3A_714 = tpu.vector_load_idx %arg14[%add3A_123, %broadcast_in_dim3A_713] : memref<128x32xf32, #tpu.memory_space<vmem>>[vector<16xi32>, vector<16xi32>], vector<16xf32>,
        %gather3A_715 = tpu.vector_load_idx %arg15[%add3A_123, %broadcast_in_dim3A_713] : memref<128x32xf32, #tpu.memory_space<vmem>>[vector<16xi32>, vector<16xi32>], vector<16xf32>,
        %gather3A_716 = tpu.vector_load_idx %arg16[%add3A_123, %broadcast_in_dim3A_713] : memref<128x32xf32, #tpu.memory_space<vmem>>[vector<16xi32>, vector<16xi32>], vector<16xf32>,
        %gather3A_717 = tpu.vector_load_idx %arg17[%add3A_123, %broadcast_in_dim3A_713] : memref<128x32xf32, #tpu.memory_space<vmem>>[vector<16xi32>, vector<16xi32>], vector<16xf32>,
        %mul3A_718 = arith.mulf %gather3A_714, %gather3A_716 : vector<16xf32>
        %mul3A_719 = arith.mulf %gather3A_714, %gather3A_714 : vector<16xf32>
        %add3A_720 = arith.addf %add3A_699, %mul3A_719 : vector<16xf32>
        %mul3A_721 = arith.mulf %gather3A_715, %gather3A_715 : vector<16xf32>
        %add3A_722 = arith.addf %add3A_701, %mul3A_721 : vector<16xf32>
        %mul3A_723 = arith.mulf %gather3A_717, %gather3A_717 : vector<16xf32>
        %add3A_724 = arith.addf %add3A_703, %mul3A_723 : vector<16xf32>
        %mul3A_725 = arith.mulf %gather3A_715, %gather3A_717 : vector<16xf32>
        %add3A_726 = arith.addf %add3A_705, %mul3A_725 : vector<16xf32>
        %mul3A_727 = arith.mulf %mul3A_718, %mul3A_718 : vector<16xf32>
        %add3A_728 = arith.addf %add3A_707, %mul3A_727 : vector<16xf32>
        %mul3A_729 = arith.mulf %mul3A_718, %gather3A_715 : vector<16xf32>
        %add3A_730 = arith.addf %add3A_709, %mul3A_729 : vector<16xf32>
        %mul3A_731 = arith.mulf %mul3A_718, %gather3A_717 : vector<16xf32>
        %add3A_732 = arith.addf %add3A_711, %mul3A_731 : vector<16xf32>
        %broadcast_in_dim3A_733 = arith.constant 29 : i32
        %broadcast_in_dim3A_734 = vector.broadcast %broadcast_in_dim3A_733 : i32 to vector<16xi32>
        %gather3A_735 = tpu.vector_load_idx %arg14[%add3A_123, %broadcast_in_dim3A_734] : memref<128x32xf32, #tpu.memory_space<vmem>>[vector<16xi32>, vector<16xi32>], vector<16xf32>,
        %gather3A_736 = tpu.vector_load_idx %arg15[%add3A_123, %broadcast_in_dim3A_734] : memref<128x32xf32, #tpu.memory_space<vmem>>[vector<16xi32>, vector<16xi32>], vector<16xf32>,
        %gather3A_737 = tpu.vector_load_idx %arg16[%add3A_123, %broadcast_in_dim3A_734] : memref<128x32xf32, #tpu.memory_space<vmem>>[vector<16xi32>, vector<16xi32>], vector<16xf32>,
        %gather3A_738 = tpu.vector_load_idx %arg17[%add3A_123, %broadcast_in_dim3A_734] : memref<128x32xf32, #tpu.memory_space<vmem>>[vector<16xi32>, vector<16xi32>], vector<16xf32>,
        %mul3A_739 = arith.mulf %gather3A_735, %gather3A_737 : vector<16xf32>
        %mul3A_740 = arith.mulf %gather3A_735, %gather3A_735 : vector<16xf32>
        %add3A_741 = arith.addf %add3A_720, %mul3A_740 : vector<16xf32>
        %mul3A_742 = arith.mulf %gather3A_736, %gather3A_736 : vector<16xf32>
        %add3A_743 = arith.addf %add3A_722, %mul3A_742 : vector<16xf32>
        %mul3A_744 = arith.mulf %gather3A_738, %gather3A_738 : vector<16xf32>
        %add3A_745 = arith.addf %add3A_724, %mul3A_744 : vector<16xf32>
        %mul3A_746 = arith.mulf %gather3A_736, %gather3A_738 : vector<16xf32>
        %add3A_747 = arith.addf %add3A_726, %mul3A_746 : vector<16xf32>
        %mul3A_748 = arith.mulf %mul3A_739, %mul3A_739 : vector<16xf32>
        %add3A_749 = arith.addf %add3A_728, %mul3A_748 : vector<16xf32>
        %mul3A_750 = arith.mulf %mul3A_739, %gather3A_736 : vector<16xf32>
        %add3A_751 = arith.addf %add3A_730, %mul3A_750 : vector<16xf32>
        %mul3A_752 = arith.mulf %mul3A_739, %gather3A_738 : vector<16xf32>
        %add3A_753 = arith.addf %add3A_732, %mul3A_752 : vector<16xf32>
        %broadcast_in_dim3A_754 = arith.constant 30 : i32
        %broadcast_in_dim3A_755 = vector.broadcast %broadcast_in_dim3A_754 : i32 to vector<16xi32>
        %gather3A_756 = tpu.vector_load_idx %arg14[%add3A_123, %broadcast_in_dim3A_755] : memref<128x32xf32, #tpu.memory_space<vmem>>[vector<16xi32>, vector<16xi32>], vector<16xf32>,
        %gather3A_757 = tpu.vector_load_idx %arg15[%add3A_123, %broadcast_in_dim3A_755] : memref<128x32xf32, #tpu.memory_space<vmem>>[vector<16xi32>, vector<16xi32>], vector<16xf32>,
        %gather3A_758 = tpu.vector_load_idx %arg16[%add3A_123, %broadcast_in_dim3A_755] : memref<128x32xf32, #tpu.memory_space<vmem>>[vector<16xi32>, vector<16xi32>], vector<16xf32>,
        %gather3A_759 = tpu.vector_load_idx %arg17[%add3A_123, %broadcast_in_dim3A_755] : memref<128x32xf32, #tpu.memory_space<vmem>>[vector<16xi32>, vector<16xi32>], vector<16xf32>,
        %mul3A_760 = arith.mulf %gather3A_756, %gather3A_758 : vector<16xf32>
        %mul3A_761 = arith.mulf %gather3A_756, %gather3A_756 : vector<16xf32>
        %add3A_762 = arith.addf %add3A_741, %mul3A_761 : vector<16xf32>
        %mul3A_763 = arith.mulf %gather3A_757, %gather3A_757 : vector<16xf32>
        %add3A_764 = arith.addf %add3A_743, %mul3A_763 : vector<16xf32>
        %mul3A_765 = arith.mulf %gather3A_759, %gather3A_759 : vector<16xf32>
        %add3A_766 = arith.addf %add3A_745, %mul3A_765 : vector<16xf32>
        %mul3A_767 = arith.mulf %gather3A_757, %gather3A_759 : vector<16xf32>
        %add3A_768 = arith.addf %add3A_747, %mul3A_767 : vector<16xf32>
        %mul3A_769 = arith.mulf %mul3A_760, %mul3A_760 : vector<16xf32>
        %add3A_770 = arith.addf %add3A_749, %mul3A_769 : vector<16xf32>
        %mul3A_771 = arith.mulf %mul3A_760, %gather3A_757 : vector<16xf32>
        %add3A_772 = arith.addf %add3A_751, %mul3A_771 : vector<16xf32>
        %mul3A_773 = arith.mulf %mul3A_760, %gather3A_759 : vector<16xf32>
        %add3A_774 = arith.addf %add3A_753, %mul3A_773 : vector<16xf32>
        %broadcast_in_dim3A_775 = arith.constant 31 : i32
        %broadcast_in_dim3A_776 = vector.broadcast %broadcast_in_dim3A_775 : i32 to vector<16xi32>
        %gather3A_777 = tpu.vector_load_idx %arg14[%add3A_123, %broadcast_in_dim3A_776] : memref<128x32xf32, #tpu.memory_space<vmem>>[vector<16xi32>, vector<16xi32>], vector<16xf32>,
        %gather3A_778 = tpu.vector_load_idx %arg15[%add3A_123, %broadcast_in_dim3A_776] : memref<128x32xf32, #tpu.memory_space<vmem>>[vector<16xi32>, vector<16xi32>], vector<16xf32>,
        %gather3A_779 = tpu.vector_load_idx %arg16[%add3A_123, %broadcast_in_dim3A_776] : memref<128x32xf32, #tpu.memory_space<vmem>>[vector<16xi32>, vector<16xi32>], vector<16xf32>,
        %gather3A_780 = tpu.vector_load_idx %arg17[%add3A_123, %broadcast_in_dim3A_776] : memref<128x32xf32, #tpu.memory_space<vmem>>[vector<16xi32>, vector<16xi32>], vector<16xf32>,
        %mul3A_781 = arith.mulf %gather3A_777, %gather3A_779 : vector<16xf32>
        %mul3A_782 = arith.mulf %gather3A_777, %gather3A_777 : vector<16xf32>
        %add3A_783 = arith.addf %add3A_762, %mul3A_782 : vector<16xf32>
        %mul3A_784 = arith.mulf %gather3A_778, %gather3A_778 : vector<16xf32>
        %add3A_785 = arith.addf %add3A_764, %mul3A_784 : vector<16xf32>
        %mul3A_786 = arith.mulf %gather3A_780, %gather3A_780 : vector<16xf32>
        %add3A_787 = arith.addf %add3A_766, %mul3A_786 : vector<16xf32>
        %mul3A_788 = arith.mulf %gather3A_778, %gather3A_780 : vector<16xf32>
        %add3A_789 = arith.addf %add3A_768, %mul3A_788 : vector<16xf32>
        %mul3A_790 = arith.mulf %mul3A_781, %mul3A_781 : vector<16xf32>
        %add3A_791 = arith.addf %add3A_770, %mul3A_790 : vector<16xf32>
        %mul3A_792 = arith.mulf %mul3A_781, %gather3A_778 : vector<16xf32>
        %add3A_793 = arith.addf %add3A_772, %mul3A_792 : vector<16xf32>
        %mul3A_794 = arith.mulf %mul3A_781, %gather3A_780 : vector<16xf32>
        %add3A_795 = arith.addf %add3A_774, %mul3A_794 : vector<16xf32>
        %bitcast3A = vector.bitcast %add3A_783 : vector<16xf32> to vector<16xi32>
        %shift_right_logical3A = arith.constant 1 : i32
        %shift_right_logical3A_796 = vector.broadcast %shift_right_logical3A : i32 to vector<16xi32>
        %shift_right_logical3A_797 = arith.shrui %bitcast3A, %shift_right_logical3A_796 : vector<16xi32>
        %sub3A = arith.constant 1597463007 : i32
        %sub3A_798 = vector.broadcast %sub3A : i32 to vector<16xi32>
        %sub3A_799 = arith.subi %sub3A_798, %shift_right_logical3A_797 : vector<16xi32>
        %bitcast3A_800 = vector.bitcast %sub3A_799 : vector<16xi32> to vector<16xf32>
        %mul3A_801 = arith.constant 5.000000e-01 : f32
        %mul3A_802 = vector.broadcast %mul3A_801 : f32 to vector<16xf32>
        %mul3A_803 = arith.mulf %mul3A_802, %add3A_783 : vector<16xf32>
        %mul3A_804 = arith.mulf %mul3A_803, %bitcast3A_800 : vector<16xf32>
        %mul3A_805 = arith.mulf %mul3A_804, %bitcast3A_800 : vector<16xf32>
        %sub3A_806 = arith.constant 1.500000e+00 : f32
        %sub3A_807 = vector.broadcast %sub3A_806 : f32 to vector<16xf32>
        %sub3A_808 = arith.subf %sub3A_807, %mul3A_805 : vector<16xf32>
        %mul3A_809 = arith.mulf %bitcast3A_800, %sub3A_808 : vector<16xf32>
        %mul3A_810 = arith.constant 5.000000e-01 : f32
        %mul3A_811 = vector.broadcast %mul3A_810 : f32 to vector<16xf32>
        %mul3A_812 = arith.mulf %mul3A_811, %add3A_783 : vector<16xf32>
        %mul3A_813 = arith.mulf %mul3A_812, %mul3A_809 : vector<16xf32>
        %mul3A_814 = arith.mulf %mul3A_813, %mul3A_809 : vector<16xf32>
        %sub3A_815 = arith.constant 1.500000e+00 : f32
        %sub3A_816 = vector.broadcast %sub3A_815 : f32 to vector<16xf32>
        %sub3A_817 = arith.subf %sub3A_816, %mul3A_814 : vector<16xf32>
        %mul3A_818 = arith.mulf %mul3A_809, %sub3A_817 : vector<16xf32>
        %mul3A_819 = arith.constant 5.000000e-01 : f32
        %mul3A_820 = vector.broadcast %mul3A_819 : f32 to vector<16xf32>
        %mul3A_821 = arith.mulf %mul3A_820, %add3A_783 : vector<16xf32>
        %mul3A_822 = arith.mulf %mul3A_821, %mul3A_818 : vector<16xf32>
        %mul3A_823 = arith.mulf %mul3A_822, %mul3A_818 : vector<16xf32>
        %sub3A_824 = arith.constant 1.500000e+00 : f32
        %sub3A_825 = vector.broadcast %sub3A_824 : f32 to vector<16xf32>
        %sub3A_826 = arith.subf %sub3A_825, %mul3A_823 : vector<16xf32>
        %mul3A_827 = arith.mulf %mul3A_818, %sub3A_826 : vector<16xf32>
        %mul3A_828 = arith.mulf %add3A_783, %mul3A_827 : vector<16xf32>
        %ge3A = arith.constant 1.000000e+00 : f32
        %ge3A_829 = vector.broadcast %ge3A : f32 to vector<16xf32>
        %ge3A_830 = arith.cmpf oge, %mul3A_828, %ge3A_829 : vector<16xf32>
        %sub3A_831 = arith.constant 9.99999974E-6 : f32
        %sub3A_832 = vector.broadcast %sub3A_831 : f32 to vector<16xf32>
        %sub3A_833 = arith.subf %mul3A_828, %sub3A_832 : vector<16xf32>
        %div3A = arith.constant 1.000000e+00 : f32
        %div3A_834 = vector.broadcast %div3A : f32 to vector<16xf32>
        %div3A_835 = arith.divf %div3A_834, %sub3A_833 : vector<16xf32>
        %jit3A = arith.constant 1.000000e+00 : f32
        %broadcast_in_dim3A_836 = vector.broadcast %jit3A : f32 to vector<16xf32>
        %select_n3A = arith.select %ge3A_830, %div3A_835, %broadcast_in_dim3A_836 : vector<16xi1>, vector<16xf32>
        %bitcast3A_837 = vector.bitcast %add3A_785 : vector<16xf32> to vector<16xi32>
        %shift_right_logical3A_838 = arith.constant 1 : i32
        %shift_right_logical3A_839 = vector.broadcast %shift_right_logical3A_838 : i32 to vector<16xi32>
        %shift_right_logical3A_840 = arith.shrui %bitcast3A_837, %shift_right_logical3A_839 : vector<16xi32>
        %sub3A_841 = arith.constant 1597463007 : i32
        %sub3A_842 = vector.broadcast %sub3A_841 : i32 to vector<16xi32>
        %sub3A_843 = arith.subi %sub3A_842, %shift_right_logical3A_840 : vector<16xi32>
        %bitcast3A_844 = vector.bitcast %sub3A_843 : vector<16xi32> to vector<16xf32>
        %mul3A_845 = arith.constant 5.000000e-01 : f32
        %mul3A_846 = vector.broadcast %mul3A_845 : f32 to vector<16xf32>
        %mul3A_847 = arith.mulf %mul3A_846, %add3A_785 : vector<16xf32>
        %mul3A_848 = arith.mulf %mul3A_847, %bitcast3A_844 : vector<16xf32>
        %mul3A_849 = arith.mulf %mul3A_848, %bitcast3A_844 : vector<16xf32>
        %sub3A_850 = arith.constant 1.500000e+00 : f32
        %sub3A_851 = vector.broadcast %sub3A_850 : f32 to vector<16xf32>
        %sub3A_852 = arith.subf %sub3A_851, %mul3A_849 : vector<16xf32>
        %mul3A_853 = arith.mulf %bitcast3A_844, %sub3A_852 : vector<16xf32>
        %mul3A_854 = arith.constant 5.000000e-01 : f32
        %mul3A_855 = vector.broadcast %mul3A_854 : f32 to vector<16xf32>
        %mul3A_856 = arith.mulf %mul3A_855, %add3A_785 : vector<16xf32>
        %mul3A_857 = arith.mulf %mul3A_856, %mul3A_853 : vector<16xf32>
        %mul3A_858 = arith.mulf %mul3A_857, %mul3A_853 : vector<16xf32>
        %sub3A_859 = arith.constant 1.500000e+00 : f32
        %sub3A_860 = vector.broadcast %sub3A_859 : f32 to vector<16xf32>
        %sub3A_861 = arith.subf %sub3A_860, %mul3A_858 : vector<16xf32>
        %mul3A_862 = arith.mulf %mul3A_853, %sub3A_861 : vector<16xf32>
        %mul3A_863 = arith.constant 5.000000e-01 : f32
        %mul3A_864 = vector.broadcast %mul3A_863 : f32 to vector<16xf32>
        %mul3A_865 = arith.mulf %mul3A_864, %add3A_785 : vector<16xf32>
        %mul3A_866 = arith.mulf %mul3A_865, %mul3A_862 : vector<16xf32>
        %mul3A_867 = arith.mulf %mul3A_866, %mul3A_862 : vector<16xf32>
        %sub3A_868 = arith.constant 1.500000e+00 : f32
        %sub3A_869 = vector.broadcast %sub3A_868 : f32 to vector<16xf32>
        %sub3A_870 = arith.subf %sub3A_869, %mul3A_867 : vector<16xf32>
        %mul3A_871 = arith.mulf %mul3A_862, %sub3A_870 : vector<16xf32>
        %mul3A_872 = arith.mulf %add3A_785, %mul3A_871 : vector<16xf32>
        %ge3A_873 = arith.constant 1.000000e+00 : f32
        %ge3A_874 = vector.broadcast %ge3A_873 : f32 to vector<16xf32>
        %ge3A_875 = arith.cmpf oge, %mul3A_872, %ge3A_874 : vector<16xf32>
        %sub3A_876 = arith.constant 9.99999974E-6 : f32
        %sub3A_877 = vector.broadcast %sub3A_876 : f32 to vector<16xf32>
        %sub3A_878 = arith.subf %mul3A_872, %sub3A_877 : vector<16xf32>
        %div3A_879 = arith.constant 1.000000e+00 : f32
        %div3A_880 = vector.broadcast %div3A_879 : f32 to vector<16xf32>
        %div3A_881 = arith.divf %div3A_880, %sub3A_878 : vector<16xf32>
        %jit3A_882 = arith.constant 1.000000e+00 : f32
        %broadcast_in_dim3A_883 = vector.broadcast %jit3A_882 : f32 to vector<16xf32>
        %select_n3A_884 = arith.select %ge3A_875, %div3A_881, %broadcast_in_dim3A_883 : vector<16xi1>, vector<16xf32>
        %bitcast3A_885 = vector.bitcast %add3A_787 : vector<16xf32> to vector<16xi32>
        %shift_right_logical3A_886 = arith.constant 1 : i32
        %shift_right_logical3A_887 = vector.broadcast %shift_right_logical3A_886 : i32 to vector<16xi32>
        %shift_right_logical3A_888 = arith.shrui %bitcast3A_885, %shift_right_logical3A_887 : vector<16xi32>
        %sub3A_889 = arith.constant 1597463007 : i32
        %sub3A_890 = vector.broadcast %sub3A_889 : i32 to vector<16xi32>
        %sub3A_891 = arith.subi %sub3A_890, %shift_right_logical3A_888 : vector<16xi32>
        %bitcast3A_892 = vector.bitcast %sub3A_891 : vector<16xi32> to vector<16xf32>
        %mul3A_893 = arith.constant 5.000000e-01 : f32
        %mul3A_894 = vector.broadcast %mul3A_893 : f32 to vector<16xf32>
        %mul3A_895 = arith.mulf %mul3A_894, %add3A_787 : vector<16xf32>
        %mul3A_896 = arith.mulf %mul3A_895, %bitcast3A_892 : vector<16xf32>
        %mul3A_897 = arith.mulf %mul3A_896, %bitcast3A_892 : vector<16xf32>
        %sub3A_898 = arith.constant 1.500000e+00 : f32
        %sub3A_899 = vector.broadcast %sub3A_898 : f32 to vector<16xf32>
        %sub3A_900 = arith.subf %sub3A_899, %mul3A_897 : vector<16xf32>
        %mul3A_901 = arith.mulf %bitcast3A_892, %sub3A_900 : vector<16xf32>
        %mul3A_902 = arith.constant 5.000000e-01 : f32
        %mul3A_903 = vector.broadcast %mul3A_902 : f32 to vector<16xf32>
        %mul3A_904 = arith.mulf %mul3A_903, %add3A_787 : vector<16xf32>
        %mul3A_905 = arith.mulf %mul3A_904, %mul3A_901 : vector<16xf32>
        %mul3A_906 = arith.mulf %mul3A_905, %mul3A_901 : vector<16xf32>
        %sub3A_907 = arith.constant 1.500000e+00 : f32
        %sub3A_908 = vector.broadcast %sub3A_907 : f32 to vector<16xf32>
        %sub3A_909 = arith.subf %sub3A_908, %mul3A_906 : vector<16xf32>
        %mul3A_910 = arith.mulf %mul3A_901, %sub3A_909 : vector<16xf32>
        %mul3A_911 = arith.constant 5.000000e-01 : f32
        %mul3A_912 = vector.broadcast %mul3A_911 : f32 to vector<16xf32>
        %mul3A_913 = arith.mulf %mul3A_912, %add3A_787 : vector<16xf32>
        %mul3A_914 = arith.mulf %mul3A_913, %mul3A_910 : vector<16xf32>
        %mul3A_915 = arith.mulf %mul3A_914, %mul3A_910 : vector<16xf32>
        %sub3A_916 = arith.constant 1.500000e+00 : f32
        %sub3A_917 = vector.broadcast %sub3A_916 : f32 to vector<16xf32>
        %sub3A_918 = arith.subf %sub3A_917, %mul3A_915 : vector<16xf32>
        %mul3A_919 = arith.mulf %mul3A_910, %sub3A_918 : vector<16xf32>
        %mul3A_920 = arith.mulf %add3A_787, %mul3A_919 : vector<16xf32>
        %ge3A_921 = arith.constant 1.000000e+00 : f32
        %ge3A_922 = vector.broadcast %ge3A_921 : f32 to vector<16xf32>
        %ge3A_923 = arith.cmpf oge, %mul3A_920, %ge3A_922 : vector<16xf32>
        %sub3A_924 = arith.constant 9.99999974E-6 : f32
        %sub3A_925 = vector.broadcast %sub3A_924 : f32 to vector<16xf32>
        %sub3A_926 = arith.subf %mul3A_920, %sub3A_925 : vector<16xf32>
        %div3A_927 = arith.constant 1.000000e+00 : f32
        %div3A_928 = vector.broadcast %div3A_927 : f32 to vector<16xf32>
        %div3A_929 = arith.divf %div3A_928, %sub3A_926 : vector<16xf32>
        %jit3A_930 = arith.constant 1.000000e+00 : f32
        %broadcast_in_dim3A_931 = vector.broadcast %jit3A_930 : f32 to vector<16xf32>
        %select_n3A_932 = arith.select %ge3A_923, %div3A_929, %broadcast_in_dim3A_931 : vector<16xi1>, vector<16xf32>
        %mul3A_933 = arith.mulf %add3A_783, %select_n3A : vector<16xf32>
        %mul3A_934 = arith.mulf %mul3A_933, %select_n3A : vector<16xf32>
        %bitcast3A_935 = vector.bitcast %mul3A_934 : vector<16xf32> to vector<16xi32>
        %shift_right_logical3A_936 = arith.constant 1 : i32
        %shift_right_logical3A_937 = vector.broadcast %shift_right_logical3A_936 : i32 to vector<16xi32>
        %shift_right_logical3A_938 = arith.shrui %bitcast3A_935, %shift_right_logical3A_937 : vector<16xi32>
        %sub3A_939 = arith.constant 1597463007 : i32
        %sub3A_940 = vector.broadcast %sub3A_939 : i32 to vector<16xi32>
        %sub3A_941 = arith.subi %sub3A_940, %shift_right_logical3A_938 : vector<16xi32>
        %bitcast3A_942 = vector.bitcast %sub3A_941 : vector<16xi32> to vector<16xf32>
        %mul3A_943 = arith.constant 5.000000e-01 : f32
        %mul3A_944 = vector.broadcast %mul3A_943 : f32 to vector<16xf32>
        %mul3A_945 = arith.mulf %mul3A_944, %mul3A_934 : vector<16xf32>
        %mul3A_946 = arith.mulf %mul3A_945, %bitcast3A_942 : vector<16xf32>
        %mul3A_947 = arith.mulf %mul3A_946, %bitcast3A_942 : vector<16xf32>
        %sub3A_948 = arith.constant 1.500000e+00 : f32
        %sub3A_949 = vector.broadcast %sub3A_948 : f32 to vector<16xf32>
        %sub3A_950 = arith.subf %sub3A_949, %mul3A_947 : vector<16xf32>
        %mul3A_951 = arith.mulf %bitcast3A_942, %sub3A_950 : vector<16xf32>
        %mul3A_952 = arith.constant 5.000000e-01 : f32
        %mul3A_953 = vector.broadcast %mul3A_952 : f32 to vector<16xf32>
        %mul3A_954 = arith.mulf %mul3A_953, %mul3A_934 : vector<16xf32>
        %mul3A_955 = arith.mulf %mul3A_954, %mul3A_951 : vector<16xf32>
        %mul3A_956 = arith.mulf %mul3A_955, %mul3A_951 : vector<16xf32>
        %sub3A_957 = arith.constant 1.500000e+00 : f32
        %sub3A_958 = vector.broadcast %sub3A_957 : f32 to vector<16xf32>
        %sub3A_959 = arith.subf %sub3A_958, %mul3A_956 : vector<16xf32>
        %mul3A_960 = arith.mulf %mul3A_951, %sub3A_959 : vector<16xf32>
        %mul3A_961 = arith.constant 5.000000e-01 : f32
        %mul3A_962 = vector.broadcast %mul3A_961 : f32 to vector<16xf32>
        %mul3A_963 = arith.mulf %mul3A_962, %mul3A_934 : vector<16xf32>
        %mul3A_964 = arith.mulf %mul3A_963, %mul3A_960 : vector<16xf32>
        %mul3A_965 = arith.mulf %mul3A_964, %mul3A_960 : vector<16xf32>
        %sub3A_966 = arith.constant 1.500000e+00 : f32
        %sub3A_967 = vector.broadcast %sub3A_966 : f32 to vector<16xf32>
        %sub3A_968 = arith.subf %sub3A_967, %mul3A_965 : vector<16xf32>
        %mul3A_969 = arith.mulf %mul3A_960, %sub3A_968 : vector<16xf32>
        %mul3A_970 = arith.mulf %mul3A_934, %mul3A_969 : vector<16xf32>
        %jit3A_971 = arith.constant 1.000000e-10 : f32
        %jit3A_972 = arith.constant 0.999989986 : f32
        %max3A = vector.broadcast %jit3A_971 : f32 to vector<16xf32>
        %max3A_973 = arith.maximumf %max3A, %mul3A_970 : vector<16xf32>
        %min3A = vector.broadcast %jit3A_972 : f32 to vector<16xf32>
        %min3A_974 = arith.minimumf %min3A, %max3A_973 : vector<16xf32>
        %add3A_975 = arith.constant 1.000000e+00 : f32
        %add3A_976 = vector.broadcast %add3A_975 : f32 to vector<16xf32>
        %add3A_977 = arith.addf %add3A_976, %min3A_974 : vector<16xf32>
        %sub3A_978 = arith.constant 1.000000e+00 : f32
        %sub3A_979 = vector.broadcast %sub3A_978 : f32 to vector<16xf32>
        %sub3A_980 = arith.subf %sub3A_979, %min3A_974 : vector<16xf32>
        %div3A_981 = arith.divf %add3A_977, %sub3A_980 : vector<16xf32>
        %bitcast3A_982 = vector.bitcast %div3A_981 : vector<16xf32> to vector<16xi32>
        %shift_right_logical3A_983 = arith.constant 23 : i32
        %shift_right_logical3A_984 = vector.broadcast %shift_right_logical3A_983 : i32 to vector<16xi32>
        %shift_right_logical3A_985 = arith.shrui %bitcast3A_982, %shift_right_logical3A_984 : vector<16xi32>
        %sub3A_986 = arith.constant 127 : i32
        %sub3A_987 = vector.broadcast %sub3A_986 : i32 to vector<16xi32>
        %sub3A_988 = arith.subi %shift_right_logical3A_985, %sub3A_987 : vector<16xi32>
        %and3A = arith.constant 8388607 : i32
        %and3A_989 = vector.broadcast %and3A : i32 to vector<16xi32>
        %and3A_990 = arith.andi %bitcast3A_982, %and3A_989 : vector<16xi32>
        %or3A = arith.constant 1065353216 : i32
        %or3A_991 = vector.broadcast %or3A : i32 to vector<16xi32>
        %or3A_992 = arith.ori %and3A_990, %or3A_991 : vector<16xi32>
        %bitcast3A_993 = vector.bitcast %or3A_992 : vector<16xi32> to vector<16xf32>
        %gt3A = arith.constant 1.41421354 : f32
        %gt3A_994 = vector.broadcast %gt3A : f32 to vector<16xf32>
        %gt3A_995 = arith.cmpf ogt, %bitcast3A_993, %gt3A_994 : vector<16xf32>
        %mul3A_996 = arith.constant 5.000000e-01 : f32
        %mul3A_997 = vector.broadcast %mul3A_996 : f32 to vector<16xf32>
        %mul3A_998 = arith.mulf %bitcast3A_993, %mul3A_997 : vector<16xf32>
        %select_n3A_999 = arith.select %gt3A_995, %mul3A_998, %bitcast3A_993 : vector<16xi1>, vector<16xf32>
        %add3A_1000 = arith.constant 1 : i32
        %add3A_1001 = vector.broadcast %add3A_1000 : i32 to vector<16xi32>
        %add3A_1002 = arith.addi %sub3A_988, %add3A_1001 : vector<16xi32>
        %select_n3A_1003 = arith.select %gt3A_995, %add3A_1002, %sub3A_988 : vector<16xi1>, vector<16xi32>
        %convert_element_type3A = arith.sitofp %select_n3A_1003 : vector<16xi32> to vector<16xf32>
        %sub3A_1004 = arith.constant 1.000000e+00 : f32
        %sub3A_1005 = vector.broadcast %sub3A_1004 : f32 to vector<16xf32>
        %sub3A_1006 = arith.subf %select_n3A_999, %sub3A_1005 : vector<16xf32>
        %add3A_1007 = arith.constant 1.000000e+00 : f32
        %add3A_1008 = vector.broadcast %add3A_1007 : f32 to vector<16xf32>
        %add3A_1009 = arith.addf %select_n3A_999, %add3A_1008 : vector<16xf32>
        %div3A_1010 = arith.divf %sub3A_1006, %add3A_1009 : vector<16xf32>
        %mul3A_1011 = arith.mulf %div3A_1010, %div3A_1010 : vector<16xf32>
        %mul3A_1012 = arith.constant 2.000000e+00 : f32
        %mul3A_1013 = vector.broadcast %mul3A_1012 : f32 to vector<16xf32>
        %mul3A_1014 = arith.mulf %mul3A_1013, %div3A_1010 : vector<16xf32>
        %div3A_1015 = arith.constant 9.000000e+00 : f32
        %div3A_1016 = vector.broadcast %div3A_1015 : f32 to vector<16xf32>
        %div3A_1017 = arith.divf %mul3A_1011, %div3A_1016 : vector<16xf32>
        %add3A_1018 = arith.constant 0.142857149 : f32
        %add3A_1019 = vector.broadcast %add3A_1018 : f32 to vector<16xf32>
        %add3A_1020 = arith.addf %add3A_1019, %div3A_1017 : vector<16xf32>
        %mul3A_1021 = arith.mulf %mul3A_1011, %add3A_1020 : vector<16xf32>
        %add3A_1022 = arith.constant 2.000000e-01 : f32
        %add3A_1023 = vector.broadcast %add3A_1022 : f32 to vector<16xf32>
        %add3A_1024 = arith.addf %add3A_1023, %mul3A_1021 : vector<16xf32>
        %mul3A_1025 = arith.mulf %mul3A_1011, %add3A_1024 : vector<16xf32>
        %add3A_1026 = arith.constant 0.333333343 : f32
        %add3A_1027 = vector.broadcast %add3A_1026 : f32 to vector<16xf32>
        %add3A_1028 = arith.addf %add3A_1027, %mul3A_1025 : vector<16xf32>
        %mul3A_1029 = arith.mulf %mul3A_1011, %add3A_1028 : vector<16xf32>
        %add3A_1030 = arith.constant 1.000000e+00 : f32
        %add3A_1031 = vector.broadcast %add3A_1030 : f32 to vector<16xf32>
        %add3A_1032 = arith.addf %add3A_1031, %mul3A_1029 : vector<16xf32>
        %mul3A_1033 = arith.mulf %mul3A_1014, %add3A_1032 : vector<16xf32>
        %mul3A_1034 = arith.constant 0.693147182 : f32
        %mul3A_1035 = vector.broadcast %mul3A_1034 : f32 to vector<16xf32>
        %mul3A_1036 = arith.mulf %convert_element_type3A, %mul3A_1035 : vector<16xf32>
        %add3A_1037 = arith.addf %mul3A_1033, %mul3A_1036 : vector<16xf32>
        %mul3A_1038 = arith.constant 5.000000e-01 : f32
        %mul3A_1039 = vector.broadcast %mul3A_1038 : f32 to vector<16xf32>
        %mul3A_1040 = arith.mulf %mul3A_1039, %add3A_1037 : vector<16xf32>
        %div3A_1041 = arith.divf %mul3A_1040, %min3A_974 : vector<16xf32>
        %mul3A_1042 = arith.mulf %div3A_1041, %select_n3A : vector<16xf32>
        %mul3A_1043 = arith.mulf %mul3A_1042, %mul3A_1042 : vector<16xf32>
        %mul3A_1044 = arith.mulf %mul3A_1043, %add3A_791 : vector<16xf32>
        %bitcast3A_1045 = vector.bitcast %mul3A_1044 : vector<16xf32> to vector<16xi32>
        %shift_right_logical3A_1046 = arith.constant 1 : i32
        %shift_right_logical3A_1047 = vector.broadcast %shift_right_logical3A_1046 : i32 to vector<16xi32>
        %shift_right_logical3A_1048 = arith.shrui %bitcast3A_1045, %shift_right_logical3A_1047 : vector<16xi32>
        %sub3A_1049 = arith.constant 1597463007 : i32
        %sub3A_1050 = vector.broadcast %sub3A_1049 : i32 to vector<16xi32>
        %sub3A_1051 = arith.subi %sub3A_1050, %shift_right_logical3A_1048 : vector<16xi32>
        %bitcast3A_1052 = vector.bitcast %sub3A_1051 : vector<16xi32> to vector<16xf32>
        %mul3A_1053 = arith.constant 5.000000e-01 : f32
        %mul3A_1054 = vector.broadcast %mul3A_1053 : f32 to vector<16xf32>
        %mul3A_1055 = arith.mulf %mul3A_1054, %mul3A_1044 : vector<16xf32>
        %mul3A_1056 = arith.mulf %mul3A_1055, %bitcast3A_1052 : vector<16xf32>
        %mul3A_1057 = arith.mulf %mul3A_1056, %bitcast3A_1052 : vector<16xf32>
        %sub3A_1058 = arith.constant 1.500000e+00 : f32
        %sub3A_1059 = vector.broadcast %sub3A_1058 : f32 to vector<16xf32>
        %sub3A_1060 = arith.subf %sub3A_1059, %mul3A_1057 : vector<16xf32>
        %mul3A_1061 = arith.mulf %bitcast3A_1052, %sub3A_1060 : vector<16xf32>
        %mul3A_1062 = arith.constant 5.000000e-01 : f32
        %mul3A_1063 = vector.broadcast %mul3A_1062 : f32 to vector<16xf32>
        %mul3A_1064 = arith.mulf %mul3A_1063, %mul3A_1044 : vector<16xf32>
        %mul3A_1065 = arith.mulf %mul3A_1064, %mul3A_1061 : vector<16xf32>
        %mul3A_1066 = arith.mulf %mul3A_1065, %mul3A_1061 : vector<16xf32>
        %sub3A_1067 = arith.constant 1.500000e+00 : f32
        %sub3A_1068 = vector.broadcast %sub3A_1067 : f32 to vector<16xf32>
        %sub3A_1069 = arith.subf %sub3A_1068, %mul3A_1066 : vector<16xf32>
        %mul3A_1070 = arith.mulf %mul3A_1061, %sub3A_1069 : vector<16xf32>
        %mul3A_1071 = arith.constant 5.000000e-01 : f32
        %mul3A_1072 = vector.broadcast %mul3A_1071 : f32 to vector<16xf32>
        %mul3A_1073 = arith.mulf %mul3A_1072, %mul3A_1044 : vector<16xf32>
        %mul3A_1074 = arith.mulf %mul3A_1073, %mul3A_1070 : vector<16xf32>
        %mul3A_1075 = arith.mulf %mul3A_1074, %mul3A_1070 : vector<16xf32>
        %sub3A_1076 = arith.constant 1.500000e+00 : f32
        %sub3A_1077 = vector.broadcast %sub3A_1076 : f32 to vector<16xf32>
        %sub3A_1078 = arith.subf %sub3A_1077, %mul3A_1075 : vector<16xf32>
        %mul3A_1079 = arith.mulf %mul3A_1070, %sub3A_1078 : vector<16xf32>
        %mul3A_1080 = arith.mulf %mul3A_1044, %mul3A_1079 : vector<16xf32>
        %max3A_1081 = arith.constant 1.000000e-10 : f32
        %max3A_1082 = vector.broadcast %max3A_1081 : f32 to vector<16xf32>
        %max3A_1083 = arith.maximumf %mul3A_1080, %max3A_1082 : vector<16xf32>
        %mul3A_1084 = arith.constant -2.000000e+00 : f32
        %mul3A_1085 = vector.broadcast %mul3A_1084 : f32 to vector<16xf32>
        %mul3A_1086 = arith.mulf %mul3A_1085, %max3A_1083 : vector<16xf32>
        %exp3A = math.exp %mul3A_1086 : vector<16xf32>
        %sub3A_1087 = arith.constant 1.000000e+00 : f32
        %sub3A_1088 = vector.broadcast %sub3A_1087 : f32 to vector<16xf32>
        %sub3A_1089 = arith.subf %sub3A_1088, %exp3A : vector<16xf32>
        %add3A_1090 = arith.constant 1.000000e+00 : f32
        %add3A_1091 = vector.broadcast %add3A_1090 : f32 to vector<16xf32>
        %add3A_1092 = arith.addf %add3A_1091, %exp3A : vector<16xf32>
        %div3A_1093 = arith.divf %sub3A_1089, %add3A_1092 : vector<16xf32>
        %div3A_1094 = arith.divf %div3A_1093, %max3A_1083 : vector<16xf32>
        %mul3A_1095 = arith.mulf %div3A_1094, %mul3A_1042 : vector<16xf32>
        %mul3A_1096 = arith.mulf %mul3A_1095, %mul3A_1095 : vector<16xf32>
        %mul3A_1097 = arith.mulf %mul3A_1096, %add3A_791 : vector<16xf32>
        %mul3A_1098 = arith.mulf %add3A_785, %select_n3A_884 : vector<16xf32>
        %mul3A_1099 = arith.mulf %mul3A_1098, %select_n3A_884 : vector<16xf32>
        %jit3A_1100 = arith.constant 0.000000e+00 : f32
        %jit3A_1101 = arith.constant 0.999989986 : f32
        %max3A_1102 = vector.broadcast %jit3A_1100 : f32 to vector<16xf32>
        %max3A_1103 = arith.maximumf %max3A_1102, %mul3A_1099 : vector<16xf32>
        %min3A_1104 = vector.broadcast %jit3A_1101 : f32 to vector<16xf32>
        %min3A_1105 = arith.minimumf %min3A_1104, %max3A_1103 : vector<16xf32>
        %mul3A_1106 = arith.mulf %add3A_787, %select_n3A_932 : vector<16xf32>
        %mul3A_1107 = arith.mulf %mul3A_1106, %select_n3A_932 : vector<16xf32>
        %jit3A_1108 = arith.constant 0.000000e+00 : f32
        %jit3A_1109 = arith.constant 0.999989986 : f32
        %max3A_1110 = vector.broadcast %jit3A_1108 : f32 to vector<16xf32>
        %max3A_1111 = arith.maximumf %max3A_1110, %mul3A_1107 : vector<16xf32>
        %min3A_1112 = vector.broadcast %jit3A_1109 : f32 to vector<16xf32>
        %min3A_1113 = arith.minimumf %min3A_1112, %max3A_1111 : vector<16xf32>
        %mul3A_1114 = arith.mulf %add3A_789, %select_n3A_884 : vector<16xf32>
        %mul3A_1115 = arith.mulf %mul3A_1114, %select_n3A_932 : vector<16xf32>
        %mul3A_1116 = arith.constant 2.000000e+00 : f32
        %mul3A_1117 = vector.broadcast %mul3A_1116 : f32 to vector<16xf32>
        %mul3A_1118 = arith.mulf %mul3A_1117, %mul3A_1115 : vector<16xf32>
        %add3A_1119 = arith.constant 1.000000e+00 : f32
        %add3A_1120 = vector.broadcast %add3A_1119 : f32 to vector<16xf32>
        %add3A_1121 = arith.addf %add3A_1120, %mul3A_1118 : vector<16xf32>
        %add3A_1122 = arith.addf %add3A_1121, %min3A_1113 : vector<16xf32>
        %sub3A_1123 = arith.constant 1.000000e+00 : f32
        %sub3A_1124 = vector.broadcast %sub3A_1123 : f32 to vector<16xf32>
        %sub3A_1125 = arith.subf %sub3A_1124, %min3A_1105 : vector<16xf32>
        %mul3A_1126 = arith.constant 2.000000e+00 : f32
        %mul3A_1127 = vector.broadcast %mul3A_1126 : f32 to vector<16xf32>
        %mul3A_1128 = arith.mulf %mul3A_1127, %mul3A_1115 : vector<16xf32>
        %add3A_1129 = arith.constant 1.000000e+00 : f32
        %add3A_1130 = vector.broadcast %add3A_1129 : f32 to vector<16xf32>
        %add3A_1131 = arith.addf %add3A_1130, %mul3A_1128 : vector<16xf32>
        %mul3A_1132 = arith.mulf %min3A_1105, %min3A_1113 : vector<16xf32>
        %add3A_1133 = arith.addf %add3A_1131, %mul3A_1132 : vector<16xf32>
        %mul3A_1134 = arith.mulf %add3A_1122, %select_n3A_884 : vector<16xf32>
        %div3A_1135 = arith.divf %mul3A_1134, %add3A_1133 : vector<16xf32>
        %mul3A_1136 = arith.mulf %sub3A_1125, %select_n3A_932 : vector<16xf32>
        %div3A_1137 = arith.divf %mul3A_1136, %add3A_1133 : vector<16xf32>
        %mul3A_1138 = arith.mulf %div3A_1135, %div3A_1135 : vector<16xf32>
        %mul3A_1139 = arith.mulf %mul3A_1138, %add3A_785 : vector<16xf32>
        %mul3A_1140 = arith.constant 2.000000e+00 : f32
        %mul3A_1141 = vector.broadcast %mul3A_1140 : f32 to vector<16xf32>
        %mul3A_1142 = arith.mulf %mul3A_1141, %div3A_1135 : vector<16xf32>
        %mul3A_1143 = arith.mulf %mul3A_1142, %div3A_1137 : vector<16xf32>
        %mul3A_1144 = arith.mulf %mul3A_1143, %add3A_789 : vector<16xf32>
        %add3A_1145 = arith.addf %mul3A_1139, %mul3A_1144 : vector<16xf32>
        %mul3A_1146 = arith.mulf %div3A_1137, %div3A_1137 : vector<16xf32>
        %mul3A_1147 = arith.mulf %mul3A_1146, %add3A_787 : vector<16xf32>
        %add3A_1148 = arith.addf %add3A_1145, %mul3A_1147 : vector<16xf32>
        %mul3A_1149 = arith.mulf %div3A_1135, %add3A_793 : vector<16xf32>
        %mul3A_1150 = arith.mulf %div3A_1137, %add3A_795 : vector<16xf32>
        %add3A_1151 = arith.addf %mul3A_1149, %mul3A_1150 : vector<16xf32>
        %mul3A_1152 = arith.mulf %mul3A_1095, %add3A_1151 : vector<16xf32>
        %bitcast3A_1153 = vector.bitcast %mul3A_1097 : vector<16xf32> to vector<16xi32>
        %shift_right_logical3A_1154 = arith.constant 1 : i32
        %shift_right_logical3A_1155 = vector.broadcast %shift_right_logical3A_1154 : i32 to vector<16xi32>
        %shift_right_logical3A_1156 = arith.shrui %bitcast3A_1153, %shift_right_logical3A_1155 : vector<16xi32>
        %sub3A_1157 = arith.constant 1597463007 : i32
        %sub3A_1158 = vector.broadcast %sub3A_1157 : i32 to vector<16xi32>
        %sub3A_1159 = arith.subi %sub3A_1158, %shift_right_logical3A_1156 : vector<16xi32>
        %bitcast3A_1160 = vector.bitcast %sub3A_1159 : vector<16xi32> to vector<16xf32>
        %mul3A_1161 = arith.constant 5.000000e-01 : f32
        %mul3A_1162 = vector.broadcast %mul3A_1161 : f32 to vector<16xf32>
        %mul3A_1163 = arith.mulf %mul3A_1162, %mul3A_1097 : vector<16xf32>
        %mul3A_1164 = arith.mulf %mul3A_1163, %bitcast3A_1160 : vector<16xf32>
        %mul3A_1165 = arith.mulf %mul3A_1164, %bitcast3A_1160 : vector<16xf32>
        %sub3A_1166 = arith.constant 1.500000e+00 : f32
        %sub3A_1167 = vector.broadcast %sub3A_1166 : f32 to vector<16xf32>
        %sub3A_1168 = arith.subf %sub3A_1167, %mul3A_1165 : vector<16xf32>
        %mul3A_1169 = arith.mulf %bitcast3A_1160, %sub3A_1168 : vector<16xf32>
        %mul3A_1170 = arith.constant 5.000000e-01 : f32
        %mul3A_1171 = vector.broadcast %mul3A_1170 : f32 to vector<16xf32>
        %mul3A_1172 = arith.mulf %mul3A_1171, %mul3A_1097 : vector<16xf32>
        %mul3A_1173 = arith.mulf %mul3A_1172, %mul3A_1169 : vector<16xf32>
        %mul3A_1174 = arith.mulf %mul3A_1173, %mul3A_1169 : vector<16xf32>
        %sub3A_1175 = arith.constant 1.500000e+00 : f32
        %sub3A_1176 = vector.broadcast %sub3A_1175 : f32 to vector<16xf32>
        %sub3A_1177 = arith.subf %sub3A_1176, %mul3A_1174 : vector<16xf32>
        %mul3A_1178 = arith.mulf %mul3A_1169, %sub3A_1177 : vector<16xf32>
        %mul3A_1179 = arith.constant 5.000000e-01 : f32
        %mul3A_1180 = vector.broadcast %mul3A_1179 : f32 to vector<16xf32>
        %mul3A_1181 = arith.mulf %mul3A_1180, %mul3A_1097 : vector<16xf32>
        %mul3A_1182 = arith.mulf %mul3A_1181, %mul3A_1178 : vector<16xf32>
        %mul3A_1183 = arith.mulf %mul3A_1182, %mul3A_1178 : vector<16xf32>
        %sub3A_1184 = arith.constant 1.500000e+00 : f32
        %sub3A_1185 = vector.broadcast %sub3A_1184 : f32 to vector<16xf32>
        %sub3A_1186 = arith.subf %sub3A_1185, %mul3A_1183 : vector<16xf32>
        %mul3A_1187 = arith.mulf %mul3A_1178, %sub3A_1186 : vector<16xf32>
        %mul3A_1188 = arith.mulf %mul3A_1097, %mul3A_1187 : vector<16xf32>
        %ge3A_1189 = arith.constant 1.000000e+00 : f32
        %ge3A_1190 = vector.broadcast %ge3A_1189 : f32 to vector<16xf32>
        %ge3A_1191 = arith.cmpf oge, %mul3A_1188, %ge3A_1190 : vector<16xf32>
        %sub3A_1192 = arith.constant 9.99999974E-6 : f32
        %sub3A_1193 = vector.broadcast %sub3A_1192 : f32 to vector<16xf32>
        %sub3A_1194 = arith.subf %mul3A_1188, %sub3A_1193 : vector<16xf32>
        %div3A_1195 = arith.constant 1.000000e+00 : f32
        %div3A_1196 = vector.broadcast %div3A_1195 : f32 to vector<16xf32>
        %div3A_1197 = arith.divf %div3A_1196, %sub3A_1194 : vector<16xf32>
        %jit3A_1198 = arith.constant 1.000000e+00 : f32
        %broadcast_in_dim3A_1199 = vector.broadcast %jit3A_1198 : f32 to vector<16xf32>
        %select_n3A_1200 = arith.select %ge3A_1191, %div3A_1197, %broadcast_in_dim3A_1199 : vector<16xi1>, vector<16xf32>
        %bitcast3A_1201 = vector.bitcast %add3A_1148 : vector<16xf32> to vector<16xi32>
        %shift_right_logical3A_1202 = arith.constant 1 : i32
        %shift_right_logical3A_1203 = vector.broadcast %shift_right_logical3A_1202 : i32 to vector<16xi32>
        %shift_right_logical3A_1204 = arith.shrui %bitcast3A_1201, %shift_right_logical3A_1203 : vector<16xi32>
        %sub3A_1205 = arith.constant 1597463007 : i32
        %sub3A_1206 = vector.broadcast %sub3A_1205 : i32 to vector<16xi32>
        %sub3A_1207 = arith.subi %sub3A_1206, %shift_right_logical3A_1204 : vector<16xi32>
        %bitcast3A_1208 = vector.bitcast %sub3A_1207 : vector<16xi32> to vector<16xf32>
        %mul3A_1209 = arith.constant 5.000000e-01 : f32
        %mul3A_1210 = vector.broadcast %mul3A_1209 : f32 to vector<16xf32>
        %mul3A_1211 = arith.mulf %mul3A_1210, %add3A_1148 : vector<16xf32>
        %mul3A_1212 = arith.mulf %mul3A_1211, %bitcast3A_1208 : vector<16xf32>
        %mul3A_1213 = arith.mulf %mul3A_1212, %bitcast3A_1208 : vector<16xf32>
        %sub3A_1214 = arith.constant 1.500000e+00 : f32
        %sub3A_1215 = vector.broadcast %sub3A_1214 : f32 to vector<16xf32>
        %sub3A_1216 = arith.subf %sub3A_1215, %mul3A_1213 : vector<16xf32>
        %mul3A_1217 = arith.mulf %bitcast3A_1208, %sub3A_1216 : vector<16xf32>
        %mul3A_1218 = arith.constant 5.000000e-01 : f32
        %mul3A_1219 = vector.broadcast %mul3A_1218 : f32 to vector<16xf32>
        %mul3A_1220 = arith.mulf %mul3A_1219, %add3A_1148 : vector<16xf32>
        %mul3A_1221 = arith.mulf %mul3A_1220, %mul3A_1217 : vector<16xf32>
        %mul3A_1222 = arith.mulf %mul3A_1221, %mul3A_1217 : vector<16xf32>
        %sub3A_1223 = arith.constant 1.500000e+00 : f32
        %sub3A_1224 = vector.broadcast %sub3A_1223 : f32 to vector<16xf32>
        %sub3A_1225 = arith.subf %sub3A_1224, %mul3A_1222 : vector<16xf32>
        %mul3A_1226 = arith.mulf %mul3A_1217, %sub3A_1225 : vector<16xf32>
        %mul3A_1227 = arith.constant 5.000000e-01 : f32
        %mul3A_1228 = vector.broadcast %mul3A_1227 : f32 to vector<16xf32>
        %mul3A_1229 = arith.mulf %mul3A_1228, %add3A_1148 : vector<16xf32>
        %mul3A_1230 = arith.mulf %mul3A_1229, %mul3A_1226 : vector<16xf32>
        %mul3A_1231 = arith.mulf %mul3A_1230, %mul3A_1226 : vector<16xf32>
        %sub3A_1232 = arith.constant 1.500000e+00 : f32
        %sub3A_1233 = vector.broadcast %sub3A_1232 : f32 to vector<16xf32>
        %sub3A_1234 = arith.subf %sub3A_1233, %mul3A_1231 : vector<16xf32>
        %mul3A_1235 = arith.mulf %mul3A_1226, %sub3A_1234 : vector<16xf32>
        %mul3A_1236 = arith.mulf %add3A_1148, %mul3A_1235 : vector<16xf32>
        %ge3A_1237 = arith.constant 1.000000e+00 : f32
        %ge3A_1238 = vector.broadcast %ge3A_1237 : f32 to vector<16xf32>
        %ge3A_1239 = arith.cmpf oge, %mul3A_1236, %ge3A_1238 : vector<16xf32>
        %sub3A_1240 = arith.constant 9.99999974E-6 : f32
        %sub3A_1241 = vector.broadcast %sub3A_1240 : f32 to vector<16xf32>
        %sub3A_1242 = arith.subf %mul3A_1236, %sub3A_1241 : vector<16xf32>
        %div3A_1243 = arith.constant 1.000000e+00 : f32
        %div3A_1244 = vector.broadcast %div3A_1243 : f32 to vector<16xf32>
        %div3A_1245 = arith.divf %div3A_1244, %sub3A_1242 : vector<16xf32>
        %jit3A_1246 = arith.constant 1.000000e+00 : f32
        %broadcast_in_dim3A_1247 = vector.broadcast %jit3A_1246 : f32 to vector<16xf32>
        %select_n3A_1248 = arith.select %ge3A_1239, %div3A_1245, %broadcast_in_dim3A_1247 : vector<16xi1>, vector<16xf32>
        %mul3A_1249 = arith.mulf %mul3A_1097, %select_n3A_1200 : vector<16xf32>
        %mul3A_1250 = arith.mulf %mul3A_1249, %select_n3A_1200 : vector<16xf32>
        %mul3A_1251 = arith.mulf %add3A_1148, %select_n3A_1248 : vector<16xf32>
        %mul3A_1252 = arith.mulf %mul3A_1251, %select_n3A_1248 : vector<16xf32>
        %mul3A_1253 = arith.mulf %mul3A_1152, %select_n3A_1200 : vector<16xf32>
        %mul3A_1254 = arith.mulf %mul3A_1253, %select_n3A_1248 : vector<16xf32>
        %jit3A_1255 = arith.constant 0.000000e+00 : f32
        %jit3A_1256 = arith.constant 0.999989986 : f32
        %max3A_1257 = vector.broadcast %jit3A_1255 : f32 to vector<16xf32>
        %max3A_1258 = arith.maximumf %max3A_1257, %mul3A_1250 : vector<16xf32>
        %min3A_1259 = vector.broadcast %jit3A_1256 : f32 to vector<16xf32>
        %min3A_1260 = arith.minimumf %min3A_1259, %max3A_1258 : vector<16xf32>
        %jit3A_1261 = arith.constant 0.000000e+00 : f32
        %jit3A_1262 = arith.constant 0.999989986 : f32
        %max3A_1263 = vector.broadcast %jit3A_1261 : f32 to vector<16xf32>
        %max3A_1264 = arith.maximumf %max3A_1263, %mul3A_1252 : vector<16xf32>
        %min3A_1265 = vector.broadcast %jit3A_1262 : f32 to vector<16xf32>
        %min3A_1266 = arith.minimumf %min3A_1265, %max3A_1264 : vector<16xf32>
        %neg3A = arith.constant 0.000000e+00 : f32
        %neg3A_1267 = vector.broadcast %neg3A : f32 to vector<16xf32>
        %neg3A_1268 = arith.subf %neg3A_1267, %mul3A_1254 : vector<16xf32>
        %mul3A_1269 = arith.constant 2.000000e+00 : f32
        %mul3A_1270 = vector.broadcast %mul3A_1269 : f32 to vector<16xf32>
        %mul3A_1271 = arith.mulf %mul3A_1270, %neg3A_1268 : vector<16xf32>
        %add3A_1272 = arith.constant 1.000000e+00 : f32
        %add3A_1273 = vector.broadcast %add3A_1272 : f32 to vector<16xf32>
        %add3A_1274 = arith.addf %add3A_1273, %mul3A_1271 : vector<16xf32>
        %add3A_1275 = arith.addf %add3A_1274, %min3A_1266 : vector<16xf32>
        %sub3A_1276 = arith.constant 1.000000e+00 : f32
        %sub3A_1277 = vector.broadcast %sub3A_1276 : f32 to vector<16xf32>
        %sub3A_1278 = arith.subf %sub3A_1277, %min3A_1260 : vector<16xf32>
        %mul3A_1279 = arith.constant 2.000000e+00 : f32
        %mul3A_1280 = vector.broadcast %mul3A_1279 : f32 to vector<16xf32>
        %mul3A_1281 = arith.mulf %mul3A_1280, %neg3A_1268 : vector<16xf32>
        %add3A_1282 = arith.constant 1.000000e+00 : f32
        %add3A_1283 = vector.broadcast %add3A_1282 : f32 to vector<16xf32>
        %add3A_1284 = arith.addf %add3A_1283, %mul3A_1281 : vector<16xf32>
        %mul3A_1285 = arith.mulf %min3A_1260, %min3A_1266 : vector<16xf32>
        %add3A_1286 = arith.addf %add3A_1284, %mul3A_1285 : vector<16xf32>
        %mul3A_1287 = arith.mulf %add3A_1275, %add3A_1275 : vector<16xf32>
        %mul3A_1288 = arith.mulf %mul3A_1287, %mul3A_1250 : vector<16xf32>
        %mul3A_1289 = arith.constant 2.000000e+00 : f32
        %mul3A_1290 = vector.broadcast %mul3A_1289 : f32 to vector<16xf32>
        %mul3A_1291 = arith.mulf %mul3A_1290, %add3A_1275 : vector<16xf32>
        %mul3A_1292 = arith.mulf %mul3A_1291, %sub3A_1278 : vector<16xf32>
        %mul3A_1293 = arith.mulf %mul3A_1292, %neg3A_1268 : vector<16xf32>
        %add3A_1294 = arith.addf %mul3A_1288, %mul3A_1293 : vector<16xf32>
        %mul3A_1295 = arith.mulf %sub3A_1278, %sub3A_1278 : vector<16xf32>
        %mul3A_1296 = arith.mulf %mul3A_1295, %mul3A_1252 : vector<16xf32>
        %add3A_1297 = arith.addf %add3A_1294, %mul3A_1296 : vector<16xf32>
        %bitcast3A_1298 = vector.bitcast %add3A_1297 : vector<16xf32> to vector<16xi32>
        %shift_right_logical3A_1299 = arith.constant 1 : i32
        %shift_right_logical3A_1300 = vector.broadcast %shift_right_logical3A_1299 : i32 to vector<16xi32>
        %shift_right_logical3A_1301 = arith.shrui %bitcast3A_1298, %shift_right_logical3A_1300 : vector<16xi32>
        %sub3A_1302 = arith.constant 1597463007 : i32
        %sub3A_1303 = vector.broadcast %sub3A_1302 : i32 to vector<16xi32>
        %sub3A_1304 = arith.subi %sub3A_1303, %shift_right_logical3A_1301 : vector<16xi32>
        %bitcast3A_1305 = vector.bitcast %sub3A_1304 : vector<16xi32> to vector<16xf32>
        %mul3A_1306 = arith.constant 5.000000e-01 : f32
        %mul3A_1307 = vector.broadcast %mul3A_1306 : f32 to vector<16xf32>
        %mul3A_1308 = arith.mulf %mul3A_1307, %add3A_1297 : vector<16xf32>
        %mul3A_1309 = arith.mulf %mul3A_1308, %bitcast3A_1305 : vector<16xf32>
        %mul3A_1310 = arith.mulf %mul3A_1309, %bitcast3A_1305 : vector<16xf32>
        %sub3A_1311 = arith.constant 1.500000e+00 : f32
        %sub3A_1312 = vector.broadcast %sub3A_1311 : f32 to vector<16xf32>
        %sub3A_1313 = arith.subf %sub3A_1312, %mul3A_1310 : vector<16xf32>
        %mul3A_1314 = arith.mulf %bitcast3A_1305, %sub3A_1313 : vector<16xf32>
        %mul3A_1315 = arith.constant 5.000000e-01 : f32
        %mul3A_1316 = vector.broadcast %mul3A_1315 : f32 to vector<16xf32>
        %mul3A_1317 = arith.mulf %mul3A_1316, %add3A_1297 : vector<16xf32>
        %mul3A_1318 = arith.mulf %mul3A_1317, %mul3A_1314 : vector<16xf32>
        %mul3A_1319 = arith.mulf %mul3A_1318, %mul3A_1314 : vector<16xf32>
        %sub3A_1320 = arith.constant 1.500000e+00 : f32
        %sub3A_1321 = vector.broadcast %sub3A_1320 : f32 to vector<16xf32>
        %sub3A_1322 = arith.subf %sub3A_1321, %mul3A_1319 : vector<16xf32>
        %mul3A_1323 = arith.mulf %mul3A_1314, %sub3A_1322 : vector<16xf32>
        %mul3A_1324 = arith.constant 5.000000e-01 : f32
        %mul3A_1325 = vector.broadcast %mul3A_1324 : f32 to vector<16xf32>
        %mul3A_1326 = arith.mulf %mul3A_1325, %add3A_1297 : vector<16xf32>
        %mul3A_1327 = arith.mulf %mul3A_1326, %mul3A_1323 : vector<16xf32>
        %mul3A_1328 = arith.mulf %mul3A_1327, %mul3A_1323 : vector<16xf32>
        %sub3A_1329 = arith.constant 1.500000e+00 : f32
        %sub3A_1330 = vector.broadcast %sub3A_1329 : f32 to vector<16xf32>
        %sub3A_1331 = arith.subf %sub3A_1330, %mul3A_1328 : vector<16xf32>
        %mul3A_1332 = arith.mulf %mul3A_1323, %sub3A_1331 : vector<16xf32>
        %mul3A_1333 = arith.mulf %add3A_1297, %mul3A_1332 : vector<16xf32>
        %abs3A = math.absf %add3A_1286 : vector<16xf32>
        %div3A_1334 = arith.divf %mul3A_1333, %abs3A : vector<16xf32>
        %jit3A_1335 = arith.constant 1.000000e-10 : f32
        %jit3A_1336 = arith.constant 0.999989986 : f32
        %max3A_1337 = vector.broadcast %jit3A_1335 : f32 to vector<16xf32>
        %max3A_1338 = arith.maximumf %max3A_1337, %div3A_1334 : vector<16xf32>
        %min3A_1339 = vector.broadcast %jit3A_1336 : f32 to vector<16xf32>
        %min3A_1340 = arith.minimumf %min3A_1339, %max3A_1338 : vector<16xf32>
        %add3A_1341 = arith.constant 1.000000e+00 : f32
        %add3A_1342 = vector.broadcast %add3A_1341 : f32 to vector<16xf32>
        %add3A_1343 = arith.addf %add3A_1342, %min3A_1340 : vector<16xf32>
        %sub3A_1344 = arith.constant 1.000000e+00 : f32
        %sub3A_1345 = vector.broadcast %sub3A_1344 : f32 to vector<16xf32>
        %sub3A_1346 = arith.subf %sub3A_1345, %min3A_1340 : vector<16xf32>
        %div3A_1347 = arith.divf %add3A_1343, %sub3A_1346 : vector<16xf32>
        %bitcast3A_1348 = vector.bitcast %div3A_1347 : vector<16xf32> to vector<16xi32>
        %shift_right_logical3A_1349 = arith.constant 23 : i32
        %shift_right_logical3A_1350 = vector.broadcast %shift_right_logical3A_1349 : i32 to vector<16xi32>
        %shift_right_logical3A_1351 = arith.shrui %bitcast3A_1348, %shift_right_logical3A_1350 : vector<16xi32>
        %sub3A_1352 = arith.constant 127 : i32
        %sub3A_1353 = vector.broadcast %sub3A_1352 : i32 to vector<16xi32>
        %sub3A_1354 = arith.subi %shift_right_logical3A_1351, %sub3A_1353 : vector<16xi32>
        %and3A_1355 = arith.constant 8388607 : i32
        %and3A_1356 = vector.broadcast %and3A_1355 : i32 to vector<16xi32>
        %and3A_1357 = arith.andi %bitcast3A_1348, %and3A_1356 : vector<16xi32>
        %or3A_1358 = arith.constant 1065353216 : i32
        %or3A_1359 = vector.broadcast %or3A_1358 : i32 to vector<16xi32>
        %or3A_1360 = arith.ori %and3A_1357, %or3A_1359 : vector<16xi32>
        %bitcast3A_1361 = vector.bitcast %or3A_1360 : vector<16xi32> to vector<16xf32>
        %gt3A_1362 = arith.constant 1.41421354 : f32
        %gt3A_1363 = vector.broadcast %gt3A_1362 : f32 to vector<16xf32>
        %gt3A_1364 = arith.cmpf ogt, %bitcast3A_1361, %gt3A_1363 : vector<16xf32>
        %mul3A_1365 = arith.constant 5.000000e-01 : f32
        %mul3A_1366 = vector.broadcast %mul3A_1365 : f32 to vector<16xf32>
        %mul3A_1367 = arith.mulf %bitcast3A_1361, %mul3A_1366 : vector<16xf32>
        %select_n3A_1368 = arith.select %gt3A_1364, %mul3A_1367, %bitcast3A_1361 : vector<16xi1>, vector<16xf32>
        %add3A_1369 = arith.constant 1 : i32
        %add3A_1370 = vector.broadcast %add3A_1369 : i32 to vector<16xi32>
        %add3A_1371 = arith.addi %sub3A_1354, %add3A_1370 : vector<16xi32>
        %select_n3A_1372 = arith.select %gt3A_1364, %add3A_1371, %sub3A_1354 : vector<16xi1>, vector<16xi32>
        %convert_element_type3A_1373 = arith.sitofp %select_n3A_1372 : vector<16xi32> to vector<16xf32>
        %sub3A_1374 = arith.constant 1.000000e+00 : f32
        %sub3A_1375 = vector.broadcast %sub3A_1374 : f32 to vector<16xf32>
        %sub3A_1376 = arith.subf %select_n3A_1368, %sub3A_1375 : vector<16xf32>
        %add3A_1377 = arith.constant 1.000000e+00 : f32
        %add3A_1378 = vector.broadcast %add3A_1377 : f32 to vector<16xf32>
        %add3A_1379 = arith.addf %select_n3A_1368, %add3A_1378 : vector<16xf32>
        %div3A_1380 = arith.divf %sub3A_1376, %add3A_1379 : vector<16xf32>
        %mul3A_1381 = arith.mulf %div3A_1380, %div3A_1380 : vector<16xf32>
        %mul3A_1382 = arith.constant 2.000000e+00 : f32
        %mul3A_1383 = vector.broadcast %mul3A_1382 : f32 to vector<16xf32>
        %mul3A_1384 = arith.mulf %mul3A_1383, %div3A_1380 : vector<16xf32>
        %div3A_1385 = arith.constant 9.000000e+00 : f32
        %div3A_1386 = vector.broadcast %div3A_1385 : f32 to vector<16xf32>
        %div3A_1387 = arith.divf %mul3A_1381, %div3A_1386 : vector<16xf32>
        %add3A_1388 = arith.constant 0.142857149 : f32
        %add3A_1389 = vector.broadcast %add3A_1388 : f32 to vector<16xf32>
        %add3A_1390 = arith.addf %add3A_1389, %div3A_1387 : vector<16xf32>
        %mul3A_1391 = arith.mulf %mul3A_1381, %add3A_1390 : vector<16xf32>
        %add3A_1392 = arith.constant 2.000000e-01 : f32
        %add3A_1393 = vector.broadcast %add3A_1392 : f32 to vector<16xf32>
        %add3A_1394 = arith.addf %add3A_1393, %mul3A_1391 : vector<16xf32>
        %mul3A_1395 = arith.mulf %mul3A_1381, %add3A_1394 : vector<16xf32>
        %add3A_1396 = arith.constant 0.333333343 : f32
        %add3A_1397 = vector.broadcast %add3A_1396 : f32 to vector<16xf32>
        %add3A_1398 = arith.addf %add3A_1397, %mul3A_1395 : vector<16xf32>
        %mul3A_1399 = arith.mulf %mul3A_1381, %add3A_1398 : vector<16xf32>
        %add3A_1400 = arith.constant 1.000000e+00 : f32
        %add3A_1401 = vector.broadcast %add3A_1400 : f32 to vector<16xf32>
        %add3A_1402 = arith.addf %add3A_1401, %mul3A_1399 : vector<16xf32>
        %mul3A_1403 = arith.mulf %mul3A_1384, %add3A_1402 : vector<16xf32>
        %mul3A_1404 = arith.constant 0.693147182 : f32
        %mul3A_1405 = vector.broadcast %mul3A_1404 : f32 to vector<16xf32>
        %mul3A_1406 = arith.mulf %convert_element_type3A_1373, %mul3A_1405 : vector<16xf32>
        %add3A_1407 = arith.addf %mul3A_1403, %mul3A_1406 : vector<16xf32>
        %mul3A_1408 = arith.constant 5.000000e-01 : f32
        %mul3A_1409 = vector.broadcast %mul3A_1408 : f32 to vector<16xf32>
        %mul3A_1410 = arith.mulf %mul3A_1409, %add3A_1407 : vector<16xf32>
        %mul3A_1411 = arith.constant 4.000000e+00 : f32
        %mul3A_1412 = vector.broadcast %mul3A_1411 : f32 to vector<16xf32>
        %mul3A_1413 = arith.mulf %mul3A_1412, %mul3A_1410 : vector<16xf32>
        %mul3A_1414 = arith.mulf %mul3A_1413, %mul3A_1410 : vector<16xf32>
        %neg3A_1415 = arith.constant 0.000000e+00 : f32
        %neg3A_1416 = vector.broadcast %neg3A_1415 : f32 to vector<16xf32>
        %neg3A_1417 = arith.subf %neg3A_1416, %mul3A_1414 : vector<16xf32>
        %get3A = arith.index_cast %multiple_of3A_121 : i32 to index
        %get3A_1418 = tpu.vector_load %arg18[%get3A] {strides = array<i32>} : memref<512xf32, #tpu.memory_space<vmem>>, vector<16xf32>,
        %add3A_1419 = arith.addf %neg3A_1417, %get3A_1418 : vector<16xf32>
        %get3A_1420 = arith.index_cast %multiple_of3A_121 : i32 to index
        %get3A_1421 = tpu.vector_load %arg19[%get3A_1420] {strides = array<i32>} : memref<512xf32, #tpu.memory_space<vmem>>, vector<16xf32>,
        %add3A_1422 = arith.addf %add3A_1419, %get3A_1421 : vector<16xf32>
        %swap3A = arith.index_cast %multiple_of3A_121 : i32 to index
        %swap3A_1423 = tpu.vector_load %arg20[%swap3A] {strides = array<i32>} : memref<512xf32, #tpu.memory_space<vmem>>, vector<16xf32>,
        tpu.vector_store %arg20[%swap3A], %add3A_1422 {strides = array<i32>} : memref<512xf32, #tpu.memory_space<vmem>>, vector<16xf32>,
      }
      %scan3A_113 = arith.constant 8 : i32
    }
    %scan3A_100 = arith.constant 4 : i32
    "tpu.region"() ({
      %run_scoped3A = tpu.sem_alloc : memref<!tpu.dma_semaphore, #tpu.memory_space<semaphore_mem>>
      %dma_start3A_101 = tpu.memref_slice %arg10[%mul3A_2] : memref<16384xf32, #tpu.memory_space<hbm>> -> memref<512xf32, #tpu.memory_space<hbm>>
      %dma_start3A_102 = tpu.memref_slice %arg10[%mul3A_2] : memref<16384xf32, #tpu.memory_space<hbm>> -> memref<512xf32, #tpu.memory_space<hbm>>
      tpu.enqueue_dma source(%arg20 : memref<512xf32, #tpu.memory_space<vmem>>) target(%dma_start3A_102 : memref<512xf32, #tpu.memory_space<hbm>>) target_semaphore(%run_scoped3A : memref<!tpu.dma_semaphore, #tpu.memory_space<semaphore_mem>>)
      %dma_wait3A_103 = tpu.memref_slice %arg10[%mul3A_2] : memref<16384xf32, #tpu.memory_space<hbm>> -> memref<512xf32, #tpu.memory_space<hbm>>
      %dma_wait3A_104 = tpu.memref_slice %arg10[%mul3A_2] : memref<16384xf32, #tpu.memory_space<hbm>> -> memref<512xf32, #tpu.memory_space<hbm>>
      tpu.wait_dma2 semaphore(%run_scoped3A : memref<!tpu.dma_semaphore, #tpu.memory_space<semaphore_mem>>) src(%arg20 : memref<512xf32, #tpu.memory_space<vmem>>) dst(%dma_wait3A_104 : memref<512xf32, #tpu.memory_space<hbm>>)
      tpu.yield
    }) : () -> ()
    return
  }
}

</mosaic_0001>

<sc_bundles>
// kernel: kernel.3.cloned.1.call-start
scs
__scs_entry_jumppad:
0x0: {  	(pc) =	sbr.rel $0x88, $3  }
0x1: {  	(tag) =	ssettag $0x0;
	lr =	simm.s32 $0x1  }
0x2: {  	[smem:$0x3F99] =	sst lr;
	_ =	strace $0xD0000000  }
0x3: {  	_ = 	snop  }
0x4: {  	_ = 	snop  }
0x5: {  	_ = 	snop  }
0x6: {  	_ = 	snop  }
0x7: {  	_ = 	snop  }
__scs_overlays_trampoline_lowered:
0x8: {  	[smem:$0x3FA8] =	sst s0  }
0x9: {  	[smem:$0x3FA9] =	sst s1  }
0xa: {  	[smem:$0x3FAA] =	sst s2  }
0xb: {  	[smem:$0x3FAB] =	sst s3  }
0xc: {  	[smem:$0x3FAC] =	sst s4  }
0xd: {  	[smem:$0x3FAD] =	sst s5  }
0xe: {  	[smem:$0x3FAE] =	sst s6  }
0xf: {  	[smem:$0x3FAF] =	sst s7  }
0x10: {  	[smem:$0x3FB0] =	sst s8  }
0x11: {  	[smem:$0x3FB1] =	sst s9;
	s0 =	simm.s32 @!p0 $0x0  }
0x12: {  	s1 =	sld [smem:$0x3F97];
	s0 =	simm.s32 @p0 $0x1  }
0x13: {  	[smem:$0x3FB2] =	sst s0;
	s0 =	simm.s32 @!p1 $0x0  }
0x14: {  	s2 =	sld [smem:$0x3F96];
	s0 =	simm.s32 @p1 $0x1  }
0x15: {  	[smem:$0x3FB3] =	sst s0;
	s0 =	simm.s32 @!p2 $0x0  }
0x16: {  	s3 =	sld [smem:$0x3FDB];
	s0 =	simm.s32 @p2 $0x1  }
0x17: {  	s4 =	simm.s32 $0x1BF5;
	[smem:$0x3FB5] =	sst s0  }
0x18: {  	s0 =	sld [smem:$0x3F98];
	_ =	swait.ge [sflag:s4], $0x0  }
0x19: {  	s7 =	sld [smem:$0x3F99]  }
0x1a: {  	s8 =	sadd.s32 $0xFFFFE003, lr  }
0x1b: {  	s9 =	sadd.s32 $0xFFFFFEF7, lr;
	s5 =	simm.s32 $0xFFFFFFFF;
	p2 =	slt.u32 s8, $0xFFFFF086  }
0x1c: {  	p1 =	slt.u32 s9, $0xF7A;
	s5 =	simm.s32 @!p2 $0x0  }
0x1d: {  	s5 =	simm.s32 @p1 $0x1;
	p0 =	seq.s32 s7, s2  }
0x1e: {  	s7 =	smul.u32 @!p0 $0xF7A, s2;
	p2 =	seq.s32 @!p0 s5, $0x0  }
0x1f: {  	s9 =	smul.u32 $0xF7A, s1;
	s8 =	simm.s32 @!p0 $0x1BF5;
	p2 =	por !p2, p0  }
0x20: {  	[sflag:s8] =	ssyncset.s32 @!p0 $0xFFFFF086;
	s6 =	sadd.s32 @!p0 s3, s7;
	s7 =	simm.s32 @!p0 $0x108  }
0x21: {  	s3 =	sadd.s32 s3, s9;
	s6 =	sadd.s32 @!p0 $0x88, s6;
	s7 =	simm.s32 @p2 $0x1082  }
0x22: {  	[simem:s7], [sflag:s8] =	dma.local @!p0 [hbm:s6], $0xF7A  }
0x23: {  	s9 =	sor.u32 $0xD0000000, s2;
	s6 =	simm.s32 $0x108;
	_ =	swait.ge @!p0 [sflag:s8], $0x0  }
0x24: {  	s3 =	sadd.s32 $0x88, s3;
	s6 =	simm.s32 @!p1 $0x1082;
	[sflag:s4] =	ssyncset.s32 $0xFFFFF086  }
0x25: {  	[simem:s6], [sflag:s4] =	dma.local [hbm:s3], $0xF7A  }
0x26: {  	[smem:$0x3F99] =	sst s1;
	(tag) =	ssettag s2;
	_ =	strace s9  }
0x27: {  	s1 =	sld [smem:$0x3FA9]  }
0x28: {  	s2 =	sld [smem:$0x3FAA]  }
0x29: {  	s4 =	sld [smem:$0x3FAC]  }
0x2a: {  	p0 =	seq.s32 s5, $0x0;
	s5 =	sld [smem:$0x3FAD]  }
0x2b: {  	s6 =	sld [smem:$0x3FAE]  }
0x2c: {  	s7 =	sld [smem:$0x3FAF]  }
0x2d: {  	s3 =	simm.s32 $0x108;
	s8 =	sld [smem:$0x3FB0]  }
0x2e: {  	s3 =	simm.s32 @!p0 $0x1082;
	s9 =	sld [smem:$0x3FB1]  }
0x2f: {  	lr =	sadd.s32 s0, s3;
	s0 =	sld [smem:$0x3FA8]  }
0x30: {  	s3 =	sld [smem:$0x3FAB]  }
0x31: {  	[smem:$0x3FB4] =	sst s10  }
0x32: {  	s10 =	sld [smem:$0x3FB2];
	_ =	sdelay $0x3  }
0x33: {  	p0 =	seq.s32 s10, $0x1;
	s10 =	sld [smem:$0x3FB4];
	_ =	sdelay $0x3  }
0x34: {  	[smem:$0x3FB4] =	sst s10  }
0x35: {  	s10 =	sld [smem:$0x3FB3];
	_ =	sdelay $0x3  }
0x36: {  	p1 =	seq.s32 s10, $0x1;
	s10 =	sld [smem:$0x3FB4];
	_ =	sdelay $0x3  }
0x37: {  	[smem:$0x3FB4] =	sst s10  }
0x38: {  	s10 =	sld [smem:$0x3FB5]  }
0x39: {  	_ = 	snop;
	(pc) =	sbr.ind lr, $3  }
0x3a: {  	_ = 	snop  }
0x3b: {  	_ = 	snop  }
0x3c: {  	p2 =	seq.s32 s10, $0x1;
	s10 =	sld [smem:$0x3FB4]  }
0x3d: {  	_ =	shalt  }
0x3e: {  	_ =	shalt  }
0x3f: {  	_ =	shalt  }
0x40: {  	_ =	shalt  }
0x41: {  	_ =	shalt  }
0x42: {  	_ =	shalt  }
0x43: {  	_ =	shalt  }
0x44: {  	_ =	shalt  }
0x45: {  	_ =	shalt  }
0x46: {  	_ =	shalt  }
0x47: {  	_ =	shalt  }
0x48: {  	_ =	shalt  }
0x49: {  	_ =	shalt  }
0x4a: {  	_ =	shalt  }
0x4b: {  	_ =	shalt  }
0x4c: {  	_ =	shalt  }
0x4d: {  	_ =	shalt  }
0x4e: {  	_ =	shalt  }
0x4f: {  	_ =	shalt  }
0x50: {  	_ =	shalt  }
0x51: {  	_ =	shalt  }
0x52: {  	_ =	shalt  }
0x53: {  	_ =	shalt  }
0x54: {  	_ =	shalt  }
0x55: {  	_ =	shalt  }
0x56: {  	_ =	shalt  }
0x57: {  	_ =	shalt  }
0x58: {  	_ =	shalt  }
0x59: {  	_ =	shalt  }
0x5a: {  	_ =	shalt  }
0x5b: {  	_ =	shalt  }
0x5c: {  	_ =	shalt  }
0x5d: {  	_ =	shalt  }
0x5e: {  	_ =	shalt  }
0x5f: {  	_ =	shalt  }
0x60: {  	_ =	shalt  }
0x61: {  	_ =	shalt  }
0x62: {  	_ =	shalt  }
0x63: {  	_ =	shalt  }
0x64: {  	_ =	shalt  }
0x65: {  	_ =	shalt  }
0x66: {  	_ =	shalt  }
0x67: {  	_ =	shalt  }
0x68: {  	_ =	shalt  }
0x69: {  	_ =	shalt  }
0x6a: {  	_ =	shalt  }
0x6b: {  	_ =	shalt  }
0x6c: {  	_ =	shalt  }
0x6d: {  	_ =	shalt  }
0x6e: {  	_ =	shalt  }
0x6f: {  	_ =	shalt  }
0x70: {  	_ =	shalt  }
0x71: {  	_ =	shalt  }
0x72: {  	_ =	shalt  }
0x73: {  	_ =	shalt  }
0x74: {  	_ =	shalt  }
0x75: {  	_ =	shalt  }
0x76: {  	_ =	shalt  }
0x77: {  	_ =	shalt  }
0x78: {  	_ =	shalt  }
0x79: {  	_ =	shalt  }
0x7a: {  	_ =	shalt  }
0x7b: {  	_ =	shalt  }
0x7c: {  	_ =	shalt  }
0x7d: {  	_ =	shalt  }
0x7e: {  	_ =	shalt  }
0x7f: {  	_ =	shalt  }
0x80: {  	_ =	shalt  }
0x81: {  	_ =	shalt  }
0x82: {  	_ =	shalt  }
0x83: {  	_ =	shalt  }
0x84: {  	_ =	shalt  }
0x85: {  	_ =	shalt  }
0x86: {  	_ =	shalt  }
0x87: {  	_ =	shalt  }
.Lfunc_end0:
.L_simem_size_0:
called_computation_lowered:
.L_overlay_start_0:
0x88: {  	s2 =	sld [smem:$0x3FD9]  }
0x89: {  	s3 =	sld [smem:$0x3FFE];
	_ =	sdelay $0x1  }
0x8a: {  	s1 =	srdreg.scid  }
0x8b: {  	s0 =	sand.u32 $0x1, s1  }
0x8c: {  	s17 =	sshll.u32 s0, $0xA;
	s2 =	sadd.s32 s3, s2  }
0x8d: {  	s2 =	sadd.s32 s2, s17  }
0x8e: {  	[smem:$0x3FC0] =	sst s2  }
0x8f: {  	_ = 	snop  }
0x90: {  	s2 =	sld [smem:$0x3FC9]  }
0x91: {  	s18 =	sld [smem:$0x3FC8]  }
0x92: {  	s4 =	sld [smem:$0x3FC7]  }
0x93: {  	s5 =	sld [smem:$0x3FC3]  }
0x94: {  	s6 =	sld [smem:$0x3FC2]  }
0x95: {  	s7 =	sld [smem:$0x3FD0];
	(tm) =	ssettm $0x1  }
0x96: {  	s8 =	sld [smem:$0x3FFB];
	_ =	sdelay $0x3  }
0x97: {  	_ =	strace s8  }
0x98: {  	s8 =	sld [smem:$0x3FFC];
	_ =	sdelay $0x3  }
0x99: {  	_ =	strace s8  }
0x9a: {  	s8 =	sld [smem:$0x3FFD];
	_ =	sdelay $0x3  }
0x9b: {  	_ =	strace s8  }
0x9c: {  	_ =	strace $0x8FFFFFFF  }
0x9d: {  	s19 =	sld [smem:$0x3FDB];
	_ =	sdelay $0x1  }
0x9e: {  	s9 =	simm.s32 $_scs_section_size  }
0x9f: {  	s10 =	simm.s32 $_size__tile_overlayer_lowered;
	s11 =	simm.s32 $_tile_overlayer_lowered  }
0xa0: {  	s22 =	simm.s32 $0x1BFF;
	s21 =	sshll.u32 s11, $0x1;
	s8 =	sadd.s32 s9, s19  }
0xa1: {  	s12 =	simm.s32 $0x0;
	s20 =	sshll.u32 s10, $0x1;
	s10 =	sadd.s32 s21, s8  }
0xa2: {  	[timem:s12], [sflag:s22] =	dma.local [hbm:s10], s20  }
0xa3: {  	_ =	swait.ge [sflag:s22], s20  }
0xa4: {  	s9 =	ssub.s32 $0x0, s20;
	[sflag:s22] =	ssyncset.done $0x0  }
0xa5: {  	[sflag:s22] =	ssyncadd.s32 s9;
	_ =	sdelay $0x1  }
0xa6: {  	s23 =	simm.s32 $0x1B8B  }
0xa7: {  	_ =	swait.ge [sflag:s23], $0x1  }
0xa8: {  	[sflag:s23] =	ssyncset.done $0x0  }
0xa9: {  	s25 =	simm.s32 $0x1B8E;
	s24 =	sld [smem:$0x3FFE];
	[sflag:s23] =	ssyncadd.s32 $0xFFFFFFFF  }
0xaa: {  	s26 =	simm.s32 $execute0_lowered;
	[smem:$0x3FD2] =	sst s25  }
0xab: {  	s10 =	sshll.u32 s26, $0x1;
	_ =	strace $0x80000046;
	[dreg:$0x1] =	wrdreg $0xFFFFFFFF  }
0xac: {  	s28 =	simm.s32 $_size_execute0_lowered;
	s8 =	sadd.s32 s8, s10;
	[dreg:$0x0] =	wrdreg $0x0  }
0xad: {  	s10 =	sshll.u32 s28, $0x1;
	[dreg:$0x2] =	wrdreg s8  }
0xae: {  	[dreg:$0x3] =	wrdreg s10  }
0xaf: {  	[dreg:$0x4] =	wrdreg $0xC0  }
0xb0: {  	_ =	task [dreg:s12], $0x5FFFF  }
0xb1: {  	[dreg:$0x1] =	wrdreg $0xFFFFFFFF  }
0xb2: {  	[dreg:$0x0] =	wrdreg $0x60  }
0xb3: {  	[dreg:$0x2] =	wrdreg s24  }
0xb4: {  	[dreg:$0x3] =	wrdreg s5  }
0xb5: {  	[dreg:$0x4] =	wrdreg s6  }
0xb6: {  	[dreg:$0x5] =	wrdreg s2  }
0xb7: {  	[dreg:$0x6] =	wrdreg s18  }
0xb8: {  	[dreg:$0x7] =	wrdreg s4  }
0xb9: {  	[dreg:$0x8] =	wrdreg s7  }
0xba: {  	[dreg:$0x9] =	wrdreg $0x9  }
0xbb: {  	_ =	task.clear_ibuf [dreg:s12], $0xAFFFF;
	_ =	strace $0x90000046  }
0xbc: {  	s29 =	simm.s32 $0x9;
	_ =	strace $0x80000048  }
0xbd: {  	_ =	swait.ge [sflag:s29], $0x1  }
0xbe: {  	[sflag:s29] =	ssyncadd.s32 $0xFFFFFFFF  }
0xbf: {  	_ =	strace $0x90000048  }
0xc0: {  	_ =	sfence  }
0xc1: {  	s30 =	sld [smem:$0x0];
	_ =	sdelay $0x2  }
0xc2: {  	s31 =	sshll.u32 s1, $0xD;
	s1 =	sshrl.u32 s1, $0x2  }
0xc3: {  	s3 =	sand.u32 $0x4000, s31;
	s1 =	sadd.s32 s1, s30  }
0xc4: {  	s0 =	sor.u32 s3, s0;
	s1 =	sshll.u32 s1, $0x11  }
0xc5: {  	s0 =	sor.u32 s1, s0  }
0xc6: {  	s0 =	sadd.s32 $0x8F2B, s0  }
0xc7: {  	[sflag:s0] =	ssyncadd.remote.s32 $0x1  }
0xc8: {  	_ =	sfence.sel $0xFFFF  }
0xc9: {  	[dreg:$0x0] =	wrdreg $0xFFFFFFFF;
	(pc) =	sbr.abs _section_cstart, $3  }
0xca: {  	[dreg:$0x1] =	wrdreg $0xFFFFFFFF  }
0xcb: {  	_ =	task.clear_ibuf [dreg:s12], $0x2FFFF;
	_ =	strace $0x9FFFFFFF  }
0xcc: {  	(tm) =	ssettm $0x7FFFFFFF  }
0xcd: {  	_ =	shalt  }
tec
execute0_lowered:
.L_overlay_start_1:
0x0: {  	(tag) =	ssettag $0x1  }
0x1: {  	s0 =	rddreg [dreg:$0x0]  }
0x2: {  	s1 =	rddreg [dreg:$0x1]  }
0x3: {  	s2 =	rddreg [dreg:$0x2]  }
0x4: {  	s4 =	rddreg [dreg:$0x3]  }
0x5: {  	s8 =	rddreg [dreg:$0x4]  }
0x6: {  	s9 =	rddreg [dreg:$0x5];
	s3 =	simm.s32 $0x0  }
0x7: {  	[smem:$0x7FF] =	sst s3  }
0x8: {  	s11 =	rddreg [dreg:$0x6];
	v0 =	vimm.f32 $9.000000000e+00;
	_ =	strace $0x80000047  }
0x9: {  	s7 =	srdreg.scid;
	(erf) = vrcp.f32 v0  }
0xa: {  	s12 =	stileid.u32;
	s14 =	simm.s32 $0x80;
	s28 =	simm.s32 $0x1  }
0xb: {  	s29 =	simm.s32 $0x600;
	s30 =	simm.s32 $0x4600;
	s7 =	sand.u32 $0x1, s7  }
0xc: {  	s31 =	simm.s32 $0x8600;
	s12 =	sshll.u32 s12, $0x7;
	s13 =	sshll.u32 s7, $0x6  }
0xd: {  	s15 =	simm.s32 $0x0;
	s5 =	sadd.s32 $0x8400, s0;
	s12 =	sor.u32 s13, s12  }
0xe: {  	s6 =	sadd.s32 $0x400, s0;
	s10 =	ssub.s32 $0x2, s7;
	s4 =	sadd.s32 s4, s12  }
0xf: {  	s7 =	sadd.s32 $0x4400, s0;
	v0 =	vlaneseq.u32;
	s24 =	sadd.s32 s8, s12;
	[dreg:$0x8] =	wrdreg s4  }
0x10: {  	s23 =	sshrl.u32 s10, $0x1;
	s25 =	sadd.s32 s9, s12;
	v3 =	vmul.u32 $0x80, v0;
	[dreg:$0x9] =	wrdreg s24  }
0x11: {  	s0 =	ssub.s32 s10, s23;
	s26 =	sadd.s32 s11, s12;
	[dreg:$0xa] =	wrdreg s25  }
0x12: {  	s13 =	simm.s32 $0x3;
	[dreg:$0xb] =	wrdreg s26;
	s0 =	smax.u32 s0, $0x1;
	[tilespmem:$0x1FFF0] =	vst v3;
	v5 =	vpop (erf)  }
0x13: {  	s26 =	simm.s32 $0x2;
	[dreg:$0xc] =	wrdreg s0;
	s0 =	simm.s32 $0xC600;
	[tilespmem:$0x1FFE0] =	vst v5  }
.LBB2_1:
0x14: {  	s4 =	rddreg [dreg:$0x8]  }
0x15: {  	[tilespmem:s3], [sflag:$0x3] =	stream.linear.gather [hbm4b:s4+s3], $0x200, $0x38;
	[tilespmem:$0x10C00] =	vst v63  }
0x16: {  	_ =	swait.ge [sflag:s13], $0x200  }
0x17: {  	[sflag:s13] =	ssyncset.done $0x0  }
0x18: {  	s16 =	simm.s32 $0x200;
	s9 =	rddreg [dreg:$0x9];
	[sflag:s13] =	ssyncadd.s32 $0xFFFFFE00  }
0x19: {  	[tilespmem:s16], [sflag:$0x3] =	stream.linear.gather [hbm4b:s9+s3], $0x200, $0x38;
	[tilespmem:$0x10C00] =	vst v63  }
0x1a: {  	_ =	swait.ge [sflag:s13], $0x200  }
0x1b: {  	[sflag:s13] =	ssyncset.done $0x0  }
0x1c: {  	s17 =	simm.s32 $0x400;
	s10 =	rddreg [dreg:$0xa];
	[sflag:s13] =	ssyncadd.s32 $0xFFFFFE00  }
0x1d: {  	[tilespmem:s17], [sflag:$0x3] =	stream.linear.gather [hbm4b:s10+s3], $0x200, $0x38;
	[tilespmem:$0x10C00] =	vst v63  }
0x1e: {  	_ =	swait.ge [sflag:s13], $0x200  }
0x1f: {  	[sflag:s13] =	ssyncset.done $0x0  }
0x20: {  	s4 =	simm.s32 $0x10600;
	[sflag:s13] =	ssyncadd.s32 $0xFFFFFE00  }
0x21: {  	[tilespmem:s4], [sflag:$0x2] =	stream.indirect.gather [hbm4b:s1+s14], $0x1, s3, s14, $0xb8;
	[tilespmem:$0x10C00] =	vst v63  }
0x22: {  	s25 =	simm.s32 $0x10800  }
0x23: {  	[tilespmem:s25], [sflag:$0x2] =	stream.indirect.gather [hbm4b:s2+s14], $0x1, s17, s14, $0xb8;
	[tilespmem:$0x10C00] =	vst v63  }
0x24: {  	s8 =	simm.s32 $0x10680  }
0x25: {  	[tilespmem:s8], [sflag:$0x2] =	stream.indirect.gather [hbm4b:s1+s14], $0x1, s14, s14, $0xb8;
	[tilespmem:$0x10C00] =	vst v63  }
0x26: {  	s11 =	simm.s32 $0x480;
	s9 =	simm.s32 $0x10880  }
0x27: {  	[tilespmem:s9], [sflag:$0x2] =	stream.indirect.gather [hbm4b:s2+s14], $0x1, s11, s14, $0xb8;
	[tilespmem:$0x10C00] =	vst v63  }
0x28: {  	s12 =	simm.s32 $0x100;
	s18 =	simm.s32 $0x10700  }
0x29: {  	[tilespmem:s18], [sflag:$0x2] =	stream.indirect.gather [hbm4b:s1+s14], $0x1, s12, s14, $0xb8;
	[tilespmem:$0x10C00] =	vst v63  }
0x2a: {  	s19 =	simm.s32 $0x500;
	s20 =	simm.s32 $0x10900  }
0x2b: {  	[tilespmem:s20], [sflag:$0x2] =	stream.indirect.gather [hbm4b:s2+s14], $0x1, s19, s14, $0xb8;
	[tilespmem:$0x10C00] =	vst v63  }
0x2c: {  	s21 =	simm.s32 $0x180;
	s22 =	simm.s32 $0x10780  }
0x2d: {  	[tilespmem:s22], [sflag:$0x2] =	stream.indirect.gather [hbm4b:s1+s14], $0x1, s21, s14, $0xb8;
	[tilespmem:$0x10C00] =	vst v63  }
0x2e: {  	s23 =	simm.s32 $0x580;
	s24 =	simm.s32 $0x10980  }
0x2f: {  	[tilespmem:s24], [sflag:$0x2] =	stream.indirect.gather [hbm4b:s2+s14], $0x1, s23, s14, $0xb8;
	[tilespmem:$0x10C00] =	vst v63  }
0x30: {  	_ =	swait.ge [sflag:s26], $0x80  }
0x31: {  	[sflag:s26] =	ssyncset.done $0x0  }
0x32: {  	[sflag:s26] =	ssyncadd.s32 $0xFFFFFF80  }
0x33: {  	_ =	swait.ge [sflag:s26], $0x80  }
0x34: {  	[sflag:s26] =	ssyncset.done $0x0  }
0x35: {  	[sflag:s26] =	ssyncadd.s32 $0xFFFFFF80  }
0x36: {  	_ =	swait.ge [sflag:s26], $0x80  }
0x37: {  	[sflag:s26] =	ssyncset.done $0x0  }
0x38: {  	[sflag:s26] =	ssyncadd.s32 $0xFFFFFF80  }
0x39: {  	_ =	swait.ge [sflag:s26], $0x80  }
0x3a: {  	[sflag:s26] =	ssyncset.done $0x0  }
0x3b: {  	[sflag:s26] =	ssyncadd.s32 $0xFFFFFF80  }
0x3c: {  	_ =	swait.ge [sflag:s26], $0x80  }
0x3d: {  	[sflag:s26] =	ssyncset.done $0x0  }
0x3e: {  	[sflag:s26] =	ssyncadd.s32 $0xFFFFFF80  }
0x3f: {  	_ =	swait.ge [sflag:s26], $0x80  }
0x40: {  	[sflag:s26] =	ssyncset.done $0x0  }
0x41: {  	[sflag:s26] =	ssyncadd.s32 $0xFFFFFF80  }
0x42: {  	_ =	swait.ge [sflag:s26], $0x80  }
0x43: {  	[sflag:s26] =	ssyncset.done $0x0  }
0x44: {  	[sflag:s26] =	ssyncadd.s32 $0xFFFFFF80  }
0x45: {  	_ =	swait.ge [sflag:s26], $0x80  }
0x46: {  	s21 =	simm.s32 $0x0;
	[sflag:s26] =	ssyncset.done $0x0  }
0x47: {  	s22 =	simm.s32 $0x0;
	s24 =	simm.s32 $0x10A00;
	[sflag:s26] =	ssyncadd.s32 $0xFFFFFF80  }
.LBB2_2:
0x48: {  	s23 =	simm.s32 $0x0;
	s18 =	smov.u32 s21  }
0x49: {  	s19 =	smov.u32 s17;
	s20 =	smov.u32 s16;
	s8 =	simm.s32 $0x0  }
.LBB2_3:
0x4a: {  	v0 =	vld [tilespmem:s18+$0x0];
	_ =	sdelay $0x3  }
0x4b: {  	v1 =	vld [tilespmem:s19+$0x0]  }
0x4c: {  	v2 =	vshll.u32 v0, $0x4  }
0x4d: {  	v0 =	vld [tilespmem:s20+$0x0];
	(v2sf) =	vpush v2, $0x0;
	_ =	sdelay $0x2  }
0x4e: {  	v1 =	vshll.u32 v1, $0x4  }
0x4f: {  	(v2sf) =	vpush v1, $0x0  }
0x50: {  	v0 =	vshll.u32 v0, $0x4  }
0x51: {  	(v2sf) =	vpush v0, $0x0;
	_ =	sdelay $0x4  }
0x52: {  	(v2sf) =	vpush v2, $0x1;
	_ =	sdelay $0x3  }
0x53: {  	s10 =	spop (v2sf)  }
0x54: {  	s9 =	sshra.s32 s8, $0x2;
	(v2sf) =	vpush v1, $0x1;
	s10 =	sand.u32 $0x1FFFFFF0, s10  }
0x55: {  	s11 =	sadd.s32 $0x600, s9;
	s10 =	sadd.s32 s5, s10  }
0x56: {  	[tilespmem:s11], [sflag:$0x1] =	stream.linear.gather [hbm4b:s10+s23], $0x80, $0x38;
	[tilespmem:$0x10C00] =	vst v63  }
0x57: {  	s11 =	spop (v2sf)  }
0x58: {  	(v2sf) =	vpush v0, $0x1;
	s10 =	sand.u32 $0x1FFFFFF0, s11  }
0x59: {  	s12 =	sadd.s32 $0x4600, s9;
	s10 =	sadd.s32 s5, s10;
	s11 =	spop (v2sf)  }
0x5a: {  	[tilespmem:s12], [sflag:$0x1] =	stream.linear.gather [hbm4b:s10+s23], $0x80, $0x38;
	[tilespmem:$0x10C00] =	vst v63  }
0x5b: {  	s10 =	sand.u32 $0x1FFFFFF0, s11  }
0x5c: {  	(v2sf) =	vpush v2, $0x2;
	s11 =	sadd.s32 $0x8600, s9;
	s12 =	sadd.s32 s7, s10  }
0x5d: {  	[tilespmem:s11], [sflag:$0x1] =	stream.linear.gather [hbm4b:s12+s23], $0x80, $0x38;
	[tilespmem:$0x10C00] =	vst v63  }
0x5e: {  	s10 =	sadd.s32 s6, s10;
	s12 =	sadd.s32 $0xC600, s9;
	s11 =	spop (v2sf)  }
0x5f: {  	(v2sf) =	vpush v1, $0x2;
	[tilespmem:s12], [sflag:$0x1] =	stream.linear.gather [hbm4b:s10+s23], $0x80, $0x38;
	[tilespmem:$0x10C00] =	vst v63  }
0x60: {  	s10 =	sand.u32 $0x1FFFFFF0, s11  }
0x61: {  	s12 =	sadd.s32 $0x680, s9;
	s10 =	sadd.s32 s5, s10  }
0x62: {  	[tilespmem:s12], [sflag:$0x1] =	stream.linear.gather [hbm4b:s10+s23], $0x80, $0x38;
	[tilespmem:$0x10C00] =	vst v63  }
0x63: {  	s11 =	spop (v2sf)  }
0x64: {  	(v2sf) =	vpush v0, $0x2;
	s10 =	sand.u32 $0x1FFFFFF0, s11  }
0x65: {  	s12 =	sadd.s32 $0x4680, s9;
	s10 =	sadd.s32 s5, s10  }
0x66: {  	[tilespmem:s12], [sflag:$0x1] =	stream.linear.gather [hbm4b:s10+s23], $0x80, $0x38;
	[tilespmem:$0x10C00] =	vst v63  }
0x67: {  	s11 =	spop (v2sf)  }
0x68: {  	(v2sf) =	vpush v2, $0x3;
	s10 =	sand.u32 $0x1FFFFFF0, s11  }
0x69: {  	s11 =	sadd.s32 $0x8680, s9;
	s12 =	sadd.s32 s7, s10  }
0x6a: {  	[tilespmem:s11], [sflag:$0x1] =	stream.linear.gather [hbm4b:s12+s23], $0x80, $0x38;
	[tilespmem:$0x10C00] =	vst v63  }
0x6b: {  	s10 =	sadd.s32 s6, s10;
	s12 =	sadd.s32 $0xC680, s9;
	s11 =	spop (v2sf);
	(v2sf) =	vpush v1, $0x3  }
0x6c: {  	[tilespmem:s12], [sflag:$0x1] =	stream.linear.gather [hbm4b:s10+s23], $0x80, $0x38;
	[tilespmem:$0x10C00] =	vst v63  }
0x6d: {  	s10 =	sand.u32 $0x1FFFFFF0, s11  }
0x6e: {  	s12 =	sadd.s32 $0x700, s9;
	s11 =	spop (v2sf);
	(v2sf) =	vpush v0, $0x3;
	s10 =	sadd.s32 s5, s10  }
0x6f: {  	[tilespmem:s12], [sflag:$0x1] =	stream.linear.gather [hbm4b:s10+s23], $0x80, $0x38;
	[tilespmem:$0x10C00] =	vst v63  }
0x70: {  	s10 =	sand.u32 $0x1FFFFFF0, s11  }
0x71: {  	s12 =	sadd.s32 $0x4700, s9;
	s10 =	sadd.s32 s5, s10  }
0x72: {  	[tilespmem:s12], [sflag:$0x1] =	stream.linear.gather [hbm4b:s10+s23], $0x80, $0x38;
	[tilespmem:$0x10C00] =	vst v63  }
0x73: {  	s11 =	spop (v2sf)  }
0x74: {  	s10 =	sand.u32 $0x1FFFFFF0, s11  }
0x75: {  	(v2sf) =	vpush v2, $0x4;
	s11 =	sadd.s32 $0x8700, s9;
	s12 =	sadd.s32 s7, s10  }
0x76: {  	[tilespmem:s11], [sflag:$0x1] =	stream.linear.gather [hbm4b:s12+s23], $0x80, $0x38;
	[tilespmem:$0x10C00] =	vst v63  }
0x77: {  	s10 =	sadd.s32 s6, s10;
	s12 =	sadd.s32 $0xC700, s9;
	s11 =	spop (v2sf)  }
0x78: {  	[tilespmem:s12], [sflag:$0x1] =	stream.linear.gather [hbm4b:s10+s23], $0x80, $0x38;
	[tilespmem:$0x10C00] =	vst v63  }
0x79: {  	(v2sf) =	vpush v1, $0x4;
	s10 =	sand.u32 $0x1FFFFFF0, s11  }
0x7a: {  	s12 =	sadd.s32 $0x780, s9;
	s10 =	sadd.s32 s5, s10;
	s11 =	spop (v2sf)  }
0x7b: {  	[tilespmem:s12], [sflag:$0x1] =	stream.linear.gather [hbm4b:s10+s23], $0x80, $0x38;
	[tilespmem:$0x10C00] =	vst v63  }
0x7c: {  	s10 =	sand.u32 $0x1FFFFFF0, s11  }
0x7d: {  	(v2sf) =	vpush v0, $0x4;
	s12 =	sadd.s32 $0x4780, s9;
	s10 =	sadd.s32 s5, s10;
	s11 =	spop (v2sf)  }
0x7e: {  	[tilespmem:s12], [sflag:$0x1] =	stream.linear.gather [hbm4b:s10+s23], $0x80, $0x38;
	[tilespmem:$0x10C00] =	vst v63  }
0x7f: {  	s10 =	sand.u32 $0x1FFFFFF0, s11  }
0x80: {  	s11 =	sadd.s32 $0x8780, s9;
	s12 =	sadd.s32 s7, s10  }
0x81: {  	(v2sf) =	vpush v2, $0x5;
	[tilespmem:s11], [sflag:$0x1] =	stream.linear.gather [hbm4b:s12+s23], $0x80, $0x38;
	[tilespmem:$0x10C00] =	vst v63  }
0x82: {  	s10 =	sadd.s32 s6, s10;
	s12 =	sadd.s32 $0xC780, s9  }
0x83: {  	[tilespmem:s12], [sflag:$0x1] =	stream.linear.gather [hbm4b:s10+s23], $0x80, $0x38;
	[tilespmem:$0x10C00] =	vst v63  }
0x84: {  	s11 =	spop (v2sf)  }
0x85: {  	s10 =	sand.u32 $0x1FFFFFF0, s11  }
0x86: {  	s12 =	sadd.s32 $0x800, s9;
	(v2sf) =	vpush v1, $0x5;
	s10 =	sadd.s32 s5, s10  }
0x87: {  	[tilespmem:s12], [sflag:$0x1] =	stream.linear.gather [hbm4b:s10+s23], $0x80, $0x38;
	[tilespmem:$0x10C00] =	vst v63  }
0x88: {  	s11 =	spop (v2sf)  }
0x89: {  	s10 =	sand.u32 $0x1FFFFFF0, s11  }
0x8a: {  	s12 =	sadd.s32 $0x4800, s9;
	(v2sf) =	vpush v0, $0x5;
	s10 =	sadd.s32 s5, s10  }
0x8b: {  	[tilespmem:s12], [sflag:$0x1] =	stream.linear.gather [hbm4b:s10+s23], $0x80, $0x38;
	[tilespmem:$0x10C00] =	vst v63  }
0x8c: {  	s11 =	spop (v2sf)  }
0x8d: {  	s10 =	sand.u32 $0x1FFFFFF0, s11  }
0x8e: {  	(v2sf) =	vpush v2, $0x6;
	s11 =	sadd.s32 $0x8800, s9;
	s12 =	sadd.s32 s7, s10  }
0x8f: {  	[tilespmem:s11], [sflag:$0x1] =	stream.linear.gather [hbm4b:s12+s23], $0x80, $0x38;
	[tilespmem:$0x10C00] =	vst v63  }
0x90: {  	s10 =	sadd.s32 s6, s10;
	s12 =	sadd.s32 $0xC800, s9;
	s11 =	spop (v2sf)  }
0x91: {  	(v2sf) =	vpush v1, $0x6;
	[tilespmem:s12], [sflag:$0x1] =	stream.linear.gather [hbm4b:s10+s23], $0x80, $0x38;
	[tilespmem:$0x10C00] =	vst v63  }
0x92: {  	s10 =	sand.u32 $0x1FFFFFF0, s11  }
0x93: {  	s12 =	sadd.s32 $0x880, s9;
	s10 =	sadd.s32 s5, s10  }
0x94: {  	[tilespmem:s12], [sflag:$0x1] =	stream.linear.gather [hbm4b:s10+s23], $0x80, $0x38;
	[tilespmem:$0x10C00] =	vst v63  }
0x95: {  	s11 =	spop (v2sf)  }
0x96: {  	(v2sf) =	vpush v0, $0x6;
	s10 =	sand.u32 $0x1FFFFFF0, s11  }
0x97: {  	s12 =	sadd.s32 $0x4880, s9;
	s10 =	sadd.s32 s5, s10  }
0x98: {  	[tilespmem:s12], [sflag:$0x1] =	stream.linear.gather [hbm4b:s10+s23], $0x80, $0x38;
	[tilespmem:$0x10C00] =	vst v63  }
0x99: {  	s11 =	spop (v2sf)  }
0x9a: {  	(v2sf) =	vpush v2, $0x7;
	s10 =	sand.u32 $0x1FFFFFF0, s11  }
0x9b: {  	s11 =	sadd.s32 $0x8880, s9;
	s12 =	sadd.s32 s7, s10  }
0x9c: {  	[tilespmem:s11], [sflag:$0x1] =	stream.linear.gather [hbm4b:s12+s23], $0x80, $0x38;
	[tilespmem:$0x10C00] =	vst v63  }
0x9d: {  	s10 =	sadd.s32 s6, s10;
	s12 =	sadd.s32 $0xC880, s9;
	s11 =	spop (v2sf);
	(v2sf) =	vpush v1, $0x7  }
0x9e: {  	[tilespmem:s12], [sflag:$0x1] =	stream.linear.gather [hbm4b:s10+s23], $0x80, $0x38;
	[tilespmem:$0x10C00] =	vst v63  }
0x9f: {  	s10 =	sand.u32 $0x1FFFFFF0, s11  }
0xa0: {  	s12 =	sadd.s32 $0x900, s9;
	s10 =	sadd.s32 s5, s10;
	s11 =	spop (v2sf)  }
0xa1: {  	[tilespmem:s12], [sflag:$0x1] =	stream.linear.gather [hbm4b:s10+s23], $0x80, $0x38;
	[tilespmem:$0x10C00] =	vst v63  }
0xa2: {  	(v2sf) =	vpush v0, $0x7;
	s10 =	sand.u32 $0x1FFFFFF0, s11  }
0xa3: {  	s12 =	sadd.s32 $0x4900, s9;
	s10 =	sadd.s32 s5, s10  }
0xa4: {  	[tilespmem:s12], [sflag:$0x1] =	stream.linear.gather [hbm4b:s10+s23], $0x80, $0x38;
	[tilespmem:$0x10C00] =	vst v63  }
0xa5: {  	s11 =	spop (v2sf)  }
0xa6: {  	s10 =	sand.u32 $0x1FFFFFF0, s11  }
0xa7: {  	s11 =	sadd.s32 $0x8900, s9;
	s12 =	sadd.s32 s7, s10  }
0xa8: {  	(v2sf) =	vpush v2, $0x8;
	[tilespmem:s11], [sflag:$0x1] =	stream.linear.gather [hbm4b:s12+s23], $0x80, $0x38;
	[tilespmem:$0x10C00] =	vst v63  }
0xa9: {  	s10 =	sadd.s32 s6, s10;
	s12 =	sadd.s32 $0xC900, s9;
	s11 =	spop (v2sf)  }
0xaa: {  	[tilespmem:s12], [sflag:$0x1] =	stream.linear.gather [hbm4b:s10+s23], $0x80, $0x38;
	[tilespmem:$0x10C00] =	vst v63  }
0xab: {  	s10 =	sand.u32 $0x1FFFFFF0, s11  }
0xac: {  	(v2sf) =	vpush v1, $0x8;
	s12 =	sadd.s32 $0x980, s9;
	s10 =	sadd.s32 s5, s10;
	s11 =	spop (v2sf)  }
0xad: {  	[tilespmem:s12], [sflag:$0x1] =	stream.linear.gather [hbm4b:s10+s23], $0x80, $0x38;
	[tilespmem:$0x10C00] =	vst v63  }
0xae: {  	s10 =	sand.u32 $0x1FFFFFF0, s11  }
0xaf: {  	s12 =	sadd.s32 $0x4980, s9;
	s10 =	sadd.s32 s5, s10  }
0xb0: {  	(v2sf) =	vpush v0, $0x8;
	[tilespmem:s12], [sflag:$0x1] =	stream.linear.gather [hbm4b:s10+s23], $0x80, $0x38;
	[tilespmem:$0x10C00] =	vst v63  }
0xb1: {  	s11 =	spop (v2sf)  }
0xb2: {  	s10 =	sand.u32 $0x1FFFFFF0, s11  }
0xb3: {  	s11 =	sadd.s32 $0x8980, s9;
	s12 =	sadd.s32 s7, s10  }
0xb4: {  	(v2sf) =	vpush v2, $0x9;
	[tilespmem:s11], [sflag:$0x1] =	stream.linear.gather [hbm4b:s12+s23], $0x80, $0x38;
	[tilespmem:$0x10C00] =	vst v63  }
0xb5: {  	s10 =	sadd.s32 s6, s10;
	s12 =	sadd.s32 $0xC980, s9  }
0xb6: {  	[tilespmem:s12], [sflag:$0x1] =	stream.linear.gather [hbm4b:s10+s23], $0x80, $0x38;
	[tilespmem:$0x10C00] =	vst v63  }
0xb7: {  	s11 =	spop (v2sf)  }
0xb8: {  	s10 =	sand.u32 $0x1FFFFFF0, s11  }
0xb9: {  	s12 =	sadd.s32 $0xA00, s9;
	(v2sf) =	vpush v1, $0x9;
	s10 =	sadd.s32 s5, s10  }
0xba: {  	[tilespmem:s12], [sflag:$0x1] =	stream.linear.gather [hbm4b:s10+s23], $0x80, $0x38;
	[tilespmem:$0x10C00] =	vst v63  }
0xbb: {  	s11 =	spop (v2sf)  }
0xbc: {  	s10 =	sand.u32 $0x1FFFFFF0, s11  }
0xbd: {  	s12 =	sadd.s32 $0x4A00, s9;
	(v2sf) =	vpush v0, $0x9;
	s10 =	sadd.s32 s5, s10  }
0xbe: {  	[tilespmem:s12], [sflag:$0x1] =	stream.linear.gather [hbm4b:s10+s23], $0x80, $0x38;
	[tilespmem:$0x10C00] =	vst v63  }
0xbf: {  	s11 =	spop (v2sf)  }
0xc0: {  	s10 =	sand.u32 $0x1FFFFFF0, s11  }
0xc1: {  	(v2sf) =	vpush v2, $0xA;
	s11 =	sadd.s32 $0x8A00, s9;
	s12 =	sadd.s32 s7, s10  }
0xc2: {  	[tilespmem:s11], [sflag:$0x1] =	stream.linear.gather [hbm4b:s12+s23], $0x80, $0x38;
	[tilespmem:$0x10C00] =	vst v63  }
0xc3: {  	s10 =	sadd.s32 s6, s10;
	s12 =	sadd.s32 $0xCA00, s9;
	s11 =	spop (v2sf)  }
0xc4: {  	(v2sf) =	vpush v1, $0xA;
	[tilespmem:s12], [sflag:$0x1] =	stream.linear.gather [hbm4b:s10+s23], $0x80, $0x38;
	[tilespmem:$0x10C00] =	vst v63  }
0xc5: {  	s10 =	sand.u32 $0x1FFFFFF0, s11  }
0xc6: {  	s12 =	sadd.s32 $0xA80, s9;
	s10 =	sadd.s32 s5, s10  }
0xc7: {  	[tilespmem:s12], [sflag:$0x1] =	stream.linear.gather [hbm4b:s10+s23], $0x80, $0x38;
	[tilespmem:$0x10C00] =	vst v63  }
0xc8: {  	s11 =	spop (v2sf)  }
0xc9: {  	(v2sf) =	vpush v0, $0xA;
	s10 =	sand.u32 $0x1FFFFFF0, s11  }
0xca: {  	s12 =	sadd.s32 $0x4A80, s9;
	s10 =	sadd.s32 s5, s10  }
0xcb: {  	[tilespmem:s12], [sflag:$0x1] =	stream.linear.gather [hbm4b:s10+s23], $0x80, $0x38;
	[tilespmem:$0x10C00] =	vst v63  }
0xcc: {  	s11 =	spop (v2sf)  }
0xcd: {  	(v2sf) =	vpush v2, $0xB;
	s10 =	sand.u32 $0x1FFFFFF0, s11  }
0xce: {  	s11 =	sadd.s32 $0x8A80, s9;
	s12 =	sadd.s32 s7, s10  }
0xcf: {  	[tilespmem:s11], [sflag:$0x1] =	stream.linear.gather [hbm4b:s12+s23], $0x80, $0x38;
	[tilespmem:$0x10C00] =	vst v63  }
0xd0: {  	s10 =	sadd.s32 s6, s10;
	s12 =	sadd.s32 $0xCA80, s9;
	s11 =	spop (v2sf);
	(v2sf) =	vpush v1, $0xB  }
0xd1: {  	[tilespmem:s12], [sflag:$0x1] =	stream.linear.gather [hbm4b:s10+s23], $0x80, $0x38;
	[tilespmem:$0x10C00] =	vst v63  }
0xd2: {  	s10 =	sand.u32 $0x1FFFFFF0, s11  }
0xd3: {  	s12 =	sadd.s32 $0xB00, s9;
	s10 =	sadd.s32 s5, s10;
	s11 =	spop (v2sf)  }
0xd4: {  	[tilespmem:s12], [sflag:$0x1] =	stream.linear.gather [hbm4b:s10+s23], $0x80, $0x38;
	[tilespmem:$0x10C00] =	vst v63  }
0xd5: {  	(v2sf) =	vpush v0, $0xB;
	s10 =	sand.u32 $0x1FFFFFF0, s11  }
0xd6: {  	s12 =	sadd.s32 $0x4B00, s9;
	s10 =	sadd.s32 s5, s10  }
0xd7: {  	[tilespmem:s12], [sflag:$0x1] =	stream.linear.gather [hbm4b:s10+s23], $0x80, $0x38;
	[tilespmem:$0x10C00] =	vst v63  }
0xd8: {  	s11 =	spop (v2sf)  }
0xd9: {  	s10 =	sand.u32 $0x1FFFFFF0, s11  }
0xda: {  	s11 =	sadd.s32 $0x8B00, s9;
	s12 =	sadd.s32 s7, s10  }
0xdb: {  	(v2sf) =	vpush v2, $0xC;
	[tilespmem:s11], [sflag:$0x1] =	stream.linear.gather [hbm4b:s12+s23], $0x80, $0x38;
	[tilespmem:$0x10C00] =	vst v63  }
0xdc: {  	s10 =	sadd.s32 s6, s10;
	s12 =	sadd.s32 $0xCB00, s9;
	s11 =	spop (v2sf)  }
0xdd: {  	[tilespmem:s12], [sflag:$0x1] =	stream.linear.gather [hbm4b:s10+s23], $0x80, $0x38;
	[tilespmem:$0x10C00] =	vst v63  }
0xde: {  	s10 =	sand.u32 $0x1FFFFFF0, s11  }
0xdf: {  	(v2sf) =	vpush v1, $0xC;
	s12 =	sadd.s32 $0xB80, s9;
	s10 =	sadd.s32 s5, s10;
	s11 =	spop (v2sf)  }
0xe0: {  	[tilespmem:s12], [sflag:$0x1] =	stream.linear.gather [hbm4b:s10+s23], $0x80, $0x38;
	[tilespmem:$0x10C00] =	vst v63  }
0xe1: {  	s10 =	sand.u32 $0x1FFFFFF0, s11  }
0xe2: {  	s12 =	sadd.s32 $0x4B80, s9;
	s10 =	sadd.s32 s5, s10  }
0xe3: {  	(v2sf) =	vpush v0, $0xC;
	[tilespmem:s12], [sflag:$0x1] =	stream.linear.gather [hbm4b:s10+s23], $0x80, $0x38;
	[tilespmem:$0x10C00] =	vst v63  }
0xe4: {  	s11 =	spop (v2sf)  }
0xe5: {  	s10 =	sand.u32 $0x1FFFFFF0, s11  }
0xe6: {  	s11 =	sadd.s32 $0x8B80, s9;
	s12 =	sadd.s32 s7, s10  }
0xe7: {  	(v2sf) =	vpush v2, $0xD;
	[tilespmem:s11], [sflag:$0x1] =	stream.linear.gather [hbm4b:s12+s23], $0x80, $0x38;
	[tilespmem:$0x10C00] =	vst v63  }
0xe8: {  	s10 =	sadd.s32 s6, s10;
	s12 =	sadd.s32 $0xCB80, s9  }
0xe9: {  	[tilespmem:s12], [sflag:$0x1] =	stream.linear.gather [hbm4b:s10+s23], $0x80, $0x38;
	[tilespmem:$0x10C00] =	vst v63  }
0xea: {  	s11 =	spop (v2sf)  }
0xeb: {  	s10 =	sand.u32 $0x1FFFFFF0, s11  }
0xec: {  	s12 =	sadd.s32 $0xC00, s9;
	(v2sf) =	vpush v1, $0xD;
	s10 =	sadd.s32 s5, s10  }
0xed: {  	[tilespmem:s12], [sflag:$0x1] =	stream.linear.gather [hbm4b:s10+s23], $0x80, $0x38;
	[tilespmem:$0x10C00] =	vst v63  }
0xee: {  	s11 =	spop (v2sf)  }
0xef: {  	s10 =	sand.u32 $0x1FFFFFF0, s11  }
0xf0: {  	s12 =	sadd.s32 $0x4C00, s9;
	(v2sf) =	vpush v0, $0xD;
	s10 =	sadd.s32 s5, s10  }
0xf1: {  	[tilespmem:s12], [sflag:$0x1] =	stream.linear.gather [hbm4b:s10+s23], $0x80, $0x38;
	[tilespmem:$0x10C00] =	vst v63  }
0xf2: {  	s11 =	spop (v2sf)  }
0xf3: {  	s10 =	sand.u32 $0x1FFFFFF0, s11  }
0xf4: {  	(v2sf) =	vpush v2, $0xE;
	s11 =	sadd.s32 $0x8C00, s9;
	s12 =	sadd.s32 s7, s10  }
0xf5: {  	[tilespmem:s11], [sflag:$0x1] =	stream.linear.gather [hbm4b:s12+s23], $0x80, $0x38;
	[tilespmem:$0x10C00] =	vst v63  }
0xf6: {  	s10 =	sadd.s32 s6, s10;
	s12 =	sadd.s32 $0xCC00, s9;
	s11 =	spop (v2sf)  }
0xf7: {  	[tilespmem:s12], [sflag:$0x1] =	stream.linear.gather [hbm4b:s10+s23], $0x80, $0x38;
	[tilespmem:$0x10C00] =	vst v63  }
0xf8: {  	s10 =	sand.u32 $0x1FFFFFF0, s11  }
0xf9: {  	(v2sf) =	vpush v1, $0xE;
	s12 =	sadd.s32 $0xC80, s9;
	s10 =	sadd.s32 s5, s10  }
0xfa: {  	[tilespmem:s12], [sflag:$0x1] =	stream.linear.gather [hbm4b:s10+s23], $0x80, $0x38;
	[tilespmem:$0x10C00] =	vst v63  }
0xfb: {  	s11 =	spop (v2sf)  }
0xfc: {  	s10 =	sand.u32 $0x1FFFFFF0, s11  }
0xfd: {  	s12 =	sadd.s32 $0x4C80, s9;
	(v2sf) =	vpush v0, $0xE;
	s10 =	sadd.s32 s5, s10  }
0xfe: {  	[tilespmem:s12], [sflag:$0x1] =	stream.linear.gather [hbm4b:s10+s23], $0x80, $0x38;
	[tilespmem:$0x10C00] =	vst v63  }
0xff: {  	s12 =	spop (v2sf)  }
0x100: {  	s10 =	sand.u32 $0x1FFFFFF0, s12  }
0x101: {  	s11 =	sadd.s32 $0x8C80, s9;
	(v2sf) =	vpush v2, $0xF;
	s12 =	sadd.s32 s7, s10  }
0x102: {  	[tilespmem:s11], [sflag:$0x1] =	stream.linear.gather [hbm4b:s12+s23], $0x80, $0x38;
	[tilespmem:$0x10C00] =	vst v63  }
0x103: {  	s10 =	sadd.s32 s6, s10;
	s11 =	sadd.s32 $0xCC80, s9;
	s12 =	spop (v2sf)  }
0x104: {  	(v2sf) =	vpush v1, $0xF;
	[tilespmem:s11], [sflag:$0x1] =	stream.linear.gather [hbm4b:s10+s23], $0x80, $0x38;
	[tilespmem:$0x10C00] =	vst v63  }
0x105: {  	s11 =	sand.u32 $0x1FFFFFF0, s12  }
0x106: {  	s12 =	sadd.s32 $0xD00, s9;
	s10 =	sadd.s32 s5, s11  }
0x107: {  	[tilespmem:s12], [sflag:$0x1] =	stream.linear.gather [hbm4b:s10+s23], $0x80, $0x38;
	[tilespmem:$0x10C00] =	vst v63  }
0x108: {  	s12 =	spop (v2sf)  }
0x109: {  	(v2sf) =	vpush v0, $0xF;
	s10 =	sand.u32 $0x1FFFFFF0, s12  }
0x10a: {  	s12 =	sadd.s32 $0x4D00, s9;
	s10 =	sadd.s32 s5, s10  }
0x10b: {  	[tilespmem:s12], [sflag:$0x1] =	stream.linear.gather [hbm4b:s10+s23], $0x80, $0x38;
	[tilespmem:$0x10C00] =	vst v63  }
0x10c: {  	s11 =	spop (v2sf)  }
0x10d: {  	s10 =	sand.u32 $0x1FFFFFF0, s11  }
0x10e: {  	s11 =	sadd.s32 $0x8D00, s9;
	s12 =	sadd.s32 s7, s10  }
0x10f: {  	[tilespmem:s11], [sflag:$0x1] =	stream.linear.gather [hbm4b:s12+s23], $0x80, $0x38;
	[tilespmem:$0x10C00] =	vst v63  }
0x110: {  	s10 =	sadd.s32 s6, s10;
	s11 =	spop (v2sf);
	s12 =	sadd.s32 $0xCD00, s9  }
0x111: {  	[tilespmem:s12], [sflag:$0x1] =	stream.linear.gather [hbm4b:s10+s23], $0x80, $0x38;
	[tilespmem:$0x10C00] =	vst v63  }
0x112: {  	s10 =	sand.u32 $0x1FFFFFF0, s11  }
0x113: {  	s12 =	sadd.s32 $0xD80, s9;
	s11 =	spop (v2sf);
	s10 =	sadd.s32 s5, s10  }
0x114: {  	[tilespmem:s12], [sflag:$0x1] =	stream.linear.gather [hbm4b:s10+s23], $0x80, $0x38;
	[tilespmem:$0x10C00] =	vst v63  }
0x115: {  	s11 =	sand.u32 $0x1FFFFFF0, s11  }
0x116: {  	s12 =	sadd.s32 $0x4D80, s9;
	s10 =	sadd.s32 s5, s11  }
0x117: {  	[tilespmem:s12], [sflag:$0x1] =	stream.linear.gather [hbm4b:s10+s23], $0x80, $0x38;
	[tilespmem:$0x10C00] =	vst v63  }
0x118: {  	s12 =	spop (v2sf)  }
0x119: {  	s10 =	sand.u32 $0x1FFFFFF0, s12  }
0x11a: {  	s11 =	sadd.s32 $0x8D80, s9;
	s12 =	sadd.s32 s7, s10  }
0x11b: {  	[tilespmem:s11], [sflag:$0x1] =	stream.linear.gather [hbm4b:s12+s23], $0x80, $0x38;
	[tilespmem:$0x10C00] =	vst v63  }
0x11c: {  	s9 =	sadd.s32 $0xCD80, s9;
	s10 =	sadd.s32 s6, s10  }
0x11d: {  	[tilespmem:s9], [sflag:$0x1] =	stream.linear.gather [hbm4b:s10+s23], $0x80, $0x38;
	[tilespmem:$0x10C00] =	vst v63  }
0x11e: {  	_ =	swait.ge [sflag:s28], $0x80  }
0x11f: {  	[sflag:s28] =	ssyncset.done $0x0  }
0x120: {  	[sflag:s28] =	ssyncadd.s32 $0xFFFFFF80  }
0x121: {  	_ =	swait.ge [sflag:s28], $0x80  }
0x122: {  	[sflag:s28] =	ssyncset.done $0x0  }
0x123: {  	[sflag:s28] =	ssyncadd.s32 $0xFFFFFF80  }
0x124: {  	_ =	swait.ge [sflag:s28], $0x80  }
0x125: {  	[sflag:s28] =	ssyncset.done $0x0  }
0x126: {  	[sflag:s28] =	ssyncadd.s32 $0xFFFFFF80  }
0x127: {  	_ =	swait.ge [sflag:s28], $0x80  }
0x128: {  	[sflag:s28] =	ssyncset.done $0x0  }
0x129: {  	[sflag:s28] =	ssyncadd.s32 $0xFFFFFF80  }
0x12a: {  	_ =	swait.ge [sflag:s28], $0x80  }
0x12b: {  	[sflag:s28] =	ssyncset.done $0x0  }
0x12c: {  	[sflag:s28] =	ssyncadd.s32 $0xFFFFFF80  }
0x12d: {  	_ =	swait.ge [sflag:s28], $0x80  }
0x12e: {  	[sflag:s28] =	ssyncset.done $0x0  }
0x12f: {  	[sflag:s28] =	ssyncadd.s32 $0xFFFFFF80  }
0x130: {  	_ =	swait.ge [sflag:s28], $0x80  }
0x131: {  	[sflag:s28] =	ssyncset.done $0x0  }
0x132: {  	[sflag:s28] =	ssyncadd.s32 $0xFFFFFF80  }
0x133: {  	_ =	swait.ge [sflag:s28], $0x80  }
0x134: {  	[sflag:s28] =	ssyncset.done $0x0  }
0x135: {  	[sflag:s28] =	ssyncadd.s32 $0xFFFFFF80  }
0x136: {  	_ =	swait.ge [sflag:s28], $0x80  }
0x137: {  	[sflag:s28] =	ssyncset.done $0x0  }
0x138: {  	[sflag:s28] =	ssyncadd.s32 $0xFFFFFF80  }
0x139: {  	_ =	swait.ge [sflag:s28], $0x80  }
0x13a: {  	[sflag:s28] =	ssyncset.done $0x0  }
0x13b: {  	[sflag:s28] =	ssyncadd.s32 $0xFFFFFF80  }
0x13c: {  	_ =	swait.ge [sflag:s28], $0x80  }
0x13d: {  	[sflag:s28] =	ssyncset.done $0x0  }
0x13e: {  	[sflag:s28] =	ssyncadd.s32 $0xFFFFFF80  }
0x13f: {  	_ =	swait.ge [sflag:s28], $0x80  }
0x140: {  	[sflag:s28] =	ssyncset.done $0x0  }
0x141: {  	[sflag:s28] =	ssyncadd.s32 $0xFFFFFF80  }
0x142: {  	_ =	swait.ge [sflag:s28], $0x80  }
0x143: {  	[sflag:s28] =	ssyncset.done $0x0  }
0x144: {  	[sflag:s28] =	ssyncadd.s32 $0xFFFFFF80  }
0x145: {  	_ =	swait.ge [sflag:s28], $0x80  }
0x146: {  	[sflag:s28] =	ssyncset.done $0x0  }
0x147: {  	[sflag:s28] =	ssyncadd.s32 $0xFFFFFF80  }
0x148: {  	_ =	swait.ge [sflag:s28], $0x80  }
0x149: {  	[sflag:s28] =	ssyncset.done $0x0  }
0x14a: {  	[sflag:s28] =	ssyncadd.s32 $0xFFFFFF80  }
0x14b: {  	_ =	swait.ge [sflag:s28], $0x80  }
0x14c: {  	[sflag:s28] =	ssyncset.done $0x0  }
0x14d: {  	[sflag:s28] =	ssyncadd.s32 $0xFFFFFF80  }
0x14e: {  	_ =	swait.ge [sflag:s28], $0x80  }
0x14f: {  	[sflag:s28] =	ssyncset.done $0x0  }
0x150: {  	[sflag:s28] =	ssyncadd.s32 $0xFFFFFF80  }
0x151: {  	_ =	swait.ge [sflag:s28], $0x80  }
0x152: {  	[sflag:s28] =	ssyncset.done $0x0  }
0x153: {  	[sflag:s28] =	ssyncadd.s32 $0xFFFFFF80  }
0x154: {  	_ =	swait.ge [sflag:s28], $0x80  }
0x155: {  	[sflag:s28] =	ssyncset.done $0x0  }
0x156: {  	[sflag:s28] =	ssyncadd.s32 $0xFFFFFF80  }
0x157: {  	_ =	swait.ge [sflag:s28], $0x80  }
0x158: {  	[sflag:s28] =	ssyncset.done $0x0  }
0x159: {  	[sflag:s28] =	ssyncadd.s32 $0xFFFFFF80  }
0x15a: {  	_ =	swait.ge [sflag:s28], $0x80  }
0x15b: {  	[sflag:s28] =	ssyncset.done $0x0  }
0x15c: {  	[sflag:s28] =	ssyncadd.s32 $0xFFFFFF80  }
0x15d: {  	_ =	swait.ge [sflag:s28], $0x80  }
0x15e: {  	[sflag:s28] =	ssyncset.done $0x0  }
0x15f: {  	[sflag:s28] =	ssyncadd.s32 $0xFFFFFF80  }
0x160: {  	_ =	swait.ge [sflag:s28], $0x80  }
0x161: {  	[sflag:s28] =	ssyncset.done $0x0  }
0x162: {  	[sflag:s28] =	ssyncadd.s32 $0xFFFFFF80  }
0x163: {  	_ =	swait.ge [sflag:s28], $0x80  }
0x164: {  	[sflag:s28] =	ssyncset.done $0x0  }
0x165: {  	[sflag:s28] =	ssyncadd.s32 $0xFFFFFF80  }
0x166: {  	_ =	swait.ge [sflag:s28], $0x80  }
0x167: {  	[sflag:s28] =	ssyncset.done $0x0  }
0x168: {  	[sflag:s28] =	ssyncadd.s32 $0xFFFFFF80  }
0x169: {  	_ =	swait.ge [sflag:s28], $0x80  }
0x16a: {  	[sflag:s28] =	ssyncset.done $0x0  }
0x16b: {  	[sflag:s28] =	ssyncadd.s32 $0xFFFFFF80  }
0x16c: {  	_ =	swait.ge [sflag:s28], $0x80  }
0x16d: {  	[sflag:s28] =	ssyncset.done $0x0  }
0x16e: {  	[sflag:s28] =	ssyncadd.s32 $0xFFFFFF80  }
0x16f: {  	_ =	swait.ge [sflag:s28], $0x80  }
0x170: {  	[sflag:s28] =	ssyncset.done $0x0  }
0x171: {  	[sflag:s28] =	ssyncadd.s32 $0xFFFFFF80  }
0x172: {  	_ =	swait.ge [sflag:s28], $0x80  }
0x173: {  	[sflag:s28] =	ssyncset.done $0x0  }
0x174: {  	[sflag:s28] =	ssyncadd.s32 $0xFFFFFF80  }
0x175: {  	_ =	swait.ge [sflag:s28], $0x80  }
0x176: {  	[sflag:s28] =	ssyncset.done $0x0  }
0x177: {  	[sflag:s28] =	ssyncadd.s32 $0xFFFFFF80  }
0x178: {  	_ =	swait.ge [sflag:s28], $0x80  }
0x179: {  	[sflag:s28] =	ssyncset.done $0x0  }
0x17a: {  	[sflag:s28] =	ssyncadd.s32 $0xFFFFFF80  }
0x17b: {  	_ =	swait.ge [sflag:s28], $0x80  }
0x17c: {  	[sflag:s28] =	ssyncset.done $0x0  }
0x17d: {  	[sflag:s28] =	ssyncadd.s32 $0xFFFFFF80  }
0x17e: {  	_ =	swait.ge [sflag:s28], $0x80  }
0x17f: {  	[sflag:s28] =	ssyncset.done $0x0  }
0x180: {  	[sflag:s28] =	ssyncadd.s32 $0xFFFFFF80  }
0x181: {  	_ =	swait.ge [sflag:s28], $0x80  }
0x182: {  	[sflag:s28] =	ssyncset.done $0x0  }
0x183: {  	[sflag:s28] =	ssyncadd.s32 $0xFFFFFF80  }
0x184: {  	_ =	swait.ge [sflag:s28], $0x80  }
0x185: {  	[sflag:s28] =	ssyncset.done $0x0  }
0x186: {  	[sflag:s28] =	ssyncadd.s32 $0xFFFFFF80  }
0x187: {  	_ =	swait.ge [sflag:s28], $0x80  }
0x188: {  	[sflag:s28] =	ssyncset.done $0x0  }
0x189: {  	[sflag:s28] =	ssyncadd.s32 $0xFFFFFF80  }
0x18a: {  	_ =	swait.ge [sflag:s28], $0x80  }
0x18b: {  	[sflag:s28] =	ssyncset.done $0x0  }
0x18c: {  	[sflag:s28] =	ssyncadd.s32 $0xFFFFFF80  }
0x18d: {  	_ =	swait.ge [sflag:s28], $0x80  }
0x18e: {  	[sflag:s28] =	ssyncset.done $0x0  }
0x18f: {  	[sflag:s28] =	ssyncadd.s32 $0xFFFFFF80  }
0x190: {  	_ =	swait.ge [sflag:s28], $0x80  }
0x191: {  	[sflag:s28] =	ssyncset.done $0x0  }
0x192: {  	[sflag:s28] =	ssyncadd.s32 $0xFFFFFF80  }
0x193: {  	_ =	swait.ge [sflag:s28], $0x80  }
0x194: {  	[sflag:s28] =	ssyncset.done $0x0  }
0x195: {  	[sflag:s28] =	ssyncadd.s32 $0xFFFFFF80  }
0x196: {  	_ =	swait.ge [sflag:s28], $0x80  }
0x197: {  	[sflag:s28] =	ssyncset.done $0x0  }
0x198: {  	[sflag:s28] =	ssyncadd.s32 $0xFFFFFF80  }
0x199: {  	_ =	swait.ge [sflag:s28], $0x80  }
0x19a: {  	[sflag:s28] =	ssyncset.done $0x0  }
0x19b: {  	[sflag:s28] =	ssyncadd.s32 $0xFFFFFF80  }
0x19c: {  	_ =	swait.ge [sflag:s28], $0x80  }
0x19d: {  	[sflag:s28] =	ssyncset.done $0x0  }
0x19e: {  	[sflag:s28] =	ssyncadd.s32 $0xFFFFFF80  }
0x19f: {  	_ =	swait.ge [sflag:s28], $0x80  }
0x1a0: {  	[sflag:s28] =	ssyncset.done $0x0  }
0x1a1: {  	[sflag:s28] =	ssyncadd.s32 $0xFFFFFF80  }
0x1a2: {  	_ =	swait.ge [sflag:s28], $0x80  }
0x1a3: {  	[sflag:s28] =	ssyncset.done $0x0  }
0x1a4: {  	[sflag:s28] =	ssyncadd.s32 $0xFFFFFF80  }
0x1a5: {  	_ =	swait.ge [sflag:s28], $0x80  }
0x1a6: {  	[sflag:s28] =	ssyncset.done $0x0  }
0x1a7: {  	[sflag:s28] =	ssyncadd.s32 $0xFFFFFF80  }
0x1a8: {  	_ =	swait.ge [sflag:s28], $0x80  }
0x1a9: {  	[sflag:s28] =	ssyncset.done $0x0  }
0x1aa: {  	[sflag:s28] =	ssyncadd.s32 $0xFFFFFF80  }
0x1ab: {  	_ =	swait.ge [sflag:s28], $0x80  }
0x1ac: {  	[sflag:s28] =	ssyncset.done $0x0  }
0x1ad: {  	[sflag:s28] =	ssyncadd.s32 $0xFFFFFF80  }
0x1ae: {  	_ =	swait.ge [sflag:s28], $0x80  }
0x1af: {  	[sflag:s28] =	ssyncset.done $0x0  }
0x1b0: {  	[sflag:s28] =	ssyncadd.s32 $0xFFFFFF80  }
0x1b1: {  	_ =	swait.ge [sflag:s28], $0x80  }
0x1b2: {  	[sflag:s28] =	ssyncset.done $0x0  }
0x1b3: {  	[sflag:s28] =	ssyncadd.s32 $0xFFFFFF80  }
0x1b4: {  	_ =	swait.ge [sflag:s28], $0x80  }
0x1b5: {  	[sflag:s28] =	ssyncset.done $0x0  }
0x1b6: {  	[sflag:s28] =	ssyncadd.s32 $0xFFFFFF80  }
0x1b7: {  	_ =	swait.ge [sflag:s28], $0x80  }
0x1b8: {  	[sflag:s28] =	ssyncset.done $0x0  }
0x1b9: {  	[sflag:s28] =	ssyncadd.s32 $0xFFFFFF80  }
0x1ba: {  	_ =	swait.ge [sflag:s28], $0x80  }
0x1bb: {  	[sflag:s28] =	ssyncset.done $0x0  }
0x1bc: {  	[sflag:s28] =	ssyncadd.s32 $0xFFFFFF80  }
0x1bd: {  	_ =	swait.ge [sflag:s28], $0x80  }
0x1be: {  	[sflag:s28] =	ssyncset.done $0x0  }
0x1bf: {  	[sflag:s28] =	ssyncadd.s32 $0xFFFFFF80  }
0x1c0: {  	_ =	swait.ge [sflag:s28], $0x80  }
0x1c1: {  	[sflag:s28] =	ssyncset.done $0x0  }
0x1c2: {  	[sflag:s28] =	ssyncadd.s32 $0xFFFFFF80  }
0x1c3: {  	_ =	swait.ge [sflag:s28], $0x80  }
0x1c4: {  	[sflag:s28] =	ssyncset.done $0x0  }
0x1c5: {  	[sflag:s28] =	ssyncadd.s32 $0xFFFFFF80  }
0x1c6: {  	_ =	swait.ge [sflag:s28], $0x80  }
0x1c7: {  	[sflag:s28] =	ssyncset.done $0x0  }
0x1c8: {  	[sflag:s28] =	ssyncadd.s32 $0xFFFFFF80  }
0x1c9: {  	_ =	swait.ge [sflag:s28], $0x80  }
0x1ca: {  	[sflag:s28] =	ssyncset.done $0x0  }
0x1cb: {  	[sflag:s28] =	ssyncadd.s32 $0xFFFFFF80  }
0x1cc: {  	_ =	swait.ge [sflag:s28], $0x80  }
0x1cd: {  	[sflag:s28] =	ssyncset.done $0x0  }
0x1ce: {  	[sflag:s28] =	ssyncadd.s32 $0xFFFFFF80  }
0x1cf: {  	_ =	swait.ge [sflag:s28], $0x80  }
0x1d0: {  	[sflag:s28] =	ssyncset.done $0x0  }
0x1d1: {  	[sflag:s28] =	ssyncadd.s32 $0xFFFFFF80  }
0x1d2: {  	_ =	swait.ge [sflag:s28], $0x80  }
0x1d3: {  	[sflag:s28] =	ssyncset.done $0x0  }
0x1d4: {  	[sflag:s28] =	ssyncadd.s32 $0xFFFFFF80  }
0x1d5: {  	_ =	swait.ge [sflag:s28], $0x80  }
0x1d6: {  	[sflag:s28] =	ssyncset.done $0x0  }
0x1d7: {  	[sflag:s28] =	ssyncadd.s32 $0xFFFFFF80  }
0x1d8: {  	p0 =	sne.s32 s8, $0xE000;
	_ =	swait.ge [sflag:s28], $0x80  }
.Ltmp0:
0x1d9: {  	[sflag:s28] =	ssyncset.done $0x0;
	(pc) =	sbr.rel @p0 .LBB2_3-.Ltmp0, $4  }
0x1da: {  	[sflag:s28] =	ssyncadd.s32 $0xFFFFFF80  }
0x1db: {  	_ =	swait.ge [sflag:s28], $0x80  }
0x1dc: {  	s19 =	sadd.s32 $0x10, s19;
	s18 =	sadd.s32 $0x10, s18;
	[sflag:s28] =	ssyncset.done $0x0  }
0x1dd: {  	s8 =	sadd.s32 $0x2000, s8;
	s20 =	sadd.s32 $0x10, s20;
	[sflag:s28] =	ssyncadd.s32 $0xFFFFFF80  }
0x1de: {  	s20 =	smov.u32 s24;
	s19 =	smov.u32 s25;
	s18 =	smov.u32 s4  }
.LBB2_5:
0x1df: {  	_ =	sdelay $0x1  }
0x1e0: {  	v0 =	vmov s23  }
0x1e1: {  	v0 =	vshll.u32 v0, $0x7  }
0x1e2: {  	v0 =	vor.u32 v3, v0  }
0x1e3: {  	v12 =	vor.u32 $0x1, v0;
	_ =	sdelay $0x1  }
0x1e4: {  	v13 =	vor.u32 $0x2, v0  }
0x1e5: {  	v25 =	vor.u32 $0x3, v0  }
0x1e6: {  	v35 =	vor.u32 $0x4, v0;
	v38 =	vld.idx.msk [tilespmem:v0+s29+$0x0], $0xffff  }
0x1e7: {  	v14 =	vor.u32 $0x5, v0;
	v57 =	vld.idx.msk [tilespmem:v12+s29+$0x0], $0xffff  }
0x1e8: {  	v15 =	vor.u32 $0x6, v0  }
0x1e9: {  	v36 =	vor.u32 $0x7, v0;
	v41 =	vld.idx.msk [tilespmem:v13+s29+$0x0], $0xffff  }
0x1ea: {  	v19 =	vor.u32 $0x9, v0;
	v4 =	vld.idx.msk [tilespmem:v25+s29+$0x0], $0xffff  }
0x1eb: {  	v17 =	vor.u32 $0xB, v0;
	v46 =	vld.idx.msk [tilespmem:v35+s29+$0x0], $0xffff  }
0x1ec: {  	v29 =	vor.u32 $0xD, v0;
	v1 =	vld.idx.msk [tilespmem:v14+s29+$0x0], $0xffff;
	v2 =	vmul.f32 v38, v38;
	v3 =	vmul.f32 v57, v57  }
0x1ed: {  	v39 =	vor.u32 $0xE, v0;
	v60 =	vld.idx.msk [tilespmem:v15+s29+$0x0], $0xffff  }
0x1ee: {  	v62 =	vld.idx.msk [tilespmem:v36+s29+$0x0], $0xffff;
	v2 =	vadd.f32 v3, v2;
	v3 =	vmul.f32 v41, v41  }
0x1ef: {  	v5 =	vld.idx.msk [tilespmem:v19+s29+$0x0], $0xffff  }
0x1f0: {  	v56 =	vor.u32 $0x8, v0;
	v7 =	vld.idx.msk [tilespmem:v17+s29+$0x0], $0xffff;
	v2 =	vadd.f32 v3, v2;
	v3 =	vmul.f32 v4, v4  }
0x1f1: {  	v30 =	vor.u32 $0x10, v0;
	v6 =	vld.idx.msk [tilespmem:v29+s29+$0x0], $0xffff  }
0x1f2: {  	v63 =	vld.idx.msk [tilespmem:v39+s29+$0x0], $0xffff;
	v2 =	vadd.f32 v3, v2;
	v3 =	vmul.f32 v46, v46  }
0x1f3: {  	v37 =	vor.u32 $0x11, v0;
	v61 =	vld.idx.msk [tilespmem:v12+s30+$0x0], $0xffff  }
0x1f4: {  	v16 =	vor.u32 $0xA, v0;
	v8 =	vld.idx.msk [tilespmem:v12+s0+$0x0], $0xffff;
	v2 =	vadd.f32 v3, v2;
	v3 =	vmul.f32 v1, v1  }
0x1f5: {  	v31 =	vor.u32 $0x12, v0;
	[tilespmem:$0x1F8E0] =	vst v1;
	v1 =	vld.idx.msk [tilespmem:v56+s29+$0x0], $0xffff  }
0x1f6: {  	v9 =	vld.idx.msk [tilespmem:v30+s29+$0x0], $0xffff;
	v2 =	vadd.f32 v3, v2;
	v3 =	vmul.f32 v60, v60  }
0x1f7: {  	v28 =	vor.u32 $0x13, v0;
	v24 =	vld.idx.msk [tilespmem:v13+s30+$0x0], $0xffff;
	[tilespmem:$0x1F8D0] =	vst v4  }
0x1f8: {  	v21 =	vor.u32 $0xC, v0;
	v10 =	vld.idx.msk [tilespmem:v37+s29+$0x0], $0xffff;
	[tilespmem:$0x1F900] =	vst v5;
	v2 =	vadd.f32 v3, v2;
	v3 =	vmul.f32 v62, v62  }
0x1f9: {  	[tilespmem:$0x1F920] =	vst v7;
	v4 =	vld.idx.msk [tilespmem:v16+s29+$0x0], $0xffff  }
0x1fa: {  	v18 =	vld.idx.msk [tilespmem:v31+s29+$0x0], $0xffff;
	[tilespmem:$0x1F940] =	vst v6;
	v2 =	vadd.f32 v3, v2;
	v3 =	vmul.f32 v1, v1  }
0x1fb: {  	v20 =	vor.u32 $0x15, v0;
	v11 =	vld.idx.msk [tilespmem:v25+s30+$0x0], $0xffff;
	[tilespmem:$0x1F9C0] =	vst v61  }
0x1fc: {  	v26 =	vld.idx.msk [tilespmem:v28+s29+$0x0], $0xffff;
	[tilespmem:$0x1F9D0] =	vst v8;
	v2 =	vadd.f32 v3, v2;
	v3 =	vmul.f32 v5, v5  }
0x1fd: {  	v32 =	vor.u32 $0x16, v0;
	[tilespmem:$0x1F960] =	vst v9;
	v5 =	vld.idx.msk [tilespmem:v21+s29+$0x0], $0xffff  }
0x1fe: {  	v34 =	vor.u32 $0xF, v0;
	v33 =	vld.idx.msk [tilespmem:v25+s0+$0x0], $0xffff;
	[tilespmem:$0x1F9F0] =	vst v24;
	v2 =	vadd.f32 v3, v2;
	v3 =	vmul.f32 v4, v4  }
0x1ff: {  	v44 =	vld.idx.msk [tilespmem:v35+s30+$0x0], $0xffff;
	[tilespmem:$0x1F970] =	vst v10  }
0x200: {  	v27 =	vld.idx.msk [tilespmem:v20+s29+$0x0], $0xffff;
	[tilespmem:$0x1F980] =	vst v18;
	v2 =	vadd.f32 v3, v2;
	v3 =	vmul.f32 v7, v7  }
0x201: {  	v43 =	vld.idx.msk [tilespmem:v14+s30+$0x0], $0xffff;
	[tilespmem:$0x1FA20] =	vst v11  }
0x202: {  	v42 =	vld.idx.msk [tilespmem:v32+s29+$0x0], $0xffff;
	[tilespmem:$0x1F9B0] =	vst v26;
	v2 =	vadd.f32 v3, v2;
	v3 =	vmul.f32 v5, v5  }
0x203: {  	[tilespmem:$0x1F930] =	vst v5;
	v5 =	vld.idx.msk [tilespmem:v34+s29+$0x0], $0xffff  }
0x204: {  	v54 =	vor.u32 $0x18, v0;
	v45 =	vld.idx.msk [tilespmem:v14+s0+$0x0], $0xffff;
	[tilespmem:$0x1FA10] =	vst v33;
	v2 =	vadd.f32 v3, v2;
	v3 =	vmul.f32 v6, v6  }
0x205: {  	[tilespmem:$0x1FA40] =	vst v44  }
0x206: {  	[tilespmem:$0x1FA00] =	vst v27;
	v2 =	vadd.f32 v3, v2;
	v3 =	vmul.f32 v63, v63  }
0x207: {  	[tilespmem:$0x1FA50] =	vst v43  }
0x208: {  	v23 =	vor.u32 $0x14, v0;
	[tilespmem:$0x1FA30] =	vst v42;
	v2 =	vadd.f32 v3, v2;
	v3 =	vmul.f32 v5, v5  }
0x209: {  	v47 =	vor.u32 $0x17, v0;
	v40 =	vld.idx.msk [tilespmem:v54+s29+$0x0], $0xffff;
	[tilespmem:$0x1FA60] =	vst v45  }
0x20a: {  	v53 =	vmul.f32 v11, v11;
	v11 =	vld.idx.msk [tilespmem:v56+s0+$0x0], $0xffff;
	v2 =	vadd.f32 v3, v2;
	v3 =	vmul.f32 v9, v9  }
0x20b: {  	[tilespmem:$0x1F8F0] =	vst v1;
	v1 =	vld.idx.msk [tilespmem:v0+s30+$0x0], $0xffff  }
0x20c: {  	[tilespmem:$0x1F910] =	vst v4;
	v4 =	vld.idx.msk [tilespmem:v0+s0+$0x0], $0xffff;
	v2 =	vadd.f32 v3, v2;
	v3 =	vmul.f32 v10, v10  }
0x20d: {  	[tilespmem:$0x1F950] =	vst v5;
	v5 =	vld.idx.msk [tilespmem:v23+s29+$0x0], $0xffff  }
0x20e: {  	v55 =	vor.u32 $0x1A, v0;
	v58 =	vld.idx.msk [tilespmem:v13+s0+$0x0], $0xffff;
	[tilespmem:$0x1FA70] =	vst v40;
	v2 =	vadd.f32 v3, v2;
	v3 =	vmul.f32 v18, v18  }
0x20f: {  	v48 =	vor.u32 $0x19, v0;
	v22 =	vld.idx.msk [tilespmem:v47+s29+$0x0], $0xffff;
	[tilespmem:$0x1FAF0] =	vst v11  }
0x210: {  	[tilespmem:$0x1F990] =	vst v1;
	v7 =	vld.idx.msk [tilespmem:v36+s0+$0x0], $0xffff;
	v2 =	vadd.f32 v3, v2;
	v3 =	vmul.f32 v26, v26  }
0x211: {  	v42 =	vmul.f32 v42, v42;
	[tilespmem:$0x1F9A0] =	vst v4;
	v6 =	vld.idx.msk [tilespmem:v36+s30+$0x0], $0xffff  }
0x212: {  	v9 =	vmul.f32 v4, v4;
	v4 =	vld.idx.msk [tilespmem:v16+s30+$0x0], $0xffff;
	v2 =	vadd.f32 v3, v2;
	v3 =	vmul.f32 v5, v5  }
0x213: {  	v49 =	vor.u32 $0x1B, v0;
	v10 =	vmul.f32 v27, v27;
	[tilespmem:$0x1F9E0] =	vst v5;
	v18 =	vld.idx.msk [tilespmem:v55+s29+$0x0], $0xffff;
	v26 =	vmul.f32 v24, v24  }
0x214: {  	v24 =	vld.idx.msk [tilespmem:v48+s29+$0x0], $0xffff;
	v5 =	vmul.f32 v1, v1;
	v2 =	vadd.f32 v3, v2;
	v3 =	vmul.f32 v61, v61  }
0x215: {  	v59 =	vld.idx.msk [tilespmem:v35+s0+$0x0], $0xffff;
	v51 =	vmul.f32 v58, v58;
	[tilespmem:$0x1FAB0] =	vst v7;
	v27 =	vmul.f32 v33, v33;
	v33 =	vor.u32 $0x1E, v0  }
0x216: {  	[tilespmem:$0x1FAA0] =	vst v6;
	v3 =	vadd.f32 v3, v5;
	v5 =	vmul.f32 v8, v8;
	v2 =	vadd.f32 v10, v2  }
0x217: {  	v52 =	vmul.f32 v22, v22;
	v50 =	vmul.f32 v40, v40;
	[tilespmem:$0x1FB50] =	vst v4;
	v1 =	vld.idx.msk [tilespmem:v15+s30+$0x0], $0xffff  }
0x218: {  	v40 =	vor.u32 $0x1D, v0;
	[tilespmem:$0x1FAC0] =	vst v18;
	v61 =	vld.idx.msk [tilespmem:v15+s0+$0x0], $0xffff;
	v5 =	vadd.f32 v5, v9;
	v2 =	vadd.f32 v42, v2  }
0x219: {  	[tilespmem:$0x1FA80] =	vst v24;
	v8 =	vld.idx.msk [tilespmem:v56+s30+$0x0], $0xffff;
	v3 =	vadd.f32 v26, v3;
	v26 =	vor.u32 $0x1C, v0  }
0x21a: {  	v5 =	vadd.f32 v51, v5;
	v2 =	vadd.f32 v52, v2;
	v51 =	vmul.f32 v44, v44;
	v44 =	vld.idx.msk [tilespmem:v49+s29+$0x0], $0xffff  }
0x21b: {  	v42 =	vmul.f32 v43, v43;
	v3 =	vadd.f32 v53, v3;
	v52 =	vmul.f32 v24, v24;
	v24 =	vld.idx.msk [tilespmem:v33+s29+$0x0], $0xffff  }
0x21c: {  	v43 =	vld.idx.msk [tilespmem:v19+s30+$0x0], $0xffff;
	v53 =	vmul.f32 v59, v59;
	v5 =	vadd.f32 v27, v5;
	v2 =	vadd.f32 v50, v2  }
0x21d: {  	[tilespmem:$0x1FA90] =	vst v1;
	v3 =	vadd.f32 v51, v3;
	v51 =	vmul.f32 v18, v18;
	v27 =	vor.u32 $0x1F, v0;
	v18 =	vld.idx.msk [tilespmem:v40+s29+$0x0], $0xffff  }
0x21e: {  	v50 =	vld.idx.msk [tilespmem:v26+s29+$0x0], $0xffff;
	v2 =	vadd.f32 v52, v2;
	v5 =	vadd.f32 v53, v5;
	v52 =	vmul.f32 v45, v45  }
0x21f: {  	v3 =	vadd.f32 v42, v3;
	v53 =	vmul.f32 v1, v1;
	v1 =	vld.idx.msk [tilespmem:v19+s0+$0x0], $0xffff;
	[tilespmem:$0x1FAD0] =	vst v44  }
0x220: {  	v45 =	vmul.f32 v44, v44;
	[tilespmem:$0x1FB40] =	vst v24;
	v2 =	vadd.f32 v51, v2;
	v5 =	vadd.f32 v52, v5  }
0x221: {  	v51 =	vmul.f32 v61, v61;
	v3 =	vadd.f32 v53, v3;
	v53 =	vmul.f32 v6, v6;
	v6 =	vld.idx.msk [tilespmem:v21+s0+$0x0], $0xffff  }
0x222: {  	v24 =	vmul.f32 v24, v24;
	[tilespmem:$0x1FB30] =	vst v18;
	v44 =	vld.idx.msk [tilespmem:v27+s29+$0x0], $0xffff;
	v2 =	vadd.f32 v45, v2  }
0x223: {  	v52 =	vmul.f32 v50, v50;
	v5 =	vadd.f32 v51, v5;
	v51 =	vmul.f32 v18, v18;
	v18 =	vld.idx.msk [tilespmem:v17+s30+$0x0], $0xffff  }
0x224: {  	[tilespmem:$0x1FAE0] =	vst v50;
	v50 =	vmul.f32 v7, v7;
	v3 =	vadd.f32 v53, v3;
	v7 =	vld.idx.msk [tilespmem:v21+s30+$0x0], $0xffff  }
0x225: {  	v53 =	vmul.f32 v11, v11;
	v11 =	vld.idx.msk [tilespmem:v17+s0+$0x0], $0xffff;
	v2 =	vadd.f32 v52, v2;
	v52 =	vmul.f32 v8, v8  }
0x226: {  	v45 =	vmul.f32 v43, v43;
	[tilespmem:$0x1FB10] =	vst v1;
	v5 =	vadd.f32 v50, v5;
	v50 =	vld.idx.msk [tilespmem:v16+s0+$0x0], $0xffff  }
0x227: {  	v2 =	vadd.f32 v51, v2;
	v3 =	vadd.f32 v52, v3;
	v52 =	vmul.f32 v1, v1;
	v1 =	vld.idx.msk [tilespmem:v29+s30+$0x0], $0xffff  }
0x228: {  	[tilespmem:$0x1FB00] =	vst v8;
	v8 =	vld.idx.msk [tilespmem:v29+s0+$0x0], $0xffff;
	v5 =	vadd.f32 v53, v5;
	v51 =	vmul.f32 v44, v44  }
0x229: {  	[tilespmem:$0x1FBB0] =	vst v6;
	v53 =	vmul.f32 v4, v4;
	v2 =	vadd.f32 v24, v2;
	v3 =	vadd.f32 v45, v3  }
0x22a: {  	v4 =	vld.idx.msk [tilespmem:v39+s30+$0x0], $0xffff;
	[tilespmem:$0x1FB80] =	vst v18;
	v18 =	vmul.f32 v18, v18;
	v5 =	vadd.f32 v52, v5  }
0x22b: {  	[tilespmem:$0x1FBA0] =	vst v7;
	v24 =	vmul.f32 v50, v50;
	v2 =	vadd.f32 v51, v2;
	v3 =	vadd.f32 v53, v3  }
0x22c: {  	[tilespmem:$0x1FB60] =	vst v50;
	v53 =	vmul.f32 v7, v7;
	v7 =	vld.idx.msk [tilespmem:v34+s30+$0x0], $0xffff;
	v50 =	vmul.f32 v1, v1  }
0x22d: {  	[tilespmem:$0x1FBC0] =	vst v1;
	v1 =	vld.idx.msk [tilespmem:v37+s30+$0x0], $0xffff;
	v45 =	vshrl.u32 v2, $0x1;
	v51 =	vmul.f32 $5.000000000e-01, v2;
	v3 =	vadd.f32 v18, v3  }
0x22e: {  	[tilespmem:$0x1FB90] =	vst v11;
	v5 =	vadd.f32 v24, v5;
	v18 =	vmul.f32 v11, v11;
	v11 =	vld.idx.msk [tilespmem:v39+s0+$0x0], $0xffff;
	v9 =	vsub.s32 $0x5F3759DF, v45  }
0x22f: {  	v24 =	vmul.f32 v9, v51;
	v3 =	vadd.f32 v53, v3;
	v53 =	vmul.f32 v6, v6;
	v6 =	vld.idx.msk [tilespmem:v30+s30+$0x0], $0xffff  }
0x230: {  	[tilespmem:$0x1FB70] =	vst v44;
	v5 =	vadd.f32 v18, v5;
	v18 =	vld.idx.msk [tilespmem:v34+s0+$0x0], $0xffff  }
0x231: {  	[tilespmem:$0x1FBD0] =	vst v4;
	v52 =	vmul.f32 v9, v24;
	v24 =	vmul.f32 v4, v4;
	v4 =	vld.idx.msk [tilespmem:v31+s30+$0x0], $0xffff  }
0x232: {  	[tilespmem:$0x1FE80] =	vst v8;
	v3 =	vadd.f32 v50, v3;
	v5 =	vadd.f32 v53, v5;
	v50 =	vld.idx.msk [tilespmem:v37+s0+$0x0], $0xffff  }
0x233: {  	[tilespmem:$0x1FE90] =	vst v7;
	v53 =	vmul.f32 v7, v7;
	v7 =	vld.idx.msk [tilespmem:v31+s0+$0x0], $0xffff;
	v10 =	vsub.f32 $1.500000000e+00, v52;
	v52 =	vmul.f32 v8, v8  }
0x234: {  	v44 =	vmov v8;
	[tilespmem:$0x1FBE0] =	vst v11;
	v3 =	vadd.f32 v24, v3;
	v8 =	vld.idx.msk [tilespmem:v30+s0+$0x0], $0xffff  }
0x235: {  	v24 =	vmul.f32 v11, v11;
	[tilespmem:$0x1FC00] =	vst v6;
	v5 =	vadd.f32 v52, v5;
	v9 =	vmul.f32 v9, v10  }
0x236: {  	v11 =	vld.idx.msk [tilespmem:v23+s0+$0x0], $0xffff;
	[tilespmem:$0x1FBF0] =	vst v18;
	v45 =	vmul.f32 v6, v6;
	v3 =	vadd.f32 v53, v3  }
0x237: {  	v18 =	vmul.f32 v18, v18;
	v6 =	vld.idx.msk [tilespmem:v28+s30+$0x0], $0xffff;
	v5 =	vadd.f32 v24, v5;
	v52 =	vmul.f32 v9, v51  }
0x238: {  	[tilespmem:$0x1FC20] =	vst v1;
	v3 =	vadd.f32 v45, v3;
	v24 =	vmul.f32 v1, v1;
	v1 =	vld.idx.msk [tilespmem:v23+s30+$0x0], $0xffff  }
0x239: {  	[tilespmem:$0x1FC30] =	vst v4;
	v5 =	vadd.f32 v18, v5;
	v45 =	vmul.f32 v52, v9;
	v18 =	vmul.f32 v8, v8  }
0x23a: {  	[tilespmem:$0x1FC10] =	vst v8;
	v3 =	vadd.f32 v24, v3;
	v24 =	vmul.f32 v4, v4;
	v8 =	vld.idx.msk [tilespmem:v28+s0+$0x0], $0xffff  }
0x23b: {  	[tilespmem:$0x1FC40] =	vst v7;
	v4 =	vld.idx.msk [tilespmem:v20+s30+$0x0], $0xffff;
	v5 =	vadd.f32 v18, v5;
	v10 =	vsub.f32 $1.500000000e+00, v45;
	v45 =	vmul.f32 v50, v50  }
0x23c: {  	[tilespmem:$0x1FC50] =	vst v6;
	v3 =	vadd.f32 v24, v3;
	v18 =	vmul.f32 v6, v6;
	v6 =	vld.idx.msk [tilespmem:v32+s30+$0x0], $0xffff  }
0x23d: {  	v24 =	vmul.f32 v7, v7;
	v7 =	vld.idx.msk [tilespmem:v47+s0+$0x0], $0xffff;
	[tilespmem:$0x1FC70] =	vst v1;
	v5 =	vadd.f32 v45, v5  }
0x23e: {  	v9 =	vmul.f32 v10, v9;
	v3 =	vadd.f32 v18, v3;
	v45 =	vmul.f32 v1, v1;
	v18 =	vld.idx.msk [tilespmem:v20+s0+$0x0], $0xffff  }
0x23f: {  	v1 =	vld.idx.msk [tilespmem:v47+s30+$0x0], $0xffff;
	[tilespmem:$0x1FC60] =	vst v8;
	v8 =	vmul.f32 v8, v8;
	v5 =	vadd.f32 v24, v5  }
0x240: {  	v10 =	vmul.f32 v9, v51;
	v3 =	vadd.f32 v45, v3;
	v45 =	vmul.f32 v4, v4;
	v24 =	vld.idx.msk [tilespmem:v32+s0+$0x0], $0xffff  }
0x241: {  	[tilespmem:$0x1FC80] =	vst v11;
	v11 =	vmul.f32 v11, v11;
	v51 =	vmov v4;
	v4 =	vld.idx.msk [tilespmem:v54+s30+$0x0], $0xffff;
	v5 =	vadd.f32 v8, v5  }
0x242: {  	[tilespmem:$0x1FCA0] =	vst v6;
	v10 =	vmul.f32 v10, v9;
	v3 =	vadd.f32 v45, v3;
	v45 =	vmul.f32 v6, v6  }
0x243: {  	v6 =	vld.idx.msk [tilespmem:v48+s30+$0x0], $0xffff;
	[tilespmem:$0x1FC90] =	vst v18;
	v18 =	vmul.f32 v18, v18;
	v5 =	vadd.f32 v11, v5  }
0x244: {  	v8 =	vld.idx.msk [tilespmem:v54+s0+$0x0], $0xffff;
	v10 =	vsub.f32 $1.500000000e+00, v10;
	v3 =	vadd.f32 v45, v3;
	v45 =	vmul.f32 v1, v1  }
0x245: {  	[tilespmem:$0x1FCC0] =	vst v1;
	v1 =	vld.idx.msk [tilespmem:v55+s30+$0x0], $0xffff;
	v5 =	vadd.f32 v18, v5  }
0x246: {  	v11 =	vld.idx.msk [tilespmem:v48+s0+$0x0], $0xffff;
	v9 =	vmul.f32 v10, v9;
	v3 =	vadd.f32 v45, v3;
	v18 =	vmul.f32 v4, v4  }
0x247: {  	[tilespmem:$0x1FCE0] =	vst v4;
	v53 =	vmul.f32 v24, v24;
	v4 =	vld.idx.msk [tilespmem:v49+s30+$0x0], $0xffff  }
0x248: {  	[tilespmem:$0x1FCB0] =	vst v24;
	v45 =	vmul.f32 v6, v6;
	v9 =	vmul.f32 v9, v2;
	v3 =	vadd.f32 v18, v3  }
0x249: {  	v24 =	vmul.f32 v7, v7;
	[tilespmem:$0x1FD00] =	vst v6;
	v6 =	vld.idx.msk [tilespmem:v26+s30+$0x0], $0xffff;
	v5 =	vadd.f32 v53, v5  }
0x24a: {  	v18 =	vld.idx.msk [tilespmem:v55+s0+$0x0], $0xffff;
	v53 =	vadd.f32 $-9.999999740e-06, v9;
	v3 =	vadd.f32 v45, v3;
	v45 =	vmul.f32 v1, v1  }
0x24b: {  	[tilespmem:$0x1FCD0] =	vst v7;
	v7 =	vld.idx.msk [tilespmem:v40+s30+$0x0], $0xffff;
	v5 =	vadd.f32 v24, v5;
	v24 =	vmul.f32 v8, v8  }
0x24c: {  	[tilespmem:$0x1FD10] =	vst v1;
	v1 =	vld.idx.msk [tilespmem:v49+s0+$0x0], $0xffff;
	(erf) = vrcp.f32 v53;
	v3 =	vadd.f32 v45, v3;
	v53 =	vmul.f32 v4, v4  }
0x24d: {  	v52 =	vmul.f32 v11, v11;
	v5 =	vadd.f32 v24, v5  }
0x24e: {  	[tilespmem:$0x1FCF0] =	vst v8;
	v8 =	vld.idx.msk [tilespmem:v26+s0+$0x0], $0xffff;
	v45 =	vmul.f32 v6, v6;
	v3 =	vadd.f32 v53, v3  }
0x24f: {  	[tilespmem:$0x1FD30] =	vst v4;
	v4 =	vld.idx.msk [tilespmem:v33+s30+$0x0], $0xffff;
	v24 =	vmul.f32 v18, v18;
	v5 =	vadd.f32 v52, v5  }
0x250: {  	[tilespmem:$0x1FD40] =	vst v6;
	v6 =	vld.idx.msk [tilespmem:v40+s0+$0x0], $0xffff;
	v53 =	vmul.f32 v7, v7;
	v3 =	vadd.f32 v45, v3  }
0x251: {  	[tilespmem:$0x1FF90] =	vst v1;
	v52 =	vmul.f32 v1, v1;
	v1 =	vld.idx.msk [tilespmem:v27+s30+$0x0], $0xffff;
	v5 =	vadd.f32 v24, v5  }
0x252: {  	[tilespmem:$0x1FD20] =	vst v18;
	v18 =	vld.idx.msk [tilespmem:v33+s0+$0x0], $0xffff;
	v3 =	vadd.f32 v53, v3  }
0x253: {  	v24 =	vmul.f32 v8, v8;
	v5 =	vadd.f32 v52, v5  }
0x254: {  	[tilespmem:$0x1FD80] =	vst v4;
	v45 =	vmul.f32 v4, v4;
	v4 =	vld.idx.msk [tilespmem:v27+s0+$0x0], $0xffff  }
0x255: {  	v52 =	vmul.f32 v6, v6;
	v5 =	vadd.f32 v24, v5  }
0x256: {  	[tilespmem:$0x1FF60] =	vst v11;
	vm0 =	vge.f32 v9, $1.000000000e+00;
	v42 =	vadd.f32 v45, v3;
	v53 =	vmul.f32 v1, v1;
	v3 =	vpop (erf)  }
0x257: {  	[tilespmem:$0x1FD60] =	vst v7;
	v7 =	vmul.f32 v18, v18;
	v5 =	vadd.f32 v52, v5;
	v11 =	vnsel vm0, $0x3F800000, v3  }
0x258: {  	[tilespmem:$0x1FDA0] =	vst v1;
	v1 =	vadd.f32 v53, v42;
	v2 =	vmul.f32 v11, v2  }
0x259: {  	[tilespmem:$0x1FD90] =	vst v18;
	v18 =	vmul.f32 v4, v4;
	v5 =	vadd.f32 v7, v5  }
0x25a: {  	[tilespmem:$0x1FD50] =	vst v8;
	v42 =	vshrl.u32 v1, $0x1;
	v24 =	vmul.f32 $5.000000000e-01, v1;
	v8 =	vmul.f32 v2, v11  }
0x25b: {  	v9 =	vadd.f32 v18, v5;
	v5 =	vsub.s32 $0x5F3759DF, v42  }
0x25c: {  	v10 =	vmovc v1;
	[tilespmem:$0x1FE10] =	vst v1;
	v2 =	vmul.f32 v5, v24;
	v1 =	vshrl.u32 v8, $0x1;
	v45 =	vmul.f32 $5.000000000e-01, v8  }
0x25d: {  	v52 =	vshrl.u32 v9, $0x1;
	v53 =	vmul.f32 $5.000000000e-01, v9;
	v1 =	vsub.s32 $0x5F3759DF, v1  }
0x25e: {  	[tilespmem:$0x1FB20] =	vst v43;
	v43 =	vsub.s32 $0x5F3759DF, v52;
	v3 =	vmul.f32 v1, v45  }
0x25f: {  	[tilespmem:$0x1FDB0] =	vst v4;
	v2 =	vmul.f32 v5, v2;
	v4 =	vmul.f32 v43, v53  }
0x260: {  	v3 =	vmul.f32 v1, v3  }
0x261: {  	v2 =	vsub.f32 $1.500000000e+00, v2;
	v4 =	vmul.f32 v43, v4  }
0x262: {  	v3 =	vsub.f32 $1.500000000e+00, v3  }
0x263: {  	v2 =	vmul.f32 v5, v2;
	v4 =	vsub.f32 $1.500000000e+00, v4  }
0x264: {  	v1 =	vmul.f32 v1, v3  }
0x265: {  	v3 =	vmul.f32 v43, v4;
	v4 =	vmul.f32 v2, v24;
	_ =	sdelay $0x1  }
0x266: {  	v4 =	vmul.f32 v4, v2  }
0x267: {  	v5 =	vmul.f32 v1, v45  }
0x268: {  	v4 =	vsub.f32 $1.500000000e+00, v4  }
0x269: {  	v0 =	vld.idx.msk [tilespmem:v0+s31+$0x0], $0xffff;
	v43 =	vmul.f32 v3, v53;
	v5 =	vmul.f32 v5, v1  }
0x26a: {  	v2 =	vmul.f32 v4, v2  }
0x26b: {  	v43 =	vmul.f32 v43, v3;
	v5 =	vsub.f32 $1.500000000e+00, v5  }
0x26c: {  	v24 =	vmul.f32 v2, v24  }
0x26d: {  	v43 =	vsub.f32 $1.500000000e+00, v43;
	v4 =	vmul.f32 v5, v1  }
0x26e: {  	v5 =	vld.idx.msk [tilespmem:v12+s31+$0x0], $0xffff;
	v1 =	vmul.f32 v0, v38;
	v38 =	vmul.f32 v24, v2  }
0x26f: {  	v18 =	vld.idx.msk [tilespmem:v13+s31+$0x0], $0xffff;
	v3 =	vmul.f32 v43, v3  }
0x270: {  	[tilespmem:$0x1FD70] =	vst v6;
	v7 =	vmul.f32 v4, v45;
	v6 =	vsub.f32 $1.500000000e+00, v38  }
0x271: {  	v0 =	vmul.f32 v3, v53  }
0x272: {  	v7 =	vmul.f32 v7, v4;
	v2 =	vmul.f32 v6, v2  }
0x273: {  	v42 =	vld.idx.msk [tilespmem:v25+s31+$0x0], $0xffff;
	v0 =	vmul.f32 v0, v3;
	v43 =	vmul.f32 v5, v57  }
0x274: {  	v5 =	vmul.f32 v18, v41;
	v7 =	vsub.f32 $1.500000000e+00, v7;
	v18 =	vmul.f32 v2, v10;
	v2 =	vld [tilespmem:$0x1F8D0]  }
0x275: {  	v0 =	vsub.f32 $1.500000000e+00, v0  }
0x276: {  	v52 =	vmul.f32 v1, v1;
	v4 =	vmul.f32 v7, v4  }
0x277: {  	v53 =	vmul.f32 v43, v43;
	v0 =	vmul.f32 v0, v3  }
0x278: {  	v4 =	vmul.f32 v4, v8  }
0x279: {  	v57 =	vadd.f32 v53, v52;
	v52 =	vmul.f32 v42, v2;
	v2 =	vmul.f32 v0, v9  }
0x27a: {  	v3 =	vld.idx.msk [tilespmem:v14+s31+$0x0], $0xffff  }
0x27b: {  	v0 =	vmax.f32 v4, $1.000000010e-10;
	v4 =	vadd.f32 $-9.999999740e-06, v18;
	[tilespmem:$0x1FDE0] =	vst v2;
	v25 =	vadd.f32 $-9.999999740e-06, v2;
	v2 =	vld [tilespmem:$0x1F8E0]  }
0x27c: {  	v45 =	vld.idx.msk [tilespmem:v35+s31+$0x0], $0xffff;
	v0 =	vmin.f32 v0, $9.999899860e-01  }
0x27d: {  	(erf) = vrcp.f32 v4;
	v4 =	vsub.f32 $1.000000000e+00, v0  }
0x27e: {  	v24 =	vld.idx.msk [tilespmem:v15+s31+$0x0], $0xffff;
	(erf) = vrcp.f32 v25  }
0x27f: {  	v14 =	vmul.f32 v5, v5;
	(erf) = vrcp.f32 v4;
	v4 =	vld.idx.msk [tilespmem:v56+s31+$0x0], $0xffff  }
0x280: {  	v35 =	vmul.f32 v3, v2;
	v3 =	vld.idx.msk [tilespmem:v36+s31+$0x0], $0xffff  }
0x281: {  	v38 =	vmul.f32 v45, v46;
	v6 =	vadd.f32 v14, v57;
	v12 =	vmul.f32 v52, v52;
	v2 =	vld [tilespmem:$0x1F8F0];
	_ =	sdelay $0x1  }
0x282: {  	v6 =	vadd.f32 v12, v6;
	v36 =	vmul.f32 v38, v38;
	_ =	sdelay $0x1  }
0x283: {  	v42 =	vld.idx.msk [tilespmem:v19+s31+$0x0], $0xffff;
	v12 =	vadd.f32 v36, v6;
	v36 =	vmul.f32 v24, v60;
	v41 =	vmul.f32 v35, v35  }
0x284: {  	v60 =	vmul.f32 v3, v62;
	v62 =	vmul.f32 v4, v2;
	v2 =	vld [tilespmem:$0x1F900]  }
0x285: {  	v7 =	vadd.f32 v41, v12;
	v3 =	vmul.f32 v36, v36;
	_ =	sdelay $0x1  }
0x286: {  	v3 =	vadd.f32 v3, v7;
	v4 =	vmul.f32 v60, v60;
	_ =	sdelay $0x1  }
0x287: {  	v3 =	vadd.f32 v4, v3;
	v4 =	vmul.f32 v42, v2;
	v2 =	vpop (erf)  }
0x288: {  	v45 =	vld.idx.msk [tilespmem:v16+s31+$0x0], $0xffff;
	[tilespmem:$0x1FDF0] =	vst v2;
	v2 =	vpop (erf)  }
0x289: {  	[tilespmem:$0x1FE00] =	vst v2;
	v2 =	vld [tilespmem:$0x1F910];
	_ =	sdelay $0x3  }
0x28a: {  	v46 =	vld.idx.msk [tilespmem:v17+s31+$0x0], $0xffff  }
0x28b: {  	v57 =	vmul.f32 v45, v2;
	v2 =	vld [tilespmem:$0x1F920];
	_ =	sdelay $0x4  }
0x28c: {  	v2 =	vmul.f32 v46, v2  }
0x28d: {  	v7 =	vld.idx.msk [tilespmem:v21+s31+$0x0], $0xffff  }
0x28e: {  	[tilespmem:$0x1FE50] =	vst v2;
	v25 =	vmul.f32 v2, v2;
	v2 =	vld [tilespmem:$0x1F930];
	_ =	sdelay $0x3  }
0x28f: {  	v10 =	vld.idx.msk [tilespmem:v29+s31+$0x0], $0xffff  }
0x290: {  	[tilespmem:$0x1FE30] =	vst v4;
	v8 =	vmul.f32 v4, v4;
	v4 =	vmul.f32 v7, v2;
	v2 =	vld [tilespmem:$0x1F940];
	_ =	sdelay $0x4  }
0x291: {  	v2 =	vmul.f32 v10, v2  }
0x292: {  	v34 =	vld.idx.msk [tilespmem:v34+s31+$0x0], $0xffff;
	v53 =	vmul.f32 v62, v62  }
0x293: {  	[tilespmem:$0x1FE70] =	vst v2;
	v45 =	vmul.f32 v2, v2;
	v2 =	vld [tilespmem:$0x1F950]  }
0x294: {  	v3 =	vadd.f32 v53, v3;
	_ =	sdelay $0x1  }
0x295: {  	v24 =	vld.idx.msk [tilespmem:v39+s31+$0x0], $0xffff;
	v3 =	vadd.f32 v8, v3;
	v21 =	vmul.f32 v57, v57  }
0x296: {  	v41 =	vld.idx.msk [tilespmem:v30+s31+$0x0], $0xffff  }
0x297: {  	v3 =	vadd.f32 v21, v3;
	v53 =	vmul.f32 v34, v2;
	v2 =	vld [tilespmem:$0x1F960];
	_ =	sdelay $0x1  }
0x298: {  	v3 =	vadd.f32 v25, v3;
	v39 =	vmul.f32 v4, v4  }
0x299: {  	v56 =	vadd.f32 $1.000000000e+00, v0  }
0x29a: {  	[tilespmem:$0x1FE20] =	vst v9;
	v63 =	vmul.f32 v24, v63;
	v9 =	vpop (erf);
	v46 =	vld.idx.msk [tilespmem:v37+s31+$0x0], $0xffff;
	v3 =	vadd.f32 v39, v3  }
0x29b: {  	v15 =	vmul.f32 v9, v56;
	[tilespmem:$0x1FE60] =	vst v4;
	v4 =	vmul.f32 v41, v2;
	v2 =	vld [tilespmem:$0x1F970]  }
0x29c: {  	v56 =	vmul.f32 v63, v63;
	v3 =	vadd.f32 v45, v3  }
0x29d: {  	v16 =	vand.u32 $0x7FFFFF, v15;
	[tilespmem:$0x1FE40] =	vst v57;
	v57 =	vld.idx.msk [tilespmem:v31+s31+$0x0], $0xffff  }
0x29e: {  	v16 =	vor.u32 $0x3F800000, v16;
	v10 =	vld.idx.msk [tilespmem:v28+s31+$0x0], $0xffff;
	v3 =	vadd.f32 v56, v3;
	v9 =	vmul.f32 v53, v53  }
0x29f: {  	v29 =	vmul.f32 $5.000000000e-01, v16;
	vm11 =	vgt.f32 v16, $1.414213540e+00;
	v34 =	vld.idx.msk [tilespmem:v23+s31+$0x0], $0xffff  }
0x2a0: {  	v3 =	vadd.f32 v9, v3;
	v25 =	vmul.f32 v4, v4;
	v24 =	vmul.f32 v46, v2;
	v2 =	vld [tilespmem:$0x1F980]  }
0x2a1: {  	v16 =	vsel vm11, v29, v16;
	v23 =	vld [tilespmem:$0x1F990]  }
0x2a2: {  	v42 =	vadd.f32 $1.000000000e+00, v16;
	[tilespmem:$0x1FEA0] =	vst v53;
	v53 =	vld.idx.msk [tilespmem:v32+s31+$0x0], $0xffff;
	v3 =	vadd.f32 v25, v3;
	v37 =	vmul.f32 v24, v24  }
0x2a3: {  	[tilespmem:$0x1FEC0] =	vst v24;
	v24 =	vld [tilespmem:$0x1F9A0]  }
0x2a4: {  	(erf) = vrcp.f32 v42;
	v3 =	vadd.f32 v37, v3;
	v37 =	vld.idx.msk [tilespmem:v47+s31+$0x0], $0xffff  }
0x2a5: {  	[tilespmem:$0x1FEB0] =	vst v4;
	v4 =	vmul.f32 v57, v2;
	v2 =	vld [tilespmem:$0x1F9B0]  }
0x2a6: {  	v47 =	vld [tilespmem:$0x1FA30]  }
0x2a7: {  	[tilespmem:$0x1FEE0] =	vst v4;
	v42 =	vmul.f32 v4, v4;
	v4 =	vld [tilespmem:$0x1F9E0]  }
0x2a8: {  	v20 =	vld.idx.msk [tilespmem:v20+s31+$0x0], $0xffff  }
0x2a9: {  	v21 =	vld [tilespmem:$0x1F9D0]  }
0x2aa: {  	v41 =	vmul.f32 v10, v2;
	v2 =	vld [tilespmem:$0x1F9C0]  }
0x2ab: {  	v30 =	vld.idx.msk [tilespmem:v48+s31+$0x0], $0xffff;
	v39 =	vmul.f32 v24, v23  }
0x2ac: {  	v16 =	vadd.f32 $-1.000000000e+00, v16;
	v53 =	vmul.f32 v53, v47;
	v57 =	vmul.f32 v34, v4;
	v4 =	vld [tilespmem:$0x1F9F0]  }
0x2ad: {  	[tilespmem:$0x1FDD0] =	vst v18;
	v31 =	vld [tilespmem:$0x1FA00];
	v45 =	vpop (erf);
	v3 =	vadd.f32 v42, v3;
	v10 =	vmul.f32 v41, v41  }
0x2ae: {  	v16 =	vmul.f32 v45, v16;
	v46 =	vadd.f32 $0.0e+00, v39;
	[tilespmem:$0x1FF20] =	vst v53;
	v18 =	vmul.f32 v53, v53;
	v53 =	vld.idx.msk [tilespmem:v55+s31+$0x0], $0xffff  }
0x2af: {  	v45 =	vld [tilespmem:$0x1FAC0];
	[tilespmem:$0x1FEF0] =	vst v41;
	v3 =	vadd.f32 v10, v3;
	v41 =	vmul.f32 v57, v57;
	v56 =	vmul.f32 v21, v2  }
0x2b0: {  	[tilespmem:$0x1FF00] =	vst v57;
	v57 =	vld [tilespmem:$0x1FA10]  }
0x2b1: {  	v3 =	vadd.f32 v41, v3;
	v41 =	vld [tilespmem:$0x1FA40];
	v17 =	vadd.f32 v56, v46;
	v25 =	vmul.f32 v58, v4  }
0x2b2: {  	v46 =	vld [tilespmem:$0x1FFE0]  }
0x2b3: {  	v29 =	vadd.f32 v25, v17;
	v25 =	vld [tilespmem:$0x1FA20]  }
0x2b4: {  	v55 =	vld [tilespmem:$0x1FA80]  }
0x2b5: {  	v54 =	vld.idx.msk [tilespmem:v54+s31+$0x0], $0xffff;
	v34 =	vmul.f32 v20, v31  }
0x2b6: {  	v8 =	vld [tilespmem:$0x1FA60];
	(erf) = vrcp.f32 v0;
	v32 =	vmul.f32 v16, v16  }
0x2b7: {  	v39 =	vld [tilespmem:$0x1FA70];
	v13 =	vmul.f32 v34, v34;
	v17 =	vmul.f32 v59, v41  }
0x2b8: {  	v6 =	vmov v59;
	v59 =	vld [tilespmem:$0x1FA50];
	v31 =	vmul.f32 v32, v46;
	v42 =	vmul.f32 v57, v25  }
0x2b9: {  	v0 =	vimm.s32 $0xFFFFFF81;
	v7 =	vmul.f32 v30, v55;
	v47 =	vmul.f32 v53, v45;
	v53 =	vld [tilespmem:$0x1FAD0]  }
0x2ba: {  	v55 =	vsel vm11, $0xFFFFFF82, v0;
	v0 =	vld [tilespmem:$0x1FAE0];
	v31 =	vadd.f32 $1.428571490e-01, v31;
	v29 =	vadd.f32 v42, v29  }
0x2bb: {  	v19 =	vmul.f32 v37, v22;
	v56 =	vld.idx.msk [tilespmem:v49+s31+$0x0], $0xffff  }
0x2bc: {  	v3 =	vadd.f32 v13, v3;
	v20 =	vmul.f32 v31, v32;
	v22 =	vadd.f32 v17, v29;
	v29 =	vld.idx.msk [tilespmem:v26+s31+$0x0], $0xffff  }
0x2bd: {  	v46 =	vld [tilespmem:$0x1FA90];
	v37 =	vmul.f32 v8, v59  }
0x2be: {  	v3 =	vadd.f32 v18, v3;
	v14 =	vadd.f32 $2.000000030e-01, v20;
	v20 =	vld [tilespmem:$0x1FAA0]  }
0x2bf: {  	v42 =	vmul.f32 v54, v39;
	v54 =	vmul.f32 v19, v19;
	v31 =	vadd.f32 v37, v22;
	v22 =	vld [tilespmem:$0x1FAB0]  }
0x2c0: {  	[tilespmem:$0x1FF50] =	vst v7;
	v39 =	vmul.f32 v7, v7;
	v7 =	vld [tilespmem:$0x1FAF0];
	v14 =	vmul.f32 v14, v32  }
0x2c1: {  	v3 =	vadd.f32 v54, v3;
	v54 =	vmul.f32 v56, v53;
	v56 =	vmul.f32 v29, v0;
	v0 =	vld [tilespmem:$0x1FB00]  }
0x2c2: {  	v33 =	vld.idx.msk [tilespmem:v33+s31+$0x0], $0xffff;
	v15 =	vshrl.u32 v15, $0x17;
	v10 =	vmul.f32 v61, v46;
	v14 =	vadd.f32 $3.333333430e-01, v14  }
0x2c3: {  	v27 =	vld.idx.msk [tilespmem:v27+s31+$0x0], $0xffff;
	v15 =	vadd.s32 v15, v55  }
0x2c4: {  	v9 =	vld [tilespmem:$0x1FB20];
	v31 =	vadd.f32 v10, v31;
	v14 =	vmul.f32 v14, v32;
	v30 =	vmul.f32 v22, v20  }
0x2c5: {  	[tilespmem:$0x1FDC0] =	vst v61;
	v16 =	vadd.f32 v16, v16;
	v15 =	vcvt.s32.f32 v15;
	v61 =	vld.idx.msk [tilespmem:v40+s31+$0x0], $0xffff;
	v17 =	vmul.f32 v42, v42  }
0x2c6: {  	[tilespmem:$0x1FF40] =	vst v42;
	v14 =	vadd.f32 $1.000000000e+00, v14;
	v42 =	vadd.f32 v30, v31;
	v31 =	vld [tilespmem:$0x1FB30];
	v18 =	vmul.f32 v7, v0  }
0x2c7: {  	v53 =	vld [tilespmem:$0x1FB70];
	v3 =	vadd.f32 v17, v3  }
0x2c8: {  	[tilespmem:$0x1FF10] =	vst v34;
	v15 =	vmul.f32 $6.931471820e-01, v15;
	v14 =	vmul.f32 v14, v16;
	v34 =	vadd.f32 v18, v42;
	v18 =	vld [tilespmem:$0x1FB10]  }
0x2c9: {  	v3 =	vadd.f32 v39, v3;
	v10 =	vmul.f32 v47, v47;
	v42 =	vld [tilespmem:$0x1FB40]  }
0x2ca: {  	v15 =	vadd.f32 v14, v15;
	v14 =	vld [tilespmem:$0x1FB50]  }
0x2cb: {  	[tilespmem:$0x1FF30] =	vst v19;
	v19 =	vmul.f32 v54, v54;
	v3 =	vadd.f32 v10, v3;
	v39 =	vmul.f32 v61, v31;
	v61 =	vld [tilespmem:$0x1FB60]  }
0x2cc: {  	v17 =	vld [tilespmem:$0x1FB90]  }
0x2cd: {  	v40 =	vmul.f32 v56, v56;
	v3 =	vadd.f32 v19, v3;
	v16 =	vld [tilespmem:$0x1FB80]  }
0x2ce: {  	v12 =	vld [tilespmem:$0x1FBA0];
	v48 =	vmul.f32 $5.000000000e-01, v15;
	v29 =	vmul.f32 v18, v9  }
0x2cf: {  	[tilespmem:$0x1FF70] =	vst v47;
	v3 =	vadd.f32 v40, v3;
	v15 =	vld [tilespmem:$0x1FBB0];
	v49 =	vmul.f32 v39, v39;
	v45 =	vmul.f32 v33, v42  }
0x2d0: {  	v55 =	vpop (erf);
	[tilespmem:$0x1FF80] =	vst v54;
	v10 =	vmul.f32 v27, v53;
	v34 =	vadd.f32 v29, v34;
	v47 =	vmul.f32 v61, v14  }
0x2d1: {  	[tilespmem:$0x1FFA0] =	vst v56;
	v32 =	vmul.f32 v48, v55;
	v3 =	vadd.f32 v49, v3;
	v56 =	vmul.f32 v45, v45  }
0x2d2: {  	[tilespmem:$0x1FFD0] =	vst v10;
	v54 =	vmul.f32 v17, v16;
	v33 =	vadd.f32 v47, v34  }
0x2d3: {  	v19 =	vmul.f32 v10, v10;
	v10 =	vld [tilespmem:$0x1FBC0];
	[tilespmem:$0x1FFB0] =	vst v39;
	v39 =	vmul.f32 v32, v11;
	v3 =	vadd.f32 v56, v3  }
0x2d4: {  	v13 =	vmul.f32 v15, v12;
	v33 =	vadd.f32 v54, v33  }
0x2d5: {  	[tilespmem:$0x1FFC0] =	vst v45;
	v28 =	vmul.f32 v39, v39;
	v45 =	vadd.f32 v19, v3;
	v3 =	vld [tilespmem:$0x1FBD0]  }
0x2d6: {  	v26 =	vadd.f32 v13, v33;
	v13 =	vld [tilespmem:$0x1FBE0]  }
0x2d7: {  	v30 =	vld [tilespmem:$0x1FE90];
	v11 =	vmul.f32 v28, v45  }
0x2d8: {  	v27 =	vmul.f32 v44, v10;
	v19 =	vld [tilespmem:$0x1FBF0]  }
0x2d9: {  	v40 =	vshrl.u32 v11, $0x1;
	v37 =	vmul.f32 $5.000000000e-01, v11  }
0x2da: {  	v32 =	vadd.f32 v27, v26;
	v26 =	vld [tilespmem:$0x1FC00];
	v34 =	vsub.s32 $0x5F3759DF, v40  }
0x2db: {  	v27 =	vld [tilespmem:$0x1FC10];
	v48 =	vmul.f32 v34, v37;
	v29 =	vmul.f32 v13, v3;
	_ =	sdelay $0x1  }
0x2dc: {  	v28 =	vld [tilespmem:$0x1FC20];
	v31 =	vmul.f32 v19, v30;
	v49 =	vmul.f32 v34, v48;
	v32 =	vadd.f32 v29, v32  }
0x2dd: {  	v29 =	vld [tilespmem:$0x1FC30]  }
0x2de: {  	v33 =	vsub.f32 $1.500000000e+00, v49;
	v32 =	vadd.f32 v31, v32;
	v31 =	vld [tilespmem:$0x1FC40]  }
0x2df: {  	v30 =	vld [tilespmem:$0x1FC50];
	v42 =	vmul.f32 v27, v26  }
0x2e0: {  	v40 =	vld [tilespmem:$0x1FC60];
	v33 =	vmul.f32 v34, v33  }
0x2e1: {  	v53 =	vmul.f32 v50, v28;
	v32 =	vadd.f32 v42, v32  }
0x2e2: {  	v49 =	vld [tilespmem:$0x1FC70];
	v48 =	vmul.f32 v33, v37  }
0x2e3: {  	v42 =	vld [tilespmem:$0x1FC80];
	v32 =	vadd.f32 v53, v32;
	v54 =	vmul.f32 v31, v29  }
0x2e4: {  	[tilespmem:$0x1FED0] =	vst v50;
	v50 =	vmul.f32 v48, v33  }
0x2e5: {  	v44 =	vld [tilespmem:$0x1FC90];
	v55 =	vmul.f32 v40, v30;
	v32 =	vadd.f32 v54, v32  }
0x2e6: {  	v34 =	vsub.f32 $1.500000000e+00, v50;
	v50 =	vld [tilespmem:$0x1FCB0]  }
0x2e7: {  	v32 =	vadd.f32 v55, v32;
	v55 =	vld [tilespmem:$0x1FCA0]  }
0x2e8: {  	v56 =	vmul.f32 v42, v49;
	_ =	sdelay $0x1  }
0x2e9: {  	v54 =	vmov v51;
	v51 =	vmul.f32 v44, v51;
	v32 =	vadd.f32 v56, v32;
	_ =	sdelay $0x1  }
0x2ea: {  	v32 =	vadd.f32 v51, v32;
	v53 =	vmul.f32 v50, v55  }
0x2eb: {  	v48 =	vmul.f32 v1, v23;
	v23 =	vld [tilespmem:$0x1FCC0]  }
0x2ec: {  	v32 =	vadd.f32 v53, v32;
	v53 =	vld [tilespmem:$0x1FCD0];
	_ =	sdelay $0x4  }
0x2ed: {  	v56 =	vmul.f32 v53, v23  }
0x2ee: {  	v1 =	vmul.f32 v24, v1;
	v24 =	vld [tilespmem:$0x1FCE0]  }
0x2ef: {  	v32 =	vadd.f32 v56, v32;
	v56 =	vld [tilespmem:$0x1FCF0]  }
0x2f0: {  	v47 =	vadd.f32 $0.0e+00, v48;
	v48 =	vmul.f32 v43, v2;
	v43 =	vmul.f32 v21, v43;
	v21 =	vld [tilespmem:$0x1FD00]  }
0x2f1: {  	v2 =	vld [tilespmem:$0x1FF60];
	_ =	sdelay $0x2  }
0x2f2: {  	v51 =	vmul.f32 v56, v24  }
0x2f3: {  	v1 =	vadd.f32 $0.0e+00, v1  }
0x2f4: {  	v32 =	vadd.f32 v51, v32;
	v51 =	vmul.f32 v2, v21  }
0x2f5: {  	v47 =	vadd.f32 v48, v47;
	v1 =	vadd.f32 v43, v1;
	v43 =	vmul.f32 v5, v4;
	v48 =	vld [tilespmem:$0x1FD10]  }
0x2f6: {  	v32 =	vadd.f32 v51, v32;
	v51 =	vld [tilespmem:$0x1FD20]  }
0x2f7: {  	v43 =	vadd.f32 v43, v47;
	v47 =	vld [tilespmem:$0x1FD30]  }
0x2f8: {  	v5 =	vmul.f32 v58, v5;
	v2 =	vld [tilespmem:$0x1FF90];
	_ =	sdelay $0x1  }
0x2f9: {  	v1 =	vadd.f32 v5, v1;
	v5 =	vmul.f32 v52, v25  }
0x2fa: {  	v58 =	vmul.f32 v51, v48  }
0x2fb: {  	v25 =	vmul.f32 v38, v41;
	v5 =	vadd.f32 v5, v43  }
0x2fc: {  	v32 =	vadd.f32 v58, v32;
	v58 =	vmul.f32 v2, v47;
	v2 =	vmul.f32 v57, v52  }
0x2fd: {  	v33 =	vmul.f32 v34, v33  }
0x2fe: {  	v1 =	vadd.f32 v2, v1;
	v2 =	vadd.f32 v25, v5;
	v5 =	vmul.f32 v6, v38  }
0x2ff: {  	v4 =	vld [tilespmem:$0x1FDC0]  }
0x300: {  	v34 =	vmul.f32 v33, v37;
	v1 =	vadd.f32 v5, v1;
	v5 =	vmul.f32 v35, v59  }
0x301: {  	v41 =	vld [tilespmem:$0x1FD40]  }
0x302: {  	v34 =	vmul.f32 v34, v33;
	v57 =	vld [tilespmem:$0x1FD50];
	v2 =	vadd.f32 v5, v2;
	v5 =	vmul.f32 v36, v46  }
0x303: {  	v25 =	vld [tilespmem:$0x1FD60]  }
0x304: {  	v34 =	vsub.f32 $1.500000000e+00, v34;
	v2 =	vadd.f32 v5, v2;
	v5 =	vmul.f32 v4, v36;
	v4 =	vld [tilespmem:$0x1FDD0]  }
0x305: {  	v32 =	vadd.f32 v58, v32;
	v58 =	vld [tilespmem:$0x1FD70]  }
0x306: {  	v33 =	vmul.f32 v34, v33;
	_ =	sdelay $0x1  }
0x307: {  	v11 =	vmul.f32 v33, v11;
	v43 =	vmul.f32 v57, v41  }
0x308: {  	vm12 =	vge.f32 v4, $1.000000000e+00;
	v4 =	vld [tilespmem:$0x1FDE0]  }
0x309: {  	v11 =	vmax.f32 v11, $1.000000010e-10;
	v46 =	vld [tilespmem:$0x1FDA0];
	v32 =	vadd.f32 v43, v32;
	v52 =	vmul.f32 v58, v25  }
0x30a: {  	v59 =	vmul.f32 $-2.000000000e+00, v11;
	v43 =	vld [tilespmem:$0x1FD80]  }
0x30b: {  	v32 =	vadd.f32 v52, v32;
	v52 =	vld [tilespmem:$0x1FD90]  }
0x30c: {  	v34 =	vmul.f32 $1.442695020e+00, v59;
	v59 =	vld [tilespmem:$0x1FDB0]  }
0x30d: {  	vm1 =	vge.f32 v4, $1.000000000e+00;
	v4 =	vld [tilespmem:$0x1FDF0];
	_ =	sdelay $0x1  }
0x30e: {  	v8 =	vmul.f32 v8, v35;
	v36 =	vmul.f32 v60, v20  }
0x30f: {  	v37 =	vmul.f32 v52, v43  }
0x310: {  	v1 =	vadd.f32 v8, v1;
	v2 =	vadd.f32 v36, v2;
	v36 =	vmul.f32 v62, v0;
	v0 =	vld [tilespmem:$0x1FE30]  }
0x311: {  	v38 =	vmul.f32 v59, v46;
	v32 =	vadd.f32 v37, v32;
	v8 =	vnsel vm12, $0x3F800000, v4;
	v4 =	vld [tilespmem:$0x1FE00]  }
0x312: {  	(erf) = vpow2.f32 v34  }
0x313: {  	v6 =	vadd.f32 v38, v32  }
0x314: {  	v37 =	vmul.f32 v22, v60;
	v60 =	vld [tilespmem:$0x1FE10]  }
0x315: {  	v7 =	vmul.f32 v7, v62;
	v22 =	vmul.f32 v8, v6  }
0x316: {  	v20 =	vld [tilespmem:$0x1FE20];
	v2 =	vadd.f32 v36, v2;
	v62 =	vmul.f32 v0, v9;
	v4 =	vnsel vm1, $0x3F800000, v4  }
0x317: {  	v35 =	vmul.f32 v4, v22  }
0x318: {  	v2 =	vadd.f32 v62, v2;
	v62 =	vmul.f32 v18, v0;
	v0 =	vld [tilespmem:$0x1FE40]  }
0x319: {  	v38 =	vmul.f32 v8, v60  }
0x31a: {  	v1 =	vadd.f32 v5, v1  }
0x31b: {  	v34 =	vmul.f32 v38, v8;
	v5 =	vmul.f32 v4, v20;
	v38 =	vadd.f32 v35, v35;
	v35 =	vpop (erf)  }
0x31c: {  	v9 =	vadd.f32 $1.000000000e+00, v35  }
0x31d: {  	v18 =	vmul.f32 v61, v0;
	v5 =	vmul.f32 v5, v4  }
0x31e: {  	(erf) = vrcp.f32 v9;
	v9 =	vmul.f32 v0, v14;
	v0 =	vld [tilespmem:$0x1FE50]  }
0x31f: {  	v1 =	vadd.f32 v37, v1;
	v37 =	vmax.f32 v34, $0.0e+00;
	v5 =	vmax.f32 v5, $0.0e+00  }
0x320: {  	v32 =	vmin.f32 v37, $9.999899860e-01;
	v5 =	vmin.f32 v5, $9.999899860e-01  }
0x321: {  	v33 =	vadd.f32 $1.000000000e+00, v38;
	v22 =	vmul.f32 v5, v32;
	_ =	sdelay $0x1  }
0x322: {  	v14 =	vadd.f32 v22, v33;
	v22 =	vmul.f32 v0, v16;
	v34 =	vmul.f32 v17, v0;
	v0 =	vld [tilespmem:$0x1FE60];
	_ =	sdelay $0x3  }
0x323: {  	v61 =	vld [tilespmem:$0x1FE80]  }
0x324: {  	v36 =	vmul.f32 v0, v12;
	v37 =	vmul.f32 v15, v0;
	v0 =	vld [tilespmem:$0x1FE70];
	_ =	sdelay $0x1  }
0x325: {  	v1 =	vadd.f32 v7, v1;
	_ =	sdelay $0x1  }
0x326: {  	v1 =	vadd.f32 v62, v1;
	v62 =	vmul.f32 v63, v3;
	v3 =	vld [tilespmem:$0x1FEA0]  }
0x327: {  	v38 =	vmul.f32 v0, v10;
	v7 =	vmul.f32 v61, v0;
	v0 =	vld [tilespmem:$0x1FE90]  }
0x328: {  	v2 =	vadd.f32 v9, v2;
	_ =	sdelay $0x1  }
0x329: {  	v2 =	vadd.f32 v22, v2;
	_ =	sdelay $0x1  }
0x32a: {  	v2 =	vadd.f32 v36, v2;
	v36 =	vmul.f32 v3, v0;
	v0 =	vld [tilespmem:$0x1FEB0];
	_ =	sdelay $0x2  }
0x32b: {  	v13 =	vmul.f32 v13, v63;
	(erf) = vrcp.f32 v11  }
0x32c: {  	(erf) = vrcp.f32 v14;
	v2 =	vadd.f32 v38, v2;
	v38 =	vmul.f32 v19, v3;
	v3 =	vld [tilespmem:$0x1FED0]  }
0x32d: {  	v63 =	vmul.f32 v0, v26;
	v12 =	vmul.f32 v27, v0;
	v0 =	vld [tilespmem:$0x1FEC0];
	_ =	sdelay $0x1  }
0x32e: {  	v32 =	vsub.f32 $1.000000000e+00, v32  }
0x32f: {  	v1 =	vadd.f32 v18, v1  }
0x330: {  	v5 =	vadd.f32 v5, v33;
	v4 =	vmul.f32 v32, v4  }
0x331: {  	v1 =	vadd.f32 v34, v1;
	v22 =	vmul.f32 v0, v28;
	v32 =	vmul.f32 v3, v0;
	v0 =	vld [tilespmem:$0x1FEE0]  }
0x332: {  	v17 =	vpop (erf)  }
0x333: {  	v5 =	vmul.f32 v5, v8;
	v1 =	vadd.f32 v37, v1;
	v37 =	vpop (erf)  }
0x334: {  	v61 =	vpop (erf);
	v2 =	vadd.f32 v62, v2  }
0x335: {  	v15 =	vsub.f32 $1.000000000e+00, v35;
	v5 =	vmul.f32 v61, v5  }
0x336: {  	v2 =	vadd.f32 v36, v2;
	v33 =	vmul.f32 v0, v29;
	v36 =	vmul.f32 v31, v0;
	v0 =	vld [tilespmem:$0x1FEF0];
	_ =	sdelay $0x1  }
0x337: {  	v18 =	vmul.f32 v17, v15;
	v15 =	vmul.f32 v5, v5;
	_ =	sdelay $0x1  }
0x338: {  	v62 =	vmul.f32 v18, v37;
	v26 =	vmul.f32 v15, v60  }
0x339: {  	v37 =	vmul.f32 v0, v30;
	v60 =	vmul.f32 v40, v0;
	v0 =	vld [tilespmem:$0x1FF00];
	_ =	sdelay $0x2  }
0x33a: {  	v2 =	vadd.f32 v63, v2  }
0x33b: {  	v4 =	vmul.f32 v61, v4;
	v14 =	vadd.f32 v5, v5;
	v8 =	vmul.f32 v62, v39  }
0x33c: {  	v2 =	vadd.f32 v22, v2;
	v63 =	vmul.f32 v0, v49;
	v22 =	vmul.f32 v42, v0;
	v0 =	vld [tilespmem:$0x1FF10]  }
0x33d: {  	v18 =	vmul.f32 v14, v4  }
0x33e: {  	v27 =	vmul.f32 v8, v8;
	v28 =	vmul.f32 v4, v4  }
0x33f: {  	v6 =	vmul.f32 v18, v6  }
0x340: {  	v3 =	vmul.f32 v27, v45;
	v34 =	vmul.f32 v28, v20  }
0x341: {  	v6 =	vadd.f32 v6, v26;
	v26 =	vmul.f32 v0, v54;
	v27 =	vmul.f32 v44, v0;
	v0 =	vld [tilespmem:$0x1FF20]  }
0x342: {  	v1 =	vadd.f32 v7, v1  }
0x343: {  	v6 =	vadd.f32 v6, v34  }
0x344: {  	v1 =	vadd.f32 v13, v1  }
0x345: {  	v35 =	vshrl.u32 v3, $0x1;
	v9 =	vmul.f32 $5.000000000e-01, v3;
	v45 =	vmul.f32 $5.000000000e-01, v6  }
0x346: {  	v39 =	vshrl.u32 v6, $0x1;
	v29 =	vmul.f32 v0, v55;
	v30 =	vmul.f32 v50, v0;
	v0 =	vld [tilespmem:$0x1FF30]  }
0x347: {  	v1 =	vadd.f32 v38, v1;
	v7 =	vsub.s32 $0x5F3759DF, v35;
	v13 =	vsub.s32 $0x5F3759DF, v39  }
0x348: {  	v38 =	vmul.f32 v7, v9;
	v62 =	vmul.f32 v13, v45  }
0x349: {  	v1 =	vadd.f32 v12, v1  }
0x34a: {  	v61 =	vmul.f32 v7, v38;
	v12 =	vmul.f32 v13, v62  }
0x34b: {  	v1 =	vadd.f32 v32, v1;
	v32 =	vmul.f32 v0, v23;
	v35 =	vmul.f32 v53, v0;
	v0 =	vld [tilespmem:$0x1FF40];
	_ =	sdelay $0x1  }
0x34c: {  	v11 =	vsub.f32 $1.500000000e+00, v61;
	v28 =	vsub.f32 $1.500000000e+00, v12  }
0x34d: {  	v2 =	vadd.f32 v33, v2  }
0x34e: {  	v38 =	vld [tilespmem:$0x1FF50];
	v1 =	vadd.f32 v36, v1;
	v7 =	vmul.f32 v7, v11;
	v11 =	vmul.f32 v13, v28  }
0x34f: {  	v2 =	vadd.f32 v37, v2;
	v36 =	vmul.f32 v0, v24;
	v37 =	vmul.f32 v56, v0;
	v0 =	vld [tilespmem:$0x1FF60]  }
0x350: {  	v34 =	vmul.f32 v11, v45;
	_ =	sdelay $0x1  }
0x351: {  	v13 =	vmul.f32 v34, v11;
	_ =	sdelay $0x1  }
0x352: {  	v1 =	vadd.f32 v60, v1;
	v13 =	vsub.f32 $1.500000000e+00, v13;
	v40 =	vmul.f32 v0, v38;
	v0 =	vld [tilespmem:$0x1FF70]  }
0x353: {  	v2 =	vadd.f32 v63, v2  }
0x354: {  	v31 =	vmul.f32 v7, v9;
	v1 =	vadd.f32 v22, v1;
	v11 =	vmul.f32 v13, v11  }
0x355: {  	v2 =	vadd.f32 v26, v2  }
0x356: {  	v33 =	vmul.f32 v31, v7;
	v1 =	vadd.f32 v27, v1;
	v13 =	vmul.f32 v11, v45;
	v45 =	vld [tilespmem:$0x1FF80]  }
0x357: {  	v2 =	vadd.f32 v29, v2;
	v42 =	vmul.f32 v0, v48;
	v44 =	vmul.f32 v51, v0;
	v0 =	vld [tilespmem:$0x1FF90]  }
0x358: {  	v12 =	vsub.f32 $1.500000000e+00, v33  }
0x359: {  	v1 =	vadd.f32 v30, v1;
	v2 =	vadd.f32 v32, v2  }
0x35a: {  	v7 =	vmul.f32 v12, v7  }
0x35b: {  	v39 =	vmul.f32 v38, v21;
	v1 =	vadd.f32 v35, v1;
	v2 =	vadd.f32 v36, v2  }
0x35c: {  	v9 =	vmul.f32 v7, v9;
	v12 =	vmul.f32 v0, v45;
	v0 =	vld [tilespmem:$0x1FFA0]  }
0x35d: {  	v50 =	vld [tilespmem:$0x1FFB0];
	v1 =	vadd.f32 v37, v1;
	v2 =	vadd.f32 v39, v2  }
0x35e: {  	v9 =	vmul.f32 v9, v7  }
0x35f: {  	v47 =	vmul.f32 v45, v47;
	v1 =	vadd.f32 v40, v1;
	v2 =	vadd.f32 v42, v2  }
0x360: {  	v9 =	vsub.f32 $1.500000000e+00, v9;
	v13 =	vmul.f32 v13, v11  }
0x361: {  	v1 =	vadd.f32 v44, v1;
	v2 =	vadd.f32 v47, v2;
	v48 =	vmul.f32 v0, v41  }
0x362: {  	v7 =	vmul.f32 v9, v7;
	v49 =	vsub.f32 $1.500000000e+00, v13;
	v53 =	vld [tilespmem:$0x1FFC0];
	v51 =	vmul.f32 v50, v25  }
0x363: {  	v1 =	vadd.f32 v12, v1;
	v0 =	vmul.f32 v57, v0;
	v57 =	vld [tilespmem:$0x1FFD0];
	v2 =	vadd.f32 v48, v2  }
0x364: {  	v7 =	vmul.f32 v7, v3;
	v9 =	vmul.f32 v49, v11  }
0x365: {  	v0 =	vadd.f32 v0, v1;
	v1 =	vadd.f32 v51, v2;
	v2 =	vmul.f32 v58, v50  }
0x366: {  	v55 =	vadd.f32 $-9.999999740e-06, v7;
	v9 =	vmul.f32 v9, v6  }
0x367: {  	v54 =	vmul.f32 v53, v43;
	v0 =	vadd.f32 v2, v0;
	v2 =	vmul.f32 v52, v53  }
0x368: {  	(erf) = vrcp.f32 v55;
	v56 =	vadd.f32 $-9.999999740e-06, v9;
	v11 =	vmul.f32 v59, v57  }
0x369: {  	v1 =	vadd.f32 v54, v1;
	v0 =	vadd.f32 v2, v0;
	v2 =	vmul.f32 v57, v46  }
0x36a: {  	(erf) = vrcp.f32 v56  }
0x36b: {  	v1 =	vadd.f32 v2, v1;
	v0 =	vadd.f32 v11, v0;
	_ =	sdelay $0x1  }
0x36c: {  	v1 =	vmul.f32 v5, v1;
	v0 =	vmul.f32 v4, v0;
	_ =	sdelay $0x1  }
0x36d: {  	v0 =	vadd.f32 v0, v1;
	_ =	sdelay $0x1  }
0x36e: {  	vm13 =	vge.f32 v7, $1.000000000e+00;
	v1 =	vpop (erf);
	v0 =	vmul.f32 v8, v0  }
0x36f: {  	v1 =	vnsel vm13, $0x3F800000, v1  }
0x370: {  	vm14 =	vge.f32 v9, $1.000000000e+00;
	v2 =	vpop (erf);
	v0 =	vmul.f32 v1, v0  }
0x371: {  	v2 =	vnsel vm14, $0x3F800000, v2  }
0x372: {  	v0 =	vmul.f32 v0, v2;
	_ =	sdelay $0x1  }
0x373: {  	v4 =	vmul.f32 v2, v6;
	v0 =	vsub.f32 $0.0e+00, v0;
	_ =	sdelay $0x1  }
0x374: {  	v3 =	vmul.f32 v1, v3;
	v2 =	vmul.f32 v4, v2;
	v4 =	vadd.f32 v0, v0;
	_ =	sdelay $0x1  }
0x375: {  	v1 =	vmul.f32 v3, v1;
	v3 =	vmax.f32 v2, $0.0e+00;
	v4 =	vadd.f32 $1.000000000e+00, v4  }
0x376: {  	v3 =	vmin.f32 v3, $9.999899860e-01  }
0x377: {  	v5 =	vmax.f32 v1, $0.0e+00;
	v58 =	vadd.f32 v4, v3  }
0x378: {  	v5 =	vmin.f32 v5, $9.999899860e-01  }
0x379: {  	v59 =	vsub.f32 $1.000000000e+00, v5;
	v60 =	vadd.f32 v58, v58;
	_ =	sdelay $0x1  }
0x37a: {  	v6 =	vmul.f32 v58, v58;
	v8 =	vmul.f32 v60, v59  }
0x37b: {  	v61 =	vmul.f32 v59, v59  }
0x37c: {  	v1 =	vmul.f32 v6, v1;
	v0 =	vmul.f32 v8, v0;
	_ =	sdelay $0x1  }
0x37d: {  	v0 =	vadd.f32 v0, v1;
	v1 =	vmul.f32 v61, v2;
	_ =	sdelay $0x1  }
0x37e: {  	v0 =	vadd.f32 v0, v1;
	_ =	sdelay $0x1  }
0x37f: {  	v1 =	vshrl.u32 v0, $0x1;
	v2 =	vmul.f32 $5.000000000e-01, v0  }
0x380: {  	v1 =	vsub.s32 $0x5F3759DF, v1  }
0x381: {  	v62 =	vmul.f32 v1, v2;
	_ =	sdelay $0x1  }
0x382: {  	v6 =	vmul.f32 v1, v62;
	_ =	sdelay $0x1  }
0x383: {  	v6 =	vsub.f32 $1.500000000e+00, v6;
	_ =	sdelay $0x1  }
0x384: {  	v1 =	vmul.f32 v1, v6;
	_ =	sdelay $0x1  }
0x385: {  	v6 =	vmul.f32 v1, v2;
	_ =	sdelay $0x1  }
0x386: {  	v6 =	vmul.f32 v6, v1;
	_ =	sdelay $0x1  }
0x387: {  	v3 =	vmul.f32 v5, v3;
	v5 =	vsub.f32 $1.500000000e+00, v6;
	_ =	sdelay $0x1  }
0x388: {  	v3 =	vadd.f32 v3, v4;
	v1 =	vmul.f32 v5, v1;
	_ =	sdelay $0x1  }
0x389: {  	v3 =	vand.u32 $0x7FFFFFFF, v3;
	v2 =	vmul.f32 v1, v2  }
0x38a: {  	(erf) = vrcp.f32 v3  }
0x38b: {  	v2 =	vmul.f32 v2, v1;
	_ =	sdelay $0x1  }
0x38c: {  	v2 =	vsub.f32 $1.500000000e+00, v2;
	_ =	sdelay $0x1  }
0x38d: {  	v1 =	vmul.f32 v2, v1;
	_ =	sdelay $0x2  }
0x38e: {  	v0 =	vmul.f32 v1, v0  }
0x38f: {  	v1 =	vpop (erf)  }
0x390: {  	v0 =	vmul.f32 v0, v1;
	_ =	sdelay $0x1  }
0x391: {  	v0 =	vmax.f32 v0, $1.000000010e-10  }
0x392: {  	v0 =	vmin.f32 v0, $9.999899860e-01  }
0x393: {  	v1 =	vsub.f32 $1.000000000e+00, v0;
	_ =	sdelay $0x1  }
0x394: {  	(erf) = vrcp.f32 v1;
	_ =	sdelay $0x7  }
0x395: {  	v0 =	vadd.f32 $1.000000000e+00, v0  }
0x396: {  	v1 =	vpop (erf)  }
0x397: {  	v0 =	vmul.f32 v1, v0;
	_ =	sdelay $0x1  }
0x398: {  	v1 =	vand.u32 $0x7FFFFF, v0  }
0x399: {  	v1 =	vor.u32 $0x3F800000, v1  }
0x39a: {  	v2 =	vmul.f32 $5.000000000e-01, v1  }
0x39b: {  	vm15 =	vgt.f32 v1, $1.414213540e+00  }
0x39c: {  	v1 =	vsel vm15, v2, v1  }
0x39d: {  	v2 =	vadd.f32 $1.000000000e+00, v1;
	_ =	sdelay $0x1  }
0x39e: {  	(erf) = vrcp.f32 v2;
	_ =	sdelay $0x7  }
0x39f: {  	v1 =	vadd.f32 $-1.000000000e+00, v1  }
0x3a0: {  	v5 =	vld [tilespmem:$0x1FFE0];
	v2 =	vpop (erf)  }
0x3a1: {  	v1 =	vmul.f32 v2, v1;
	_ =	sdelay $0x1  }
0x3a2: {  	v2 =	vmul.f32 v1, v1;
	_ =	sdelay $0x1  }
0x3a3: {  	v3 =	vmul.f32 v2, v5;
	_ =	sdelay $0x1  }
0x3a4: {  	v3 =	vadd.f32 $1.428571490e-01, v3;
	_ =	sdelay $0x1  }
0x3a5: {  	v3 =	vmul.f32 v3, v2;
	_ =	sdelay $0x1  }
0x3a6: {  	v3 =	vadd.f32 $2.000000030e-01, v3;
	_ =	sdelay $0x1  }
0x3a7: {  	v3 =	vmul.f32 v3, v2;
	_ =	sdelay $0x1  }
0x3a8: {  	v3 =	vadd.f32 $3.333333430e-01, v3  }
0x3a9: {  	v63 =	vimm.s32 $0xFFFFFF81  }
0x3aa: {  	v0 =	vshrl.u32 v0, $0x17;
	v4 =	vsel vm15, $0xFFFFFF82, v63;
	v2 =	vmul.f32 v3, v2  }
0x3ab: {  	v0 =	vadd.s32 v0, v4  }
0x3ac: {  	v0 =	vcvt.s32.f32 v0;
	v1 =	vadd.f32 v1, v1;
	v2 =	vadd.f32 $1.000000000e+00, v2;
	_ =	sdelay $0x1  }
0x3ad: {  	v0 =	vmul.f32 $6.931471820e-01, v0;
	v1 =	vmul.f32 v2, v1;
	_ =	sdelay $0x1  }
0x3ae: {  	v0 =	vadd.f32 v1, v0;
	_ =	sdelay $0x1  }
0x3af: {  	v0 =	vmul.f32 $5.000000000e-01, v0;
	_ =	sdelay $0x1  }
0x3b0: {  	v1 =	vmul.f32 $-4.000000000e+00, v0  }
0x3b1: {  	v2 =	vld [tilespmem:s18+$0x0]  }
0x3b2: {  	v0 =	vmul.f32 v1, v0  }
0x3b3: {  	v1 =	vld [tilespmem:s19+$0x0]  }
0x3b4: {  	v0 =	vadd.f32 $0.0e+00, v0  }
0x3b5: {  	p0 =	sne.s32 s23, $0x70  }
.Ltmp1:
0x3b6: {  	v0 =	vadd.f32 v0, v2;
	(pc) =	sbr.rel @p0 .LBB2_5-.Ltmp1, $4  }
0x3b7: {  	_ = 	snop  }
0x3b8: {  	v0 =	vadd.f32 v0, v1  }
0x3b9: {  	s23 =	sadd.s32 $0x10, s23  }
0x3ba: {  	v3 =	vld [tilespmem:$0x1FFF0];
	s18 =	sadd.s32 $0x10, s18;
	s19 =	sadd.s32 $0x10, s19;
	[tilespmem:s20+$0x0] =	vst v0;
	s20 =	sadd.s32 $0x10, s20  }
0x3bb: {  	s22 =	sadd.s32 $0x1, s22  }
0x3bc: {  	p0 =	sne.s32 s22, $0x4  }
.Ltmp2:
0x3bd: {  	_ = 	snop;
	(pc) =	sbr.rel @p0 .LBB2_2-.Ltmp2, $3  }
0x3be: {  	_ =	sdelay $0x1  }
0x3bf: {  	s16 =	sadd.s32 $0x80, s16;
	s17 =	sadd.s32 $0x80, s17;
	s21 =	sadd.s32 $0x80, s21  }
0x3c0: {  	s4 =	sadd.s32 $0x80, s4;
	s25 =	sadd.s32 $0x80, s25;
	s24 =	sadd.s32 $0x80, s24  }
0x3c1: {  	s4 =	rddreg [dreg:$0xb];
	s8 =	simm.s32 $0x10A00  }
0x3c2: {  	[hbm4b:s4+s3] =	stream.linear.scatter [tilespmem:s8], [sflag:$0x3], $0x200, $0x38;
	[tilespmem:$0x10C00] =	vst v63  }
0x3c3: {  	_ =	swait.ge [sflag:s13], $0x200  }
0x3c4: {  	s15 =	sadd.s32 $0x1, s15;
	s25 =	rddreg [dreg:$0xc]  }
0x3c5: {  	p0 =	sne.s32 s15, s25  }
.Ltmp3:
0x3c6: {  	_ = 	snop;
	(pc) =	sbr.rel @p0 .LBB2_1-.Ltmp3, $3  }
0x3c7: {  	_ =	sdelay $0x1  }
0x3c8: {  	[sflag:s13] =	ssyncset.done $0x0  }
0x3c9: {  	[sflag:s13] =	ssyncadd.s32 $0xFFFFFE00  }
0x3ca: {  	_ =	sfence.sel $0x180000  }
0x3cb: {  	[bflag:$0x0] =	sbarrier.arrive $0xFFFF  }
0x3cc: {  	_ =	strace $0x90000047  }
0x3cd: {  	s0 =	stileid.u32;
	[bflag:$0x2] =	sbarrier.arrive $0xFFFF  }
0x3ce: {  	p0 =	sne.s32 s0, $0x0;
	s0 =	rddreg [dreg:$0x7]  }
0x3cf: {  	s0 =	sadd.s32 @!p0 $0x100000, s0  }
0x3d0: {  	[sflag:s0] =	ssyncadd.tile.s32 @!p0 $0x1;
	_ =	shalt  }
.Lfunc_end2:
_tile_overlayer_lowered:
.L_overlay_start_2:
0x3d1: {  	(tag) =	ssettag $0x2  }
0x3d2: {  	s0 =	rddreg [dreg:$0x0];
	s2 =	stileid.u32  }
0x3d3: {  	s1 =	rddreg [dreg:$0x1];
	p0 =	sne.s32 s2, $0x0  }
0x3d4: {  	s3 =	rddreg [dreg:$0x2];
	[bflag:$0x3] =	sbarrier.arrive $0xFFFF;
	s2 =	simm.s32 @!p0 $0x1C03  }
0x3d5: {  	[timem:s3], [sflag:s2] =	dma.local @!p0 [hbm:s0], s1  }
0x3d6: {  	s0 =	simm.s32 @!p0 $0x3  }
0x3d7: {  	_ =	swait.ge @!p0 [sflag:s0], s1  }
0x3d8: {  	s1 =	ssub.s32 @!p0 $0x0, s1;
	[sflag:s0] =	ssyncset.done @!p0 $0x0  }
0x3d9: {  	[sflag:s0] =	ssyncadd.s32 @!p0 s1  }
0x3da: {  	[bflag:$0x3] =	sbarrier.arrive $0xFFFF  }
0x3db: {  	_ =	shalt  }

</sc_bundles>
